<compile_context>
chip_gen: v7x
topology: tpu7x:2x2x1
jax: 0.10.2.dev20260603
libtpu: 0.0.44.dev20260713+nightly
codegen_flags: <defaults>
</compile_context>

<pallas_src>
import functools

import jax
import jax.numpy as jnp
from jax import lax
from jax.experimental import pallas as pl
from jax.experimental.pallas import tpu as pltpu
from jax.experimental.pallas import tpu_sc as plsc

_N = 10000
_E = 320000
_D = 128
_H = 64
_O = 64
_L = 5
_G = 64
_EMB = 320

_W = 128
_NC = 2
_NS = 16
_NW = _NC * _NS
_EPT = _E // _NW
_CHUNK = 80
_NCHUNK = _EPT // _CHUNK
_ITILES = 10
_RPT = _N // _ITILES
_RSTG = 200



def _sc_scatter(hp, src, dst, zrows):
    mesh = plsc.VectorSubcoreMesh(core_axis_name="c", subcore_axis_name="s")

    @functools.partial(
        pl.kernel,
        mesh=mesh,
        out_type=jax.ShapeDtypeStruct((_NC * _N, _W), jnp.float32),
        scratch_types=[
            pltpu.VMEM_SHARED((_N, _W), jnp.float32),
            pltpu.VMEM((_CHUNK,), jnp.int32),
            pltpu.VMEM((_CHUNK,), jnp.int32),
            pltpu.VMEM((_CHUNK, _W), jnp.float32),
            pltpu.VMEM((_RSTG, _W), jnp.float32),
            pltpu.SemaphoreType.DMA,
        ],
    )
    def k(hp_hbm, src_hbm, dst_hbm, z_hbm, out_hbm, acc, src_v, dst_v, rows_v, stage_v, sem):
        cid = lax.axis_index("c")
        sid = lax.axis_index("s")
        wid = sid * _NC + cid

        @pl.when(sid < _ITILES)
        def _init():
            pltpu.sync_copy(z_hbm, stage_v)
            for j in range(_RPT // _RSTG):
                r0 = sid * _RPT + j * _RSTG
                pltpu.sync_copy(stage_v, acc.at[pl.ds(r0, _RSTG)])

        plsc.subcore_barrier()

        def body(g, carry):
            off = pl.multiple_of(wid * _EPT + g * _CHUNK, 8)
            pltpu.sync_copy(src_hbm.at[pl.ds(off, _CHUNK)], src_v)
            pltpu.sync_copy(dst_hbm.at[pl.ds(off, _CHUNK)], dst_v)
            pltpu.async_copy(hp_hbm.at[src_v], rows_v, sem).wait()
            pltpu.sync_copy(rows_v, acc.at[dst_v], add=True)
            return carry

        lax.fori_loop(0, _NCHUNK, body, 0)
        plsc.subcore_barrier()

        @pl.when(sid < _ITILES)
        def _writeout():
            for j in range(_RPT // _RSTG):
                r0 = sid * _RPT + j * _RSTG
                pltpu.sync_copy(acc.at[pl.ds(r0, _RSTG)], stage_v)
                pltpu.sync_copy(stage_v, out_hbm.at[pl.ds(cid * _N + r0, _RSTG)])

    return k(hp, src, dst, zrows)



def _gin_t1_body(fin, h_ref, agg_ref, sv_ref, w1_ref, b1_ref, t1_ref):
    u = h_ref[:, 0:fin] * sv_ref[...] + agg_ref[0:_N, 0:fin] + agg_ref[_N:2 * _N, 0:fin]
    t1_ref[...] = jnp.dot(u, w1_ref[...], preferred_element_type=jnp.float32) + b1_ref[...]


def _bn_mm_body(t_ref, m_ref, v_ref, g_ref, b_ref, w2_ref, b2_ref, t2_ref):
    s = jnp.maximum(
        (t_ref[...] - m_ref[...]) / jnp.sqrt(v_ref[...] + 1e-5) * g_ref[...] + b_ref[...],
        0.0)
    t2_ref[...] = jnp.dot(s, w2_ref[...], preferred_element_type=jnp.float32) + b2_ref[...]


def _bn_out_body(has_next, t_ref, m_ref, v_ref, g_ref, b_ref, xs_ref, hn_ref=None):
    h = jnp.maximum(
        (t_ref[...] - m_ref[...]) / jnp.sqrt(v_ref[...] + 1e-5) * g_ref[...] + b_ref[...],
        0.0)
    xs_ref[...] = h
    if has_next:
        hn_ref[...] = jnp.concatenate([h, jnp.zeros((_N, _W - _H), jnp.float32)], axis=1)


def _layer_update(h_pad, agg, eps, conv, bn, has_next):
    fin = conv["W1"].shape[0]
    sv = jnp.full((1, fin), 1.0 + eps, jnp.float32)
    nh = jax.ShapeDtypeStruct((_N, _H), jnp.float32)
    t1 = pl.pallas_call(
        functools.partial(_gin_t1_body, fin), out_shape=nh,
    )(h_pad, agg, sv, conv["W1"], conv["b1"].reshape(1, _H))
    m1, v1 = t1.mean(0), t1.var(0)
    t2 = pl.pallas_call(_bn_mm_body, out_shape=nh)(
        t1, m1.reshape(1, _H), v1.reshape(1, _H),
        conv["g1"].reshape(1, _H), conv["be1"].reshape(1, _H),
        conv["W2"], conv["b2"].reshape(1, _H))
    m2, v2 = t2.mean(0), t2.var(0)
    out_shape = [nh]
    if has_next:
        out_shape.append(jax.ShapeDtypeStruct((_N, _W), jnp.float32))
    res = pl.pallas_call(
        functools.partial(_bn_out_body, has_next), out_shape=out_shape,
    )(t2, m2.reshape(1, _H), v2.reshape(1, _H),
      bn["g"].reshape(1, _H), bn["b"].reshape(1, _H))
    return res if has_next else (res[0], None)


def _pool_body(b_ref, x0, x1, x2, x3, x4, w0, w1, w2, w3, w4, bb_ref,
               gw1, gb1, gw2, gb2, gw3, gb3, gws, gbs, xc_ref, ge_ref):
    iota = lax.broadcasted_iota(jnp.int32, (1, _G), 1)
    oh = (b_ref[...] == iota).astype(jnp.float32)
    dn = (((0,), (0,)), ((), ()))
    ps = []
    for xr, wr in ((x0, w0), (x1, w1), (x2, w2), (x3, w3), (x4, w4)):
        p = lax.dot_general(oh, xr[...], dn, preferred_element_type=jnp.float32)
        ps.append(jnp.dot(p, wr[...], preferred_element_type=jnp.float32))
    xc = jnp.concatenate(ps, axis=1) + bb_ref[...]
    xc_ref[...] = xc
    h = jnp.maximum(jnp.dot(xc, gw1[...], preferred_element_type=jnp.float32) + gb1[...], 0.0)
    h = jnp.maximum(jnp.dot(h, gw2[...], preferred_element_type=jnp.float32) + gb2[...], 0.0)
    h = jnp.maximum(jnp.dot(h, gw3[...], preferred_element_type=jnp.float32) + gb3[...], 0.0)
    ge_ref[...] = h + jnp.dot(xc, gws[...], preferred_element_type=jnp.float32) + gbs[...]


def _pool_and_global(batch2d, xs, pred, gd):
    bb = jnp.concatenate([p["b"] for p in pred]).reshape(1, _EMB)
    args = [batch2d] + list(xs) + [p["W"] for p in pred] + [
        bb,
        gd["W1"], gd["b1"].reshape(1, _EMB),
        gd["W2"], gd["b2"].reshape(1, _EMB),
        gd["W3"], gd["b3"].reshape(1, _EMB),
        gd["Ws"], gd["bs"].reshape(1, _EMB),
    ]
    return pl.pallas_call(
        _pool_body,
        out_shape=(
            jax.ShapeDtypeStruct((_G, _EMB), jnp.float32),
            jax.ShapeDtypeStruct((_G, _EMB), jnp.float32),
        ),
    )(*args)


_BLK = 1000


def _node_body(x0, x1, x2, x3, x4, w1, b1, w2, b2, w3, b3, ws, bs, o_ref):
    z = jnp.concatenate([x0[...], x1[...], x2[...], x3[...], x4[...]], axis=1)
    h = jnp.maximum(jnp.dot(z, w1[...], preferred_element_type=jnp.float32) + b1[...], 0.0)
    h = jnp.maximum(jnp.dot(h, w2[...], preferred_element_type=jnp.float32) + b2[...], 0.0)
    h = jnp.maximum(jnp.dot(h, w3[...], preferred_element_type=jnp.float32) + b3[...], 0.0)
    o_ref[...] = h + jnp.dot(z, ws[...], preferred_element_type=jnp.float32) + bs[...]


def _node_embed(xs, ld):
    xspec = pl.BlockSpec((_BLK, _H), lambda i: (i, 0))
    wspec = pl.BlockSpec((_EMB, _EMB), lambda i: (0, 0))
    bspec = pl.BlockSpec((1, _EMB), lambda i: (0, 0))
    args = list(xs) + [
        ld["W1"], ld["b1"].reshape(1, _EMB),
        ld["W2"], ld["b2"].reshape(1, _EMB),
        ld["W3"], ld["b3"].reshape(1, _EMB),
        ld["Ws"], ld["bs"].reshape(1, _EMB),
    ]
    return pl.pallas_call(
        _node_body,
        grid=(_N // _BLK,),
        in_specs=[xspec] * 5 + [wspec, bspec] * 4,
        out_specs=pl.BlockSpec((_BLK, _EMB), lambda i: (i, 0)),
        out_shape=jax.ShapeDtypeStruct((_N, _EMB), jnp.float32),
    )(*args)



def kernel(x, edge_index, batch, params):
    src = edge_index[0]
    dst = edge_index[1]
    convs = params["convs"]
    eps = params["eps"]

    order = jnp.argsort(dst, stable=True)
    srcs = src[order]
    dsts = dst[order]
    zrows = jnp.zeros((_RSTG, _W), jnp.float32)

    h_pad = x
    xs = []
    for i in range(_L):
        agg = _sc_scatter(h_pad, srcs, dsts, zrows)
        has_next = i + 1 < _L
        h, h_pad = _layer_update(h_pad, agg, eps[i], convs[i], params["bns"][i], has_next)
        xs.append(h)

    xc, gemb = _pool_and_global(batch.reshape(_N, 1), xs, params["pred"], params["global_d"])
    nemb = _node_embed(xs, params["local_d"])
    return (gemb, nemb, xc)

# --- scband reference (transcript-rebuilt; emitter-appended) ---
"""Pipeline reference for scband-ginencoder-21775484191345 (READ-ONLY COPY).

The authoritative reference and input builder live on the scoring server;
editing this copy changes nothing except your own understanding.
"""

import jax, jax.numpy as jnp
import numpy as np

N = 10000
E = 320000
D = 128
H = 64
O = 64
L = 5
G = 64
EMB = 320


def _lin(key, fi, fo):
    k1, k2 = jax.random.split(key)
    s = 1.0 / np.sqrt(fi)
    W = jax.random.uniform(k1, (fi, fo), minval=-s, maxval=s, dtype=jnp.float32)
    b = jax.random.uniform(k2, (fo,), minval=-s, maxval=s, dtype=jnp.float32)
    return W, b


def _ff_params(key, dim):
    ks = jax.random.split(key, 4)
    W1, b1 = _lin(ks[0], dim, dim)
    W2, b2 = _lin(ks[1], dim, dim)
    W3, b3 = _lin(ks[2], dim, dim)
    Ws, bs = _lin(ks[3], dim, dim)
    return {"W1": W1, "b1": b1, "W2": W2, "b2": b2, "W3": W3, "b3": b3, "Ws": Ws, "bs": bs}


def setup_inputs(seed: int = 0):
    key = jax.random.key(seed)
    kx, ke, kb, kp = jax.random.split(key, 4)
    x = jax.random.normal(kx, (N, D), dtype=jnp.float32)
    edge_index = jax.random.randint(ke, (2, E), 0, N, dtype=jnp.int32)
    batch = jnp.sort(jax.random.randint(kb, (N,), 0, G, dtype=jnp.int32))
    pk = jax.random.split(kp, 4 * L + 2)
    convs = []
    bns = []
    pred = []
    for i in range(L):
        fin = D if i == 0 else H
        W1, b1 = _lin(pk[4 * i + 0], fin, H)
        W2, b2 = _lin(pk[4 * i + 1], H, H)
        convs.append({"W1": W1, "b1": b1, "g1": jnp.ones((H,), jnp.float32), "be1": jnp.zeros((H,), jnp.float32), "W2": W2, "b2": b2})
        bns.append({"g": jnp.ones((H,), jnp.float32), "b": jnp.zeros((H,), jnp.float32)})
        Wp, bp = _lin(pk[4 * i + 2], H, O)
        pred.append({"W": Wp, "b": bp})
    params = {
        "convs": convs,
        "bns": bns,
        "eps": jnp.zeros((L,), jnp.float32),
        "pred": pred,
        "global_d": _ff_params(pk[4 * L], EMB),
        "local_d": _ff_params(pk[4 * L + 1], EMB),
    }
    return {"x": x, "edge_index": edge_index, "batch": batch, "params": params}


def _bn(h, g, b):
    m = h.mean(0)
    v = h.var(0)
    return (h - m) / jnp.sqrt(v + 1e-5) * g + b


def _ff(z, p):
    h = jax.nn.relu(z @ p["W1"] + p["b1"])
    h = jax.nn.relu(h @ p["W2"] + p["b2"])
    h = jax.nn.relu(h @ p["W3"] + p["b3"])
    return h + (z @ p["Ws"] + p["bs"])


def reference(x, edge_index, batch, params):
    src = edge_index[0]
    dst = edge_index[1]
    xs = []
    h = x
    for i in range(L):
        p = params["convs"][i]
        agg = jax.ops.segment_sum(h[src], dst, num_segments=N)
        t = (1.0 + params["eps"][i]) * h + agg
        t = t @ p["W1"] + p["b1"]
        t = jax.nn.relu(_bn(t, p["g1"], p["be1"]))
        t = t @ p["W2"] + p["b2"]
        q = params["bns"][i]
        h = jax.nn.relu(_bn(t, q["g"], q["b"]))
        xs.append(h)
    xpool = []
    for i in range(L):
        pooled = jax.ops.segment_sum(xs[i], batch, num_segments=G)
        xpool.append(pooled @ params["pred"][i]["W"] + params["pred"][i]["b"])
    xc = jnp.concatenate(xpool, axis=1)
    graph_embedding = _ff(xc, params["global_d"])
    node_embedding = _ff(jnp.concatenate(xs, axis=1), params["local_d"])
    return (graph_embedding, node_embedding, xc)

if __name__ == "__main__":
    import jax
    _d = setup_inputs()
    print(jax.jit(kernel)(*tuple(_d.values())))

</pallas_src>

<mosaic_0001>
#map = affine_map<(d0, d1) -> (0, 0)>
#map1 = affine_map<(d0, d1) -> (0)>
module attributes {stable_mosaic.version = 14 : i64} {
  func.func @k(%arg0: i32, %arg1: i32, %arg2: memref<10000x128xf32, #tpu.memory_space<hbm>>, %arg3: memref<320000xi32, #tpu.memory_space<hbm>>, %arg4: memref<320000xi32, #tpu.memory_space<hbm>>, %arg5: memref<200x128xf32, #tpu.memory_space<hbm>>, %arg6: memref<20000x128xf32, #tpu.memory_space<hbm>>, %arg7: memref<10000x128xf32, #tpu.memory_space<vmem_shared>>, %arg8: memref<80xi32, #tpu.memory_space<vmem>>, %arg9: memref<80xi32, #tpu.memory_space<vmem>>, %arg10: memref<80x128xf32, #tpu.memory_space<vmem>>, %arg11: memref<200x128xf32, #tpu.memory_space<vmem>>, %arg12: memref<!tpu.dma_semaphore, #tpu.memory_space<semaphore_mem>>) attributes {dimension_semantics = [#tpu.dimension_semantics<core_parallel>, #tpu.dimension_semantics<subcore_parallel>], iteration_bounds = array<i64: 2, 16>, scalar_prefetch = 0 : i64, scratch_operands = 6 : i64, tpu.core_type = #tpu.core_type<sc_vector_subcore>, window_params = [{transform_indices = #map}, {transform_indices = #map1}, {transform_indices = #map1}, {transform_indices = #map}, {transform_indices = #map}]} {
    %mul3A = arith.constant 2 : i32
    %mul3A_0 = arith.muli %arg1, %mul3A : i32
    %add3A = arith.addi %mul3A_0, %arg0 : i32
    %lt3A = arith.constant 10 : i32
    %lt3A_1 = arith.cmpi slt, %arg1, %lt3A : i32
    %convert_element_type3A = arith.extui %lt3A_1 : i1 to i32
    %cond3A = arith.constant 0 : i32
    %cond3A_2 = arith.cmpi ne, %convert_element_type3A, %cond3A : i32
    scf.if %cond3A_2 {
      "tpu.region"() ({
        %run_scoped3A = tpu.sem_alloc : memref<!tpu.dma_semaphore, #tpu.memory_space<semaphore_mem>>
        tpu.enqueue_dma source(%arg5 : memref<200x128xf32, #tpu.memory_space<hbm>>) target(%arg11 : memref<200x128xf32, #tpu.memory_space<vmem>>) target_semaphore(%run_scoped3A : memref<!tpu.dma_semaphore, #tpu.memory_space<semaphore_mem>>)
        tpu.wait_dma2 semaphore(%run_scoped3A : memref<!tpu.dma_semaphore, #tpu.memory_space<semaphore_mem>>) src(%arg5 : memref<200x128xf32, #tpu.memory_space<hbm>>) dst(%arg11 : memref<200x128xf32, #tpu.memory_space<vmem>>)
        tpu.yield
      }) : () -> ()
      %mul3A_14 = arith.constant 1000 : i32
      %mul3A_15 = arith.muli %arg1, %mul3A_14 : i32
      %add3A_16 = arith.constant 0 : i32
      %add3A_17 = arith.addi %mul3A_15, %add3A_16 : i32
      "tpu.region"() ({
        %run_scoped3A = tpu.sem_alloc : memref<!tpu.dma_semaphore, #tpu.memory_space<semaphore_mem>>
        %dma_start3A = arith.constant 0 : i32
        %dma_start3A_34 = tpu.memref_slice %arg7[%add3A_17, %dma_start3A] : memref<10000x128xf32, #tpu.memory_space<vmem_shared>> -> memref<200x128xf32, #tpu.memory_space<vmem_shared>>
        %dma_start3A_35 = arith.constant 0 : i32
        %dma_start3A_36 = tpu.memref_slice %arg7[%add3A_17, %dma_start3A_35] : memref<10000x128xf32, #tpu.memory_space<vmem_shared>> -> memref<200x128xf32, #tpu.memory_space<vmem_shared>>
        tpu.enqueue_dma source(%arg11 : memref<200x128xf32, #tpu.memory_space<vmem>>) target(%dma_start3A_36 : memref<200x128xf32, #tpu.memory_space<vmem_shared>>) target_semaphore(%run_scoped3A : memref<!tpu.dma_semaphore, #tpu.memory_space<semaphore_mem>>)
        %dma_wait3A = arith.constant 0 : i32
        %dma_wait3A_37 = tpu.memref_slice %arg7[%add3A_17, %dma_wait3A] : memref<10000x128xf32, #tpu.memory_space<vmem_shared>> -> memref<200x128xf32, #tpu.memory_space<vmem_shared>>
        %dma_wait3A_38 = arith.constant 0 : i32
        %dma_wait3A_39 = tpu.memref_slice %arg7[%add3A_17, %dma_wait3A_38] : memref<10000x128xf32, #tpu.memory_space<vmem_shared>> -> memref<200x128xf32, #tpu.memory_space<vmem_shared>>
        tpu.wait_dma2 semaphore(%run_scoped3A : memref<!tpu.dma_semaphore, #tpu.memory_space<semaphore_mem>>) src(%arg11 : memref<200x128xf32, #tpu.memory_space<vmem>>) dst(%dma_wait3A_39 : memref<200x128xf32, #tpu.memory_space<vmem_shared>>)
        tpu.yield
      }) : () -> ()
      %mul3A_18 = arith.constant 1000 : i32
      %mul3A_19 = arith.muli %arg1, %mul3A_18 : i32
      %add3A_20 = arith.constant 200 : i32
      %add3A_21 = arith.addi %mul3A_19, %add3A_20 : i32
      "tpu.region"() ({
        %run_scoped3A = tpu.sem_alloc : memref<!tpu.dma_semaphore, #tpu.memory_space<semaphore_mem>>
        %dma_start3A = arith.constant 0 : i32
        %dma_start3A_34 = tpu.memref_slice %arg7[%add3A_21, %dma_start3A] : memref<10000x128xf32, #tpu.memory_space<vmem_shared>> -> memref<200x128xf32, #tpu.memory_space<vmem_shared>>
        %dma_start3A_35 = arith.constant 0 : i32
        %dma_start3A_36 = tpu.memref_slice %arg7[%add3A_21, %dma_start3A_35] : memref<10000x128xf32, #tpu.memory_space<vmem_shared>> -> memref<200x128xf32, #tpu.memory_space<vmem_shared>>
        tpu.enqueue_dma source(%arg11 : memref<200x128xf32, #tpu.memory_space<vmem>>) target(%dma_start3A_36 : memref<200x128xf32, #tpu.memory_space<vmem_shared>>) target_semaphore(%run_scoped3A : memref<!tpu.dma_semaphore, #tpu.memory_space<semaphore_mem>>)
        %dma_wait3A = arith.constant 0 : i32
        %dma_wait3A_37 = tpu.memref_slice %arg7[%add3A_21, %dma_wait3A] : memref<10000x128xf32, #tpu.memory_space<vmem_shared>> -> memref<200x128xf32, #tpu.memory_space<vmem_shared>>
        %dma_wait3A_38 = arith.constant 0 : i32
        %dma_wait3A_39 = tpu.memref_slice %arg7[%add3A_21, %dma_wait3A_38] : memref<10000x128xf32, #tpu.memory_space<vmem_shared>> -> memref<200x128xf32, #tpu.memory_space<vmem_shared>>
        tpu.wait_dma2 semaphore(%run_scoped3A : memref<!tpu.dma_semaphore, #tpu.memory_space<semaphore_mem>>) src(%arg11 : memref<200x128xf32, #tpu.memory_space<vmem>>) dst(%dma_wait3A_39 : memref<200x128xf32, #tpu.memory_space<vmem_shared>>)
        tpu.yield
      }) : () -> ()
      %mul3A_22 = arith.constant 1000 : i32
      %mul3A_23 = arith.muli %arg1, %mul3A_22 : i32
      %add3A_24 = arith.constant 400 : i32
      %add3A_25 = arith.addi %mul3A_23, %add3A_24 : i32
      "tpu.region"() ({
        %run_scoped3A = tpu.sem_alloc : memref<!tpu.dma_semaphore, #tpu.memory_space<semaphore_mem>>
        %dma_start3A = arith.constant 0 : i32
        %dma_start3A_34 = tpu.memref_slice %arg7[%add3A_25, %dma_start3A] : memref<10000x128xf32, #tpu.memory_space<vmem_shared>> -> memref<200x128xf32, #tpu.memory_space<vmem_shared>>
        %dma_start3A_35 = arith.constant 0 : i32
        %dma_start3A_36 = tpu.memref_slice %arg7[%add3A_25, %dma_start3A_35] : memref<10000x128xf32, #tpu.memory_space<vmem_shared>> -> memref<200x128xf32, #tpu.memory_space<vmem_shared>>
        tpu.enqueue_dma source(%arg11 : memref<200x128xf32, #tpu.memory_space<vmem>>) target(%dma_start3A_36 : memref<200x128xf32, #tpu.memory_space<vmem_shared>>) target_semaphore(%run_scoped3A : memref<!tpu.dma_semaphore, #tpu.memory_space<semaphore_mem>>)
        %dma_wait3A = arith.constant 0 : i32
        %dma_wait3A_37 = tpu.memref_slice %arg7[%add3A_25, %dma_wait3A] : memref<10000x128xf32, #tpu.memory_space<vmem_shared>> -> memref<200x128xf32, #tpu.memory_space<vmem_shared>>
        %dma_wait3A_38 = arith.constant 0 : i32
        %dma_wait3A_39 = tpu.memref_slice %arg7[%add3A_25, %dma_wait3A_38] : memref<10000x128xf32, #tpu.memory_space<vmem_shared>> -> memref<200x128xf32, #tpu.memory_space<vmem_shared>>
        tpu.wait_dma2 semaphore(%run_scoped3A : memref<!tpu.dma_semaphore, #tpu.memory_space<semaphore_mem>>) src(%arg11 : memref<200x128xf32, #tpu.memory_space<vmem>>) dst(%dma_wait3A_39 : memref<200x128xf32, #tpu.memory_space<vmem_shared>>)
        tpu.yield
      }) : () -> ()
      %mul3A_26 = arith.constant 1000 : i32
      %mul3A_27 = arith.muli %arg1, %mul3A_26 : i32
      %add3A_28 = arith.constant 600 : i32
      %add3A_29 = arith.addi %mul3A_27, %add3A_28 : i32
      "tpu.region"() ({
        %run_scoped3A = tpu.sem_alloc : memref<!tpu.dma_semaphore, #tpu.memory_space<semaphore_mem>>
        %dma_start3A = arith.constant 0 : i32
        %dma_start3A_34 = tpu.memref_slice %arg7[%add3A_29, %dma_start3A] : memref<10000x128xf32, #tpu.memory_space<vmem_shared>> -> memref<200x128xf32, #tpu.memory_space<vmem_shared>>
        %dma_start3A_35 = arith.constant 0 : i32
        %dma_start3A_36 = tpu.memref_slice %arg7[%add3A_29, %dma_start3A_35] : memref<10000x128xf32, #tpu.memory_space<vmem_shared>> -> memref<200x128xf32, #tpu.memory_space<vmem_shared>>
        tpu.enqueue_dma source(%arg11 : memref<200x128xf32, #tpu.memory_space<vmem>>) target(%dma_start3A_36 : memref<200x128xf32, #tpu.memory_space<vmem_shared>>) target_semaphore(%run_scoped3A : memref<!tpu.dma_semaphore, #tpu.memory_space<semaphore_mem>>)
        %dma_wait3A = arith.constant 0 : i32
        %dma_wait3A_37 = tpu.memref_slice %arg7[%add3A_29, %dma_wait3A] : memref<10000x128xf32, #tpu.memory_space<vmem_shared>> -> memref<200x128xf32, #tpu.memory_space<vmem_shared>>
        %dma_wait3A_38 = arith.constant 0 : i32
        %dma_wait3A_39 = tpu.memref_slice %arg7[%add3A_29, %dma_wait3A_38] : memref<10000x128xf32, #tpu.memory_space<vmem_shared>> -> memref<200x128xf32, #tpu.memory_space<vmem_shared>>
        tpu.wait_dma2 semaphore(%run_scoped3A : memref<!tpu.dma_semaphore, #tpu.memory_space<semaphore_mem>>) src(%arg11 : memref<200x128xf32, #tpu.memory_space<vmem>>) dst(%dma_wait3A_39 : memref<200x128xf32, #tpu.memory_space<vmem_shared>>)
        tpu.yield
      }) : () -> ()
      %mul3A_30 = arith.constant 1000 : i32
      %mul3A_31 = arith.muli %arg1, %mul3A_30 : i32
      %add3A_32 = arith.constant 800 : i32
      %add3A_33 = arith.addi %mul3A_31, %add3A_32 : i32
      "tpu.region"() ({
        %run_scoped3A = tpu.sem_alloc : memref<!tpu.dma_semaphore, #tpu.memory_space<semaphore_mem>>
        %dma_start3A = arith.constant 0 : i32
        %dma_start3A_34 = tpu.memref_slice %arg7[%add3A_33, %dma_start3A] : memref<10000x128xf32, #tpu.memory_space<vmem_shared>> -> memref<200x128xf32, #tpu.memory_space<vmem_shared>>
        %dma_start3A_35 = arith.constant 0 : i32
        %dma_start3A_36 = tpu.memref_slice %arg7[%add3A_33, %dma_start3A_35] : memref<10000x128xf32, #tpu.memory_space<vmem_shared>> -> memref<200x128xf32, #tpu.memory_space<vmem_shared>>
        tpu.enqueue_dma source(%arg11 : memref<200x128xf32, #tpu.memory_space<vmem>>) target(%dma_start3A_36 : memref<200x128xf32, #tpu.memory_space<vmem_shared>>) target_semaphore(%run_scoped3A : memref<!tpu.dma_semaphore, #tpu.memory_space<semaphore_mem>>)
        %dma_wait3A = arith.constant 0 : i32
        %dma_wait3A_37 = tpu.memref_slice %arg7[%add3A_33, %dma_wait3A] : memref<10000x128xf32, #tpu.memory_space<vmem_shared>> -> memref<200x128xf32, #tpu.memory_space<vmem_shared>>
        %dma_wait3A_38 = arith.constant 0 : i32
        %dma_wait3A_39 = tpu.memref_slice %arg7[%add3A_33, %dma_wait3A_38] : memref<10000x128xf32, #tpu.memory_space<vmem_shared>> -> memref<200x128xf32, #tpu.memory_space<vmem_shared>>
        tpu.wait_dma2 semaphore(%run_scoped3A : memref<!tpu.dma_semaphore, #tpu.memory_space<semaphore_mem>>) src(%arg11 : memref<200x128xf32, #tpu.memory_space<vmem>>) dst(%dma_wait3A_39 : memref<200x128xf32, #tpu.memory_space<vmem_shared>>)
        tpu.yield
      }) : () -> ()
    } else {
    }
    %barrier3A = arith.constant 0 : index
    tpu.barrier barrier_id(%barrier3A)
    %scan3A = arith.constant 0 : i32
    %scan3A_3 = arith.constant 0 : i32
    %scan3A_4 = arith.constant 125 : i32
    %scan3A_5 = arith.addi %scan3A_3, %scan3A_4 : i32
    %scan3A_6 = arith.constant 1 : i32
    scf.for %scan3A_14 = %scan3A_3 to %scan3A_5 step %scan3A_6  : i32 {
      %mul3A_15 = arith.constant 10000 : i32
      %mul3A_16 = arith.muli %add3A, %mul3A_15 : i32
      %mul3A_17 = arith.constant 80 : i32
      %mul3A_18 = arith.muli %scan3A_14, %mul3A_17 : i32
      %add3A_19 = arith.addi %mul3A_16, %mul3A_18 : i32
      %multiple_of3A = tpu.assume_multiple %add3A_19, 8 : i32
      "tpu.region"() ({
        %run_scoped3A = tpu.sem_alloc : memref<!tpu.dma_semaphore, #tpu.memory_space<semaphore_mem>>
        %dma_start3A_24 = tpu.memref_slice %arg3[%multiple_of3A] : memref<320000xi32, #tpu.memory_space<hbm>> -> memref<80xi32, #tpu.memory_space<hbm>>
        %dma_start3A_25 = tpu.memref_slice %arg3[%multiple_of3A] : memref<320000xi32, #tpu.memory_space<hbm>> -> memref<80xi32, #tpu.memory_space<hbm>>
        tpu.enqueue_dma source(%dma_start3A_25 : memref<80xi32, #tpu.memory_space<hbm>>) target(%arg8 : memref<80xi32, #tpu.memory_space<vmem>>) target_semaphore(%run_scoped3A : memref<!tpu.dma_semaphore, #tpu.memory_space<semaphore_mem>>)
        %dma_wait3A_26 = tpu.memref_slice %arg3[%multiple_of3A] : memref<320000xi32, #tpu.memory_space<hbm>> -> memref<80xi32, #tpu.memory_space<hbm>>
        %dma_wait3A_27 = tpu.memref_slice %arg3[%multiple_of3A] : memref<320000xi32, #tpu.memory_space<hbm>> -> memref<80xi32, #tpu.memory_space<hbm>>
        tpu.wait_dma2 semaphore(%run_scoped3A : memref<!tpu.dma_semaphore, #tpu.memory_space<semaphore_mem>>) src(%dma_wait3A_27 : memref<80xi32, #tpu.memory_space<hbm>>) dst(%arg8 : memref<80xi32, #tpu.memory_space<vmem>>)
        tpu.yield
      }) : () -> ()
      "tpu.region"() ({
        %run_scoped3A = tpu.sem_alloc : memref<!tpu.dma_semaphore, #tpu.memory_space<semaphore_mem>>
        %dma_start3A_24 = tpu.memref_slice %arg4[%multiple_of3A] : memref<320000xi32, #tpu.memory_space<hbm>> -> memref<80xi32, #tpu.memory_space<hbm>>
        %dma_start3A_25 = tpu.memref_slice %arg4[%multiple_of3A] : memref<320000xi32, #tpu.memory_space<hbm>> -> memref<80xi32, #tpu.memory_space<hbm>>
        tpu.enqueue_dma source(%dma_start3A_25 : memref<80xi32, #tpu.memory_space<hbm>>) target(%arg9 : memref<80xi32, #tpu.memory_space<vmem>>) target_semaphore(%run_scoped3A : memref<!tpu.dma_semaphore, #tpu.memory_space<semaphore_mem>>)
        %dma_wait3A_26 = tpu.memref_slice %arg4[%multiple_of3A] : memref<320000xi32, #tpu.memory_space<hbm>> -> memref<80xi32, #tpu.memory_space<hbm>>
        %dma_wait3A_27 = tpu.memref_slice %arg4[%multiple_of3A] : memref<320000xi32, #tpu.memory_space<hbm>> -> memref<80xi32, #tpu.memory_space<hbm>>
        tpu.wait_dma2 semaphore(%run_scoped3A : memref<!tpu.dma_semaphore, #tpu.memory_space<semaphore_mem>>) src(%dma_wait3A_27 : memref<80xi32, #tpu.memory_space<hbm>>) dst(%arg9 : memref<80xi32, #tpu.memory_space<vmem>>)
        tpu.yield
      }) : () -> ()
      %dma_start3A = arith.constant 0 : i32
      %dma_start3A_20 = arith.constant 0 : i32
      %dma_start3A_21 = tpu.memref_slice %arg2[%dma_start3A, %dma_start3A_20] : memref<10000x128xf32, #tpu.memory_space<hbm>> -> memref<10000x128xf32, #tpu.memory_space<hbm>>
      tpu.enqueue_indirect_dma source(%dma_start3A_21 : memref<10000x128xf32, #tpu.memory_space<hbm>>) target(%arg10 : memref<80x128xf32, #tpu.memory_space<vmem>>) offsets(%arg8 : memref<80xi32, #tpu.memory_space<vmem>>) semaphore(%arg12 : memref<!tpu.dma_semaphore, #tpu.memory_space<semaphore_mem>>)
      %dma_wait3A = arith.constant 0 : i32
      %dma_wait3A_22 = arith.constant 0 : i32
      %dma_wait3A_23 = tpu.memref_slice %arg2[%dma_wait3A, %dma_wait3A_22] : memref<10000x128xf32, #tpu.memory_space<hbm>> -> memref<10000x128xf32, #tpu.memory_space<hbm>>
      tpu.wait_indirect_dma semaphore(%arg12 : memref<!tpu.dma_semaphore, #tpu.memory_space<semaphore_mem>>) src(%dma_wait3A_23 : memref<10000x128xf32, #tpu.memory_space<hbm>>) dst(%arg10 : memref<80x128xf32, #tpu.memory_space<vmem>>)
      "tpu.region"() ({
        %run_scoped3A = tpu.sem_alloc : memref<!tpu.dma_semaphore, #tpu.memory_space<semaphore_mem>>
        %dma_start3A_24 = arith.constant 0 : i32
        %dma_start3A_25 = arith.constant 0 : i32
        %dma_start3A_26 = tpu.memref_slice %arg7[%dma_start3A_24, %dma_start3A_25] : memref<10000x128xf32, #tpu.memory_space<vmem_shared>> -> memref<10000x128xf32, #tpu.memory_space<vmem_shared>>
        tpu.enqueue_indirect_dma source(%arg10 : memref<80x128xf32, #tpu.memory_space<vmem>>) target(%dma_start3A_26 : memref<10000x128xf32, #tpu.memory_space<vmem_shared>>) offsets(%arg9 : memref<80xi32, #tpu.memory_space<vmem>>) semaphore(%run_scoped3A : memref<!tpu.dma_semaphore, #tpu.memory_space<semaphore_mem>>) {add = true}
        %dma_wait3A_27 = arith.constant 0 : i32
        %dma_wait3A_28 = arith.constant 0 : i32
        %dma_wait3A_29 = tpu.memref_slice %arg7[%dma_wait3A_27, %dma_wait3A_28] : memref<10000x128xf32, #tpu.memory_space<vmem_shared>> -> memref<10000x128xf32, #tpu.memory_space<vmem_shared>>
        tpu.wait_indirect_dma semaphore(%run_scoped3A : memref<!tpu.dma_semaphore, #tpu.memory_space<semaphore_mem>>) src(%arg10 : memref<80x128xf32, #tpu.memory_space<vmem>>) dst(%dma_wait3A_29 : memref<10000x128xf32, #tpu.memory_space<vmem_shared>>)
        tpu.yield
      }) : () -> ()
    }
    %scan3A_7 = arith.constant 125 : i32
    %barrier3A_8 = arith.constant 0 : index
    tpu.barrier barrier_id(%barrier3A_8)
    %lt3A_9 = arith.constant 10 : i32
    %lt3A_10 = arith.cmpi slt, %arg1, %lt3A_9 : i32
    %convert_element_type3A_11 = arith.extui %lt3A_10 : i1 to i32
    %cond3A_12 = arith.constant 0 : i32
    %cond3A_13 = arith.cmpi ne, %convert_element_type3A_11, %cond3A_12 : i32
    scf.if %cond3A_13 {
      %mul3A_14 = arith.constant 1000 : i32
      %mul3A_15 = arith.muli %arg1, %mul3A_14 : i32
      %add3A_16 = arith.constant 0 : i32
      %add3A_17 = arith.addi %mul3A_15, %add3A_16 : i32
      "tpu.region"() ({
        %run_scoped3A = tpu.sem_alloc : memref<!tpu.dma_semaphore, #tpu.memory_space<semaphore_mem>>
        %dma_start3A = arith.constant 0 : i32
        %dma_start3A_49 = tpu.memref_slice %arg7[%add3A_17, %dma_start3A] : memref<10000x128xf32, #tpu.memory_space<vmem_shared>> -> memref<200x128xf32, #tpu.memory_space<vmem_shared>>
        %dma_start3A_50 = arith.constant 0 : i32
        %dma_start3A_51 = tpu.memref_slice %arg7[%add3A_17, %dma_start3A_50] : memref<10000x128xf32, #tpu.memory_space<vmem_shared>> -> memref<200x128xf32, #tpu.memory_space<vmem_shared>>
        tpu.enqueue_dma source(%dma_start3A_51 : memref<200x128xf32, #tpu.memory_space<vmem_shared>>) target(%arg11 : memref<200x128xf32, #tpu.memory_space<vmem>>) target_semaphore(%run_scoped3A : memref<!tpu.dma_semaphore, #tpu.memory_space<semaphore_mem>>)
        %dma_wait3A = arith.constant 0 : i32
        %dma_wait3A_52 = tpu.memref_slice %arg7[%add3A_17, %dma_wait3A] : memref<10000x128xf32, #tpu.memory_space<vmem_shared>> -> memref<200x128xf32, #tpu.memory_space<vmem_shared>>
        %dma_wait3A_53 = arith.constant 0 : i32
        %dma_wait3A_54 = tpu.memref_slice %arg7[%add3A_17, %dma_wait3A_53] : memref<10000x128xf32, #tpu.memory_space<vmem_shared>> -> memref<200x128xf32, #tpu.memory_space<vmem_shared>>
        tpu.wait_dma2 semaphore(%run_scoped3A : memref<!tpu.dma_semaphore, #tpu.memory_space<semaphore_mem>>) src(%dma_wait3A_54 : memref<200x128xf32, #tpu.memory_space<vmem_shared>>) dst(%arg11 : memref<200x128xf32, #tpu.memory_space<vmem>>)
        tpu.yield
      }) : () -> ()
      %mul3A_18 = arith.constant 10000 : i32
      %mul3A_19 = arith.muli %arg0, %mul3A_18 : i32
      %add3A_20 = arith.addi %mul3A_19, %add3A_17 : i32
      "tpu.region"() ({
        %run_scoped3A = tpu.sem_alloc : memref<!tpu.dma_semaphore, #tpu.memory_space<semaphore_mem>>
        %dma_start3A = arith.constant 0 : i32
        %dma_start3A_49 = tpu.memref_slice %arg6[%add3A_20, %dma_start3A] : memref<20000x128xf32, #tpu.memory_space<hbm>> -> memref<200x128xf32, #tpu.memory_space<hbm>>
        %dma_start3A_50 = arith.constant 0 : i32
        %dma_start3A_51 = tpu.memref_slice %arg6[%add3A_20, %dma_start3A_50] : memref<20000x128xf32, #tpu.memory_space<hbm>> -> memref<200x128xf32, #tpu.memory_space<hbm>>
        tpu.enqueue_dma source(%arg11 : memref<200x128xf32, #tpu.memory_space<vmem>>) target(%dma_start3A_51 : memref<200x128xf32, #tpu.memory_space<hbm>>) target_semaphore(%run_scoped3A : memref<!tpu.dma_semaphore, #tpu.memory_space<semaphore_mem>>)
        %dma_wait3A = arith.constant 0 : i32
        %dma_wait3A_52 = tpu.memref_slice %arg6[%add3A_20, %dma_wait3A] : memref<20000x128xf32, #tpu.memory_space<hbm>> -> memref<200x128xf32, #tpu.memory_space<hbm>>
        %dma_wait3A_53 = arith.constant 0 : i32
        %dma_wait3A_54 = tpu.memref_slice %arg6[%add3A_20, %dma_wait3A_53] : memref<20000x128xf32, #tpu.memory_space<hbm>> -> memref<200x128xf32, #tpu.memory_space<hbm>>
        tpu.wait_dma2 semaphore(%run_scoped3A : memref<!tpu.dma_semaphore, #tpu.memory_space<semaphore_mem>>) src(%arg11 : memref<200x128xf32, #tpu.memory_space<vmem>>) dst(%dma_wait3A_54 : memref<200x128xf32, #tpu.memory_space<hbm>>)
        tpu.yield
      }) : () -> ()
      %mul3A_21 = arith.constant 1000 : i32
      %mul3A_22 = arith.muli %arg1, %mul3A_21 : i32
      %add3A_23 = arith.constant 200 : i32
      %add3A_24 = arith.addi %mul3A_22, %add3A_23 : i32
      "tpu.region"() ({
        %run_scoped3A = tpu.sem_alloc : memref<!tpu.dma_semaphore, #tpu.memory_space<semaphore_mem>>
        %dma_start3A = arith.constant 0 : i32
        %dma_start3A_49 = tpu.memref_slice %arg7[%add3A_24, %dma_start3A] : memref<10000x128xf32, #tpu.memory_space<vmem_shared>> -> memref<200x128xf32, #tpu.memory_space<vmem_shared>>
        %dma_start3A_50 = arith.constant 0 : i32
        %dma_start3A_51 = tpu.memref_slice %arg7[%add3A_24, %dma_start3A_50] : memref<10000x128xf32, #tpu.memory_space<vmem_shared>> -> memref<200x128xf32, #tpu.memory_space<vmem_shared>>
        tpu.enqueue_dma source(%dma_start3A_51 : memref<200x128xf32, #tpu.memory_space<vmem_shared>>) target(%arg11 : memref<200x128xf32, #tpu.memory_space<vmem>>) target_semaphore(%run_scoped3A : memref<!tpu.dma_semaphore, #tpu.memory_space<semaphore_mem>>)
        %dma_wait3A = arith.constant 0 : i32
        %dma_wait3A_52 = tpu.memref_slice %arg7[%add3A_24, %dma_wait3A] : memref<10000x128xf32, #tpu.memory_space<vmem_shared>> -> memref<200x128xf32, #tpu.memory_space<vmem_shared>>
        %dma_wait3A_53 = arith.constant 0 : i32
        %dma_wait3A_54 = tpu.memref_slice %arg7[%add3A_24, %dma_wait3A_53] : memref<10000x128xf32, #tpu.memory_space<vmem_shared>> -> memref<200x128xf32, #tpu.memory_space<vmem_shared>>
        tpu.wait_dma2 semaphore(%run_scoped3A : memref<!tpu.dma_semaphore, #tpu.memory_space<semaphore_mem>>) src(%dma_wait3A_54 : memref<200x128xf32, #tpu.memory_space<vmem_shared>>) dst(%arg11 : memref<200x128xf32, #tpu.memory_space<vmem>>)
        tpu.yield
      }) : () -> ()
      %mul3A_25 = arith.constant 10000 : i32
      %mul3A_26 = arith.muli %arg0, %mul3A_25 : i32
      %add3A_27 = arith.addi %mul3A_26, %add3A_24 : i32
      "tpu.region"() ({
        %run_scoped3A = tpu.sem_alloc : memref<!tpu.dma_semaphore, #tpu.memory_space<semaphore_mem>>
        %dma_start3A = arith.constant 0 : i32
        %dma_start3A_49 = tpu.memref_slice %arg6[%add3A_27, %dma_start3A] : memref<20000x128xf32, #tpu.memory_space<hbm>> -> memref<200x128xf32, #tpu.memory_space<hbm>>
        %dma_start3A_50 = arith.constant 0 : i32
        %dma_start3A_51 = tpu.memref_slice %arg6[%add3A_27, %dma_start3A_50] : memref<20000x128xf32, #tpu.memory_space<hbm>> -> memref<200x128xf32, #tpu.memory_space<hbm>>
        tpu.enqueue_dma source(%arg11 : memref<200x128xf32, #tpu.memory_space<vmem>>) target(%dma_start3A_51 : memref<200x128xf32, #tpu.memory_space<hbm>>) target_semaphore(%run_scoped3A : memref<!tpu.dma_semaphore, #tpu.memory_space<semaphore_mem>>)
        %dma_wait3A = arith.constant 0 : i32
        %dma_wait3A_52 = tpu.memref_slice %arg6[%add3A_27, %dma_wait3A] : memref<20000x128xf32, #tpu.memory_space<hbm>> -> memref<200x128xf32, #tpu.memory_space<hbm>>
        %dma_wait3A_53 = arith.constant 0 : i32
        %dma_wait3A_54 = tpu.memref_slice %arg6[%add3A_27, %dma_wait3A_53] : memref<20000x128xf32, #tpu.memory_space<hbm>> -> memref<200x128xf32, #tpu.memory_space<hbm>>
        tpu.wait_dma2 semaphore(%run_scoped3A : memref<!tpu.dma_semaphore, #tpu.memory_space<semaphore_mem>>) src(%arg11 : memref<200x128xf32, #tpu.memory_space<vmem>>) dst(%dma_wait3A_54 : memref<200x128xf32, #tpu.memory_space<hbm>>)
        tpu.yield
      }) : () -> ()
      %mul3A_28 = arith.constant 1000 : i32
      %mul3A_29 = arith.muli %arg1, %mul3A_28 : i32
      %add3A_30 = arith.constant 400 : i32
      %add3A_31 = arith.addi %mul3A_29, %add3A_30 : i32
      "tpu.region"() ({
        %run_scoped3A = tpu.sem_alloc : memref<!tpu.dma_semaphore, #tpu.memory_space<semaphore_mem>>
        %dma_start3A = arith.constant 0 : i32
        %dma_start3A_49 = tpu.memref_slice %arg7[%add3A_31, %dma_start3A] : memref<10000x128xf32, #tpu.memory_space<vmem_shared>> -> memref<200x128xf32, #tpu.memory_space<vmem_shared>>
        %dma_start3A_50 = arith.constant 0 : i32
        %dma_start3A_51 = tpu.memref_slice %arg7[%add3A_31, %dma_start3A_50] : memref<10000x128xf32, #tpu.memory_space<vmem_shared>> -> memref<200x128xf32, #tpu.memory_space<vmem_shared>>
        tpu.enqueue_dma source(%dma_start3A_51 : memref<200x128xf32, #tpu.memory_space<vmem_shared>>) target(%arg11 : memref<200x128xf32, #tpu.memory_space<vmem>>) target_semaphore(%run_scoped3A : memref<!tpu.dma_semaphore, #tpu.memory_space<semaphore_mem>>)
        %dma_wait3A = arith.constant 0 : i32
        %dma_wait3A_52 = tpu.memref_slice %arg7[%add3A_31, %dma_wait3A] : memref<10000x128xf32, #tpu.memory_space<vmem_shared>> -> memref<200x128xf32, #tpu.memory_space<vmem_shared>>
        %dma_wait3A_53 = arith.constant 0 : i32
        %dma_wait3A_54 = tpu.memref_slice %arg7[%add3A_31, %dma_wait3A_53] : memref<10000x128xf32, #tpu.memory_space<vmem_shared>> -> memref<200x128xf32, #tpu.memory_space<vmem_shared>>
        tpu.wait_dma2 semaphore(%run_scoped3A : memref<!tpu.dma_semaphore, #tpu.memory_space<semaphore_mem>>) src(%dma_wait3A_54 : memref<200x128xf32, #tpu.memory_space<vmem_shared>>) dst(%arg11 : memref<200x128xf32, #tpu.memory_space<vmem>>)
        tpu.yield
      }) : () -> ()
      %mul3A_32 = arith.constant 10000 : i32
      %mul3A_33 = arith.muli %arg0, %mul3A_32 : i32
      %add3A_34 = arith.addi %mul3A_33, %add3A_31 : i32
      "tpu.region"() ({
        %run_scoped3A = tpu.sem_alloc : memref<!tpu.dma_semaphore, #tpu.memory_space<semaphore_mem>>
        %dma_start3A = arith.constant 0 : i32
        %dma_start3A_49 = tpu.memref_slice %arg6[%add3A_34, %dma_start3A] : memref<20000x128xf32, #tpu.memory_space<hbm>> -> memref<200x128xf32, #tpu.memory_space<hbm>>
        %dma_start3A_50 = arith.constant 0 : i32
        %dma_start3A_51 = tpu.memref_slice %arg6[%add3A_34, %dma_start3A_50] : memref<20000x128xf32, #tpu.memory_space<hbm>> -> memref<200x128xf32, #tpu.memory_space<hbm>>
        tpu.enqueue_dma source(%arg11 : memref<200x128xf32, #tpu.memory_space<vmem>>) target(%dma_start3A_51 : memref<200x128xf32, #tpu.memory_space<hbm>>) target_semaphore(%run_scoped3A : memref<!tpu.dma_semaphore, #tpu.memory_space<semaphore_mem>>)
        %dma_wait3A = arith.constant 0 : i32
        %dma_wait3A_52 = tpu.memref_slice %arg6[%add3A_34, %dma_wait3A] : memref<20000x128xf32, #tpu.memory_space<hbm>> -> memref<200x128xf32, #tpu.memory_space<hbm>>
        %dma_wait3A_53 = arith.constant 0 : i32
        %dma_wait3A_54 = tpu.memref_slice %arg6[%add3A_34, %dma_wait3A_53] : memref<20000x128xf32, #tpu.memory_space<hbm>> -> memref<200x128xf32, #tpu.memory_space<hbm>>
        tpu.wait_dma2 semaphore(%run_scoped3A : memref<!tpu.dma_semaphore, #tpu.memory_space<semaphore_mem>>) src(%arg11 : memref<200x128xf32, #tpu.memory_space<vmem>>) dst(%dma_wait3A_54 : memref<200x128xf32, #tpu.memory_space<hbm>>)
        tpu.yield
      }) : () -> ()
      %mul3A_35 = arith.constant 1000 : i32
      %mul3A_36 = arith.muli %arg1, %mul3A_35 : i32
      %add3A_37 = arith.constant 600 : i32
      %add3A_38 = arith.addi %mul3A_36, %add3A_37 : i32
      "tpu.region"() ({
        %run_scoped3A = tpu.sem_alloc : memref<!tpu.dma_semaphore, #tpu.memory_space<semaphore_mem>>
        %dma_start3A = arith.constant 0 : i32
        %dma_start3A_49 = tpu.memref_slice %arg7[%add3A_38, %dma_start3A] : memref<10000x128xf32, #tpu.memory_space<vmem_shared>> -> memref<200x128xf32, #tpu.memory_space<vmem_shared>>
        %dma_start3A_50 = arith.constant 0 : i32
        %dma_start3A_51 = tpu.memref_slice %arg7[%add3A_38, %dma_start3A_50] : memref<10000x128xf32, #tpu.memory_space<vmem_shared>> -> memref<200x128xf32, #tpu.memory_space<vmem_shared>>
        tpu.enqueue_dma source(%dma_start3A_51 : memref<200x128xf32, #tpu.memory_space<vmem_shared>>) target(%arg11 : memref<200x128xf32, #tpu.memory_space<vmem>>) target_semaphore(%run_scoped3A : memref<!tpu.dma_semaphore, #tpu.memory_space<semaphore_mem>>)
        %dma_wait3A = arith.constant 0 : i32
        %dma_wait3A_52 = tpu.memref_slice %arg7[%add3A_38, %dma_wait3A] : memref<10000x128xf32, #tpu.memory_space<vmem_shared>> -> memref<200x128xf32, #tpu.memory_space<vmem_shared>>
        %dma_wait3A_53 = arith.constant 0 : i32
        %dma_wait3A_54 = tpu.memref_slice %arg7[%add3A_38, %dma_wait3A_53] : memref<10000x128xf32, #tpu.memory_space<vmem_shared>> -> memref<200x128xf32, #tpu.memory_space<vmem_shared>>
        tpu.wait_dma2 semaphore(%run_scoped3A : memref<!tpu.dma_semaphore, #tpu.memory_space<semaphore_mem>>) src(%dma_wait3A_54 : memref<200x128xf32, #tpu.memory_space<vmem_shared>>) dst(%arg11 : memref<200x128xf32, #tpu.memory_space<vmem>>)
        tpu.yield
      }) : () -> ()
      %mul3A_39 = arith.constant 10000 : i32
      %mul3A_40 = arith.muli %arg0, %mul3A_39 : i32
      %add3A_41 = arith.addi %mul3A_40, %add3A_38 : i32
      "tpu.region"() ({
        %run_scoped3A = tpu.sem_alloc : memref<!tpu.dma_semaphore, #tpu.memory_space<semaphore_mem>>
        %dma_start3A = arith.constant 0 : i32
        %dma_start3A_49 = tpu.memref_slice %arg6[%add3A_41, %dma_start3A] : memref<20000x128xf32, #tpu.memory_space<hbm>> -> memref<200x128xf32, #tpu.memory_space<hbm>>
        %dma_start3A_50 = arith.constant 0 : i32
        %dma_start3A_51 = tpu.memref_slice %arg6[%add3A_41, %dma_start3A_50] : memref<20000x128xf32, #tpu.memory_space<hbm>> -> memref<200x128xf32, #tpu.memory_space<hbm>>
        tpu.enqueue_dma source(%arg11 : memref<200x128xf32, #tpu.memory_space<vmem>>) target(%dma_start3A_51 : memref<200x128xf32, #tpu.memory_space<hbm>>) target_semaphore(%run_scoped3A : memref<!tpu.dma_semaphore, #tpu.memory_space<semaphore_mem>>)
        %dma_wait3A = arith.constant 0 : i32
        %dma_wait3A_52 = tpu.memref_slice %arg6[%add3A_41, %dma_wait3A] : memref<20000x128xf32, #tpu.memory_space<hbm>> -> memref<200x128xf32, #tpu.memory_space<hbm>>
        %dma_wait3A_53 = arith.constant 0 : i32
        %dma_wait3A_54 = tpu.memref_slice %arg6[%add3A_41, %dma_wait3A_53] : memref<20000x128xf32, #tpu.memory_space<hbm>> -> memref<200x128xf32, #tpu.memory_space<hbm>>
        tpu.wait_dma2 semaphore(%run_scoped3A : memref<!tpu.dma_semaphore, #tpu.memory_space<semaphore_mem>>) src(%arg11 : memref<200x128xf32, #tpu.memory_space<vmem>>) dst(%dma_wait3A_54 : memref<200x128xf32, #tpu.memory_space<hbm>>)
        tpu.yield
      }) : () -> ()
      %mul3A_42 = arith.constant 1000 : i32
      %mul3A_43 = arith.muli %arg1, %mul3A_42 : i32
      %add3A_44 = arith.constant 800 : i32
      %add3A_45 = arith.addi %mul3A_43, %add3A_44 : i32
      "tpu.region"() ({
        %run_scoped3A = tpu.sem_alloc : memref<!tpu.dma_semaphore, #tpu.memory_space<semaphore_mem>>
        %dma_start3A = arith.constant 0 : i32
        %dma_start3A_49 = tpu.memref_slice %arg7[%add3A_45, %dma_start3A] : memref<10000x128xf32, #tpu.memory_space<vmem_shared>> -> memref<200x128xf32, #tpu.memory_space<vmem_shared>>
        %dma_start3A_50 = arith.constant 0 : i32
        %dma_start3A_51 = tpu.memref_slice %arg7[%add3A_45, %dma_start3A_50] : memref<10000x128xf32, #tpu.memory_space<vmem_shared>> -> memref<200x128xf32, #tpu.memory_space<vmem_shared>>
        tpu.enqueue_dma source(%dma_start3A_51 : memref<200x128xf32, #tpu.memory_space<vmem_shared>>) target(%arg11 : memref<200x128xf32, #tpu.memory_space<vmem>>) target_semaphore(%run_scoped3A : memref<!tpu.dma_semaphore, #tpu.memory_space<semaphore_mem>>)
        %dma_wait3A = arith.constant 0 : i32
        %dma_wait3A_52 = tpu.memref_slice %arg7[%add3A_45, %dma_wait3A] : memref<10000x128xf32, #tpu.memory_space<vmem_shared>> -> memref<200x128xf32, #tpu.memory_space<vmem_shared>>
        %dma_wait3A_53 = arith.constant 0 : i32
        %dma_wait3A_54 = tpu.memref_slice %arg7[%add3A_45, %dma_wait3A_53] : memref<10000x128xf32, #tpu.memory_space<vmem_shared>> -> memref<200x128xf32, #tpu.memory_space<vmem_shared>>
        tpu.wait_dma2 semaphore(%run_scoped3A : memref<!tpu.dma_semaphore, #tpu.memory_space<semaphore_mem>>) src(%dma_wait3A_54 : memref<200x128xf32, #tpu.memory_space<vmem_shared>>) dst(%arg11 : memref<200x128xf32, #tpu.memory_space<vmem>>)
        tpu.yield
      }) : () -> ()
      %mul3A_46 = arith.constant 10000 : i32
      %mul3A_47 = arith.muli %arg0, %mul3A_46 : i32
      %add3A_48 = arith.addi %mul3A_47, %add3A_45 : i32
      "tpu.region"() ({
        %run_scoped3A = tpu.sem_alloc : memref<!tpu.dma_semaphore, #tpu.memory_space<semaphore_mem>>
        %dma_start3A = arith.constant 0 : i32
        %dma_start3A_49 = tpu.memref_slice %arg6[%add3A_48, %dma_start3A] : memref<20000x128xf32, #tpu.memory_space<hbm>> -> memref<200x128xf32, #tpu.memory_space<hbm>>
        %dma_start3A_50 = arith.constant 0 : i32
        %dma_start3A_51 = tpu.memref_slice %arg6[%add3A_48, %dma_start3A_50] : memref<20000x128xf32, #tpu.memory_space<hbm>> -> memref<200x128xf32, #tpu.memory_space<hbm>>
        tpu.enqueue_dma source(%arg11 : memref<200x128xf32, #tpu.memory_space<vmem>>) target(%dma_start3A_51 : memref<200x128xf32, #tpu.memory_space<hbm>>) target_semaphore(%run_scoped3A : memref<!tpu.dma_semaphore, #tpu.memory_space<semaphore_mem>>)
        %dma_wait3A = arith.constant 0 : i32
        %dma_wait3A_52 = tpu.memref_slice %arg6[%add3A_48, %dma_wait3A] : memref<20000x128xf32, #tpu.memory_space<hbm>> -> memref<200x128xf32, #tpu.memory_space<hbm>>
        %dma_wait3A_53 = arith.constant 0 : i32
        %dma_wait3A_54 = tpu.memref_slice %arg6[%add3A_48, %dma_wait3A_53] : memref<20000x128xf32, #tpu.memory_space<hbm>> -> memref<200x128xf32, #tpu.memory_space<hbm>>
        tpu.wait_dma2 semaphore(%run_scoped3A : memref<!tpu.dma_semaphore, #tpu.memory_space<semaphore_mem>>) src(%arg11 : memref<200x128xf32, #tpu.memory_space<vmem>>) dst(%dma_wait3A_54 : memref<200x128xf32, #tpu.memory_space<hbm>>)
        tpu.yield
      }) : () -> ()
    } else {
    }
    return
  }
}

#map = affine_map<(d0, d1) -> (0, 0)>
#map1 = affine_map<(d0, d1) -> (0)>
module attributes {stable_mosaic.version = 14 : i64} {
  func.func @k(%arg0: i32, %arg1: i32, %arg2: memref<10000x128xf32, #tpu.memory_space<hbm>>, %arg3: memref<320000xi32, #tpu.memory_space<hbm>>, %arg4: memref<320000xi32, #tpu.memory_space<hbm>>, %arg5: memref<200x128xf32, #tpu.memory_space<hbm>>, %arg6: memref<20000x128xf32, #tpu.memory_space<hbm>>, %arg7: memref<10000x128xf32, #tpu.memory_space<vmem_shared>>, %arg8: memref<80xi32, #tpu.memory_space<vmem>>, %arg9: memref<80xi32, #tpu.memory_space<vmem>>, %arg10: memref<80x128xf32, #tpu.memory_space<vmem>>, %arg11: memref<200x128xf32, #tpu.memory_space<vmem>>, %arg12: memref<!tpu.dma_semaphore, #tpu.memory_space<semaphore_mem>>) attributes {dimension_semantics = [#tpu.dimension_semantics<core_parallel>, #tpu.dimension_semantics<subcore_parallel>], iteration_bounds = array<i64: 2, 16>, scalar_prefetch = 0 : i64, scratch_operands = 6 : i64, tpu.core_type = #tpu.core_type<sc_vector_subcore>, window_params = [{transform_indices = #map}, {transform_indices = #map1}, {transform_indices = #map1}, {transform_indices = #map}, {transform_indices = #map}]} {
    %mul3A = arith.constant 2 : i32
    %mul3A_0 = arith.muli %arg1, %mul3A : i32
    %add3A = arith.addi %mul3A_0, %arg0 : i32
    %lt3A = arith.constant 10 : i32
    %lt3A_1 = arith.cmpi slt, %arg1, %lt3A : i32
    %convert_element_type3A = arith.extui %lt3A_1 : i1 to i32
    %cond3A = arith.constant 0 : i32
    %cond3A_2 = arith.cmpi ne, %convert_element_type3A, %cond3A : i32
    scf.if %cond3A_2 {
      "tpu.region"() ({
        %run_scoped3A = tpu.sem_alloc : memref<!tpu.dma_semaphore, #tpu.memory_space<semaphore_mem>>
        tpu.enqueue_dma source(%arg5 : memref<200x128xf32, #tpu.memory_space<hbm>>) target(%arg11 : memref<200x128xf32, #tpu.memory_space<vmem>>) target_semaphore(%run_scoped3A : memref<!tpu.dma_semaphore, #tpu.memory_space<semaphore_mem>>)
        tpu.wait_dma2 semaphore(%run_scoped3A : memref<!tpu.dma_semaphore, #tpu.memory_space<semaphore_mem>>) src(%arg5 : memref<200x128xf32, #tpu.memory_space<hbm>>) dst(%arg11 : memref<200x128xf32, #tpu.memory_space<vmem>>)
        tpu.yield
      }) : () -> ()
      %mul3A_14 = arith.constant 1000 : i32
      %mul3A_15 = arith.muli %arg1, %mul3A_14 : i32
      %add3A_16 = arith.constant 0 : i32
      %add3A_17 = arith.addi %mul3A_15, %add3A_16 : i32
      "tpu.region"() ({
        %run_scoped3A = tpu.sem_alloc : memref<!tpu.dma_semaphore, #tpu.memory_space<semaphore_mem>>
        %dma_start3A = arith.constant 0 : i32
        %dma_start3A_34 = tpu.memref_slice %arg7[%add3A_17, %dma_start3A] : memref<10000x128xf32, #tpu.memory_space<vmem_shared>> -> memref<200x128xf32, #tpu.memory_space<vmem_shared>>
        %dma_start3A_35 = arith.constant 0 : i32
        %dma_start3A_36 = tpu.memref_slice %arg7[%add3A_17, %dma_start3A_35] : memref<10000x128xf32, #tpu.memory_space<vmem_shared>> -> memref<200x128xf32, #tpu.memory_space<vmem_shared>>
        tpu.enqueue_dma source(%arg11 : memref<200x128xf32, #tpu.memory_space<vmem>>) target(%dma_start3A_36 : memref<200x128xf32, #tpu.memory_space<vmem_shared>>) target_semaphore(%run_scoped3A : memref<!tpu.dma_semaphore, #tpu.memory_space<semaphore_mem>>)
        %dma_wait3A = arith.constant 0 : i32
        %dma_wait3A_37 = tpu.memref_slice %arg7[%add3A_17, %dma_wait3A] : memref<10000x128xf32, #tpu.memory_space<vmem_shared>> -> memref<200x128xf32, #tpu.memory_space<vmem_shared>>
        %dma_wait3A_38 = arith.constant 0 : i32
        %dma_wait3A_39 = tpu.memref_slice %arg7[%add3A_17, %dma_wait3A_38] : memref<10000x128xf32, #tpu.memory_space<vmem_shared>> -> memref<200x128xf32, #tpu.memory_space<vmem_shared>>
        tpu.wait_dma2 semaphore(%run_scoped3A : memref<!tpu.dma_semaphore, #tpu.memory_space<semaphore_mem>>) src(%arg11 : memref<200x128xf32, #tpu.memory_space<vmem>>) dst(%dma_wait3A_39 : memref<200x128xf32, #tpu.memory_space<vmem_shared>>)
        tpu.yield
      }) : () -> ()
      %mul3A_18 = arith.constant 1000 : i32
      %mul3A_19 = arith.muli %arg1, %mul3A_18 : i32
      %add3A_20 = arith.constant 200 : i32
      %add3A_21 = arith.addi %mul3A_19, %add3A_20 : i32
      "tpu.region"() ({
        %run_scoped3A = tpu.sem_alloc : memref<!tpu.dma_semaphore, #tpu.memory_space<semaphore_mem>>
        %dma_start3A = arith.constant 0 : i32
        %dma_start3A_34 = tpu.memref_slice %arg7[%add3A_21, %dma_start3A] : memref<10000x128xf32, #tpu.memory_space<vmem_shared>> -> memref<200x128xf32, #tpu.memory_space<vmem_shared>>
        %dma_start3A_35 = arith.constant 0 : i32
        %dma_start3A_36 = tpu.memref_slice %arg7[%add3A_21, %dma_start3A_35] : memref<10000x128xf32, #tpu.memory_space<vmem_shared>> -> memref<200x128xf32, #tpu.memory_space<vmem_shared>>
        tpu.enqueue_dma source(%arg11 : memref<200x128xf32, #tpu.memory_space<vmem>>) target(%dma_start3A_36 : memref<200x128xf32, #tpu.memory_space<vmem_shared>>) target_semaphore(%run_scoped3A : memref<!tpu.dma_semaphore, #tpu.memory_space<semaphore_mem>>)
        %dma_wait3A = arith.constant 0 : i32
        %dma_wait3A_37 = tpu.memref_slice %arg7[%add3A_21, %dma_wait3A] : memref<10000x128xf32, #tpu.memory_space<vmem_shared>> -> memref<200x128xf32, #tpu.memory_space<vmem_shared>>
        %dma_wait3A_38 = arith.constant 0 : i32
        %dma_wait3A_39 = tpu.memref_slice %arg7[%add3A_21, %dma_wait3A_38] : memref<10000x128xf32, #tpu.memory_space<vmem_shared>> -> memref<200x128xf32, #tpu.memory_space<vmem_shared>>
        tpu.wait_dma2 semaphore(%run_scoped3A : memref<!tpu.dma_semaphore, #tpu.memory_space<semaphore_mem>>) src(%arg11 : memref<200x128xf32, #tpu.memory_space<vmem>>) dst(%dma_wait3A_39 : memref<200x128xf32, #tpu.memory_space<vmem_shared>>)
        tpu.yield
      }) : () -> ()
      %mul3A_22 = arith.constant 1000 : i32
      %mul3A_23 = arith.muli %arg1, %mul3A_22 : i32
      %add3A_24 = arith.constant 400 : i32
      %add3A_25 = arith.addi %mul3A_23, %add3A_24 : i32
      "tpu.region"() ({
        %run_scoped3A = tpu.sem_alloc : memref<!tpu.dma_semaphore, #tpu.memory_space<semaphore_mem>>
        %dma_start3A = arith.constant 0 : i32
        %dma_start3A_34 = tpu.memref_slice %arg7[%add3A_25, %dma_start3A] : memref<10000x128xf32, #tpu.memory_space<vmem_shared>> -> memref<200x128xf32, #tpu.memory_space<vmem_shared>>
        %dma_start3A_35 = arith.constant 0 : i32
        %dma_start3A_36 = tpu.memref_slice %arg7[%add3A_25, %dma_start3A_35] : memref<10000x128xf32, #tpu.memory_space<vmem_shared>> -> memref<200x128xf32, #tpu.memory_space<vmem_shared>>
        tpu.enqueue_dma source(%arg11 : memref<200x128xf32, #tpu.memory_space<vmem>>) target(%dma_start3A_36 : memref<200x128xf32, #tpu.memory_space<vmem_shared>>) target_semaphore(%run_scoped3A : memref<!tpu.dma_semaphore, #tpu.memory_space<semaphore_mem>>)
        %dma_wait3A = arith.constant 0 : i32
        %dma_wait3A_37 = tpu.memref_slice %arg7[%add3A_25, %dma_wait3A] : memref<10000x128xf32, #tpu.memory_space<vmem_shared>> -> memref<200x128xf32, #tpu.memory_space<vmem_shared>>
        %dma_wait3A_38 = arith.constant 0 : i32
        %dma_wait3A_39 = tpu.memref_slice %arg7[%add3A_25, %dma_wait3A_38] : memref<10000x128xf32, #tpu.memory_space<vmem_shared>> -> memref<200x128xf32, #tpu.memory_space<vmem_shared>>
        tpu.wait_dma2 semaphore(%run_scoped3A : memref<!tpu.dma_semaphore, #tpu.memory_space<semaphore_mem>>) src(%arg11 : memref<200x128xf32, #tpu.memory_space<vmem>>) dst(%dma_wait3A_39 : memref<200x128xf32, #tpu.memory_space<vmem_shared>>)
        tpu.yield
      }) : () -> ()
      %mul3A_26 = arith.constant 1000 : i32
      %mul3A_27 = arith.muli %arg1, %mul3A_26 : i32
      %add3A_28 = arith.constant 600 : i32
      %add3A_29 = arith.addi %mul3A_27, %add3A_28 : i32
      "tpu.region"() ({
        %run_scoped3A = tpu.sem_alloc : memref<!tpu.dma_semaphore, #tpu.memory_space<semaphore_mem>>
        %dma_start3A = arith.constant 0 : i32
        %dma_start3A_34 = tpu.memref_slice %arg7[%add3A_29, %dma_start3A] : memref<10000x128xf32, #tpu.memory_space<vmem_shared>> -> memref<200x128xf32, #tpu.memory_space<vmem_shared>>
        %dma_start3A_35 = arith.constant 0 : i32
        %dma_start3A_36 = tpu.memref_slice %arg7[%add3A_29, %dma_start3A_35] : memref<10000x128xf32, #tpu.memory_space<vmem_shared>> -> memref<200x128xf32, #tpu.memory_space<vmem_shared>>
        tpu.enqueue_dma source(%arg11 : memref<200x128xf32, #tpu.memory_space<vmem>>) target(%dma_start3A_36 : memref<200x128xf32, #tpu.memory_space<vmem_shared>>) target_semaphore(%run_scoped3A : memref<!tpu.dma_semaphore, #tpu.memory_space<semaphore_mem>>)
        %dma_wait3A = arith.constant 0 : i32
        %dma_wait3A_37 = tpu.memref_slice %arg7[%add3A_29, %dma_wait3A] : memref<10000x128xf32, #tpu.memory_space<vmem_shared>> -> memref<200x128xf32, #tpu.memory_space<vmem_shared>>
        %dma_wait3A_38 = arith.constant 0 : i32
        %dma_wait3A_39 = tpu.memref_slice %arg7[%add3A_29, %dma_wait3A_38] : memref<10000x128xf32, #tpu.memory_space<vmem_shared>> -> memref<200x128xf32, #tpu.memory_space<vmem_shared>>
        tpu.wait_dma2 semaphore(%run_scoped3A : memref<!tpu.dma_semaphore, #tpu.memory_space<semaphore_mem>>) src(%arg11 : memref<200x128xf32, #tpu.memory_space<vmem>>) dst(%dma_wait3A_39 : memref<200x128xf32, #tpu.memory_space<vmem_shared>>)
        tpu.yield
      }) : () -> ()
      %mul3A_30 = arith.constant 1000 : i32
      %mul3A_31 = arith.muli %arg1, %mul3A_30 : i32
      %add3A_32 = arith.constant 800 : i32
      %add3A_33 = arith.addi %mul3A_31, %add3A_32 : i32
      "tpu.region"() ({
        %run_scoped3A = tpu.sem_alloc : memref<!tpu.dma_semaphore, #tpu.memory_space<semaphore_mem>>
        %dma_start3A = arith.constant 0 : i32
        %dma_start3A_34 = tpu.memref_slice %arg7[%add3A_33, %dma_start3A] : memref<10000x128xf32, #tpu.memory_space<vmem_shared>> -> memref<200x128xf32, #tpu.memory_space<vmem_shared>>
        %dma_start3A_35 = arith.constant 0 : i32
        %dma_start3A_36 = tpu.memref_slice %arg7[%add3A_33, %dma_start3A_35] : memref<10000x128xf32, #tpu.memory_space<vmem_shared>> -> memref<200x128xf32, #tpu.memory_space<vmem_shared>>
        tpu.enqueue_dma source(%arg11 : memref<200x128xf32, #tpu.memory_space<vmem>>) target(%dma_start3A_36 : memref<200x128xf32, #tpu.memory_space<vmem_shared>>) target_semaphore(%run_scoped3A : memref<!tpu.dma_semaphore, #tpu.memory_space<semaphore_mem>>)
        %dma_wait3A = arith.constant 0 : i32
        %dma_wait3A_37 = tpu.memref_slice %arg7[%add3A_33, %dma_wait3A] : memref<10000x128xf32, #tpu.memory_space<vmem_shared>> -> memref<200x128xf32, #tpu.memory_space<vmem_shared>>
        %dma_wait3A_38 = arith.constant 0 : i32
        %dma_wait3A_39 = tpu.memref_slice %arg7[%add3A_33, %dma_wait3A_38] : memref<10000x128xf32, #tpu.memory_space<vmem_shared>> -> memref<200x128xf32, #tpu.memory_space<vmem_shared>>
        tpu.wait_dma2 semaphore(%run_scoped3A : memref<!tpu.dma_semaphore, #tpu.memory_space<semaphore_mem>>) src(%arg11 : memref<200x128xf32, #tpu.memory_space<vmem>>) dst(%dma_wait3A_39 : memref<200x128xf32, #tpu.memory_space<vmem_shared>>)
        tpu.yield
      }) : () -> ()
    } else {
    }
    %barrier3A = arith.constant 0 : index
    tpu.barrier barrier_id(%barrier3A)
    %scan3A = arith.constant 0 : i32
    %scan3A_3 = arith.constant 0 : i32
    %scan3A_4 = arith.constant 125 : i32
    %scan3A_5 = arith.addi %scan3A_3, %scan3A_4 : i32
    %scan3A_6 = arith.constant 1 : i32
    scf.for %scan3A_14 = %scan3A_3 to %scan3A_5 step %scan3A_6  : i32 {
      %mul3A_15 = arith.constant 10000 : i32
      %mul3A_16 = arith.muli %add3A, %mul3A_15 : i32
      %mul3A_17 = arith.constant 80 : i32
      %mul3A_18 = arith.muli %scan3A_14, %mul3A_17 : i32
      %add3A_19 = arith.addi %mul3A_16, %mul3A_18 : i32
      %multiple_of3A = tpu.assume_multiple %add3A_19, 8 : i32
      "tpu.region"() ({
        %run_scoped3A = tpu.sem_alloc : memref<!tpu.dma_semaphore, #tpu.memory_space<semaphore_mem>>
        %dma_start3A_24 = tpu.memref_slice %arg3[%multiple_of3A] : memref<320000xi32, #tpu.memory_space<hbm>> -> memref<80xi32, #tpu.memory_space<hbm>>
        %dma_start3A_25 = tpu.memref_slice %arg3[%multiple_of3A] : memref<320000xi32, #tpu.memory_space<hbm>> -> memref<80xi32, #tpu.memory_space<hbm>>
        tpu.enqueue_dma source(%dma_start3A_25 : memref<80xi32, #tpu.memory_space<hbm>>) target(%arg8 : memref<80xi32, #tpu.memory_space<vmem>>) target_semaphore(%run_scoped3A : memref<!tpu.dma_semaphore, #tpu.memory_space<semaphore_mem>>)
        %dma_wait3A_26 = tpu.memref_slice %arg3[%multiple_of3A] : memref<320000xi32, #tpu.memory_space<hbm>> -> memref<80xi32, #tpu.memory_space<hbm>>
        %dma_wait3A_27 = tpu.memref_slice %arg3[%multiple_of3A] : memref<320000xi32, #tpu.memory_space<hbm>> -> memref<80xi32, #tpu.memory_space<hbm>>
        tpu.wait_dma2 semaphore(%run_scoped3A : memref<!tpu.dma_semaphore, #tpu.memory_space<semaphore_mem>>) src(%dma_wait3A_27 : memref<80xi32, #tpu.memory_space<hbm>>) dst(%arg8 : memref<80xi32, #tpu.memory_space<vmem>>)
        tpu.yield
      }) : () -> ()
      "tpu.region"() ({
        %run_scoped3A = tpu.sem_alloc : memref<!tpu.dma_semaphore, #tpu.memory_space<semaphore_mem>>
        %dma_start3A_24 = tpu.memref_slice %arg4[%multiple_of3A] : memref<320000xi32, #tpu.memory_space<hbm>> -> memref<80xi32, #tpu.memory_space<hbm>>
        %dma_start3A_25 = tpu.memref_slice %arg4[%multiple_of3A] : memref<320000xi32, #tpu.memory_space<hbm>> -> memref<80xi32, #tpu.memory_space<hbm>>
        tpu.enqueue_dma source(%dma_start3A_25 : memref<80xi32, #tpu.memory_space<hbm>>) target(%arg9 : memref<80xi32, #tpu.memory_space<vmem>>) target_semaphore(%run_scoped3A : memref<!tpu.dma_semaphore, #tpu.memory_space<semaphore_mem>>)
        %dma_wait3A_26 = tpu.memref_slice %arg4[%multiple_of3A] : memref<320000xi32, #tpu.memory_space<hbm>> -> memref<80xi32, #tpu.memory_space<hbm>>
        %dma_wait3A_27 = tpu.memref_slice %arg4[%multiple_of3A] : memref<320000xi32, #tpu.memory_space<hbm>> -> memref<80xi32, #tpu.memory_space<hbm>>
        tpu.wait_dma2 semaphore(%run_scoped3A : memref<!tpu.dma_semaphore, #tpu.memory_space<semaphore_mem>>) src(%dma_wait3A_27 : memref<80xi32, #tpu.memory_space<hbm>>) dst(%arg9 : memref<80xi32, #tpu.memory_space<vmem>>)
        tpu.yield
      }) : () -> ()
      %dma_start3A = arith.constant 0 : i32
      %dma_start3A_20 = arith.constant 0 : i32
      %dma_start3A_21 = tpu.memref_slice %arg2[%dma_start3A, %dma_start3A_20] : memref<10000x128xf32, #tpu.memory_space<hbm>> -> memref<10000x128xf32, #tpu.memory_space<hbm>>
      tpu.enqueue_indirect_dma source(%dma_start3A_21 : memref<10000x128xf32, #tpu.memory_space<hbm>>) target(%arg10 : memref<80x128xf32, #tpu.memory_space<vmem>>) offsets(%arg8 : memref<80xi32, #tpu.memory_space<vmem>>) semaphore(%arg12 : memref<!tpu.dma_semaphore, #tpu.memory_space<semaphore_mem>>)
      %dma_wait3A = arith.constant 0 : i32
      %dma_wait3A_22 = arith.constant 0 : i32
      %dma_wait3A_23 = tpu.memref_slice %arg2[%dma_wait3A, %dma_wait3A_22] : memref<10000x128xf32, #tpu.memory_space<hbm>> -> memref<10000x128xf32, #tpu.memory_space<hbm>>
      tpu.wait_indirect_dma semaphore(%arg12 : memref<!tpu.dma_semaphore, #tpu.memory_space<semaphore_mem>>) src(%dma_wait3A_23 : memref<10000x128xf32, #tpu.memory_space<hbm>>) dst(%arg10 : memref<80x128xf32, #tpu.memory_space<vmem>>)
      "tpu.region"() ({
        %run_scoped3A = tpu.sem_alloc : memref<!tpu.dma_semaphore, #tpu.memory_space<semaphore_mem>>
        %dma_start3A_24 = arith.constant 0 : i32
        %dma_start3A_25 = arith.constant 0 : i32
        %dma_start3A_26 = tpu.memref_slice %arg7[%dma_start3A_24, %dma_start3A_25] : memref<10000x128xf32, #tpu.memory_space<vmem_shared>> -> memref<10000x128xf32, #tpu.memory_space<vmem_shared>>
        tpu.enqueue_indirect_dma source(%arg10 : memref<80x128xf32, #tpu.memory_space<vmem>>) target(%dma_start3A_26 : memref<10000x128xf32, #tpu.memory_space<vmem_shared>>) offsets(%arg9 : memref<80xi32, #tpu.memory_space<vmem>>) semaphore(%run_scoped3A : memref<!tpu.dma_semaphore, #tpu.memory_space<semaphore_mem>>) {add = true}
        %dma_wait3A_27 = arith.constant 0 : i32
        %dma_wait3A_28 = arith.constant 0 : i32
        %dma_wait3A_29 = tpu.memref_slice %arg7[%dma_wait3A_27, %dma_wait3A_28] : memref<10000x128xf32, #tpu.memory_space<vmem_shared>> -> memref<10000x128xf32, #tpu.memory_space<vmem_shared>>
        tpu.wait_indirect_dma semaphore(%run_scoped3A : memref<!tpu.dma_semaphore, #tpu.memory_space<semaphore_mem>>) src(%arg10 : memref<80x128xf32, #tpu.memory_space<vmem>>) dst(%dma_wait3A_29 : memref<10000x128xf32, #tpu.memory_space<vmem_shared>>)
        tpu.yield
      }) : () -> ()
    }
    %scan3A_7 = arith.constant 125 : i32
    %barrier3A_8 = arith.constant 0 : index
    tpu.barrier barrier_id(%barrier3A_8)
    %lt3A_9 = arith.constant 10 : i32
    %lt3A_10 = arith.cmpi slt, %arg1, %lt3A_9 : i32
    %convert_element_type3A_11 = arith.extui %lt3A_10 : i1 to i32
    %cond3A_12 = arith.constant 0 : i32
    %cond3A_13 = arith.cmpi ne, %convert_element_type3A_11, %cond3A_12 : i32
    scf.if %cond3A_13 {
      %mul3A_14 = arith.constant 1000 : i32
      %mul3A_15 = arith.muli %arg1, %mul3A_14 : i32
      %add3A_16 = arith.constant 0 : i32
      %add3A_17 = arith.addi %mul3A_15, %add3A_16 : i32
      "tpu.region"() ({
        %run_scoped3A = tpu.sem_alloc : memref<!tpu.dma_semaphore, #tpu.memory_space<semaphore_mem>>
        %dma_start3A = arith.constant 0 : i32
        %dma_start3A_49 = tpu.memref_slice %arg7[%add3A_17, %dma_start3A] : memref<10000x128xf32, #tpu.memory_space<vmem_shared>> -> memref<200x128xf32, #tpu.memory_space<vmem_shared>>
        %dma_start3A_50 = arith.constant 0 : i32
        %dma_start3A_51 = tpu.memref_slice %arg7[%add3A_17, %dma_start3A_50] : memref<10000x128xf32, #tpu.memory_space<vmem_shared>> -> memref<200x128xf32, #tpu.memory_space<vmem_shared>>
        tpu.enqueue_dma source(%dma_start3A_51 : memref<200x128xf32, #tpu.memory_space<vmem_shared>>) target(%arg11 : memref<200x128xf32, #tpu.memory_space<vmem>>) target_semaphore(%run_scoped3A : memref<!tpu.dma_semaphore, #tpu.memory_space<semaphore_mem>>)
        %dma_wait3A = arith.constant 0 : i32
        %dma_wait3A_52 = tpu.memref_slice %arg7[%add3A_17, %dma_wait3A] : memref<10000x128xf32, #tpu.memory_space<vmem_shared>> -> memref<200x128xf32, #tpu.memory_space<vmem_shared>>
        %dma_wait3A_53 = arith.constant 0 : i32
        %dma_wait3A_54 = tpu.memref_slice %arg7[%add3A_17, %dma_wait3A_53] : memref<10000x128xf32, #tpu.memory_space<vmem_shared>> -> memref<200x128xf32, #tpu.memory_space<vmem_shared>>
        tpu.wait_dma2 semaphore(%run_scoped3A : memref<!tpu.dma_semaphore, #tpu.memory_space<semaphore_mem>>) src(%dma_wait3A_54 : memref<200x128xf32, #tpu.memory_space<vmem_shared>>) dst(%arg11 : memref<200x128xf32, #tpu.memory_space<vmem>>)
        tpu.yield
      }) : () -> ()
      %mul3A_18 = arith.constant 10000 : i32
      %mul3A_19 = arith.muli %arg0, %mul3A_18 : i32
      %add3A_20 = arith.addi %mul3A_19, %add3A_17 : i32
      "tpu.region"() ({
        %run_scoped3A = tpu.sem_alloc : memref<!tpu.dma_semaphore, #tpu.memory_space<semaphore_mem>>
        %dma_start3A = arith.constant 0 : i32
        %dma_start3A_49 = tpu.memref_slice %arg6[%add3A_20, %dma_start3A] : memref<20000x128xf32, #tpu.memory_space<hbm>> -> memref<200x128xf32, #tpu.memory_space<hbm>>
        %dma_start3A_50 = arith.constant 0 : i32
        %dma_start3A_51 = tpu.memref_slice %arg6[%add3A_20, %dma_start3A_50] : memref<20000x128xf32, #tpu.memory_space<hbm>> -> memref<200x128xf32, #tpu.memory_space<hbm>>
        tpu.enqueue_dma source(%arg11 : memref<200x128xf32, #tpu.memory_space<vmem>>) target(%dma_start3A_51 : memref<200x128xf32, #tpu.memory_space<hbm>>) target_semaphore(%run_scoped3A : memref<!tpu.dma_semaphore, #tpu.memory_space<semaphore_mem>>)
        %dma_wait3A = arith.constant 0 : i32
        %dma_wait3A_52 = tpu.memref_slice %arg6[%add3A_20, %dma_wait3A] : memref<20000x128xf32, #tpu.memory_space<hbm>> -> memref<200x128xf32, #tpu.memory_space<hbm>>
        %dma_wait3A_53 = arith.constant 0 : i32
        %dma_wait3A_54 = tpu.memref_slice %arg6[%add3A_20, %dma_wait3A_53] : memref<20000x128xf32, #tpu.memory_space<hbm>> -> memref<200x128xf32, #tpu.memory_space<hbm>>
        tpu.wait_dma2 semaphore(%run_scoped3A : memref<!tpu.dma_semaphore, #tpu.memory_space<semaphore_mem>>) src(%arg11 : memref<200x128xf32, #tpu.memory_space<vmem>>) dst(%dma_wait3A_54 : memref<200x128xf32, #tpu.memory_space<hbm>>)
        tpu.yield
      }) : () -> ()
      %mul3A_21 = arith.constant 1000 : i32
      %mul3A_22 = arith.muli %arg1, %mul3A_21 : i32
      %add3A_23 = arith.constant 200 : i32
      %add3A_24 = arith.addi %mul3A_22, %add3A_23 : i32
      "tpu.region"() ({
        %run_scoped3A = tpu.sem_alloc : memref<!tpu.dma_semaphore, #tpu.memory_space<semaphore_mem>>
        %dma_start3A = arith.constant 0 : i32
        %dma_start3A_49 = tpu.memref_slice %arg7[%add3A_24, %dma_start3A] : memref<10000x128xf32, #tpu.memory_space<vmem_shared>> -> memref<200x128xf32, #tpu.memory_space<vmem_shared>>
        %dma_start3A_50 = arith.constant 0 : i32
        %dma_start3A_51 = tpu.memref_slice %arg7[%add3A_24, %dma_start3A_50] : memref<10000x128xf32, #tpu.memory_space<vmem_shared>> -> memref<200x128xf32, #tpu.memory_space<vmem_shared>>
        tpu.enqueue_dma source(%dma_start3A_51 : memref<200x128xf32, #tpu.memory_space<vmem_shared>>) target(%arg11 : memref<200x128xf32, #tpu.memory_space<vmem>>) target_semaphore(%run_scoped3A : memref<!tpu.dma_semaphore, #tpu.memory_space<semaphore_mem>>)
        %dma_wait3A = arith.constant 0 : i32
        %dma_wait3A_52 = tpu.memref_slice %arg7[%add3A_24, %dma_wait3A] : memref<10000x128xf32, #tpu.memory_space<vmem_shared>> -> memref<200x128xf32, #tpu.memory_space<vmem_shared>>
        %dma_wait3A_53 = arith.constant 0 : i32
        %dma_wait3A_54 = tpu.memref_slice %arg7[%add3A_24, %dma_wait3A_53] : memref<10000x128xf32, #tpu.memory_space<vmem_shared>> -> memref<200x128xf32, #tpu.memory_space<vmem_shared>>
        tpu.wait_dma2 semaphore(%run_scoped3A : memref<!tpu.dma_semaphore, #tpu.memory_space<semaphore_mem>>) src(%dma_wait3A_54 : memref<200x128xf32, #tpu.memory_space<vmem_shared>>) dst(%arg11 : memref<200x128xf32, #tpu.memory_space<vmem>>)
        tpu.yield
      }) : () -> ()
      %mul3A_25 = arith.constant 10000 : i32
      %mul3A_26 = arith.muli %arg0, %mul3A_25 : i32
      %add3A_27 = arith.addi %mul3A_26, %add3A_24 : i32
      "tpu.region"() ({
        %run_scoped3A = tpu.sem_alloc : memref<!tpu.dma_semaphore, #tpu.memory_space<semaphore_mem>>
        %dma_start3A = arith.constant 0 : i32
        %dma_start3A_49 = tpu.memref_slice %arg6[%add3A_27, %dma_start3A] : memref<20000x128xf32, #tpu.memory_space<hbm>> -> memref<200x128xf32, #tpu.memory_space<hbm>>
        %dma_start3A_50 = arith.constant 0 : i32
        %dma_start3A_51 = tpu.memref_slice %arg6[%add3A_27, %dma_start3A_50] : memref<20000x128xf32, #tpu.memory_space<hbm>> -> memref<200x128xf32, #tpu.memory_space<hbm>>
        tpu.enqueue_dma source(%arg11 : memref<200x128xf32, #tpu.memory_space<vmem>>) target(%dma_start3A_51 : memref<200x128xf32, #tpu.memory_space<hbm>>) target_semaphore(%run_scoped3A : memref<!tpu.dma_semaphore, #tpu.memory_space<semaphore_mem>>)
        %dma_wait3A = arith.constant 0 : i32
        %dma_wait3A_52 = tpu.memref_slice %arg6[%add3A_27, %dma_wait3A] : memref<20000x128xf32, #tpu.memory_space<hbm>> -> memref<200x128xf32, #tpu.memory_space<hbm>>
        %dma_wait3A_53 = arith.constant 0 : i32
        %dma_wait3A_54 = tpu.memref_slice %arg6[%add3A_27, %dma_wait3A_53] : memref<20000x128xf32, #tpu.memory_space<hbm>> -> memref<200x128xf32, #tpu.memory_space<hbm>>
        tpu.wait_dma2 semaphore(%run_scoped3A : memref<!tpu.dma_semaphore, #tpu.memory_space<semaphore_mem>>) src(%arg11 : memref<200x128xf32, #tpu.memory_space<vmem>>) dst(%dma_wait3A_54 : memref<200x128xf32, #tpu.memory_space<hbm>>)
        tpu.yield
      }) : () -> ()
      %mul3A_28 = arith.constant 1000 : i32
      %mul3A_29 = arith.muli %arg1, %mul3A_28 : i32
      %add3A_30 = arith.constant 400 : i32
      %add3A_31 = arith.addi %mul3A_29, %add3A_30 : i32
      "tpu.region"() ({
        %run_scoped3A = tpu.sem_alloc : memref<!tpu.dma_semaphore, #tpu.memory_space<semaphore_mem>>
        %dma_start3A = arith.constant 0 : i32
        %dma_start3A_49 = tpu.memref_slice %arg7[%add3A_31, %dma_start3A] : memref<10000x128xf32, #tpu.memory_space<vmem_shared>> -> memref<200x128xf32, #tpu.memory_space<vmem_shared>>
        %dma_start3A_50 = arith.constant 0 : i32
        %dma_start3A_51 = tpu.memref_slice %arg7[%add3A_31, %dma_start3A_50] : memref<10000x128xf32, #tpu.memory_space<vmem_shared>> -> memref<200x128xf32, #tpu.memory_space<vmem_shared>>
        tpu.enqueue_dma source(%dma_start3A_51 : memref<200x128xf32, #tpu.memory_space<vmem_shared>>) target(%arg11 : memref<200x128xf32, #tpu.memory_space<vmem>>) target_semaphore(%run_scoped3A : memref<!tpu.dma_semaphore, #tpu.memory_space<semaphore_mem>>)
        %dma_wait3A = arith.constant 0 : i32
        %dma_wait3A_52 = tpu.memref_slice %arg7[%add3A_31, %dma_wait3A] : memref<10000x128xf32, #tpu.memory_space<vmem_shared>> -> memref<200x128xf32, #tpu.memory_space<vmem_shared>>
        %dma_wait3A_53 = arith.constant 0 : i32
        %dma_wait3A_54 = tpu.memref_slice %arg7[%add3A_31, %dma_wait3A_53] : memref<10000x128xf32, #tpu.memory_space<vmem_shared>> -> memref<200x128xf32, #tpu.memory_space<vmem_shared>>
        tpu.wait_dma2 semaphore(%run_scoped3A : memref<!tpu.dma_semaphore, #tpu.memory_space<semaphore_mem>>) src(%dma_wait3A_54 : memref<200x128xf32, #tpu.memory_space<vmem_shared>>) dst(%arg11 : memref<200x128xf32, #tpu.memory_space<vmem>>)
        tpu.yield
      }) : () -> ()
      %mul3A_32 = arith.constant 10000 : i32
      %mul3A_33 = arith.muli %arg0, %mul3A_32 : i32
      %add3A_34 = arith.addi %mul3A_33, %add3A_31 : i32
      "tpu.region"() ({
        %run_scoped3A = tpu.sem_alloc : memref<!tpu.dma_semaphore, #tpu.memory_space<semaphore_mem>>
        %dma_start3A = arith.constant 0 : i32
        %dma_start3A_49 = tpu.memref_slice %arg6[%add3A_34, %dma_start3A] : memref<20000x128xf32, #tpu.memory_space<hbm>> -> memref<200x128xf32, #tpu.memory_space<hbm>>
        %dma_start3A_50 = arith.constant 0 : i32
        %dma_start3A_51 = tpu.memref_slice %arg6[%add3A_34, %dma_start3A_50] : memref<20000x128xf32, #tpu.memory_space<hbm>> -> memref<200x128xf32, #tpu.memory_space<hbm>>
        tpu.enqueue_dma source(%arg11 : memref<200x128xf32, #tpu.memory_space<vmem>>) target(%dma_start3A_51 : memref<200x128xf32, #tpu.memory_space<hbm>>) target_semaphore(%run_scoped3A : memref<!tpu.dma_semaphore, #tpu.memory_space<semaphore_mem>>)
        %dma_wait3A = arith.constant 0 : i32
        %dma_wait3A_52 = tpu.memref_slice %arg6[%add3A_34, %dma_wait3A] : memref<20000x128xf32, #tpu.memory_space<hbm>> -> memref<200x128xf32, #tpu.memory_space<hbm>>
        %dma_wait3A_53 = arith.constant 0 : i32
        %dma_wait3A_54 = tpu.memref_slice %arg6[%add3A_34, %dma_wait3A_53] : memref<20000x128xf32, #tpu.memory_space<hbm>> -> memref<200x128xf32, #tpu.memory_space<hbm>>
        tpu.wait_dma2 semaphore(%run_scoped3A : memref<!tpu.dma_semaphore, #tpu.memory_space<semaphore_mem>>) src(%arg11 : memref<200x128xf32, #tpu.memory_space<vmem>>) dst(%dma_wait3A_54 : memref<200x128xf32, #tpu.memory_space<hbm>>)
        tpu.yield
      }) : () -> ()
      %mul3A_35 = arith.constant 1000 : i32
      %mul3A_36 = arith.muli %arg1, %mul3A_35 : i32
      %add3A_37 = arith.constant 600 : i32
      %add3A_38 = arith.addi %mul3A_36, %add3A_37 : i32
      "tpu.region"() ({
        %run_scoped3A = tpu.sem_alloc : memref<!tpu.dma_semaphore, #tpu.memory_space<semaphore_mem>>
        %dma_start3A = arith.constant 0 : i32
        %dma_start3A_49 = tpu.memref_slice %arg7[%add3A_38, %dma_start3A] : memref<10000x128xf32, #tpu.memory_space<vmem_shared>> -> memref<200x128xf32, #tpu.memory_space<vmem_shared>>
        %dma_start3A_50 = arith.constant 0 : i32
        %dma_start3A_51 = tpu.memref_slice %arg7[%add3A_38, %dma_start3A_50] : memref<10000x128xf32, #tpu.memory_space<vmem_shared>> -> memref<200x128xf32, #tpu.memory_space<vmem_shared>>
        tpu.enqueue_dma source(%dma_start3A_51 : memref<200x128xf32, #tpu.memory_space<vmem_shared>>) target(%arg11 : memref<200x128xf32, #tpu.memory_space<vmem>>) target_semaphore(%run_scoped3A : memref<!tpu.dma_semaphore, #tpu.memory_space<semaphore_mem>>)
        %dma_wait3A = arith.constant 0 : i32
        %dma_wait3A_52 = tpu.memref_slice %arg7[%add3A_38, %dma_wait3A] : memref<10000x128xf32, #tpu.memory_space<vmem_shared>> -> memref<200x128xf32, #tpu.memory_space<vmem_shared>>
        %dma_wait3A_53 = arith.constant 0 : i32
        %dma_wait3A_54 = tpu.memref_slice %arg7[%add3A_38, %dma_wait3A_53] : memref<10000x128xf32, #tpu.memory_space<vmem_shared>> -> memref<200x128xf32, #tpu.memory_space<vmem_shared>>
        tpu.wait_dma2 semaphore(%run_scoped3A : memref<!tpu.dma_semaphore, #tpu.memory_space<semaphore_mem>>) src(%dma_wait3A_54 : memref<200x128xf32, #tpu.memory_space<vmem_shared>>) dst(%arg11 : memref<200x128xf32, #tpu.memory_space<vmem>>)
        tpu.yield
      }) : () -> ()
      %mul3A_39 = arith.constant 10000 : i32
      %mul3A_40 = arith.muli %arg0, %mul3A_39 : i32
      %add3A_41 = arith.addi %mul3A_40, %add3A_38 : i32
      "tpu.region"() ({
        %run_scoped3A = tpu.sem_alloc : memref<!tpu.dma_semaphore, #tpu.memory_space<semaphore_mem>>
        %dma_start3A = arith.constant 0 : i32
        %dma_start3A_49 = tpu.memref_slice %arg6[%add3A_41, %dma_start3A] : memref<20000x128xf32, #tpu.memory_space<hbm>> -> memref<200x128xf32, #tpu.memory_space<hbm>>
        %dma_start3A_50 = arith.constant 0 : i32
        %dma_start3A_51 = tpu.memref_slice %arg6[%add3A_41, %dma_start3A_50] : memref<20000x128xf32, #tpu.memory_space<hbm>> -> memref<200x128xf32, #tpu.memory_space<hbm>>
        tpu.enqueue_dma source(%arg11 : memref<200x128xf32, #tpu.memory_space<vmem>>) target(%dma_start3A_51 : memref<200x128xf32, #tpu.memory_space<hbm>>) target_semaphore(%run_scoped3A : memref<!tpu.dma_semaphore, #tpu.memory_space<semaphore_mem>>)
        %dma_wait3A = arith.constant 0 : i32
        %dma_wait3A_52 = tpu.memref_slice %arg6[%add3A_41, %dma_wait3A] : memref<20000x128xf32, #tpu.memory_space<hbm>> -> memref<200x128xf32, #tpu.memory_space<hbm>>
        %dma_wait3A_53 = arith.constant 0 : i32
        %dma_wait3A_54 = tpu.memref_slice %arg6[%add3A_41, %dma_wait3A_53] : memref<20000x128xf32, #tpu.memory_space<hbm>> -> memref<200x128xf32, #tpu.memory_space<hbm>>
        tpu.wait_dma2 semaphore(%run_scoped3A : memref<!tpu.dma_semaphore, #tpu.memory_space<semaphore_mem>>) src(%arg11 : memref<200x128xf32, #tpu.memory_space<vmem>>) dst(%dma_wait3A_54 : memref<200x128xf32, #tpu.memory_space<hbm>>)
        tpu.yield
      }) : () -> ()
      %mul3A_42 = arith.constant 1000 : i32
      %mul3A_43 = arith.muli %arg1, %mul3A_42 : i32
      %add3A_44 = arith.constant 800 : i32
      %add3A_45 = arith.addi %mul3A_43, %add3A_44 : i32
      "tpu.region"() ({
        %run_scoped3A = tpu.sem_alloc : memref<!tpu.dma_semaphore, #tpu.memory_space<semaphore_mem>>
        %dma_start3A = arith.constant 0 : i32
        %dma_start3A_49 = tpu.memref_slice %arg7[%add3A_45, %dma_start3A] : memref<10000x128xf32, #tpu.memory_space<vmem_shared>> -> memref<200x128xf32, #tpu.memory_space<vmem_shared>>
        %dma_start3A_50 = arith.constant 0 : i32
        %dma_start3A_51 = tpu.memref_slice %arg7[%add3A_45, %dma_start3A_50] : memref<10000x128xf32, #tpu.memory_space<vmem_shared>> -> memref<200x128xf32, #tpu.memory_space<vmem_shared>>
        tpu.enqueue_dma source(%dma_start3A_51 : memref<200x128xf32, #tpu.memory_space<vmem_shared>>) target(%arg11 : memref<200x128xf32, #tpu.memory_space<vmem>>) target_semaphore(%run_scoped3A : memref<!tpu.dma_semaphore, #tpu.memory_space<semaphore_mem>>)
        %dma_wait3A = arith.constant 0 : i32
        %dma_wait3A_52 = tpu.memref_slice %arg7[%add3A_45, %dma_wait3A] : memref<10000x128xf32, #tpu.memory_space<vmem_shared>> -> memref<200x128xf32, #tpu.memory_space<vmem_shared>>
        %dma_wait3A_53 = arith.constant 0 : i32
        %dma_wait3A_54 = tpu.memref_slice %arg7[%add3A_45, %dma_wait3A_53] : memref<10000x128xf32, #tpu.memory_space<vmem_shared>> -> memref<200x128xf32, #tpu.memory_space<vmem_shared>>
        tpu.wait_dma2 semaphore(%run_scoped3A : memref<!tpu.dma_semaphore, #tpu.memory_space<semaphore_mem>>) src(%dma_wait3A_54 : memref<200x128xf32, #tpu.memory_space<vmem_shared>>) dst(%arg11 : memref<200x128xf32, #tpu.memory_space<vmem>>)
        tpu.yield
      }) : () -> ()
      %mul3A_46 = arith.constant 10000 : i32
      %mul3A_47 = arith.muli %arg0, %mul3A_46 : i32
      %add3A_48 = arith.addi %mul3A_47, %add3A_45 : i32
      "tpu.region"() ({
        %run_scoped3A = tpu.sem_alloc : memref<!tpu.dma_semaphore, #tpu.memory_space<semaphore_mem>>
        %dma_start3A = arith.constant 0 : i32
        %dma_start3A_49 = tpu.memref_slice %arg6[%add3A_48, %dma_start3A] : memref<20000x128xf32, #tpu.memory_space<hbm>> -> memref<200x128xf32, #tpu.memory_space<hbm>>
        %dma_start3A_50 = arith.constant 0 : i32
        %dma_start3A_51 = tpu.memref_slice %arg6[%add3A_48, %dma_start3A_50] : memref<20000x128xf32, #tpu.memory_space<hbm>> -> memref<200x128xf32, #tpu.memory_space<hbm>>
        tpu.enqueue_dma source(%arg11 : memref<200x128xf32, #tpu.memory_space<vmem>>) target(%dma_start3A_51 : memref<200x128xf32, #tpu.memory_space<hbm>>) target_semaphore(%run_scoped3A : memref<!tpu.dma_semaphore, #tpu.memory_space<semaphore_mem>>)
        %dma_wait3A = arith.constant 0 : i32
        %dma_wait3A_52 = tpu.memref_slice %arg6[%add3A_48, %dma_wait3A] : memref<20000x128xf32, #tpu.memory_space<hbm>> -> memref<200x128xf32, #tpu.memory_space<hbm>>
        %dma_wait3A_53 = arith.constant 0 : i32
        %dma_wait3A_54 = tpu.memref_slice %arg6[%add3A_48, %dma_wait3A_53] : memref<20000x128xf32, #tpu.memory_space<hbm>> -> memref<200x128xf32, #tpu.memory_space<hbm>>
        tpu.wait_dma2 semaphore(%run_scoped3A : memref<!tpu.dma_semaphore, #tpu.memory_space<semaphore_mem>>) src(%arg11 : memref<200x128xf32, #tpu.memory_space<vmem>>) dst(%dma_wait3A_54 : memref<200x128xf32, #tpu.memory_space<hbm>>)
        tpu.yield
      }) : () -> ()
    } else {
    }
    return
  }
}

#map = affine_map<(d0, d1) -> (0, 0)>
#map1 = affine_map<(d0, d1) -> (0)>
module attributes {stable_mosaic.version = 14 : i64} {
  func.func @k(%arg0: i32, %arg1: i32, %arg2: memref<10000x128xf32, #tpu.memory_space<hbm>>, %arg3: memref<320000xi32, #tpu.memory_space<hbm>>, %arg4: memref<320000xi32, #tpu.memory_space<hbm>>, %arg5: memref<200x128xf32, #tpu.memory_space<hbm>>, %arg6: memref<20000x128xf32, #tpu.memory_space<hbm>>, %arg7: memref<10000x128xf32, #tpu.memory_space<vmem_shared>>, %arg8: memref<80xi32, #tpu.memory_space<vmem>>, %arg9: memref<80xi32, #tpu.memory_space<vmem>>, %arg10: memref<80x128xf32, #tpu.memory_space<vmem>>, %arg11: memref<200x128xf32, #tpu.memory_space<vmem>>, %arg12: memref<!tpu.dma_semaphore, #tpu.memory_space<semaphore_mem>>) attributes {dimension_semantics = [#tpu.dimension_semantics<core_parallel>, #tpu.dimension_semantics<subcore_parallel>], iteration_bounds = array<i64: 2, 16>, scalar_prefetch = 0 : i64, scratch_operands = 6 : i64, tpu.core_type = #tpu.core_type<sc_vector_subcore>, window_params = [{transform_indices = #map}, {transform_indices = #map1}, {transform_indices = #map1}, {transform_indices = #map}, {transform_indices = #map}]} {
    %mul3A = arith.constant 2 : i32
    %mul3A_0 = arith.muli %arg1, %mul3A : i32
    %add3A = arith.addi %mul3A_0, %arg0 : i32
    %lt3A = arith.constant 10 : i32
    %lt3A_1 = arith.cmpi slt, %arg1, %lt3A : i32
    %convert_element_type3A = arith.extui %lt3A_1 : i1 to i32
    %cond3A = arith.constant 0 : i32
    %cond3A_2 = arith.cmpi ne, %convert_element_type3A, %cond3A : i32
    scf.if %cond3A_2 {
      "tpu.region"() ({
        %run_scoped3A = tpu.sem_alloc : memref<!tpu.dma_semaphore, #tpu.memory_space<semaphore_mem>>
        tpu.enqueue_dma source(%arg5 : memref<200x128xf32, #tpu.memory_space<hbm>>) target(%arg11 : memref<200x128xf32, #tpu.memory_space<vmem>>) target_semaphore(%run_scoped3A : memref<!tpu.dma_semaphore, #tpu.memory_space<semaphore_mem>>)
        tpu.wait_dma2 semaphore(%run_scoped3A : memref<!tpu.dma_semaphore, #tpu.memory_space<semaphore_mem>>) src(%arg5 : memref<200x128xf32, #tpu.memory_space<hbm>>) dst(%arg11 : memref<200x128xf32, #tpu.memory_space<vmem>>)
        tpu.yield
      }) : () -> ()
      %mul3A_14 = arith.constant 1000 : i32
      %mul3A_15 = arith.muli %arg1, %mul3A_14 : i32
      %add3A_16 = arith.constant 0 : i32
      %add3A_17 = arith.addi %mul3A_15, %add3A_16 : i32
      "tpu.region"() ({
        %run_scoped3A = tpu.sem_alloc : memref<!tpu.dma_semaphore, #tpu.memory_space<semaphore_mem>>
        %dma_start3A = arith.constant 0 : i32
        %dma_start3A_34 = tpu.memref_slice %arg7[%add3A_17, %dma_start3A] : memref<10000x128xf32, #tpu.memory_space<vmem_shared>> -> memref<200x128xf32, #tpu.memory_space<vmem_shared>>
        %dma_start3A_35 = arith.constant 0 : i32
        %dma_start3A_36 = tpu.memref_slice %arg7[%add3A_17, %dma_start3A_35] : memref<10000x128xf32, #tpu.memory_space<vmem_shared>> -> memref<200x128xf32, #tpu.memory_space<vmem_shared>>
        tpu.enqueue_dma source(%arg11 : memref<200x128xf32, #tpu.memory_space<vmem>>) target(%dma_start3A_36 : memref<200x128xf32, #tpu.memory_space<vmem_shared>>) target_semaphore(%run_scoped3A : memref<!tpu.dma_semaphore, #tpu.memory_space<semaphore_mem>>)
        %dma_wait3A = arith.constant 0 : i32
        %dma_wait3A_37 = tpu.memref_slice %arg7[%add3A_17, %dma_wait3A] : memref<10000x128xf32, #tpu.memory_space<vmem_shared>> -> memref<200x128xf32, #tpu.memory_space<vmem_shared>>
        %dma_wait3A_38 = arith.constant 0 : i32
        %dma_wait3A_39 = tpu.memref_slice %arg7[%add3A_17, %dma_wait3A_38] : memref<10000x128xf32, #tpu.memory_space<vmem_shared>> -> memref<200x128xf32, #tpu.memory_space<vmem_shared>>
        tpu.wait_dma2 semaphore(%run_scoped3A : memref<!tpu.dma_semaphore, #tpu.memory_space<semaphore_mem>>) src(%arg11 : memref<200x128xf32, #tpu.memory_space<vmem>>) dst(%dma_wait3A_39 : memref<200x128xf32, #tpu.memory_space<vmem_shared>>)
        tpu.yield
      }) : () -> ()
      %mul3A_18 = arith.constant 1000 : i32
      %mul3A_19 = arith.muli %arg1, %mul3A_18 : i32
      %add3A_20 = arith.constant 200 : i32
      %add3A_21 = arith.addi %mul3A_19, %add3A_20 : i32
      "tpu.region"() ({
        %run_scoped3A = tpu.sem_alloc : memref<!tpu.dma_semaphore, #tpu.memory_space<semaphore_mem>>
        %dma_start3A = arith.constant 0 : i32
        %dma_start3A_34 = tpu.memref_slice %arg7[%add3A_21, %dma_start3A] : memref<10000x128xf32, #tpu.memory_space<vmem_shared>> -> memref<200x128xf32, #tpu.memory_space<vmem_shared>>
        %dma_start3A_35 = arith.constant 0 : i32
        %dma_start3A_36 = tpu.memref_slice %arg7[%add3A_21, %dma_start3A_35] : memref<10000x128xf32, #tpu.memory_space<vmem_shared>> -> memref<200x128xf32, #tpu.memory_space<vmem_shared>>
        tpu.enqueue_dma source(%arg11 : memref<200x128xf32, #tpu.memory_space<vmem>>) target(%dma_start3A_36 : memref<200x128xf32, #tpu.memory_space<vmem_shared>>) target_semaphore(%run_scoped3A : memref<!tpu.dma_semaphore, #tpu.memory_space<semaphore_mem>>)
        %dma_wait3A = arith.constant 0 : i32
        %dma_wait3A_37 = tpu.memref_slice %arg7[%add3A_21, %dma_wait3A] : memref<10000x128xf32, #tpu.memory_space<vmem_shared>> -> memref<200x128xf32, #tpu.memory_space<vmem_shared>>
        %dma_wait3A_38 = arith.constant 0 : i32
        %dma_wait3A_39 = tpu.memref_slice %arg7[%add3A_21, %dma_wait3A_38] : memref<10000x128xf32, #tpu.memory_space<vmem_shared>> -> memref<200x128xf32, #tpu.memory_space<vmem_shared>>
        tpu.wait_dma2 semaphore(%run_scoped3A : memref<!tpu.dma_semaphore, #tpu.memory_space<semaphore_mem>>) src(%arg11 : memref<200x128xf32, #tpu.memory_space<vmem>>) dst(%dma_wait3A_39 : memref<200x128xf32, #tpu.memory_space<vmem_shared>>)
        tpu.yield
      }) : () -> ()
      %mul3A_22 = arith.constant 1000 : i32
      %mul3A_23 = arith.muli %arg1, %mul3A_22 : i32
      %add3A_24 = arith.constant 400 : i32
      %add3A_25 = arith.addi %mul3A_23, %add3A_24 : i32
      "tpu.region"() ({
        %run_scoped3A = tpu.sem_alloc : memref<!tpu.dma_semaphore, #tpu.memory_space<semaphore_mem>>
        %dma_start3A = arith.constant 0 : i32
        %dma_start3A_34 = tpu.memref_slice %arg7[%add3A_25, %dma_start3A] : memref<10000x128xf32, #tpu.memory_space<vmem_shared>> -> memref<200x128xf32, #tpu.memory_space<vmem_shared>>
        %dma_start3A_35 = arith.constant 0 : i32
        %dma_start3A_36 = tpu.memref_slice %arg7[%add3A_25, %dma_start3A_35] : memref<10000x128xf32, #tpu.memory_space<vmem_shared>> -> memref<200x128xf32, #tpu.memory_space<vmem_shared>>
        tpu.enqueue_dma source(%arg11 : memref<200x128xf32, #tpu.memory_space<vmem>>) target(%dma_start3A_36 : memref<200x128xf32, #tpu.memory_space<vmem_shared>>) target_semaphore(%run_scoped3A : memref<!tpu.dma_semaphore, #tpu.memory_space<semaphore_mem>>)
        %dma_wait3A = arith.constant 0 : i32
        %dma_wait3A_37 = tpu.memref_slice %arg7[%add3A_25, %dma_wait3A] : memref<10000x128xf32, #tpu.memory_space<vmem_shared>> -> memref<200x128xf32, #tpu.memory_space<vmem_shared>>
        %dma_wait3A_38 = arith.constant 0 : i32
        %dma_wait3A_39 = tpu.memref_slice %arg7[%add3A_25, %dma_wait3A_38] : memref<10000x128xf32, #tpu.memory_space<vmem_shared>> -> memref<200x128xf32, #tpu.memory_space<vmem_shared>>
        tpu.wait_dma2 semaphore(%run_scoped3A : memref<!tpu.dma_semaphore, #tpu.memory_space<semaphore_mem>>) src(%arg11 : memref<200x128xf32, #tpu.memory_space<vmem>>) dst(%dma_wait3A_39 : memref<200x128xf32, #tpu.memory_space<vmem_shared>>)
        tpu.yield
      }) : () -> ()
      %mul3A_26 = arith.constant 1000 : i32
      %mul3A_27 = arith.muli %arg1, %mul3A_26 : i32
      %add3A_28 = arith.constant 600 : i32
      %add3A_29 = arith.addi %mul3A_27, %add3A_28 : i32
      "tpu.region"() ({
        %run_scoped3A = tpu.sem_alloc : memref<!tpu.dma_semaphore, #tpu.memory_space<semaphore_mem>>
        %dma_start3A = arith.constant 0 : i32
        %dma_start3A_34 = tpu.memref_slice %arg7[%add3A_29, %dma_start3A] : memref<10000x128xf32, #tpu.memory_space<vmem_shared>> -> memref<200x128xf32, #tpu.memory_space<vmem_shared>>
        %dma_start3A_35 = arith.constant 0 : i32
        %dma_start3A_36 = tpu.memref_slice %arg7[%add3A_29, %dma_start3A_35] : memref<10000x128xf32, #tpu.memory_space<vmem_shared>> -> memref<200x128xf32, #tpu.memory_space<vmem_shared>>
        tpu.enqueue_dma source(%arg11 : memref<200x128xf32, #tpu.memory_space<vmem>>) target(%dma_start3A_36 : memref<200x128xf32, #tpu.memory_space<vmem_shared>>) target_semaphore(%run_scoped3A : memref<!tpu.dma_semaphore, #tpu.memory_space<semaphore_mem>>)
        %dma_wait3A = arith.constant 0 : i32
        %dma_wait3A_37 = tpu.memref_slice %arg7[%add3A_29, %dma_wait3A] : memref<10000x128xf32, #tpu.memory_space<vmem_shared>> -> memref<200x128xf32, #tpu.memory_space<vmem_shared>>
        %dma_wait3A_38 = arith.constant 0 : i32
        %dma_wait3A_39 = tpu.memref_slice %arg7[%add3A_29, %dma_wait3A_38] : memref<10000x128xf32, #tpu.memory_space<vmem_shared>> -> memref<200x128xf32, #tpu.memory_space<vmem_shared>>
        tpu.wait_dma2 semaphore(%run_scoped3A : memref<!tpu.dma_semaphore, #tpu.memory_space<semaphore_mem>>) src(%arg11 : memref<200x128xf32, #tpu.memory_space<vmem>>) dst(%dma_wait3A_39 : memref<200x128xf32, #tpu.memory_space<vmem_shared>>)
        tpu.yield
      }) : () -> ()
      %mul3A_30 = arith.constant 1000 : i32
      %mul3A_31 = arith.muli %arg1, %mul3A_30 : i32
      %add3A_32 = arith.constant 800 : i32
      %add3A_33 = arith.addi %mul3A_31, %add3A_32 : i32
      "tpu.region"() ({
        %run_scoped3A = tpu.sem_alloc : memref<!tpu.dma_semaphore, #tpu.memory_space<semaphore_mem>>
        %dma_start3A = arith.constant 0 : i32
        %dma_start3A_34 = tpu.memref_slice %arg7[%add3A_33, %dma_start3A] : memref<10000x128xf32, #tpu.memory_space<vmem_shared>> -> memref<200x128xf32, #tpu.memory_space<vmem_shared>>
        %dma_start3A_35 = arith.constant 0 : i32
        %dma_start3A_36 = tpu.memref_slice %arg7[%add3A_33, %dma_start3A_35] : memref<10000x128xf32, #tpu.memory_space<vmem_shared>> -> memref<200x128xf32, #tpu.memory_space<vmem_shared>>
        tpu.enqueue_dma source(%arg11 : memref<200x128xf32, #tpu.memory_space<vmem>>) target(%dma_start3A_36 : memref<200x128xf32, #tpu.memory_space<vmem_shared>>) target_semaphore(%run_scoped3A : memref<!tpu.dma_semaphore, #tpu.memory_space<semaphore_mem>>)
        %dma_wait3A = arith.constant 0 : i32
        %dma_wait3A_37 = tpu.memref_slice %arg7[%add3A_33, %dma_wait3A] : memref<10000x128xf32, #tpu.memory_space<vmem_shared>> -> memref<200x128xf32, #tpu.memory_space<vmem_shared>>
        %dma_wait3A_38 = arith.constant 0 : i32
        %dma_wait3A_39 = tpu.memref_slice %arg7[%add3A_33, %dma_wait3A_38] : memref<10000x128xf32, #tpu.memory_space<vmem_shared>> -> memref<200x128xf32, #tpu.memory_space<vmem_shared>>
        tpu.wait_dma2 semaphore(%run_scoped3A : memref<!tpu.dma_semaphore, #tpu.memory_space<semaphore_mem>>) src(%arg11 : memref<200x128xf32, #tpu.memory_space<vmem>>) dst(%dma_wait3A_39 : memref<200x128xf32, #tpu.memory_space<vmem_shared>>)
        tpu.yield
      }) : () -> ()
    } else {
    }
    %barrier3A = arith.constant 0 : index
    tpu.barrier barrier_id(%barrier3A)
    %scan3A = arith.constant 0 : i32
    %scan3A_3 = arith.constant 0 : i32
    %scan3A_4 = arith.constant 125 : i32
    %scan3A_5 = arith.addi %scan3A_3, %scan3A_4 : i32
    %scan3A_6 = arith.constant 1 : i32
    scf.for %scan3A_14 = %scan3A_3 to %scan3A_5 step %scan3A_6  : i32 {
      %mul3A_15 = arith.constant 10000 : i32
      %mul3A_16 = arith.muli %add3A, %mul3A_15 : i32
      %mul3A_17 = arith.constant 80 : i32
      %mul3A_18 = arith.muli %scan3A_14, %mul3A_17 : i32
      %add3A_19 = arith.addi %mul3A_16, %mul3A_18 : i32
      %multiple_of3A = tpu.assume_multiple %add3A_19, 8 : i32
      "tpu.region"() ({
        %run_scoped3A = tpu.sem_alloc : memref<!tpu.dma_semaphore, #tpu.memory_space<semaphore_mem>>
        %dma_start3A_24 = tpu.memref_slice %arg3[%multiple_of3A] : memref<320000xi32, #tpu.memory_space<hbm>> -> memref<80xi32, #tpu.memory_space<hbm>>
        %dma_start3A_25 = tpu.memref_slice %arg3[%multiple_of3A] : memref<320000xi32, #tpu.memory_space<hbm>> -> memref<80xi32, #tpu.memory_space<hbm>>
        tpu.enqueue_dma source(%dma_start3A_25 : memref<80xi32, #tpu.memory_space<hbm>>) target(%arg8 : memref<80xi32, #tpu.memory_space<vmem>>) target_semaphore(%run_scoped3A : memref<!tpu.dma_semaphore, #tpu.memory_space<semaphore_mem>>)
        %dma_wait3A_26 = tpu.memref_slice %arg3[%multiple_of3A] : memref<320000xi32, #tpu.memory_space<hbm>> -> memref<80xi32, #tpu.memory_space<hbm>>
        %dma_wait3A_27 = tpu.memref_slice %arg3[%multiple_of3A] : memref<320000xi32, #tpu.memory_space<hbm>> -> memref<80xi32, #tpu.memory_space<hbm>>
        tpu.wait_dma2 semaphore(%run_scoped3A : memref<!tpu.dma_semaphore, #tpu.memory_space<semaphore_mem>>) src(%dma_wait3A_27 : memref<80xi32, #tpu.memory_space<hbm>>) dst(%arg8 : memref<80xi32, #tpu.memory_space<vmem>>)
        tpu.yield
      }) : () -> ()
      "tpu.region"() ({
        %run_scoped3A = tpu.sem_alloc : memref<!tpu.dma_semaphore, #tpu.memory_space<semaphore_mem>>
        %dma_start3A_24 = tpu.memref_slice %arg4[%multiple_of3A] : memref<320000xi32, #tpu.memory_space<hbm>> -> memref<80xi32, #tpu.memory_space<hbm>>
        %dma_start3A_25 = tpu.memref_slice %arg4[%multiple_of3A] : memref<320000xi32, #tpu.memory_space<hbm>> -> memref<80xi32, #tpu.memory_space<hbm>>
        tpu.enqueue_dma source(%dma_start3A_25 : memref<80xi32, #tpu.memory_space<hbm>>) target(%arg9 : memref<80xi32, #tpu.memory_space<vmem>>) target_semaphore(%run_scoped3A : memref<!tpu.dma_semaphore, #tpu.memory_space<semaphore_mem>>)
        %dma_wait3A_26 = tpu.memref_slice %arg4[%multiple_of3A] : memref<320000xi32, #tpu.memory_space<hbm>> -> memref<80xi32, #tpu.memory_space<hbm>>
        %dma_wait3A_27 = tpu.memref_slice %arg4[%multiple_of3A] : memref<320000xi32, #tpu.memory_space<hbm>> -> memref<80xi32, #tpu.memory_space<hbm>>
        tpu.wait_dma2 semaphore(%run_scoped3A : memref<!tpu.dma_semaphore, #tpu.memory_space<semaphore_mem>>) src(%dma_wait3A_27 : memref<80xi32, #tpu.memory_space<hbm>>) dst(%arg9 : memref<80xi32, #tpu.memory_space<vmem>>)
        tpu.yield
      }) : () -> ()
      %dma_start3A = arith.constant 0 : i32
      %dma_start3A_20 = arith.constant 0 : i32
      %dma_start3A_21 = tpu.memref_slice %arg2[%dma_start3A, %dma_start3A_20] : memref<10000x128xf32, #tpu.memory_space<hbm>> -> memref<10000x128xf32, #tpu.memory_space<hbm>>
      tpu.enqueue_indirect_dma source(%dma_start3A_21 : memref<10000x128xf32, #tpu.memory_space<hbm>>) target(%arg10 : memref<80x128xf32, #tpu.memory_space<vmem>>) offsets(%arg8 : memref<80xi32, #tpu.memory_space<vmem>>) semaphore(%arg12 : memref<!tpu.dma_semaphore, #tpu.memory_space<semaphore_mem>>)
      %dma_wait3A = arith.constant 0 : i32
      %dma_wait3A_22 = arith.constant 0 : i32
      %dma_wait3A_23 = tpu.memref_slice %arg2[%dma_wait3A, %dma_wait3A_22] : memref<10000x128xf32, #tpu.memory_space<hbm>> -> memref<10000x128xf32, #tpu.memory_space<hbm>>
      tpu.wait_indirect_dma semaphore(%arg12 : memref<!tpu.dma_semaphore, #tpu.memory_space<semaphore_mem>>) src(%dma_wait3A_23 : memref<10000x128xf32, #tpu.memory_space<hbm>>) dst(%arg10 : memref<80x128xf32, #tpu.memory_space<vmem>>)
      "tpu.region"() ({
        %run_scoped3A = tpu.sem_alloc : memref<!tpu.dma_semaphore, #tpu.memory_space<semaphore_mem>>
        %dma_start3A_24 = arith.constant 0 : i32
        %dma_start3A_25 = arith.constant 0 : i32
        %dma_start3A_26 = tpu.memref_slice %arg7[%dma_start3A_24, %dma_start3A_25] : memref<10000x128xf32, #tpu.memory_space<vmem_shared>> -> memref<10000x128xf32, #tpu.memory_space<vmem_shared>>
        tpu.enqueue_indirect_dma source(%arg10 : memref<80x128xf32, #tpu.memory_space<vmem>>) target(%dma_start3A_26 : memref<10000x128xf32, #tpu.memory_space<vmem_shared>>) offsets(%arg9 : memref<80xi32, #tpu.memory_space<vmem>>) semaphore(%run_scoped3A : memref<!tpu.dma_semaphore, #tpu.memory_space<semaphore_mem>>) {add = true}
        %dma_wait3A_27 = arith.constant 0 : i32
        %dma_wait3A_28 = arith.constant 0 : i32
        %dma_wait3A_29 = tpu.memref_slice %arg7[%dma_wait3A_27, %dma_wait3A_28] : memref<10000x128xf32, #tpu.memory_space<vmem_shared>> -> memref<10000x128xf32, #tpu.memory_space<vmem_shared>>
        tpu.wait_indirect_dma semaphore(%run_scoped3A : memref<!tpu.dma_semaphore, #tpu.memory_space<semaphore_mem>>) src(%arg10 : memref<80x128xf32, #tpu.memory_space<vmem>>) dst(%dma_wait3A_29 : memref<10000x128xf32, #tpu.memory_space<vmem_shared>>)
        tpu.yield
      }) : () -> ()
    }
    %scan3A_7 = arith.constant 125 : i32
    %barrier3A_8 = arith.constant 0 : index
    tpu.barrier barrier_id(%barrier3A_8)
    %lt3A_9 = arith.constant 10 : i32
    %lt3A_10 = arith.cmpi slt, %arg1, %lt3A_9 : i32
    %convert_element_type3A_11 = arith.extui %lt3A_10 : i1 to i32
    %cond3A_12 = arith.constant 0 : i32
    %cond3A_13 = arith.cmpi ne, %convert_element_type3A_11, %cond3A_12 : i32
    scf.if %cond3A_13 {
      %mul3A_14 = arith.constant 1000 : i32
      %mul3A_15 = arith.muli %arg1, %mul3A_14 : i32
      %add3A_16 = arith.constant 0 : i32
      %add3A_17 = arith.addi %mul3A_15, %add3A_16 : i32
      "tpu.region"() ({
        %run_scoped3A = tpu.sem_alloc : memref<!tpu.dma_semaphore, #tpu.memory_space<semaphore_mem>>
        %dma_start3A = arith.constant 0 : i32
        %dma_start3A_49 = tpu.memref_slice %arg7[%add3A_17, %dma_start3A] : memref<10000x128xf32, #tpu.memory_space<vmem_shared>> -> memref<200x128xf32, #tpu.memory_space<vmem_shared>>
        %dma_start3A_50 = arith.constant 0 : i32
        %dma_start3A_51 = tpu.memref_slice %arg7[%add3A_17, %dma_start3A_50] : memref<10000x128xf32, #tpu.memory_space<vmem_shared>> -> memref<200x128xf32, #tpu.memory_space<vmem_shared>>
        tpu.enqueue_dma source(%dma_start3A_51 : memref<200x128xf32, #tpu.memory_space<vmem_shared>>) target(%arg11 : memref<200x128xf32, #tpu.memory_space<vmem>>) target_semaphore(%run_scoped3A : memref<!tpu.dma_semaphore, #tpu.memory_space<semaphore_mem>>)
        %dma_wait3A = arith.constant 0 : i32
        %dma_wait3A_52 = tpu.memref_slice %arg7[%add3A_17, %dma_wait3A] : memref<10000x128xf32, #tpu.memory_space<vmem_shared>> -> memref<200x128xf32, #tpu.memory_space<vmem_shared>>
        %dma_wait3A_53 = arith.constant 0 : i32
        %dma_wait3A_54 = tpu.memref_slice %arg7[%add3A_17, %dma_wait3A_53] : memref<10000x128xf32, #tpu.memory_space<vmem_shared>> -> memref<200x128xf32, #tpu.memory_space<vmem_shared>>
        tpu.wait_dma2 semaphore(%run_scoped3A : memref<!tpu.dma_semaphore, #tpu.memory_space<semaphore_mem>>) src(%dma_wait3A_54 : memref<200x128xf32, #tpu.memory_space<vmem_shared>>) dst(%arg11 : memref<200x128xf32, #tpu.memory_space<vmem>>)
        tpu.yield
      }) : () -> ()
      %mul3A_18 = arith.constant 10000 : i32
      %mul3A_19 = arith.muli %arg0, %mul3A_18 : i32
      %add3A_20 = arith.addi %mul3A_19, %add3A_17 : i32
      "tpu.region"() ({
        %run_scoped3A = tpu.sem_alloc : memref<!tpu.dma_semaphore, #tpu.memory_space<semaphore_mem>>
        %dma_start3A = arith.constant 0 : i32
        %dma_start3A_49 = tpu.memref_slice %arg6[%add3A_20, %dma_start3A] : memref<20000x128xf32, #tpu.memory_space<hbm>> -> memref<200x128xf32, #tpu.memory_space<hbm>>
        %dma_start3A_50 = arith.constant 0 : i32
        %dma_start3A_51 = tpu.memref_slice %arg6[%add3A_20, %dma_start3A_50] : memref<20000x128xf32, #tpu.memory_space<hbm>> -> memref<200x128xf32, #tpu.memory_space<hbm>>
        tpu.enqueue_dma source(%arg11 : memref<200x128xf32, #tpu.memory_space<vmem>>) target(%dma_start3A_51 : memref<200x128xf32, #tpu.memory_space<hbm>>) target_semaphore(%run_scoped3A : memref<!tpu.dma_semaphore, #tpu.memory_space<semaphore_mem>>)
        %dma_wait3A = arith.constant 0 : i32
        %dma_wait3A_52 = tpu.memref_slice %arg6[%add3A_20, %dma_wait3A] : memref<20000x128xf32, #tpu.memory_space<hbm>> -> memref<200x128xf32, #tpu.memory_space<hbm>>
        %dma_wait3A_53 = arith.constant 0 : i32
        %dma_wait3A_54 = tpu.memref_slice %arg6[%add3A_20, %dma_wait3A_53] : memref<20000x128xf32, #tpu.memory_space<hbm>> -> memref<200x128xf32, #tpu.memory_space<hbm>>
        tpu.wait_dma2 semaphore(%run_scoped3A : memref<!tpu.dma_semaphore, #tpu.memory_space<semaphore_mem>>) src(%arg11 : memref<200x128xf32, #tpu.memory_space<vmem>>) dst(%dma_wait3A_54 : memref<200x128xf32, #tpu.memory_space<hbm>>)
        tpu.yield
      }) : () -> ()
      %mul3A_21 = arith.constant 1000 : i32
      %mul3A_22 = arith.muli %arg1, %mul3A_21 : i32
      %add3A_23 = arith.constant 200 : i32
      %add3A_24 = arith.addi %mul3A_22, %add3A_23 : i32
      "tpu.region"() ({
        %run_scoped3A = tpu.sem_alloc : memref<!tpu.dma_semaphore, #tpu.memory_space<semaphore_mem>>
        %dma_start3A = arith.constant 0 : i32
        %dma_start3A_49 = tpu.memref_slice %arg7[%add3A_24, %dma_start3A] : memref<10000x128xf32, #tpu.memory_space<vmem_shared>> -> memref<200x128xf32, #tpu.memory_space<vmem_shared>>
        %dma_start3A_50 = arith.constant 0 : i32
        %dma_start3A_51 = tpu.memref_slice %arg7[%add3A_24, %dma_start3A_50] : memref<10000x128xf32, #tpu.memory_space<vmem_shared>> -> memref<200x128xf32, #tpu.memory_space<vmem_shared>>
        tpu.enqueue_dma source(%dma_start3A_51 : memref<200x128xf32, #tpu.memory_space<vmem_shared>>) target(%arg11 : memref<200x128xf32, #tpu.memory_space<vmem>>) target_semaphore(%run_scoped3A : memref<!tpu.dma_semaphore, #tpu.memory_space<semaphore_mem>>)
        %dma_wait3A = arith.constant 0 : i32
        %dma_wait3A_52 = tpu.memref_slice %arg7[%add3A_24, %dma_wait3A] : memref<10000x128xf32, #tpu.memory_space<vmem_shared>> -> memref<200x128xf32, #tpu.memory_space<vmem_shared>>
        %dma_wait3A_53 = arith.constant 0 : i32
        %dma_wait3A_54 = tpu.memref_slice %arg7[%add3A_24, %dma_wait3A_53] : memref<10000x128xf32, #tpu.memory_space<vmem_shared>> -> memref<200x128xf32, #tpu.memory_space<vmem_shared>>
        tpu.wait_dma2 semaphore(%run_scoped3A : memref<!tpu.dma_semaphore, #tpu.memory_space<semaphore_mem>>) src(%dma_wait3A_54 : memref<200x128xf32, #tpu.memory_space<vmem_shared>>) dst(%arg11 : memref<200x128xf32, #tpu.memory_space<vmem>>)
        tpu.yield
      }) : () -> ()
      %mul3A_25 = arith.constant 10000 : i32
      %mul3A_26 = arith.muli %arg0, %mul3A_25 : i32
      %add3A_27 = arith.addi %mul3A_26, %add3A_24 : i32
      "tpu.region"() ({
        %run_scoped3A = tpu.sem_alloc : memref<!tpu.dma_semaphore, #tpu.memory_space<semaphore_mem>>
        %dma_start3A = arith.constant 0 : i32
        %dma_start3A_49 = tpu.memref_slice %arg6[%add3A_27, %dma_start3A] : memref<20000x128xf32, #tpu.memory_space<hbm>> -> memref<200x128xf32, #tpu.memory_space<hbm>>
        %dma_start3A_50 = arith.constant 0 : i32
        %dma_start3A_51 = tpu.memref_slice %arg6[%add3A_27, %dma_start3A_50] : memref<20000x128xf32, #tpu.memory_space<hbm>> -> memref<200x128xf32, #tpu.memory_space<hbm>>
        tpu.enqueue_dma source(%arg11 : memref<200x128xf32, #tpu.memory_space<vmem>>) target(%dma_start3A_51 : memref<200x128xf32, #tpu.memory_space<hbm>>) target_semaphore(%run_scoped3A : memref<!tpu.dma_semaphore, #tpu.memory_space<semaphore_mem>>)
        %dma_wait3A = arith.constant 0 : i32
        %dma_wait3A_52 = tpu.memref_slice %arg6[%add3A_27, %dma_wait3A] : memref<20000x128xf32, #tpu.memory_space<hbm>> -> memref<200x128xf32, #tpu.memory_space<hbm>>
        %dma_wait3A_53 = arith.constant 0 : i32
        %dma_wait3A_54 = tpu.memref_slice %arg6[%add3A_27, %dma_wait3A_53] : memref<20000x128xf32, #tpu.memory_space<hbm>> -> memref<200x128xf32, #tpu.memory_space<hbm>>
        tpu.wait_dma2 semaphore(%run_scoped3A : memref<!tpu.dma_semaphore, #tpu.memory_space<semaphore_mem>>) src(%arg11 : memref<200x128xf32, #tpu.memory_space<vmem>>) dst(%dma_wait3A_54 : memref<200x128xf32, #tpu.memory_space<hbm>>)
        tpu.yield
      }) : () -> ()
      %mul3A_28 = arith.constant 1000 : i32
      %mul3A_29 = arith.muli %arg1, %mul3A_28 : i32
      %add3A_30 = arith.constant 400 : i32
      %add3A_31 = arith.addi %mul3A_29, %add3A_30 : i32
      "tpu.region"() ({
        %run_scoped3A = tpu.sem_alloc : memref<!tpu.dma_semaphore, #tpu.memory_space<semaphore_mem>>
        %dma_start3A = arith.constant 0 : i32
        %dma_start3A_49 = tpu.memref_slice %arg7[%add3A_31, %dma_start3A] : memref<10000x128xf32, #tpu.memory_space<vmem_shared>> -> memref<200x128xf32, #tpu.memory_space<vmem_shared>>
        %dma_start3A_50 = arith.constant 0 : i32
        %dma_start3A_51 = tpu.memref_slice %arg7[%add3A_31, %dma_start3A_50] : memref<10000x128xf32, #tpu.memory_space<vmem_shared>> -> memref<200x128xf32, #tpu.memory_space<vmem_shared>>
        tpu.enqueue_dma source(%dma_start3A_51 : memref<200x128xf32, #tpu.memory_space<vmem_shared>>) target(%arg11 : memref<200x128xf32, #tpu.memory_space<vmem>>) target_semaphore(%run_scoped3A : memref<!tpu.dma_semaphore, #tpu.memory_space<semaphore_mem>>)
        %dma_wait3A = arith.constant 0 : i32
        %dma_wait3A_52 = tpu.memref_slice %arg7[%add3A_31, %dma_wait3A] : memref<10000x128xf32, #tpu.memory_space<vmem_shared>> -> memref<200x128xf32, #tpu.memory_space<vmem_shared>>
        %dma_wait3A_53 = arith.constant 0 : i32
        %dma_wait3A_54 = tpu.memref_slice %arg7[%add3A_31, %dma_wait3A_53] : memref<10000x128xf32, #tpu.memory_space<vmem_shared>> -> memref<200x128xf32, #tpu.memory_space<vmem_shared>>
        tpu.wait_dma2 semaphore(%run_scoped3A : memref<!tpu.dma_semaphore, #tpu.memory_space<semaphore_mem>>) src(%dma_wait3A_54 : memref<200x128xf32, #tpu.memory_space<vmem_shared>>) dst(%arg11 : memref<200x128xf32, #tpu.memory_space<vmem>>)
        tpu.yield
      }) : () -> ()
      %mul3A_32 = arith.constant 10000 : i32
      %mul3A_33 = arith.muli %arg0, %mul3A_32 : i32
      %add3A_34 = arith.addi %mul3A_33, %add3A_31 : i32
      "tpu.region"() ({
        %run_scoped3A = tpu.sem_alloc : memref<!tpu.dma_semaphore, #tpu.memory_space<semaphore_mem>>
        %dma_start3A = arith.constant 0 : i32
        %dma_start3A_49 = tpu.memref_slice %arg6[%add3A_34, %dma_start3A] : memref<20000x128xf32, #tpu.memory_space<hbm>> -> memref<200x128xf32, #tpu.memory_space<hbm>>
        %dma_start3A_50 = arith.constant 0 : i32
        %dma_start3A_51 = tpu.memref_slice %arg6[%add3A_34, %dma_start3A_50] : memref<20000x128xf32, #tpu.memory_space<hbm>> -> memref<200x128xf32, #tpu.memory_space<hbm>>
        tpu.enqueue_dma source(%arg11 : memref<200x128xf32, #tpu.memory_space<vmem>>) target(%dma_start3A_51 : memref<200x128xf32, #tpu.memory_space<hbm>>) target_semaphore(%run_scoped3A : memref<!tpu.dma_semaphore, #tpu.memory_space<semaphore_mem>>)
        %dma_wait3A = arith.constant 0 : i32
        %dma_wait3A_52 = tpu.memref_slice %arg6[%add3A_34, %dma_wait3A] : memref<20000x128xf32, #tpu.memory_space<hbm>> -> memref<200x128xf32, #tpu.memory_space<hbm>>
        %dma_wait3A_53 = arith.constant 0 : i32
        %dma_wait3A_54 = tpu.memref_slice %arg6[%add3A_34, %dma_wait3A_53] : memref<20000x128xf32, #tpu.memory_space<hbm>> -> memref<200x128xf32, #tpu.memory_space<hbm>>
        tpu.wait_dma2 semaphore(%run_scoped3A : memref<!tpu.dma_semaphore, #tpu.memory_space<semaphore_mem>>) src(%arg11 : memref<200x128xf32, #tpu.memory_space<vmem>>) dst(%dma_wait3A_54 : memref<200x128xf32, #tpu.memory_space<hbm>>)
        tpu.yield
      }) : () -> ()
      %mul3A_35 = arith.constant 1000 : i32
      %mul3A_36 = arith.muli %arg1, %mul3A_35 : i32
      %add3A_37 = arith.constant 600 : i32
      %add3A_38 = arith.addi %mul3A_36, %add3A_37 : i32
      "tpu.region"() ({
        %run_scoped3A = tpu.sem_alloc : memref<!tpu.dma_semaphore, #tpu.memory_space<semaphore_mem>>
        %dma_start3A = arith.constant 0 : i32
        %dma_start3A_49 = tpu.memref_slice %arg7[%add3A_38, %dma_start3A] : memref<10000x128xf32, #tpu.memory_space<vmem_shared>> -> memref<200x128xf32, #tpu.memory_space<vmem_shared>>
        %dma_start3A_50 = arith.constant 0 : i32
        %dma_start3A_51 = tpu.memref_slice %arg7[%add3A_38, %dma_start3A_50] : memref<10000x128xf32, #tpu.memory_space<vmem_shared>> -> memref<200x128xf32, #tpu.memory_space<vmem_shared>>
        tpu.enqueue_dma source(%dma_start3A_51 : memref<200x128xf32, #tpu.memory_space<vmem_shared>>) target(%arg11 : memref<200x128xf32, #tpu.memory_space<vmem>>) target_semaphore(%run_scoped3A : memref<!tpu.dma_semaphore, #tpu.memory_space<semaphore_mem>>)
        %dma_wait3A = arith.constant 0 : i32
        %dma_wait3A_52 = tpu.memref_slice %arg7[%add3A_38, %dma_wait3A] : memref<10000x128xf32, #tpu.memory_space<vmem_shared>> -> memref<200x128xf32, #tpu.memory_space<vmem_shared>>
        %dma_wait3A_53 = arith.constant 0 : i32
        %dma_wait3A_54 = tpu.memref_slice %arg7[%add3A_38, %dma_wait3A_53] : memref<10000x128xf32, #tpu.memory_space<vmem_shared>> -> memref<200x128xf32, #tpu.memory_space<vmem_shared>>
        tpu.wait_dma2 semaphore(%run_scoped3A : memref<!tpu.dma_semaphore, #tpu.memory_space<semaphore_mem>>) src(%dma_wait3A_54 : memref<200x128xf32, #tpu.memory_space<vmem_shared>>) dst(%arg11 : memref<200x128xf32, #tpu.memory_space<vmem>>)
        tpu.yield
      }) : () -> ()
      %mul3A_39 = arith.constant 10000 : i32
      %mul3A_40 = arith.muli %arg0, %mul3A_39 : i32
      %add3A_41 = arith.addi %mul3A_40, %add3A_38 : i32
      "tpu.region"() ({
        %run_scoped3A = tpu.sem_alloc : memref<!tpu.dma_semaphore, #tpu.memory_space<semaphore_mem>>
        %dma_start3A = arith.constant 0 : i32
        %dma_start3A_49 = tpu.memref_slice %arg6[%add3A_41, %dma_start3A] : memref<20000x128xf32, #tpu.memory_space<hbm>> -> memref<200x128xf32, #tpu.memory_space<hbm>>
        %dma_start3A_50 = arith.constant 0 : i32
        %dma_start3A_51 = tpu.memref_slice %arg6[%add3A_41, %dma_start3A_50] : memref<20000x128xf32, #tpu.memory_space<hbm>> -> memref<200x128xf32, #tpu.memory_space<hbm>>
        tpu.enqueue_dma source(%arg11 : memref<200x128xf32, #tpu.memory_space<vmem>>) target(%dma_start3A_51 : memref<200x128xf32, #tpu.memory_space<hbm>>) target_semaphore(%run_scoped3A : memref<!tpu.dma_semaphore, #tpu.memory_space<semaphore_mem>>)
        %dma_wait3A = arith.constant 0 : i32
        %dma_wait3A_52 = tpu.memref_slice %arg6[%add3A_41, %dma_wait3A] : memref<20000x128xf32, #tpu.memory_space<hbm>> -> memref<200x128xf32, #tpu.memory_space<hbm>>
        %dma_wait3A_53 = arith.constant 0 : i32
        %dma_wait3A_54 = tpu.memref_slice %arg6[%add3A_41, %dma_wait3A_53] : memref<20000x128xf32, #tpu.memory_space<hbm>> -> memref<200x128xf32, #tpu.memory_space<hbm>>
        tpu.wait_dma2 semaphore(%run_scoped3A : memref<!tpu.dma_semaphore, #tpu.memory_space<semaphore_mem>>) src(%arg11 : memref<200x128xf32, #tpu.memory_space<vmem>>) dst(%dma_wait3A_54 : memref<200x128xf32, #tpu.memory_space<hbm>>)
        tpu.yield
      }) : () -> ()
      %mul3A_42 = arith.constant 1000 : i32
      %mul3A_43 = arith.muli %arg1, %mul3A_42 : i32
      %add3A_44 = arith.constant 800 : i32
      %add3A_45 = arith.addi %mul3A_43, %add3A_44 : i32
      "tpu.region"() ({
        %run_scoped3A = tpu.sem_alloc : memref<!tpu.dma_semaphore, #tpu.memory_space<semaphore_mem>>
        %dma_start3A = arith.constant 0 : i32
        %dma_start3A_49 = tpu.memref_slice %arg7[%add3A_45, %dma_start3A] : memref<10000x128xf32, #tpu.memory_space<vmem_shared>> -> memref<200x128xf32, #tpu.memory_space<vmem_shared>>
        %dma_start3A_50 = arith.constant 0 : i32
        %dma_start3A_51 = tpu.memref_slice %arg7[%add3A_45, %dma_start3A_50] : memref<10000x128xf32, #tpu.memory_space<vmem_shared>> -> memref<200x128xf32, #tpu.memory_space<vmem_shared>>
        tpu.enqueue_dma source(%dma_start3A_51 : memref<200x128xf32, #tpu.memory_space<vmem_shared>>) target(%arg11 : memref<200x128xf32, #tpu.memory_space<vmem>>) target_semaphore(%run_scoped3A : memref<!tpu.dma_semaphore, #tpu.memory_space<semaphore_mem>>)
        %dma_wait3A = arith.constant 0 : i32
        %dma_wait3A_52 = tpu.memref_slice %arg7[%add3A_45, %dma_wait3A] : memref<10000x128xf32, #tpu.memory_space<vmem_shared>> -> memref<200x128xf32, #tpu.memory_space<vmem_shared>>
        %dma_wait3A_53 = arith.constant 0 : i32
        %dma_wait3A_54 = tpu.memref_slice %arg7[%add3A_45, %dma_wait3A_53] : memref<10000x128xf32, #tpu.memory_space<vmem_shared>> -> memref<200x128xf32, #tpu.memory_space<vmem_shared>>
        tpu.wait_dma2 semaphore(%run_scoped3A : memref<!tpu.dma_semaphore, #tpu.memory_space<semaphore_mem>>) src(%dma_wait3A_54 : memref<200x128xf32, #tpu.memory_space<vmem_shared>>) dst(%arg11 : memref<200x128xf32, #tpu.memory_space<vmem>>)
        tpu.yield
      }) : () -> ()
      %mul3A_46 = arith.constant 10000 : i32
      %mul3A_47 = arith.muli %arg0, %mul3A_46 : i32
      %add3A_48 = arith.addi %mul3A_47, %add3A_45 : i32
      "tpu.region"() ({
        %run_scoped3A = tpu.sem_alloc : memref<!tpu.dma_semaphore, #tpu.memory_space<semaphore_mem>>
        %dma_start3A = arith.constant 0 : i32
        %dma_start3A_49 = tpu.memref_slice %arg6[%add3A_48, %dma_start3A] : memref<20000x128xf32, #tpu.memory_space<hbm>> -> memref<200x128xf32, #tpu.memory_space<hbm>>
        %dma_start3A_50 = arith.constant 0 : i32
        %dma_start3A_51 = tpu.memref_slice %arg6[%add3A_48, %dma_start3A_50] : memref<20000x128xf32, #tpu.memory_space<hbm>> -> memref<200x128xf32, #tpu.memory_space<hbm>>
        tpu.enqueue_dma source(%arg11 : memref<200x128xf32, #tpu.memory_space<vmem>>) target(%dma_start3A_51 : memref<200x128xf32, #tpu.memory_space<hbm>>) target_semaphore(%run_scoped3A : memref<!tpu.dma_semaphore, #tpu.memory_space<semaphore_mem>>)
        %dma_wait3A = arith.constant 0 : i32
        %dma_wait3A_52 = tpu.memref_slice %arg6[%add3A_48, %dma_wait3A] : memref<20000x128xf32, #tpu.memory_space<hbm>> -> memref<200x128xf32, #tpu.memory_space<hbm>>
        %dma_wait3A_53 = arith.constant 0 : i32
        %dma_wait3A_54 = tpu.memref_slice %arg6[%add3A_48, %dma_wait3A_53] : memref<20000x128xf32, #tpu.memory_space<hbm>> -> memref<200x128xf32, #tpu.memory_space<hbm>>
        tpu.wait_dma2 semaphore(%run_scoped3A : memref<!tpu.dma_semaphore, #tpu.memory_space<semaphore_mem>>) src(%arg11 : memref<200x128xf32, #tpu.memory_space<vmem>>) dst(%dma_wait3A_54 : memref<200x128xf32, #tpu.memory_space<hbm>>)
        tpu.yield
      }) : () -> ()
    } else {
    }
    return
  }
}

#map = affine_map<(d0, d1) -> (0, 0)>
#map1 = affine_map<(d0, d1) -> (0)>
module attributes {stable_mosaic.version = 14 : i64} {
  func.func @k(%arg0: i32, %arg1: i32, %arg2: memref<10000x128xf32, #tpu.memory_space<hbm>>, %arg3: memref<320000xi32, #tpu.memory_space<hbm>>, %arg4: memref<320000xi32, #tpu.memory_space<hbm>>, %arg5: memref<200x128xf32, #tpu.memory_space<hbm>>, %arg6: memref<20000x128xf32, #tpu.memory_space<hbm>>, %arg7: memref<10000x128xf32, #tpu.memory_space<vmem_shared>>, %arg8: memref<80xi32, #tpu.memory_space<vmem>>, %arg9: memref<80xi32, #tpu.memory_space<vmem>>, %arg10: memref<80x128xf32, #tpu.memory_space<vmem>>, %arg11: memref<200x128xf32, #tpu.memory_space<vmem>>, %arg12: memref<!tpu.dma_semaphore, #tpu.memory_space<semaphore_mem>>) attributes {dimension_semantics = [#tpu.dimension_semantics<core_parallel>, #tpu.dimension_semantics<subcore_parallel>], iteration_bounds = array<i64: 2, 16>, scalar_prefetch = 0 : i64, scratch_operands = 6 : i64, tpu.core_type = #tpu.core_type<sc_vector_subcore>, window_params = [{transform_indices = #map}, {transform_indices = #map1}, {transform_indices = #map1}, {transform_indices = #map}, {transform_indices = #map}]} {
    %mul3A = arith.constant 2 : i32
    %mul3A_0 = arith.muli %arg1, %mul3A : i32
    %add3A = arith.addi %mul3A_0, %arg0 : i32
    %lt3A = arith.constant 10 : i32
    %lt3A_1 = arith.cmpi slt, %arg1, %lt3A : i32
    %convert_element_type3A = arith.extui %lt3A_1 : i1 to i32
    %cond3A = arith.constant 0 : i32
    %cond3A_2 = arith.cmpi ne, %convert_element_type3A, %cond3A : i32
    scf.if %cond3A_2 {
      "tpu.region"() ({
        %run_scoped3A = tpu.sem_alloc : memref<!tpu.dma_semaphore, #tpu.memory_space<semaphore_mem>>
        tpu.enqueue_dma source(%arg5 : memref<200x128xf32, #tpu.memory_space<hbm>>) target(%arg11 : memref<200x128xf32, #tpu.memory_space<vmem>>) target_semaphore(%run_scoped3A : memref<!tpu.dma_semaphore, #tpu.memory_space<semaphore_mem>>)
        tpu.wait_dma2 semaphore(%run_scoped3A : memref<!tpu.dma_semaphore, #tpu.memory_space<semaphore_mem>>) src(%arg5 : memref<200x128xf32, #tpu.memory_space<hbm>>) dst(%arg11 : memref<200x128xf32, #tpu.memory_space<vmem>>)
        tpu.yield
      }) : () -> ()
      %mul3A_14 = arith.constant 1000 : i32
      %mul3A_15 = arith.muli %arg1, %mul3A_14 : i32
      %add3A_16 = arith.constant 0 : i32
      %add3A_17 = arith.addi %mul3A_15, %add3A_16 : i32
      "tpu.region"() ({
        %run_scoped3A = tpu.sem_alloc : memref<!tpu.dma_semaphore, #tpu.memory_space<semaphore_mem>>
        %dma_start3A = arith.constant 0 : i32
        %dma_start3A_34 = tpu.memref_slice %arg7[%add3A_17, %dma_start3A] : memref<10000x128xf32, #tpu.memory_space<vmem_shared>> -> memref<200x128xf32, #tpu.memory_space<vmem_shared>>
        %dma_start3A_35 = arith.constant 0 : i32
        %dma_start3A_36 = tpu.memref_slice %arg7[%add3A_17, %dma_start3A_35] : memref<10000x128xf32, #tpu.memory_space<vmem_shared>> -> memref<200x128xf32, #tpu.memory_space<vmem_shared>>
        tpu.enqueue_dma source(%arg11 : memref<200x128xf32, #tpu.memory_space<vmem>>) target(%dma_start3A_36 : memref<200x128xf32, #tpu.memory_space<vmem_shared>>) target_semaphore(%run_scoped3A : memref<!tpu.dma_semaphore, #tpu.memory_space<semaphore_mem>>)
        %dma_wait3A = arith.constant 0 : i32
        %dma_wait3A_37 = tpu.memref_slice %arg7[%add3A_17, %dma_wait3A] : memref<10000x128xf32, #tpu.memory_space<vmem_shared>> -> memref<200x128xf32, #tpu.memory_space<vmem_shared>>
        %dma_wait3A_38 = arith.constant 0 : i32
        %dma_wait3A_39 = tpu.memref_slice %arg7[%add3A_17, %dma_wait3A_38] : memref<10000x128xf32, #tpu.memory_space<vmem_shared>> -> memref<200x128xf32, #tpu.memory_space<vmem_shared>>
        tpu.wait_dma2 semaphore(%run_scoped3A : memref<!tpu.dma_semaphore, #tpu.memory_space<semaphore_mem>>) src(%arg11 : memref<200x128xf32, #tpu.memory_space<vmem>>) dst(%dma_wait3A_39 : memref<200x128xf32, #tpu.memory_space<vmem_shared>>)
        tpu.yield
      }) : () -> ()
      %mul3A_18 = arith.constant 1000 : i32
      %mul3A_19 = arith.muli %arg1, %mul3A_18 : i32
      %add3A_20 = arith.constant 200 : i32
      %add3A_21 = arith.addi %mul3A_19, %add3A_20 : i32
      "tpu.region"() ({
        %run_scoped3A = tpu.sem_alloc : memref<!tpu.dma_semaphore, #tpu.memory_space<semaphore_mem>>
        %dma_start3A = arith.constant 0 : i32
        %dma_start3A_34 = tpu.memref_slice %arg7[%add3A_21, %dma_start3A] : memref<10000x128xf32, #tpu.memory_space<vmem_shared>> -> memref<200x128xf32, #tpu.memory_space<vmem_shared>>
        %dma_start3A_35 = arith.constant 0 : i32
        %dma_start3A_36 = tpu.memref_slice %arg7[%add3A_21, %dma_start3A_35] : memref<10000x128xf32, #tpu.memory_space<vmem_shared>> -> memref<200x128xf32, #tpu.memory_space<vmem_shared>>
        tpu.enqueue_dma source(%arg11 : memref<200x128xf32, #tpu.memory_space<vmem>>) target(%dma_start3A_36 : memref<200x128xf32, #tpu.memory_space<vmem_shared>>) target_semaphore(%run_scoped3A : memref<!tpu.dma_semaphore, #tpu.memory_space<semaphore_mem>>)
        %dma_wait3A = arith.constant 0 : i32
        %dma_wait3A_37 = tpu.memref_slice %arg7[%add3A_21, %dma_wait3A] : memref<10000x128xf32, #tpu.memory_space<vmem_shared>> -> memref<200x128xf32, #tpu.memory_space<vmem_shared>>
        %dma_wait3A_38 = arith.constant 0 : i32
        %dma_wait3A_39 = tpu.memref_slice %arg7[%add3A_21, %dma_wait3A_38] : memref<10000x128xf32, #tpu.memory_space<vmem_shared>> -> memref<200x128xf32, #tpu.memory_space<vmem_shared>>
        tpu.wait_dma2 semaphore(%run_scoped3A : memref<!tpu.dma_semaphore, #tpu.memory_space<semaphore_mem>>) src(%arg11 : memref<200x128xf32, #tpu.memory_space<vmem>>) dst(%dma_wait3A_39 : memref<200x128xf32, #tpu.memory_space<vmem_shared>>)
        tpu.yield
      }) : () -> ()
      %mul3A_22 = arith.constant 1000 : i32
      %mul3A_23 = arith.muli %arg1, %mul3A_22 : i32
      %add3A_24 = arith.constant 400 : i32
      %add3A_25 = arith.addi %mul3A_23, %add3A_24 : i32
      "tpu.region"() ({
        %run_scoped3A = tpu.sem_alloc : memref<!tpu.dma_semaphore, #tpu.memory_space<semaphore_mem>>
        %dma_start3A = arith.constant 0 : i32
        %dma_start3A_34 = tpu.memref_slice %arg7[%add3A_25, %dma_start3A] : memref<10000x128xf32, #tpu.memory_space<vmem_shared>> -> memref<200x128xf32, #tpu.memory_space<vmem_shared>>
        %dma_start3A_35 = arith.constant 0 : i32
        %dma_start3A_36 = tpu.memref_slice %arg7[%add3A_25, %dma_start3A_35] : memref<10000x128xf32, #tpu.memory_space<vmem_shared>> -> memref<200x128xf32, #tpu.memory_space<vmem_shared>>
        tpu.enqueue_dma source(%arg11 : memref<200x128xf32, #tpu.memory_space<vmem>>) target(%dma_start3A_36 : memref<200x128xf32, #tpu.memory_space<vmem_shared>>) target_semaphore(%run_scoped3A : memref<!tpu.dma_semaphore, #tpu.memory_space<semaphore_mem>>)
        %dma_wait3A = arith.constant 0 : i32
        %dma_wait3A_37 = tpu.memref_slice %arg7[%add3A_25, %dma_wait3A] : memref<10000x128xf32, #tpu.memory_space<vmem_shared>> -> memref<200x128xf32, #tpu.memory_space<vmem_shared>>
        %dma_wait3A_38 = arith.constant 0 : i32
        %dma_wait3A_39 = tpu.memref_slice %arg7[%add3A_25, %dma_wait3A_38] : memref<10000x128xf32, #tpu.memory_space<vmem_shared>> -> memref<200x128xf32, #tpu.memory_space<vmem_shared>>
        tpu.wait_dma2 semaphore(%run_scoped3A : memref<!tpu.dma_semaphore, #tpu.memory_space<semaphore_mem>>) src(%arg11 : memref<200x128xf32, #tpu.memory_space<vmem>>) dst(%dma_wait3A_39 : memref<200x128xf32, #tpu.memory_space<vmem_shared>>)
        tpu.yield
      }) : () -> ()
      %mul3A_26 = arith.constant 1000 : i32
      %mul3A_27 = arith.muli %arg1, %mul3A_26 : i32
      %add3A_28 = arith.constant 600 : i32
      %add3A_29 = arith.addi %mul3A_27, %add3A_28 : i32
      "tpu.region"() ({
        %run_scoped3A = tpu.sem_alloc : memref<!tpu.dma_semaphore, #tpu.memory_space<semaphore_mem>>
        %dma_start3A = arith.constant 0 : i32
        %dma_start3A_34 = tpu.memref_slice %arg7[%add3A_29, %dma_start3A] : memref<10000x128xf32, #tpu.memory_space<vmem_shared>> -> memref<200x128xf32, #tpu.memory_space<vmem_shared>>
        %dma_start3A_35 = arith.constant 0 : i32
        %dma_start3A_36 = tpu.memref_slice %arg7[%add3A_29, %dma_start3A_35] : memref<10000x128xf32, #tpu.memory_space<vmem_shared>> -> memref<200x128xf32, #tpu.memory_space<vmem_shared>>
        tpu.enqueue_dma source(%arg11 : memref<200x128xf32, #tpu.memory_space<vmem>>) target(%dma_start3A_36 : memref<200x128xf32, #tpu.memory_space<vmem_shared>>) target_semaphore(%run_scoped3A : memref<!tpu.dma_semaphore, #tpu.memory_space<semaphore_mem>>)
        %dma_wait3A = arith.constant 0 : i32
        %dma_wait3A_37 = tpu.memref_slice %arg7[%add3A_29, %dma_wait3A] : memref<10000x128xf32, #tpu.memory_space<vmem_shared>> -> memref<200x128xf32, #tpu.memory_space<vmem_shared>>
        %dma_wait3A_38 = arith.constant 0 : i32
        %dma_wait3A_39 = tpu.memref_slice %arg7[%add3A_29, %dma_wait3A_38] : memref<10000x128xf32, #tpu.memory_space<vmem_shared>> -> memref<200x128xf32, #tpu.memory_space<vmem_shared>>
        tpu.wait_dma2 semaphore(%run_scoped3A : memref<!tpu.dma_semaphore, #tpu.memory_space<semaphore_mem>>) src(%arg11 : memref<200x128xf32, #tpu.memory_space<vmem>>) dst(%dma_wait3A_39 : memref<200x128xf32, #tpu.memory_space<vmem_shared>>)
        tpu.yield
      }) : () -> ()
      %mul3A_30 = arith.constant 1000 : i32
      %mul3A_31 = arith.muli %arg1, %mul3A_30 : i32
      %add3A_32 = arith.constant 800 : i32
      %add3A_33 = arith.addi %mul3A_31, %add3A_32 : i32
      "tpu.region"() ({
        %run_scoped3A = tpu.sem_alloc : memref<!tpu.dma_semaphore, #tpu.memory_space<semaphore_mem>>
        %dma_start3A = arith.constant 0 : i32
        %dma_start3A_34 = tpu.memref_slice %arg7[%add3A_33, %dma_start3A] : memref<10000x128xf32, #tpu.memory_space<vmem_shared>> -> memref<200x128xf32, #tpu.memory_space<vmem_shared>>
        %dma_start3A_35 = arith.constant 0 : i32
        %dma_start3A_36 = tpu.memref_slice %arg7[%add3A_33, %dma_start3A_35] : memref<10000x128xf32, #tpu.memory_space<vmem_shared>> -> memref<200x128xf32, #tpu.memory_space<vmem_shared>>
        tpu.enqueue_dma source(%arg11 : memref<200x128xf32, #tpu.memory_space<vmem>>) target(%dma_start3A_36 : memref<200x128xf32, #tpu.memory_space<vmem_shared>>) target_semaphore(%run_scoped3A : memref<!tpu.dma_semaphore, #tpu.memory_space<semaphore_mem>>)
        %dma_wait3A = arith.constant 0 : i32
        %dma_wait3A_37 = tpu.memref_slice %arg7[%add3A_33, %dma_wait3A] : memref<10000x128xf32, #tpu.memory_space<vmem_shared>> -> memref<200x128xf32, #tpu.memory_space<vmem_shared>>
        %dma_wait3A_38 = arith.constant 0 : i32
        %dma_wait3A_39 = tpu.memref_slice %arg7[%add3A_33, %dma_wait3A_38] : memref<10000x128xf32, #tpu.memory_space<vmem_shared>> -> memref<200x128xf32, #tpu.memory_space<vmem_shared>>
        tpu.wait_dma2 semaphore(%run_scoped3A : memref<!tpu.dma_semaphore, #tpu.memory_space<semaphore_mem>>) src(%arg11 : memref<200x128xf32, #tpu.memory_space<vmem>>) dst(%dma_wait3A_39 : memref<200x128xf32, #tpu.memory_space<vmem_shared>>)
        tpu.yield
      }) : () -> ()
    } else {
    }
    %barrier3A = arith.constant 0 : index
    tpu.barrier barrier_id(%barrier3A)
    %scan3A = arith.constant 0 : i32
    %scan3A_3 = arith.constant 0 : i32
    %scan3A_4 = arith.constant 125 : i32
    %scan3A_5 = arith.addi %scan3A_3, %scan3A_4 : i32
    %scan3A_6 = arith.constant 1 : i32
    scf.for %scan3A_14 = %scan3A_3 to %scan3A_5 step %scan3A_6  : i32 {
      %mul3A_15 = arith.constant 10000 : i32
      %mul3A_16 = arith.muli %add3A, %mul3A_15 : i32
      %mul3A_17 = arith.constant 80 : i32
      %mul3A_18 = arith.muli %scan3A_14, %mul3A_17 : i32
      %add3A_19 = arith.addi %mul3A_16, %mul3A_18 : i32
      %multiple_of3A = tpu.assume_multiple %add3A_19, 8 : i32
      "tpu.region"() ({
        %run_scoped3A = tpu.sem_alloc : memref<!tpu.dma_semaphore, #tpu.memory_space<semaphore_mem>>
        %dma_start3A_24 = tpu.memref_slice %arg3[%multiple_of3A] : memref<320000xi32, #tpu.memory_space<hbm>> -> memref<80xi32, #tpu.memory_space<hbm>>
        %dma_start3A_25 = tpu.memref_slice %arg3[%multiple_of3A] : memref<320000xi32, #tpu.memory_space<hbm>> -> memref<80xi32, #tpu.memory_space<hbm>>
        tpu.enqueue_dma source(%dma_start3A_25 : memref<80xi32, #tpu.memory_space<hbm>>) target(%arg8 : memref<80xi32, #tpu.memory_space<vmem>>) target_semaphore(%run_scoped3A : memref<!tpu.dma_semaphore, #tpu.memory_space<semaphore_mem>>)
        %dma_wait3A_26 = tpu.memref_slice %arg3[%multiple_of3A] : memref<320000xi32, #tpu.memory_space<hbm>> -> memref<80xi32, #tpu.memory_space<hbm>>
        %dma_wait3A_27 = tpu.memref_slice %arg3[%multiple_of3A] : memref<320000xi32, #tpu.memory_space<hbm>> -> memref<80xi32, #tpu.memory_space<hbm>>
        tpu.wait_dma2 semaphore(%run_scoped3A : memref<!tpu.dma_semaphore, #tpu.memory_space<semaphore_mem>>) src(%dma_wait3A_27 : memref<80xi32, #tpu.memory_space<hbm>>) dst(%arg8 : memref<80xi32, #tpu.memory_space<vmem>>)
        tpu.yield
      }) : () -> ()
      "tpu.region"() ({
        %run_scoped3A = tpu.sem_alloc : memref<!tpu.dma_semaphore, #tpu.memory_space<semaphore_mem>>
        %dma_start3A_24 = tpu.memref_slice %arg4[%multiple_of3A] : memref<320000xi32, #tpu.memory_space<hbm>> -> memref<80xi32, #tpu.memory_space<hbm>>
        %dma_start3A_25 = tpu.memref_slice %arg4[%multiple_of3A] : memref<320000xi32, #tpu.memory_space<hbm>> -> memref<80xi32, #tpu.memory_space<hbm>>
        tpu.enqueue_dma source(%dma_start3A_25 : memref<80xi32, #tpu.memory_space<hbm>>) target(%arg9 : memref<80xi32, #tpu.memory_space<vmem>>) target_semaphore(%run_scoped3A : memref<!tpu.dma_semaphore, #tpu.memory_space<semaphore_mem>>)
        %dma_wait3A_26 = tpu.memref_slice %arg4[%multiple_of3A] : memref<320000xi32, #tpu.memory_space<hbm>> -> memref<80xi32, #tpu.memory_space<hbm>>
        %dma_wait3A_27 = tpu.memref_slice %arg4[%multiple_of3A] : memref<320000xi32, #tpu.memory_space<hbm>> -> memref<80xi32, #tpu.memory_space<hbm>>
        tpu.wait_dma2 semaphore(%run_scoped3A : memref<!tpu.dma_semaphore, #tpu.memory_space<semaphore_mem>>) src(%dma_wait3A_27 : memref<80xi32, #tpu.memory_space<hbm>>) dst(%arg9 : memref<80xi32, #tpu.memory_space<vmem>>)
        tpu.yield
      }) : () -> ()
      %dma_start3A = arith.constant 0 : i32
      %dma_start3A_20 = arith.constant 0 : i32
      %dma_start3A_21 = tpu.memref_slice %arg2[%dma_start3A, %dma_start3A_20] : memref<10000x128xf32, #tpu.memory_space<hbm>> -> memref<10000x128xf32, #tpu.memory_space<hbm>>
      tpu.enqueue_indirect_dma source(%dma_start3A_21 : memref<10000x128xf32, #tpu.memory_space<hbm>>) target(%arg10 : memref<80x128xf32, #tpu.memory_space<vmem>>) offsets(%arg8 : memref<80xi32, #tpu.memory_space<vmem>>) semaphore(%arg12 : memref<!tpu.dma_semaphore, #tpu.memory_space<semaphore_mem>>)
      %dma_wait3A = arith.constant 0 : i32
      %dma_wait3A_22 = arith.constant 0 : i32
      %dma_wait3A_23 = tpu.memref_slice %arg2[%dma_wait3A, %dma_wait3A_22] : memref<10000x128xf32, #tpu.memory_space<hbm>> -> memref<10000x128xf32, #tpu.memory_space<hbm>>
      tpu.wait_indirect_dma semaphore(%arg12 : memref<!tpu.dma_semaphore, #tpu.memory_space<semaphore_mem>>) src(%dma_wait3A_23 : memref<10000x128xf32, #tpu.memory_space<hbm>>) dst(%arg10 : memref<80x128xf32, #tpu.memory_space<vmem>>)
      "tpu.region"() ({
        %run_scoped3A = tpu.sem_alloc : memref<!tpu.dma_semaphore, #tpu.memory_space<semaphore_mem>>
        %dma_start3A_24 = arith.constant 0 : i32
        %dma_start3A_25 = arith.constant 0 : i32
        %dma_start3A_26 = tpu.memref_slice %arg7[%dma_start3A_24, %dma_start3A_25] : memref<10000x128xf32, #tpu.memory_space<vmem_shared>> -> memref<10000x128xf32, #tpu.memory_space<vmem_shared>>
        tpu.enqueue_indirect_dma source(%arg10 : memref<80x128xf32, #tpu.memory_space<vmem>>) target(%dma_start3A_26 : memref<10000x128xf32, #tpu.memory_space<vmem_shared>>) offsets(%arg9 : memref<80xi32, #tpu.memory_space<vmem>>) semaphore(%run_scoped3A : memref<!tpu.dma_semaphore, #tpu.memory_space<semaphore_mem>>) {add = true}
        %dma_wait3A_27 = arith.constant 0 : i32
        %dma_wait3A_28 = arith.constant 0 : i32
        %dma_wait3A_29 = tpu.memref_slice %arg7[%dma_wait3A_27, %dma_wait3A_28] : memref<10000x128xf32, #tpu.memory_space<vmem_shared>> -> memref<10000x128xf32, #tpu.memory_space<vmem_shared>>
        tpu.wait_indirect_dma semaphore(%run_scoped3A : memref<!tpu.dma_semaphore, #tpu.memory_space<semaphore_mem>>) src(%arg10 : memref<80x128xf32, #tpu.memory_space<vmem>>) dst(%dma_wait3A_29 : memref<10000x128xf32, #tpu.memory_space<vmem_shared>>)
        tpu.yield
      }) : () -> ()
    }
    %scan3A_7 = arith.constant 125 : i32
    %barrier3A_8 = arith.constant 0 : index
    tpu.barrier barrier_id(%barrier3A_8)
    %lt3A_9 = arith.constant 10 : i32
    %lt3A_10 = arith.cmpi slt, %arg1, %lt3A_9 : i32
    %convert_element_type3A_11 = arith.extui %lt3A_10 : i1 to i32
    %cond3A_12 = arith.constant 0 : i32
    %cond3A_13 = arith.cmpi ne, %convert_element_type3A_11, %cond3A_12 : i32
    scf.if %cond3A_13 {
      %mul3A_14 = arith.constant 1000 : i32
      %mul3A_15 = arith.muli %arg1, %mul3A_14 : i32
      %add3A_16 = arith.constant 0 : i32
      %add3A_17 = arith.addi %mul3A_15, %add3A_16 : i32
      "tpu.region"() ({
        %run_scoped3A = tpu.sem_alloc : memref<!tpu.dma_semaphore, #tpu.memory_space<semaphore_mem>>
        %dma_start3A = arith.constant 0 : i32
        %dma_start3A_49 = tpu.memref_slice %arg7[%add3A_17, %dma_start3A] : memref<10000x128xf32, #tpu.memory_space<vmem_shared>> -> memref<200x128xf32, #tpu.memory_space<vmem_shared>>
        %dma_start3A_50 = arith.constant 0 : i32
        %dma_start3A_51 = tpu.memref_slice %arg7[%add3A_17, %dma_start3A_50] : memref<10000x128xf32, #tpu.memory_space<vmem_shared>> -> memref<200x128xf32, #tpu.memory_space<vmem_shared>>
        tpu.enqueue_dma source(%dma_start3A_51 : memref<200x128xf32, #tpu.memory_space<vmem_shared>>) target(%arg11 : memref<200x128xf32, #tpu.memory_space<vmem>>) target_semaphore(%run_scoped3A : memref<!tpu.dma_semaphore, #tpu.memory_space<semaphore_mem>>)
        %dma_wait3A = arith.constant 0 : i32
        %dma_wait3A_52 = tpu.memref_slice %arg7[%add3A_17, %dma_wait3A] : memref<10000x128xf32, #tpu.memory_space<vmem_shared>> -> memref<200x128xf32, #tpu.memory_space<vmem_shared>>
        %dma_wait3A_53 = arith.constant 0 : i32
        %dma_wait3A_54 = tpu.memref_slice %arg7[%add3A_17, %dma_wait3A_53] : memref<10000x128xf32, #tpu.memory_space<vmem_shared>> -> memref<200x128xf32, #tpu.memory_space<vmem_shared>>
        tpu.wait_dma2 semaphore(%run_scoped3A : memref<!tpu.dma_semaphore, #tpu.memory_space<semaphore_mem>>) src(%dma_wait3A_54 : memref<200x128xf32, #tpu.memory_space<vmem_shared>>) dst(%arg11 : memref<200x128xf32, #tpu.memory_space<vmem>>)
        tpu.yield
      }) : () -> ()
      %mul3A_18 = arith.constant 10000 : i32
      %mul3A_19 = arith.muli %arg0, %mul3A_18 : i32
      %add3A_20 = arith.addi %mul3A_19, %add3A_17 : i32
      "tpu.region"() ({
        %run_scoped3A = tpu.sem_alloc : memref<!tpu.dma_semaphore, #tpu.memory_space<semaphore_mem>>
        %dma_start3A = arith.constant 0 : i32
        %dma_start3A_49 = tpu.memref_slice %arg6[%add3A_20, %dma_start3A] : memref<20000x128xf32, #tpu.memory_space<hbm>> -> memref<200x128xf32, #tpu.memory_space<hbm>>
        %dma_start3A_50 = arith.constant 0 : i32
        %dma_start3A_51 = tpu.memref_slice %arg6[%add3A_20, %dma_start3A_50] : memref<20000x128xf32, #tpu.memory_space<hbm>> -> memref<200x128xf32, #tpu.memory_space<hbm>>
        tpu.enqueue_dma source(%arg11 : memref<200x128xf32, #tpu.memory_space<vmem>>) target(%dma_start3A_51 : memref<200x128xf32, #tpu.memory_space<hbm>>) target_semaphore(%run_scoped3A : memref<!tpu.dma_semaphore, #tpu.memory_space<semaphore_mem>>)
        %dma_wait3A = arith.constant 0 : i32
        %dma_wait3A_52 = tpu.memref_slice %arg6[%add3A_20, %dma_wait3A] : memref<20000x128xf32, #tpu.memory_space<hbm>> -> memref<200x128xf32, #tpu.memory_space<hbm>>
        %dma_wait3A_53 = arith.constant 0 : i32
        %dma_wait3A_54 = tpu.memref_slice %arg6[%add3A_20, %dma_wait3A_53] : memref<20000x128xf32, #tpu.memory_space<hbm>> -> memref<200x128xf32, #tpu.memory_space<hbm>>
        tpu.wait_dma2 semaphore(%run_scoped3A : memref<!tpu.dma_semaphore, #tpu.memory_space<semaphore_mem>>) src(%arg11 : memref<200x128xf32, #tpu.memory_space<vmem>>) dst(%dma_wait3A_54 : memref<200x128xf32, #tpu.memory_space<hbm>>)
        tpu.yield
      }) : () -> ()
      %mul3A_21 = arith.constant 1000 : i32
      %mul3A_22 = arith.muli %arg1, %mul3A_21 : i32
      %add3A_23 = arith.constant 200 : i32
      %add3A_24 = arith.addi %mul3A_22, %add3A_23 : i32
      "tpu.region"() ({
        %run_scoped3A = tpu.sem_alloc : memref<!tpu.dma_semaphore, #tpu.memory_space<semaphore_mem>>
        %dma_start3A = arith.constant 0 : i32
        %dma_start3A_49 = tpu.memref_slice %arg7[%add3A_24, %dma_start3A] : memref<10000x128xf32, #tpu.memory_space<vmem_shared>> -> memref<200x128xf32, #tpu.memory_space<vmem_shared>>
        %dma_start3A_50 = arith.constant 0 : i32
        %dma_start3A_51 = tpu.memref_slice %arg7[%add3A_24, %dma_start3A_50] : memref<10000x128xf32, #tpu.memory_space<vmem_shared>> -> memref<200x128xf32, #tpu.memory_space<vmem_shared>>
        tpu.enqueue_dma source(%dma_start3A_51 : memref<200x128xf32, #tpu.memory_space<vmem_shared>>) target(%arg11 : memref<200x128xf32, #tpu.memory_space<vmem>>) target_semaphore(%run_scoped3A : memref<!tpu.dma_semaphore, #tpu.memory_space<semaphore_mem>>)
        %dma_wait3A = arith.constant 0 : i32
        %dma_wait3A_52 = tpu.memref_slice %arg7[%add3A_24, %dma_wait3A] : memref<10000x128xf32, #tpu.memory_space<vmem_shared>> -> memref<200x128xf32, #tpu.memory_space<vmem_shared>>
        %dma_wait3A_53 = arith.constant 0 : i32
        %dma_wait3A_54 = tpu.memref_slice %arg7[%add3A_24, %dma_wait3A_53] : memref<10000x128xf32, #tpu.memory_space<vmem_shared>> -> memref<200x128xf32, #tpu.memory_space<vmem_shared>>
        tpu.wait_dma2 semaphore(%run_scoped3A : memref<!tpu.dma_semaphore, #tpu.memory_space<semaphore_mem>>) src(%dma_wait3A_54 : memref<200x128xf32, #tpu.memory_space<vmem_shared>>) dst(%arg11 : memref<200x128xf32, #tpu.memory_space<vmem>>)
        tpu.yield
      }) : () -> ()
      %mul3A_25 = arith.constant 10000 : i32
      %mul3A_26 = arith.muli %arg0, %mul3A_25 : i32
      %add3A_27 = arith.addi %mul3A_26, %add3A_24 : i32
      "tpu.region"() ({
        %run_scoped3A = tpu.sem_alloc : memref<!tpu.dma_semaphore, #tpu.memory_space<semaphore_mem>>
        %dma_start3A = arith.constant 0 : i32
        %dma_start3A_49 = tpu.memref_slice %arg6[%add3A_27, %dma_start3A] : memref<20000x128xf32, #tpu.memory_space<hbm>> -> memref<200x128xf32, #tpu.memory_space<hbm>>
        %dma_start3A_50 = arith.constant 0 : i32
        %dma_start3A_51 = tpu.memref_slice %arg6[%add3A_27, %dma_start3A_50] : memref<20000x128xf32, #tpu.memory_space<hbm>> -> memref<200x128xf32, #tpu.memory_space<hbm>>
        tpu.enqueue_dma source(%arg11 : memref<200x128xf32, #tpu.memory_space<vmem>>) target(%dma_start3A_51 : memref<200x128xf32, #tpu.memory_space<hbm>>) target_semaphore(%run_scoped3A : memref<!tpu.dma_semaphore, #tpu.memory_space<semaphore_mem>>)
        %dma_wait3A = arith.constant 0 : i32
        %dma_wait3A_52 = tpu.memref_slice %arg6[%add3A_27, %dma_wait3A] : memref<20000x128xf32, #tpu.memory_space<hbm>> -> memref<200x128xf32, #tpu.memory_space<hbm>>
        %dma_wait3A_53 = arith.constant 0 : i32
        %dma_wait3A_54 = tpu.memref_slice %arg6[%add3A_27, %dma_wait3A_53] : memref<20000x128xf32, #tpu.memory_space<hbm>> -> memref<200x128xf32, #tpu.memory_space<hbm>>
        tpu.wait_dma2 semaphore(%run_scoped3A : memref<!tpu.dma_semaphore, #tpu.memory_space<semaphore_mem>>) src(%arg11 : memref<200x128xf32, #tpu.memory_space<vmem>>) dst(%dma_wait3A_54 : memref<200x128xf32, #tpu.memory_space<hbm>>)
        tpu.yield
      }) : () -> ()
      %mul3A_28 = arith.constant 1000 : i32
      %mul3A_29 = arith.muli %arg1, %mul3A_28 : i32
      %add3A_30 = arith.constant 400 : i32
      %add3A_31 = arith.addi %mul3A_29, %add3A_30 : i32
      "tpu.region"() ({
        %run_scoped3A = tpu.sem_alloc : memref<!tpu.dma_semaphore, #tpu.memory_space<semaphore_mem>>
        %dma_start3A = arith.constant 0 : i32
        %dma_start3A_49 = tpu.memref_slice %arg7[%add3A_31, %dma_start3A] : memref<10000x128xf32, #tpu.memory_space<vmem_shared>> -> memref<200x128xf32, #tpu.memory_space<vmem_shared>>
        %dma_start3A_50 = arith.constant 0 : i32
        %dma_start3A_51 = tpu.memref_slice %arg7[%add3A_31, %dma_start3A_50] : memref<10000x128xf32, #tpu.memory_space<vmem_shared>> -> memref<200x128xf32, #tpu.memory_space<vmem_shared>>
        tpu.enqueue_dma source(%dma_start3A_51 : memref<200x128xf32, #tpu.memory_space<vmem_shared>>) target(%arg11 : memref<200x128xf32, #tpu.memory_space<vmem>>) target_semaphore(%run_scoped3A : memref<!tpu.dma_semaphore, #tpu.memory_space<semaphore_mem>>)
        %dma_wait3A = arith.constant 0 : i32
        %dma_wait3A_52 = tpu.memref_slice %arg7[%add3A_31, %dma_wait3A] : memref<10000x128xf32, #tpu.memory_space<vmem_shared>> -> memref<200x128xf32, #tpu.memory_space<vmem_shared>>
        %dma_wait3A_53 = arith.constant 0 : i32
        %dma_wait3A_54 = tpu.memref_slice %arg7[%add3A_31, %dma_wait3A_53] : memref<10000x128xf32, #tpu.memory_space<vmem_shared>> -> memref<200x128xf32, #tpu.memory_space<vmem_shared>>
        tpu.wait_dma2 semaphore(%run_scoped3A : memref<!tpu.dma_semaphore, #tpu.memory_space<semaphore_mem>>) src(%dma_wait3A_54 : memref<200x128xf32, #tpu.memory_space<vmem_shared>>) dst(%arg11 : memref<200x128xf32, #tpu.memory_space<vmem>>)
        tpu.yield
      }) : () -> ()
      %mul3A_32 = arith.constant 10000 : i32
      %mul3A_33 = arith.muli %arg0, %mul3A_32 : i32
      %add3A_34 = arith.addi %mul3A_33, %add3A_31 : i32
      "tpu.region"() ({
        %run_scoped3A = tpu.sem_alloc : memref<!tpu.dma_semaphore, #tpu.memory_space<semaphore_mem>>
        %dma_start3A = arith.constant 0 : i32
        %dma_start3A_49 = tpu.memref_slice %arg6[%add3A_34, %dma_start3A] : memref<20000x128xf32, #tpu.memory_space<hbm>> -> memref<200x128xf32, #tpu.memory_space<hbm>>
        %dma_start3A_50 = arith.constant 0 : i32
        %dma_start3A_51 = tpu.memref_slice %arg6[%add3A_34, %dma_start3A_50] : memref<20000x128xf32, #tpu.memory_space<hbm>> -> memref<200x128xf32, #tpu.memory_space<hbm>>
        tpu.enqueue_dma source(%arg11 : memref<200x128xf32, #tpu.memory_space<vmem>>) target(%dma_start3A_51 : memref<200x128xf32, #tpu.memory_space<hbm>>) target_semaphore(%run_scoped3A : memref<!tpu.dma_semaphore, #tpu.memory_space<semaphore_mem>>)
        %dma_wait3A = arith.constant 0 : i32
        %dma_wait3A_52 = tpu.memref_slice %arg6[%add3A_34, %dma_wait3A] : memref<20000x128xf32, #tpu.memory_space<hbm>> -> memref<200x128xf32, #tpu.memory_space<hbm>>
        %dma_wait3A_53 = arith.constant 0 : i32
        %dma_wait3A_54 = tpu.memref_slice %arg6[%add3A_34, %dma_wait3A_53] : memref<20000x128xf32, #tpu.memory_space<hbm>> -> memref<200x128xf32, #tpu.memory_space<hbm>>
        tpu.wait_dma2 semaphore(%run_scoped3A : memref<!tpu.dma_semaphore, #tpu.memory_space<semaphore_mem>>) src(%arg11 : memref<200x128xf32, #tpu.memory_space<vmem>>) dst(%dma_wait3A_54 : memref<200x128xf32, #tpu.memory_space<hbm>>)
        tpu.yield
      }) : () -> ()
      %mul3A_35 = arith.constant 1000 : i32
      %mul3A_36 = arith.muli %arg1, %mul3A_35 : i32
      %add3A_37 = arith.constant 600 : i32
      %add3A_38 = arith.addi %mul3A_36, %add3A_37 : i32
      "tpu.region"() ({
        %run_scoped3A = tpu.sem_alloc : memref<!tpu.dma_semaphore, #tpu.memory_space<semaphore_mem>>
        %dma_start3A = arith.constant 0 : i32
        %dma_start3A_49 = tpu.memref_slice %arg7[%add3A_38, %dma_start3A] : memref<10000x128xf32, #tpu.memory_space<vmem_shared>> -> memref<200x128xf32, #tpu.memory_space<vmem_shared>>
        %dma_start3A_50 = arith.constant 0 : i32
        %dma_start3A_51 = tpu.memref_slice %arg7[%add3A_38, %dma_start3A_50] : memref<10000x128xf32, #tpu.memory_space<vmem_shared>> -> memref<200x128xf32, #tpu.memory_space<vmem_shared>>
        tpu.enqueue_dma source(%dma_start3A_51 : memref<200x128xf32, #tpu.memory_space<vmem_shared>>) target(%arg11 : memref<200x128xf32, #tpu.memory_space<vmem>>) target_semaphore(%run_scoped3A : memref<!tpu.dma_semaphore, #tpu.memory_space<semaphore_mem>>)
        %dma_wait3A = arith.constant 0 : i32
        %dma_wait3A_52 = tpu.memref_slice %arg7[%add3A_38, %dma_wait3A] : memref<10000x128xf32, #tpu.memory_space<vmem_shared>> -> memref<200x128xf32, #tpu.memory_space<vmem_shared>>
        %dma_wait3A_53 = arith.constant 0 : i32
        %dma_wait3A_54 = tpu.memref_slice %arg7[%add3A_38, %dma_wait3A_53] : memref<10000x128xf32, #tpu.memory_space<vmem_shared>> -> memref<200x128xf32, #tpu.memory_space<vmem_shared>>
        tpu.wait_dma2 semaphore(%run_scoped3A : memref<!tpu.dma_semaphore, #tpu.memory_space<semaphore_mem>>) src(%dma_wait3A_54 : memref<200x128xf32, #tpu.memory_space<vmem_shared>>) dst(%arg11 : memref<200x128xf32, #tpu.memory_space<vmem>>)
        tpu.yield
      }) : () -> ()
      %mul3A_39 = arith.constant 10000 : i32
      %mul3A_40 = arith.muli %arg0, %mul3A_39 : i32
      %add3A_41 = arith.addi %mul3A_40, %add3A_38 : i32
      "tpu.region"() ({
        %run_scoped3A = tpu.sem_alloc : memref<!tpu.dma_semaphore, #tpu.memory_space<semaphore_mem>>
        %dma_start3A = arith.constant 0 : i32
        %dma_start3A_49 = tpu.memref_slice %arg6[%add3A_41, %dma_start3A] : memref<20000x128xf32, #tpu.memory_space<hbm>> -> memref<200x128xf32, #tpu.memory_space<hbm>>
        %dma_start3A_50 = arith.constant 0 : i32
        %dma_start3A_51 = tpu.memref_slice %arg6[%add3A_41, %dma_start3A_50] : memref<20000x128xf32, #tpu.memory_space<hbm>> -> memref<200x128xf32, #tpu.memory_space<hbm>>
        tpu.enqueue_dma source(%arg11 : memref<200x128xf32, #tpu.memory_space<vmem>>) target(%dma_start3A_51 : memref<200x128xf32, #tpu.memory_space<hbm>>) target_semaphore(%run_scoped3A : memref<!tpu.dma_semaphore, #tpu.memory_space<semaphore_mem>>)
        %dma_wait3A = arith.constant 0 : i32
        %dma_wait3A_52 = tpu.memref_slice %arg6[%add3A_41, %dma_wait3A] : memref<20000x128xf32, #tpu.memory_space<hbm>> -> memref<200x128xf32, #tpu.memory_space<hbm>>
        %dma_wait3A_53 = arith.constant 0 : i32
        %dma_wait3A_54 = tpu.memref_slice %arg6[%add3A_41, %dma_wait3A_53] : memref<20000x128xf32, #tpu.memory_space<hbm>> -> memref<200x128xf32, #tpu.memory_space<hbm>>
        tpu.wait_dma2 semaphore(%run_scoped3A : memref<!tpu.dma_semaphore, #tpu.memory_space<semaphore_mem>>) src(%arg11 : memref<200x128xf32, #tpu.memory_space<vmem>>) dst(%dma_wait3A_54 : memref<200x128xf32, #tpu.memory_space<hbm>>)
        tpu.yield
      }) : () -> ()
      %mul3A_42 = arith.constant 1000 : i32
      %mul3A_43 = arith.muli %arg1, %mul3A_42 : i32
      %add3A_44 = arith.constant 800 : i32
      %add3A_45 = arith.addi %mul3A_43, %add3A_44 : i32
      "tpu.region"() ({
        %run_scoped3A = tpu.sem_alloc : memref<!tpu.dma_semaphore, #tpu.memory_space<semaphore_mem>>
        %dma_start3A = arith.constant 0 : i32
        %dma_start3A_49 = tpu.memref_slice %arg7[%add3A_45, %dma_start3A] : memref<10000x128xf32, #tpu.memory_space<vmem_shared>> -> memref<200x128xf32, #tpu.memory_space<vmem_shared>>
        %dma_start3A_50 = arith.constant 0 : i32
        %dma_start3A_51 = tpu.memref_slice %arg7[%add3A_45, %dma_start3A_50] : memref<10000x128xf32, #tpu.memory_space<vmem_shared>> -> memref<200x128xf32, #tpu.memory_space<vmem_shared>>
        tpu.enqueue_dma source(%dma_start3A_51 : memref<200x128xf32, #tpu.memory_space<vmem_shared>>) target(%arg11 : memref<200x128xf32, #tpu.memory_space<vmem>>) target_semaphore(%run_scoped3A : memref<!tpu.dma_semaphore, #tpu.memory_space<semaphore_mem>>)
        %dma_wait3A = arith.constant 0 : i32
        %dma_wait3A_52 = tpu.memref_slice %arg7[%add3A_45, %dma_wait3A] : memref<10000x128xf32, #tpu.memory_space<vmem_shared>> -> memref<200x128xf32, #tpu.memory_space<vmem_shared>>
        %dma_wait3A_53 = arith.constant 0 : i32
        %dma_wait3A_54 = tpu.memref_slice %arg7[%add3A_45, %dma_wait3A_53] : memref<10000x128xf32, #tpu.memory_space<vmem_shared>> -> memref<200x128xf32, #tpu.memory_space<vmem_shared>>
        tpu.wait_dma2 semaphore(%run_scoped3A : memref<!tpu.dma_semaphore, #tpu.memory_space<semaphore_mem>>) src(%dma_wait3A_54 : memref<200x128xf32, #tpu.memory_space<vmem_shared>>) dst(%arg11 : memref<200x128xf32, #tpu.memory_space<vmem>>)
        tpu.yield
      }) : () -> ()
      %mul3A_46 = arith.constant 10000 : i32
      %mul3A_47 = arith.muli %arg0, %mul3A_46 : i32
      %add3A_48 = arith.addi %mul3A_47, %add3A_45 : i32
      "tpu.region"() ({
        %run_scoped3A = tpu.sem_alloc : memref<!tpu.dma_semaphore, #tpu.memory_space<semaphore_mem>>
        %dma_start3A = arith.constant 0 : i32
        %dma_start3A_49 = tpu.memref_slice %arg6[%add3A_48, %dma_start3A] : memref<20000x128xf32, #tpu.memory_space<hbm>> -> memref<200x128xf32, #tpu.memory_space<hbm>>
        %dma_start3A_50 = arith.constant 0 : i32
        %dma_start3A_51 = tpu.memref_slice %arg6[%add3A_48, %dma_start3A_50] : memref<20000x128xf32, #tpu.memory_space<hbm>> -> memref<200x128xf32, #tpu.memory_space<hbm>>
        tpu.enqueue_dma source(%arg11 : memref<200x128xf32, #tpu.memory_space<vmem>>) target(%dma_start3A_51 : memref<200x128xf32, #tpu.memory_space<hbm>>) target_semaphore(%run_scoped3A : memref<!tpu.dma_semaphore, #tpu.memory_space<semaphore_mem>>)
        %dma_wait3A = arith.constant 0 : i32
        %dma_wait3A_52 = tpu.memref_slice %arg6[%add3A_48, %dma_wait3A] : memref<20000x128xf32, #tpu.memory_space<hbm>> -> memref<200x128xf32, #tpu.memory_space<hbm>>
        %dma_wait3A_53 = arith.constant 0 : i32
        %dma_wait3A_54 = tpu.memref_slice %arg6[%add3A_48, %dma_wait3A_53] : memref<20000x128xf32, #tpu.memory_space<hbm>> -> memref<200x128xf32, #tpu.memory_space<hbm>>
        tpu.wait_dma2 semaphore(%run_scoped3A : memref<!tpu.dma_semaphore, #tpu.memory_space<semaphore_mem>>) src(%arg11 : memref<200x128xf32, #tpu.memory_space<vmem>>) dst(%dma_wait3A_54 : memref<200x128xf32, #tpu.memory_space<hbm>>)
        tpu.yield
      }) : () -> ()
    } else {
    }
    return
  }
}

#map = affine_map<(d0, d1) -> (0, 0)>
#map1 = affine_map<(d0, d1) -> (0)>
module attributes {stable_mosaic.version = 14 : i64} {
  func.func @k(%arg0: i32, %arg1: i32, %arg2: memref<10000x128xf32, #tpu.memory_space<hbm>>, %arg3: memref<320000xi32, #tpu.memory_space<hbm>>, %arg4: memref<320000xi32, #tpu.memory_space<hbm>>, %arg5: memref<200x128xf32, #tpu.memory_space<hbm>>, %arg6: memref<20000x128xf32, #tpu.memory_space<hbm>>, %arg7: memref<10000x128xf32, #tpu.memory_space<vmem_shared>>, %arg8: memref<80xi32, #tpu.memory_space<vmem>>, %arg9: memref<80xi32, #tpu.memory_space<vmem>>, %arg10: memref<80x128xf32, #tpu.memory_space<vmem>>, %arg11: memref<200x128xf32, #tpu.memory_space<vmem>>, %arg12: memref<!tpu.dma_semaphore, #tpu.memory_space<semaphore_mem>>) attributes {dimension_semantics = [#tpu.dimension_semantics<core_parallel>, #tpu.dimension_semantics<subcore_parallel>], iteration_bounds = array<i64: 2, 16>, scalar_prefetch = 0 : i64, scratch_operands = 6 : i64, tpu.core_type = #tpu.core_type<sc_vector_subcore>, window_params = [{transform_indices = #map}, {transform_indices = #map1}, {transform_indices = #map1}, {transform_indices = #map}, {transform_indices = #map}]} {
    %mul3A = arith.constant 2 : i32
    %mul3A_0 = arith.muli %arg1, %mul3A : i32
    %add3A = arith.addi %mul3A_0, %arg0 : i32
    %lt3A = arith.constant 10 : i32
    %lt3A_1 = arith.cmpi slt, %arg1, %lt3A : i32
    %convert_element_type3A = arith.extui %lt3A_1 : i1 to i32
    %cond3A = arith.constant 0 : i32
    %cond3A_2 = arith.cmpi ne, %convert_element_type3A, %cond3A : i32
    scf.if %cond3A_2 {
      "tpu.region"() ({
        %run_scoped3A = tpu.sem_alloc : memref<!tpu.dma_semaphore, #tpu.memory_space<semaphore_mem>>
        tpu.enqueue_dma source(%arg5 : memref<200x128xf32, #tpu.memory_space<hbm>>) target(%arg11 : memref<200x128xf32, #tpu.memory_space<vmem>>) target_semaphore(%run_scoped3A : memref<!tpu.dma_semaphore, #tpu.memory_space<semaphore_mem>>)
        tpu.wait_dma2 semaphore(%run_scoped3A : memref<!tpu.dma_semaphore, #tpu.memory_space<semaphore_mem>>) src(%arg5 : memref<200x128xf32, #tpu.memory_space<hbm>>) dst(%arg11 : memref<200x128xf32, #tpu.memory_space<vmem>>)
        tpu.yield
      }) : () -> ()
      %mul3A_14 = arith.constant 1000 : i32
      %mul3A_15 = arith.muli %arg1, %mul3A_14 : i32
      %add3A_16 = arith.constant 0 : i32
      %add3A_17 = arith.addi %mul3A_15, %add3A_16 : i32
      "tpu.region"() ({
        %run_scoped3A = tpu.sem_alloc : memref<!tpu.dma_semaphore, #tpu.memory_space<semaphore_mem>>
        %dma_start3A = arith.constant 0 : i32
        %dma_start3A_34 = tpu.memref_slice %arg7[%add3A_17, %dma_start3A] : memref<10000x128xf32, #tpu.memory_space<vmem_shared>> -> memref<200x128xf32, #tpu.memory_space<vmem_shared>>
        %dma_start3A_35 = arith.constant 0 : i32
        %dma_start3A_36 = tpu.memref_slice %arg7[%add3A_17, %dma_start3A_35] : memref<10000x128xf32, #tpu.memory_space<vmem_shared>> -> memref<200x128xf32, #tpu.memory_space<vmem_shared>>
        tpu.enqueue_dma source(%arg11 : memref<200x128xf32, #tpu.memory_space<vmem>>) target(%dma_start3A_36 : memref<200x128xf32, #tpu.memory_space<vmem_shared>>) target_semaphore(%run_scoped3A : memref<!tpu.dma_semaphore, #tpu.memory_space<semaphore_mem>>)
        %dma_wait3A = arith.constant 0 : i32
        %dma_wait3A_37 = tpu.memref_slice %arg7[%add3A_17, %dma_wait3A] : memref<10000x128xf32, #tpu.memory_space<vmem_shared>> -> memref<200x128xf32, #tpu.memory_space<vmem_shared>>
        %dma_wait3A_38 = arith.constant 0 : i32
        %dma_wait3A_39 = tpu.memref_slice %arg7[%add3A_17, %dma_wait3A_38] : memref<10000x128xf32, #tpu.memory_space<vmem_shared>> -> memref<200x128xf32, #tpu.memory_space<vmem_shared>>
        tpu.wait_dma2 semaphore(%run_scoped3A : memref<!tpu.dma_semaphore, #tpu.memory_space<semaphore_mem>>) src(%arg11 : memref<200x128xf32, #tpu.memory_space<vmem>>) dst(%dma_wait3A_39 : memref<200x128xf32, #tpu.memory_space<vmem_shared>>)
        tpu.yield
      }) : () -> ()
      %mul3A_18 = arith.constant 1000 : i32
      %mul3A_19 = arith.muli %arg1, %mul3A_18 : i32
      %add3A_20 = arith.constant 200 : i32
      %add3A_21 = arith.addi %mul3A_19, %add3A_20 : i32
      "tpu.region"() ({
        %run_scoped3A = tpu.sem_alloc : memref<!tpu.dma_semaphore, #tpu.memory_space<semaphore_mem>>
        %dma_start3A = arith.constant 0 : i32
        %dma_start3A_34 = tpu.memref_slice %arg7[%add3A_21, %dma_start3A] : memref<10000x128xf32, #tpu.memory_space<vmem_shared>> -> memref<200x128xf32, #tpu.memory_space<vmem_shared>>
        %dma_start3A_35 = arith.constant 0 : i32
        %dma_start3A_36 = tpu.memref_slice %arg7[%add3A_21, %dma_start3A_35] : memref<10000x128xf32, #tpu.memory_space<vmem_shared>> -> memref<200x128xf32, #tpu.memory_space<vmem_shared>>
        tpu.enqueue_dma source(%arg11 : memref<200x128xf32, #tpu.memory_space<vmem>>) target(%dma_start3A_36 : memref<200x128xf32, #tpu.memory_space<vmem_shared>>) target_semaphore(%run_scoped3A : memref<!tpu.dma_semaphore, #tpu.memory_space<semaphore_mem>>)
        %dma_wait3A = arith.constant 0 : i32
        %dma_wait3A_37 = tpu.memref_slice %arg7[%add3A_21, %dma_wait3A] : memref<10000x128xf32, #tpu.memory_space<vmem_shared>> -> memref<200x128xf32, #tpu.memory_space<vmem_shared>>
        %dma_wait3A_38 = arith.constant 0 : i32
        %dma_wait3A_39 = tpu.memref_slice %arg7[%add3A_21, %dma_wait3A_38] : memref<10000x128xf32, #tpu.memory_space<vmem_shared>> -> memref<200x128xf32, #tpu.memory_space<vmem_shared>>
        tpu.wait_dma2 semaphore(%run_scoped3A : memref<!tpu.dma_semaphore, #tpu.memory_space<semaphore_mem>>) src(%arg11 : memref<200x128xf32, #tpu.memory_space<vmem>>) dst(%dma_wait3A_39 : memref<200x128xf32, #tpu.memory_space<vmem_shared>>)
        tpu.yield
      }) : () -> ()
      %mul3A_22 = arith.constant 1000 : i32
      %mul3A_23 = arith.muli %arg1, %mul3A_22 : i32
      %add3A_24 = arith.constant 400 : i32
      %add3A_25 = arith.addi %mul3A_23, %add3A_24 : i32
      "tpu.region"() ({
        %run_scoped3A = tpu.sem_alloc : memref<!tpu.dma_semaphore, #tpu.memory_space<semaphore_mem>>
        %dma_start3A = arith.constant 0 : i32
        %dma_start3A_34 = tpu.memref_slice %arg7[%add3A_25, %dma_start3A] : memref<10000x128xf32, #tpu.memory_space<vmem_shared>> -> memref<200x128xf32, #tpu.memory_space<vmem_shared>>
        %dma_start3A_35 = arith.constant 0 : i32
        %dma_start3A_36 = tpu.memref_slice %arg7[%add3A_25, %dma_start3A_35] : memref<10000x128xf32, #tpu.memory_space<vmem_shared>> -> memref<200x128xf32, #tpu.memory_space<vmem_shared>>
        tpu.enqueue_dma source(%arg11 : memref<200x128xf32, #tpu.memory_space<vmem>>) target(%dma_start3A_36 : memref<200x128xf32, #tpu.memory_space<vmem_shared>>) target_semaphore(%run_scoped3A : memref<!tpu.dma_semaphore, #tpu.memory_space<semaphore_mem>>)
        %dma_wait3A = arith.constant 0 : i32
        %dma_wait3A_37 = tpu.memref_slice %arg7[%add3A_25, %dma_wait3A] : memref<10000x128xf32, #tpu.memory_space<vmem_shared>> -> memref<200x128xf32, #tpu.memory_space<vmem_shared>>
        %dma_wait3A_38 = arith.constant 0 : i32
        %dma_wait3A_39 = tpu.memref_slice %arg7[%add3A_25, %dma_wait3A_38] : memref<10000x128xf32, #tpu.memory_space<vmem_shared>> -> memref<200x128xf32, #tpu.memory_space<vmem_shared>>
        tpu.wait_dma2 semaphore(%run_scoped3A : memref<!tpu.dma_semaphore, #tpu.memory_space<semaphore_mem>>) src(%arg11 : memref<200x128xf32, #tpu.memory_space<vmem>>) dst(%dma_wait3A_39 : memref<200x128xf32, #tpu.memory_space<vmem_shared>>)
        tpu.yield
      }) : () -> ()
      %mul3A_26 = arith.constant 1000 : i32
      %mul3A_27 = arith.muli %arg1, %mul3A_26 : i32
      %add3A_28 = arith.constant 600 : i32
      %add3A_29 = arith.addi %mul3A_27, %add3A_28 : i32
      "tpu.region"() ({
        %run_scoped3A = tpu.sem_alloc : memref<!tpu.dma_semaphore, #tpu.memory_space<semaphore_mem>>
        %dma_start3A = arith.constant 0 : i32
        %dma_start3A_34 = tpu.memref_slice %arg7[%add3A_29, %dma_start3A] : memref<10000x128xf32, #tpu.memory_space<vmem_shared>> -> memref<200x128xf32, #tpu.memory_space<vmem_shared>>
        %dma_start3A_35 = arith.constant 0 : i32
        %dma_start3A_36 = tpu.memref_slice %arg7[%add3A_29, %dma_start3A_35] : memref<10000x128xf32, #tpu.memory_space<vmem_shared>> -> memref<200x128xf32, #tpu.memory_space<vmem_shared>>
        tpu.enqueue_dma source(%arg11 : memref<200x128xf32, #tpu.memory_space<vmem>>) target(%dma_start3A_36 : memref<200x128xf32, #tpu.memory_space<vmem_shared>>) target_semaphore(%run_scoped3A : memref<!tpu.dma_semaphore, #tpu.memory_space<semaphore_mem>>)
        %dma_wait3A = arith.constant 0 : i32
        %dma_wait3A_37 = tpu.memref_slice %arg7[%add3A_29, %dma_wait3A] : memref<10000x128xf32, #tpu.memory_space<vmem_shared>> -> memref<200x128xf32, #tpu.memory_space<vmem_shared>>
        %dma_wait3A_38 = arith.constant 0 : i32
        %dma_wait3A_39 = tpu.memref_slice %arg7[%add3A_29, %dma_wait3A_38] : memref<10000x128xf32, #tpu.memory_space<vmem_shared>> -> memref<200x128xf32, #tpu.memory_space<vmem_shared>>
        tpu.wait_dma2 semaphore(%run_scoped3A : memref<!tpu.dma_semaphore, #tpu.memory_space<semaphore_mem>>) src(%arg11 : memref<200x128xf32, #tpu.memory_space<vmem>>) dst(%dma_wait3A_39 : memref<200x128xf32, #tpu.memory_space<vmem_shared>>)
        tpu.yield
      }) : () -> ()
      %mul3A_30 = arith.constant 1000 : i32
      %mul3A_31 = arith.muli %arg1, %mul3A_30 : i32
      %add3A_32 = arith.constant 800 : i32
      %add3A_33 = arith.addi %mul3A_31, %add3A_32 : i32
      "tpu.region"() ({
        %run_scoped3A = tpu.sem_alloc : memref<!tpu.dma_semaphore, #tpu.memory_space<semaphore_mem>>
        %dma_start3A = arith.constant 0 : i32
        %dma_start3A_34 = tpu.memref_slice %arg7[%add3A_33, %dma_start3A] : memref<10000x128xf32, #tpu.memory_space<vmem_shared>> -> memref<200x128xf32, #tpu.memory_space<vmem_shared>>
        %dma_start3A_35 = arith.constant 0 : i32
        %dma_start3A_36 = tpu.memref_slice %arg7[%add3A_33, %dma_start3A_35] : memref<10000x128xf32, #tpu.memory_space<vmem_shared>> -> memref<200x128xf32, #tpu.memory_space<vmem_shared>>
        tpu.enqueue_dma source(%arg11 : memref<200x128xf32, #tpu.memory_space<vmem>>) target(%dma_start3A_36 : memref<200x128xf32, #tpu.memory_space<vmem_shared>>) target_semaphore(%run_scoped3A : memref<!tpu.dma_semaphore, #tpu.memory_space<semaphore_mem>>)
        %dma_wait3A = arith.constant 0 : i32
        %dma_wait3A_37 = tpu.memref_slice %arg7[%add3A_33, %dma_wait3A] : memref<10000x128xf32, #tpu.memory_space<vmem_shared>> -> memref<200x128xf32, #tpu.memory_space<vmem_shared>>
        %dma_wait3A_38 = arith.constant 0 : i32
        %dma_wait3A_39 = tpu.memref_slice %arg7[%add3A_33, %dma_wait3A_38] : memref<10000x128xf32, #tpu.memory_space<vmem_shared>> -> memref<200x128xf32, #tpu.memory_space<vmem_shared>>
        tpu.wait_dma2 semaphore(%run_scoped3A : memref<!tpu.dma_semaphore, #tpu.memory_space<semaphore_mem>>) src(%arg11 : memref<200x128xf32, #tpu.memory_space<vmem>>) dst(%dma_wait3A_39 : memref<200x128xf32, #tpu.memory_space<vmem_shared>>)
        tpu.yield
      }) : () -> ()
    } else {
    }
    %barrier3A = arith.constant 0 : index
    tpu.barrier barrier_id(%barrier3A)
    %scan3A = arith.constant 0 : i32
    %scan3A_3 = arith.constant 0 : i32
    %scan3A_4 = arith.constant 125 : i32
    %scan3A_5 = arith.addi %scan3A_3, %scan3A_4 : i32
    %scan3A_6 = arith.constant 1 : i32
    scf.for %scan3A_14 = %scan3A_3 to %scan3A_5 step %scan3A_6  : i32 {
      %mul3A_15 = arith.constant 10000 : i32
      %mul3A_16 = arith.muli %add3A, %mul3A_15 : i32
      %mul3A_17 = arith.constant 80 : i32
      %mul3A_18 = arith.muli %scan3A_14, %mul3A_17 : i32
      %add3A_19 = arith.addi %mul3A_16, %mul3A_18 : i32
      %multiple_of3A = tpu.assume_multiple %add3A_19, 8 : i32
      "tpu.region"() ({
        %run_scoped3A = tpu.sem_alloc : memref<!tpu.dma_semaphore, #tpu.memory_space<semaphore_mem>>
        %dma_start3A_24 = tpu.memref_slice %arg3[%multiple_of3A] : memref<320000xi32, #tpu.memory_space<hbm>> -> memref<80xi32, #tpu.memory_space<hbm>>
        %dma_start3A_25 = tpu.memref_slice %arg3[%multiple_of3A] : memref<320000xi32, #tpu.memory_space<hbm>> -> memref<80xi32, #tpu.memory_space<hbm>>
        tpu.enqueue_dma source(%dma_start3A_25 : memref<80xi32, #tpu.memory_space<hbm>>) target(%arg8 : memref<80xi32, #tpu.memory_space<vmem>>) target_semaphore(%run_scoped3A : memref<!tpu.dma_semaphore, #tpu.memory_space<semaphore_mem>>)
        %dma_wait3A_26 = tpu.memref_slice %arg3[%multiple_of3A] : memref<320000xi32, #tpu.memory_space<hbm>> -> memref<80xi32, #tpu.memory_space<hbm>>
        %dma_wait3A_27 = tpu.memref_slice %arg3[%multiple_of3A] : memref<320000xi32, #tpu.memory_space<hbm>> -> memref<80xi32, #tpu.memory_space<hbm>>
        tpu.wait_dma2 semaphore(%run_scoped3A : memref<!tpu.dma_semaphore, #tpu.memory_space<semaphore_mem>>) src(%dma_wait3A_27 : memref<80xi32, #tpu.memory_space<hbm>>) dst(%arg8 : memref<80xi32, #tpu.memory_space<vmem>>)
        tpu.yield
      }) : () -> ()
      "tpu.region"() ({
        %run_scoped3A = tpu.sem_alloc : memref<!tpu.dma_semaphore, #tpu.memory_space<semaphore_mem>>
        %dma_start3A_24 = tpu.memref_slice %arg4[%multiple_of3A] : memref<320000xi32, #tpu.memory_space<hbm>> -> memref<80xi32, #tpu.memory_space<hbm>>
        %dma_start3A_25 = tpu.memref_slice %arg4[%multiple_of3A] : memref<320000xi32, #tpu.memory_space<hbm>> -> memref<80xi32, #tpu.memory_space<hbm>>
        tpu.enqueue_dma source(%dma_start3A_25 : memref<80xi32, #tpu.memory_space<hbm>>) target(%arg9 : memref<80xi32, #tpu.memory_space<vmem>>) target_semaphore(%run_scoped3A : memref<!tpu.dma_semaphore, #tpu.memory_space<semaphore_mem>>)
        %dma_wait3A_26 = tpu.memref_slice %arg4[%multiple_of3A] : memref<320000xi32, #tpu.memory_space<hbm>> -> memref<80xi32, #tpu.memory_space<hbm>>
        %dma_wait3A_27 = tpu.memref_slice %arg4[%multiple_of3A] : memref<320000xi32, #tpu.memory_space<hbm>> -> memref<80xi32, #tpu.memory_space<hbm>>
        tpu.wait_dma2 semaphore(%run_scoped3A : memref<!tpu.dma_semaphore, #tpu.memory_space<semaphore_mem>>) src(%dma_wait3A_27 : memref<80xi32, #tpu.memory_space<hbm>>) dst(%arg9 : memref<80xi32, #tpu.memory_space<vmem>>)
        tpu.yield
      }) : () -> ()
      %dma_start3A = arith.constant 0 : i32
      %dma_start3A_20 = arith.constant 0 : i32
      %dma_start3A_21 = tpu.memref_slice %arg2[%dma_start3A, %dma_start3A_20] : memref<10000x128xf32, #tpu.memory_space<hbm>> -> memref<10000x128xf32, #tpu.memory_space<hbm>>
      tpu.enqueue_indirect_dma source(%dma_start3A_21 : memref<10000x128xf32, #tpu.memory_space<hbm>>) target(%arg10 : memref<80x128xf32, #tpu.memory_space<vmem>>) offsets(%arg8 : memref<80xi32, #tpu.memory_space<vmem>>) semaphore(%arg12 : memref<!tpu.dma_semaphore, #tpu.memory_space<semaphore_mem>>)
      %dma_wait3A = arith.constant 0 : i32
      %dma_wait3A_22 = arith.constant 0 : i32
      %dma_wait3A_23 = tpu.memref_slice %arg2[%dma_wait3A, %dma_wait3A_22] : memref<10000x128xf32, #tpu.memory_space<hbm>> -> memref<10000x128xf32, #tpu.memory_space<hbm>>
      tpu.wait_indirect_dma semaphore(%arg12 : memref<!tpu.dma_semaphore, #tpu.memory_space<semaphore_mem>>) src(%dma_wait3A_23 : memref<10000x128xf32, #tpu.memory_space<hbm>>) dst(%arg10 : memref<80x128xf32, #tpu.memory_space<vmem>>)
      "tpu.region"() ({
        %run_scoped3A = tpu.sem_alloc : memref<!tpu.dma_semaphore, #tpu.memory_space<semaphore_mem>>
        %dma_start3A_24 = arith.constant 0 : i32
        %dma_start3A_25 = arith.constant 0 : i32
        %dma_start3A_26 = tpu.memref_slice %arg7[%dma_start3A_24, %dma_start3A_25] : memref<10000x128xf32, #tpu.memory_space<vmem_shared>> -> memref<10000x128xf32, #tpu.memory_space<vmem_shared>>
        tpu.enqueue_indirect_dma source(%arg10 : memref<80x128xf32, #tpu.memory_space<vmem>>) target(%dma_start3A_26 : memref<10000x128xf32, #tpu.memory_space<vmem_shared>>) offsets(%arg9 : memref<80xi32, #tpu.memory_space<vmem>>) semaphore(%run_scoped3A : memref<!tpu.dma_semaphore, #tpu.memory_space<semaphore_mem>>) {add = true}
        %dma_wait3A_27 = arith.constant 0 : i32
        %dma_wait3A_28 = arith.constant 0 : i32
        %dma_wait3A_29 = tpu.memref_slice %arg7[%dma_wait3A_27, %dma_wait3A_28] : memref<10000x128xf32, #tpu.memory_space<vmem_shared>> -> memref<10000x128xf32, #tpu.memory_space<vmem_shared>>
        tpu.wait_indirect_dma semaphore(%run_scoped3A : memref<!tpu.dma_semaphore, #tpu.memory_space<semaphore_mem>>) src(%arg10 : memref<80x128xf32, #tpu.memory_space<vmem>>) dst(%dma_wait3A_29 : memref<10000x128xf32, #tpu.memory_space<vmem_shared>>)
        tpu.yield
      }) : () -> ()
    }
    %scan3A_7 = arith.constant 125 : i32
    %barrier3A_8 = arith.constant 0 : index
    tpu.barrier barrier_id(%barrier3A_8)
    %lt3A_9 = arith.constant 10 : i32
    %lt3A_10 = arith.cmpi slt, %arg1, %lt3A_9 : i32
    %convert_element_type3A_11 = arith.extui %lt3A_10 : i1 to i32
    %cond3A_12 = arith.constant 0 : i32
    %cond3A_13 = arith.cmpi ne, %convert_element_type3A_11, %cond3A_12 : i32
    scf.if %cond3A_13 {
      %mul3A_14 = arith.constant 1000 : i32
      %mul3A_15 = arith.muli %arg1, %mul3A_14 : i32
      %add3A_16 = arith.constant 0 : i32
      %add3A_17 = arith.addi %mul3A_15, %add3A_16 : i32
      "tpu.region"() ({
        %run_scoped3A = tpu.sem_alloc : memref<!tpu.dma_semaphore, #tpu.memory_space<semaphore_mem>>
        %dma_start3A = arith.constant 0 : i32
        %dma_start3A_49 = tpu.memref_slice %arg7[%add3A_17, %dma_start3A] : memref<10000x128xf32, #tpu.memory_space<vmem_shared>> -> memref<200x128xf32, #tpu.memory_space<vmem_shared>>
        %dma_start3A_50 = arith.constant 0 : i32
        %dma_start3A_51 = tpu.memref_slice %arg7[%add3A_17, %dma_start3A_50] : memref<10000x128xf32, #tpu.memory_space<vmem_shared>> -> memref<200x128xf32, #tpu.memory_space<vmem_shared>>
        tpu.enqueue_dma source(%dma_start3A_51 : memref<200x128xf32, #tpu.memory_space<vmem_shared>>) target(%arg11 : memref<200x128xf32, #tpu.memory_space<vmem>>) target_semaphore(%run_scoped3A : memref<!tpu.dma_semaphore, #tpu.memory_space<semaphore_mem>>)
        %dma_wait3A = arith.constant 0 : i32
        %dma_wait3A_52 = tpu.memref_slice %arg7[%add3A_17, %dma_wait3A] : memref<10000x128xf32, #tpu.memory_space<vmem_shared>> -> memref<200x128xf32, #tpu.memory_space<vmem_shared>>
        %dma_wait3A_53 = arith.constant 0 : i32
        %dma_wait3A_54 = tpu.memref_slice %arg7[%add3A_17, %dma_wait3A_53] : memref<10000x128xf32, #tpu.memory_space<vmem_shared>> -> memref<200x128xf32, #tpu.memory_space<vmem_shared>>
        tpu.wait_dma2 semaphore(%run_scoped3A : memref<!tpu.dma_semaphore, #tpu.memory_space<semaphore_mem>>) src(%dma_wait3A_54 : memref<200x128xf32, #tpu.memory_space<vmem_shared>>) dst(%arg11 : memref<200x128xf32, #tpu.memory_space<vmem>>)
        tpu.yield
      }) : () -> ()
      %mul3A_18 = arith.constant 10000 : i32
      %mul3A_19 = arith.muli %arg0, %mul3A_18 : i32
      %add3A_20 = arith.addi %mul3A_19, %add3A_17 : i32
      "tpu.region"() ({
        %run_scoped3A = tpu.sem_alloc : memref<!tpu.dma_semaphore, #tpu.memory_space<semaphore_mem>>
        %dma_start3A = arith.constant 0 : i32
        %dma_start3A_49 = tpu.memref_slice %arg6[%add3A_20, %dma_start3A] : memref<20000x128xf32, #tpu.memory_space<hbm>> -> memref<200x128xf32, #tpu.memory_space<hbm>>
        %dma_start3A_50 = arith.constant 0 : i32
        %dma_start3A_51 = tpu.memref_slice %arg6[%add3A_20, %dma_start3A_50] : memref<20000x128xf32, #tpu.memory_space<hbm>> -> memref<200x128xf32, #tpu.memory_space<hbm>>
        tpu.enqueue_dma source(%arg11 : memref<200x128xf32, #tpu.memory_space<vmem>>) target(%dma_start3A_51 : memref<200x128xf32, #tpu.memory_space<hbm>>) target_semaphore(%run_scoped3A : memref<!tpu.dma_semaphore, #tpu.memory_space<semaphore_mem>>)
        %dma_wait3A = arith.constant 0 : i32
        %dma_wait3A_52 = tpu.memref_slice %arg6[%add3A_20, %dma_wait3A] : memref<20000x128xf32, #tpu.memory_space<hbm>> -> memref<200x128xf32, #tpu.memory_space<hbm>>
        %dma_wait3A_53 = arith.constant 0 : i32
        %dma_wait3A_54 = tpu.memref_slice %arg6[%add3A_20, %dma_wait3A_53] : memref<20000x128xf32, #tpu.memory_space<hbm>> -> memref<200x128xf32, #tpu.memory_space<hbm>>
        tpu.wait_dma2 semaphore(%run_scoped3A : memref<!tpu.dma_semaphore, #tpu.memory_space<semaphore_mem>>) src(%arg11 : memref<200x128xf32, #tpu.memory_space<vmem>>) dst(%dma_wait3A_54 : memref<200x128xf32, #tpu.memory_space<hbm>>)
        tpu.yield
      }) : () -> ()
      %mul3A_21 = arith.constant 1000 : i32
      %mul3A_22 = arith.muli %arg1, %mul3A_21 : i32
      %add3A_23 = arith.constant 200 : i32
      %add3A_24 = arith.addi %mul3A_22, %add3A_23 : i32
      "tpu.region"() ({
        %run_scoped3A = tpu.sem_alloc : memref<!tpu.dma_semaphore, #tpu.memory_space<semaphore_mem>>
        %dma_start3A = arith.constant 0 : i32
        %dma_start3A_49 = tpu.memref_slice %arg7[%add3A_24, %dma_start3A] : memref<10000x128xf32, #tpu.memory_space<vmem_shared>> -> memref<200x128xf32, #tpu.memory_space<vmem_shared>>
        %dma_start3A_50 = arith.constant 0 : i32
        %dma_start3A_51 = tpu.memref_slice %arg7[%add3A_24, %dma_start3A_50] : memref<10000x128xf32, #tpu.memory_space<vmem_shared>> -> memref<200x128xf32, #tpu.memory_space<vmem_shared>>
        tpu.enqueue_dma source(%dma_start3A_51 : memref<200x128xf32, #tpu.memory_space<vmem_shared>>) target(%arg11 : memref<200x128xf32, #tpu.memory_space<vmem>>) target_semaphore(%run_scoped3A : memref<!tpu.dma_semaphore, #tpu.memory_space<semaphore_mem>>)
        %dma_wait3A = arith.constant 0 : i32
        %dma_wait3A_52 = tpu.memref_slice %arg7[%add3A_24, %dma_wait3A] : memref<10000x128xf32, #tpu.memory_space<vmem_shared>> -> memref<200x128xf32, #tpu.memory_space<vmem_shared>>
        %dma_wait3A_53 = arith.constant 0 : i32
        %dma_wait3A_54 = tpu.memref_slice %arg7[%add3A_24, %dma_wait3A_53] : memref<10000x128xf32, #tpu.memory_space<vmem_shared>> -> memref<200x128xf32, #tpu.memory_space<vmem_shared>>
        tpu.wait_dma2 semaphore(%run_scoped3A : memref<!tpu.dma_semaphore, #tpu.memory_space<semaphore_mem>>) src(%dma_wait3A_54 : memref<200x128xf32, #tpu.memory_space<vmem_shared>>) dst(%arg11 : memref<200x128xf32, #tpu.memory_space<vmem>>)
        tpu.yield
      }) : () -> ()
      %mul3A_25 = arith.constant 10000 : i32
      %mul3A_26 = arith.muli %arg0, %mul3A_25 : i32
      %add3A_27 = arith.addi %mul3A_26, %add3A_24 : i32
      "tpu.region"() ({
        %run_scoped3A = tpu.sem_alloc : memref<!tpu.dma_semaphore, #tpu.memory_space<semaphore_mem>>
        %dma_start3A = arith.constant 0 : i32
        %dma_start3A_49 = tpu.memref_slice %arg6[%add3A_27, %dma_start3A] : memref<20000x128xf32, #tpu.memory_space<hbm>> -> memref<200x128xf32, #tpu.memory_space<hbm>>
        %dma_start3A_50 = arith.constant 0 : i32
        %dma_start3A_51 = tpu.memref_slice %arg6[%add3A_27, %dma_start3A_50] : memref<20000x128xf32, #tpu.memory_space<hbm>> -> memref<200x128xf32, #tpu.memory_space<hbm>>
        tpu.enqueue_dma source(%arg11 : memref<200x128xf32, #tpu.memory_space<vmem>>) target(%dma_start3A_51 : memref<200x128xf32, #tpu.memory_space<hbm>>) target_semaphore(%run_scoped3A : memref<!tpu.dma_semaphore, #tpu.memory_space<semaphore_mem>>)
        %dma_wait3A = arith.constant 0 : i32
        %dma_wait3A_52 = tpu.memref_slice %arg6[%add3A_27, %dma_wait3A] : memref<20000x128xf32, #tpu.memory_space<hbm>> -> memref<200x128xf32, #tpu.memory_space<hbm>>
        %dma_wait3A_53 = arith.constant 0 : i32
        %dma_wait3A_54 = tpu.memref_slice %arg6[%add3A_27, %dma_wait3A_53] : memref<20000x128xf32, #tpu.memory_space<hbm>> -> memref<200x128xf32, #tpu.memory_space<hbm>>
        tpu.wait_dma2 semaphore(%run_scoped3A : memref<!tpu.dma_semaphore, #tpu.memory_space<semaphore_mem>>) src(%arg11 : memref<200x128xf32, #tpu.memory_space<vmem>>) dst(%dma_wait3A_54 : memref<200x128xf32, #tpu.memory_space<hbm>>)
        tpu.yield
      }) : () -> ()
      %mul3A_28 = arith.constant 1000 : i32
      %mul3A_29 = arith.muli %arg1, %mul3A_28 : i32
      %add3A_30 = arith.constant 400 : i32
      %add3A_31 = arith.addi %mul3A_29, %add3A_30 : i32
      "tpu.region"() ({
        %run_scoped3A = tpu.sem_alloc : memref<!tpu.dma_semaphore, #tpu.memory_space<semaphore_mem>>
        %dma_start3A = arith.constant 0 : i32
        %dma_start3A_49 = tpu.memref_slice %arg7[%add3A_31, %dma_start3A] : memref<10000x128xf32, #tpu.memory_space<vmem_shared>> -> memref<200x128xf32, #tpu.memory_space<vmem_shared>>
        %dma_start3A_50 = arith.constant 0 : i32
        %dma_start3A_51 = tpu.memref_slice %arg7[%add3A_31, %dma_start3A_50] : memref<10000x128xf32, #tpu.memory_space<vmem_shared>> -> memref<200x128xf32, #tpu.memory_space<vmem_shared>>
        tpu.enqueue_dma source(%dma_start3A_51 : memref<200x128xf32, #tpu.memory_space<vmem_shared>>) target(%arg11 : memref<200x128xf32, #tpu.memory_space<vmem>>) target_semaphore(%run_scoped3A : memref<!tpu.dma_semaphore, #tpu.memory_space<semaphore_mem>>)
        %dma_wait3A = arith.constant 0 : i32
        %dma_wait3A_52 = tpu.memref_slice %arg7[%add3A_31, %dma_wait3A] : memref<10000x128xf32, #tpu.memory_space<vmem_shared>> -> memref<200x128xf32, #tpu.memory_space<vmem_shared>>
        %dma_wait3A_53 = arith.constant 0 : i32
        %dma_wait3A_54 = tpu.memref_slice %arg7[%add3A_31, %dma_wait3A_53] : memref<10000x128xf32, #tpu.memory_space<vmem_shared>> -> memref<200x128xf32, #tpu.memory_space<vmem_shared>>
        tpu.wait_dma2 semaphore(%run_scoped3A : memref<!tpu.dma_semaphore, #tpu.memory_space<semaphore_mem>>) src(%dma_wait3A_54 : memref<200x128xf32, #tpu.memory_space<vmem_shared>>) dst(%arg11 : memref<200x128xf32, #tpu.memory_space<vmem>>)
        tpu.yield
      }) : () -> ()
      %mul3A_32 = arith.constant 10000 : i32
      %mul3A_33 = arith.muli %arg0, %mul3A_32 : i32
      %add3A_34 = arith.addi %mul3A_33, %add3A_31 : i32
      "tpu.region"() ({
        %run_scoped3A = tpu.sem_alloc : memref<!tpu.dma_semaphore, #tpu.memory_space<semaphore_mem>>
        %dma_start3A = arith.constant 0 : i32
        %dma_start3A_49 = tpu.memref_slice %arg6[%add3A_34, %dma_start3A] : memref<20000x128xf32, #tpu.memory_space<hbm>> -> memref<200x128xf32, #tpu.memory_space<hbm>>
        %dma_start3A_50 = arith.constant 0 : i32
        %dma_start3A_51 = tpu.memref_slice %arg6[%add3A_34, %dma_start3A_50] : memref<20000x128xf32, #tpu.memory_space<hbm>> -> memref<200x128xf32, #tpu.memory_space<hbm>>
        tpu.enqueue_dma source(%arg11 : memref<200x128xf32, #tpu.memory_space<vmem>>) target(%dma_start3A_51 : memref<200x128xf32, #tpu.memory_space<hbm>>) target_semaphore(%run_scoped3A : memref<!tpu.dma_semaphore, #tpu.memory_space<semaphore_mem>>)
        %dma_wait3A = arith.constant 0 : i32
        %dma_wait3A_52 = tpu.memref_slice %arg6[%add3A_34, %dma_wait3A] : memref<20000x128xf32, #tpu.memory_space<hbm>> -> memref<200x128xf32, #tpu.memory_space<hbm>>
        %dma_wait3A_53 = arith.constant 0 : i32
        %dma_wait3A_54 = tpu.memref_slice %arg6[%add3A_34, %dma_wait3A_53] : memref<20000x128xf32, #tpu.memory_space<hbm>> -> memref<200x128xf32, #tpu.memory_space<hbm>>
        tpu.wait_dma2 semaphore(%run_scoped3A : memref<!tpu.dma_semaphore, #tpu.memory_space<semaphore_mem>>) src(%arg11 : memref<200x128xf32, #tpu.memory_space<vmem>>) dst(%dma_wait3A_54 : memref<200x128xf32, #tpu.memory_space<hbm>>)
        tpu.yield
      }) : () -> ()
      %mul3A_35 = arith.constant 1000 : i32
      %mul3A_36 = arith.muli %arg1, %mul3A_35 : i32
      %add3A_37 = arith.constant 600 : i32
      %add3A_38 = arith.addi %mul3A_36, %add3A_37 : i32
      "tpu.region"() ({
        %run_scoped3A = tpu.sem_alloc : memref<!tpu.dma_semaphore, #tpu.memory_space<semaphore_mem>>
        %dma_start3A = arith.constant 0 : i32
        %dma_start3A_49 = tpu.memref_slice %arg7[%add3A_38, %dma_start3A] : memref<10000x128xf32, #tpu.memory_space<vmem_shared>> -> memref<200x128xf32, #tpu.memory_space<vmem_shared>>
        %dma_start3A_50 = arith.constant 0 : i32
        %dma_start3A_51 = tpu.memref_slice %arg7[%add3A_38, %dma_start3A_50] : memref<10000x128xf32, #tpu.memory_space<vmem_shared>> -> memref<200x128xf32, #tpu.memory_space<vmem_shared>>
        tpu.enqueue_dma source(%dma_start3A_51 : memref<200x128xf32, #tpu.memory_space<vmem_shared>>) target(%arg11 : memref<200x128xf32, #tpu.memory_space<vmem>>) target_semaphore(%run_scoped3A : memref<!tpu.dma_semaphore, #tpu.memory_space<semaphore_mem>>)
        %dma_wait3A = arith.constant 0 : i32
        %dma_wait3A_52 = tpu.memref_slice %arg7[%add3A_38, %dma_wait3A] : memref<10000x128xf32, #tpu.memory_space<vmem_shared>> -> memref<200x128xf32, #tpu.memory_space<vmem_shared>>
        %dma_wait3A_53 = arith.constant 0 : i32
        %dma_wait3A_54 = tpu.memref_slice %arg7[%add3A_38, %dma_wait3A_53] : memref<10000x128xf32, #tpu.memory_space<vmem_shared>> -> memref<200x128xf32, #tpu.memory_space<vmem_shared>>
        tpu.wait_dma2 semaphore(%run_scoped3A : memref<!tpu.dma_semaphore, #tpu.memory_space<semaphore_mem>>) src(%dma_wait3A_54 : memref<200x128xf32, #tpu.memory_space<vmem_shared>>) dst(%arg11 : memref<200x128xf32, #tpu.memory_space<vmem>>)
        tpu.yield
      }) : () -> ()
      %mul3A_39 = arith.constant 10000 : i32
      %mul3A_40 = arith.muli %arg0, %mul3A_39 : i32
      %add3A_41 = arith.addi %mul3A_40, %add3A_38 : i32
      "tpu.region"() ({
        %run_scoped3A = tpu.sem_alloc : memref<!tpu.dma_semaphore, #tpu.memory_space<semaphore_mem>>
        %dma_start3A = arith.constant 0 : i32
        %dma_start3A_49 = tpu.memref_slice %arg6[%add3A_41, %dma_start3A] : memref<20000x128xf32, #tpu.memory_space<hbm>> -> memref<200x128xf32, #tpu.memory_space<hbm>>
        %dma_start3A_50 = arith.constant 0 : i32
        %dma_start3A_51 = tpu.memref_slice %arg6[%add3A_41, %dma_start3A_50] : memref<20000x128xf32, #tpu.memory_space<hbm>> -> memref<200x128xf32, #tpu.memory_space<hbm>>
        tpu.enqueue_dma source(%arg11 : memref<200x128xf32, #tpu.memory_space<vmem>>) target(%dma_start3A_51 : memref<200x128xf32, #tpu.memory_space<hbm>>) target_semaphore(%run_scoped3A : memref<!tpu.dma_semaphore, #tpu.memory_space<semaphore_mem>>)
        %dma_wait3A = arith.constant 0 : i32
        %dma_wait3A_52 = tpu.memref_slice %arg6[%add3A_41, %dma_wait3A] : memref<20000x128xf32, #tpu.memory_space<hbm>> -> memref<200x128xf32, #tpu.memory_space<hbm>>
        %dma_wait3A_53 = arith.constant 0 : i32
        %dma_wait3A_54 = tpu.memref_slice %arg6[%add3A_41, %dma_wait3A_53] : memref<20000x128xf32, #tpu.memory_space<hbm>> -> memref<200x128xf32, #tpu.memory_space<hbm>>
        tpu.wait_dma2 semaphore(%run_scoped3A : memref<!tpu.dma_semaphore, #tpu.memory_space<semaphore_mem>>) src(%arg11 : memref<200x128xf32, #tpu.memory_space<vmem>>) dst(%dma_wait3A_54 : memref<200x128xf32, #tpu.memory_space<hbm>>)
        tpu.yield
      }) : () -> ()
      %mul3A_42 = arith.constant 1000 : i32
      %mul3A_43 = arith.muli %arg1, %mul3A_42 : i32
      %add3A_44 = arith.constant 800 : i32
      %add3A_45 = arith.addi %mul3A_43, %add3A_44 : i32
      "tpu.region"() ({
        %run_scoped3A = tpu.sem_alloc : memref<!tpu.dma_semaphore, #tpu.memory_space<semaphore_mem>>
        %dma_start3A = arith.constant 0 : i32
        %dma_start3A_49 = tpu.memref_slice %arg7[%add3A_45, %dma_start3A] : memref<10000x128xf32, #tpu.memory_space<vmem_shared>> -> memref<200x128xf32, #tpu.memory_space<vmem_shared>>
        %dma_start3A_50 = arith.constant 0 : i32
        %dma_start3A_51 = tpu.memref_slice %arg7[%add3A_45, %dma_start3A_50] : memref<10000x128xf32, #tpu.memory_space<vmem_shared>> -> memref<200x128xf32, #tpu.memory_space<vmem_shared>>
        tpu.enqueue_dma source(%dma_start3A_51 : memref<200x128xf32, #tpu.memory_space<vmem_shared>>) target(%arg11 : memref<200x128xf32, #tpu.memory_space<vmem>>) target_semaphore(%run_scoped3A : memref<!tpu.dma_semaphore, #tpu.memory_space<semaphore_mem>>)
        %dma_wait3A = arith.constant 0 : i32
        %dma_wait3A_52 = tpu.memref_slice %arg7[%add3A_45, %dma_wait3A] : memref<10000x128xf32, #tpu.memory_space<vmem_shared>> -> memref<200x128xf32, #tpu.memory_space<vmem_shared>>
        %dma_wait3A_53 = arith.constant 0 : i32
        %dma_wait3A_54 = tpu.memref_slice %arg7[%add3A_45, %dma_wait3A_53] : memref<10000x128xf32, #tpu.memory_space<vmem_shared>> -> memref<200x128xf32, #tpu.memory_space<vmem_shared>>
        tpu.wait_dma2 semaphore(%run_scoped3A : memref<!tpu.dma_semaphore, #tpu.memory_space<semaphore_mem>>) src(%dma_wait3A_54 : memref<200x128xf32, #tpu.memory_space<vmem_shared>>) dst(%arg11 : memref<200x128xf32, #tpu.memory_space<vmem>>)
        tpu.yield
      }) : () -> ()
      %mul3A_46 = arith.constant 10000 : i32
      %mul3A_47 = arith.muli %arg0, %mul3A_46 : i32
      %add3A_48 = arith.addi %mul3A_47, %add3A_45 : i32
      "tpu.region"() ({
        %run_scoped3A = tpu.sem_alloc : memref<!tpu.dma_semaphore, #tpu.memory_space<semaphore_mem>>
        %dma_start3A = arith.constant 0 : i32
        %dma_start3A_49 = tpu.memref_slice %arg6[%add3A_48, %dma_start3A] : memref<20000x128xf32, #tpu.memory_space<hbm>> -> memref<200x128xf32, #tpu.memory_space<hbm>>
        %dma_start3A_50 = arith.constant 0 : i32
        %dma_start3A_51 = tpu.memref_slice %arg6[%add3A_48, %dma_start3A_50] : memref<20000x128xf32, #tpu.memory_space<hbm>> -> memref<200x128xf32, #tpu.memory_space<hbm>>
        tpu.enqueue_dma source(%arg11 : memref<200x128xf32, #tpu.memory_space<vmem>>) target(%dma_start3A_51 : memref<200x128xf32, #tpu.memory_space<hbm>>) target_semaphore(%run_scoped3A : memref<!tpu.dma_semaphore, #tpu.memory_space<semaphore_mem>>)
        %dma_wait3A = arith.constant 0 : i32
        %dma_wait3A_52 = tpu.memref_slice %arg6[%add3A_48, %dma_wait3A] : memref<20000x128xf32, #tpu.memory_space<hbm>> -> memref<200x128xf32, #tpu.memory_space<hbm>>
        %dma_wait3A_53 = arith.constant 0 : i32
        %dma_wait3A_54 = tpu.memref_slice %arg6[%add3A_48, %dma_wait3A_53] : memref<20000x128xf32, #tpu.memory_space<hbm>> -> memref<200x128xf32, #tpu.memory_space<hbm>>
        tpu.wait_dma2 semaphore(%run_scoped3A : memref<!tpu.dma_semaphore, #tpu.memory_space<semaphore_mem>>) src(%arg11 : memref<200x128xf32, #tpu.memory_space<vmem>>) dst(%dma_wait3A_54 : memref<200x128xf32, #tpu.memory_space<hbm>>)
        tpu.yield
      }) : () -> ()
    } else {
    }
    return
  }
}

module attributes {stable_mosaic.version = 14 : i64} {
  func.func @_gin_t1_body(%arg0: memref<10000x128xf32, #tpu.memory_space<vmem>>, %arg1: memref<20000x128xf32, #tpu.memory_space<vmem>>, %arg2: memref<1x128xf32, #tpu.memory_space<vmem>>, %arg3: memref<128x64xf32, #tpu.memory_space<vmem>>, %arg4: memref<1x64xf32, #tpu.memory_space<vmem>>, %arg5: memref<10000x64xf32, #tpu.memory_space<vmem>>) attributes {dimension_semantics = [], scalar_prefetch = 0 : i64, scratch_operands = 0 : i64, tpu.core_type = #tpu.core_type<tc>} {
    %get3A = arith.constant 0 : index
    %get3A_0 = arith.constant 0 : index
    %get3A_1 = vector.load %arg0[%get3A, %get3A_0] : memref<10000x128xf32, #tpu.memory_space<vmem>>, vector<10000x128xf32>
    %get3A_2 = arith.constant 0 : index
    %get3A_3 = arith.constant 0 : index
    %get3A_4 = vector.load %arg2[%get3A_2, %get3A_3] : memref<1x128xf32, #tpu.memory_space<vmem>>, vector<1x128xf32>
    %mul3A = vector.broadcast %get3A_4 : vector<1x128xf32> to vector<10000x128xf32>
    %mul3A_5 = arith.mulf %get3A_1, %mul3A : vector<10000x128xf32>
    %get3A_6 = arith.constant 0 : index
    %get3A_7 = arith.constant 0 : index
    %get3A_8 = vector.load %arg1[%get3A_6, %get3A_7] : memref<20000x128xf32, #tpu.memory_space<vmem>>, vector<10000x128xf32>
    %add3A = arith.addf %mul3A_5, %get3A_8 : vector<10000x128xf32>
    %get3A_9 = arith.constant 10000 : index
    %get3A_10 = arith.constant 0 : index
    %get3A_11 = vector.load %arg1[%get3A_9, %get3A_10] : memref<20000x128xf32, #tpu.memory_space<vmem>>, vector<10000x128xf32>
    %add3A_12 = arith.addf %add3A, %get3A_11 : vector<10000x128xf32>
    %get3A_13 = arith.constant 0 : index
    %get3A_14 = arith.constant 0 : index
    %get3A_15 = vector.load %arg3[%get3A_13, %get3A_14] : memref<128x64xf32, #tpu.memory_space<vmem>>, vector<128x64xf32>
    %dot_general3A = arith.constant dense<0.000000e+00> : vector<10000x64xf32>
    %dot_general3A_16 = tpu.matmul %add3A_12, %get3A_15, %dot_general3A {dimension_numbers = #tpu.dot_dimension_numbers<[1], [0], [0], [1], [0, 0, 1, 1], [], []>, transpose_lhs_hint = false} : vector<10000x128xf32>, vector<128x64xf32>, vector<10000x64xf32> -> vector<10000x64xf32>
    %get3A_17 = arith.constant 0 : index
    %get3A_18 = arith.constant 0 : index
    %get3A_19 = vector.load %arg4[%get3A_17, %get3A_18] : memref<1x64xf32, #tpu.memory_space<vmem>>, vector<1x64xf32>
    %add3A_20 = vector.broadcast %get3A_19 : vector<1x64xf32> to vector<10000x64xf32>
    %add3A_21 = arith.addf %dot_general3A_16, %add3A_20 : vector<10000x64xf32>
    %swap3A = arith.constant 0 : index
    %swap3A_22 = arith.constant 0 : index
    %swap3A_23 = vector.load %arg5[%swap3A, %swap3A_22] : memref<10000x64xf32, #tpu.memory_space<vmem>>, vector<10000x64xf32>
    tpu.vector_store %arg5[%swap3A, %swap3A_22], %add3A_21 {strides = array<i32>} : memref<10000x64xf32, #tpu.memory_space<vmem>>, vector<10000x64xf32>,
    return
  }
}

module attributes {stable_mosaic.version = 14 : i64} {
  func.func @_bn_mm_body(%arg0: memref<10000x64xf32, #tpu.memory_space<vmem>>, %arg1: memref<1x64xf32, #tpu.memory_space<vmem>>, %arg2: memref<1x64xf32, #tpu.memory_space<vmem>>, %arg3: memref<1x64xf32, #tpu.memory_space<vmem>>, %arg4: memref<1x64xf32, #tpu.memory_space<vmem>>, %arg5: memref<64x64xf32, #tpu.memory_space<vmem>>, %arg6: memref<1x64xf32, #tpu.memory_space<vmem>>, %arg7: memref<10000x64xf32, #tpu.memory_space<vmem>>) attributes {dimension_semantics = [], scalar_prefetch = 0 : i64, scratch_operands = 0 : i64, tpu.core_type = #tpu.core_type<tc>} {
    %get3A = arith.constant 0 : index
    %get3A_0 = arith.constant 0 : index
    %get3A_1 = vector.load %arg0[%get3A, %get3A_0] : memref<10000x64xf32, #tpu.memory_space<vmem>>, vector<10000x64xf32>
    %get3A_2 = arith.constant 0 : index
    %get3A_3 = arith.constant 0 : index
    %get3A_4 = vector.load %arg1[%get3A_2, %get3A_3] : memref<1x64xf32, #tpu.memory_space<vmem>>, vector<1x64xf32>
    %sub3A = vector.broadcast %get3A_4 : vector<1x64xf32> to vector<10000x64xf32>
    %sub3A_5 = arith.subf %get3A_1, %sub3A : vector<10000x64xf32>
    %get3A_6 = arith.constant 0 : index
    %get3A_7 = arith.constant 0 : index
    %get3A_8 = vector.load %arg2[%get3A_6, %get3A_7] : memref<1x64xf32, #tpu.memory_space<vmem>>, vector<1x64xf32>
    %add3A = arith.constant 9.99999974E-6 : f32
    %add3A_9 = vector.broadcast %add3A : f32 to vector<1x64xf32>
    %add3A_10 = arith.addf %get3A_8, %add3A_9 : vector<1x64xf32>
    %sqrt3A = math.sqrt %add3A_10 : vector<1x64xf32>
    %div3A = vector.broadcast %sqrt3A : vector<1x64xf32> to vector<10000x64xf32>
    %div3A_11 = arith.divf %sub3A_5, %div3A : vector<10000x64xf32>
    %get3A_12 = arith.constant 0 : index
    %get3A_13 = arith.constant 0 : index
    %get3A_14 = vector.load %arg3[%get3A_12, %get3A_13] : memref<1x64xf32, #tpu.memory_space<vmem>>, vector<1x64xf32>
    %mul3A = vector.broadcast %get3A_14 : vector<1x64xf32> to vector<10000x64xf32>
    %mul3A_15 = arith.mulf %div3A_11, %mul3A : vector<10000x64xf32>
    %get3A_16 = arith.constant 0 : index
    %get3A_17 = arith.constant 0 : index
    %get3A_18 = vector.load %arg4[%get3A_16, %get3A_17] : memref<1x64xf32, #tpu.memory_space<vmem>>, vector<1x64xf32>
    %add3A_19 = vector.broadcast %get3A_18 : vector<1x64xf32> to vector<10000x64xf32>
    %add3A_20 = arith.addf %mul3A_15, %add3A_19 : vector<10000x64xf32>
    %max3A = arith.constant 0.000000e+00 : f32
    %max3A_21 = vector.broadcast %max3A : f32 to vector<10000x64xf32>
    %max3A_22 = arith.maximumf %add3A_20, %max3A_21 : vector<10000x64xf32>
    %get3A_23 = arith.constant 0 : index
    %get3A_24 = arith.constant 0 : index
    %get3A_25 = vector.load %arg5[%get3A_23, %get3A_24] : memref<64x64xf32, #tpu.memory_space<vmem>>, vector<64x64xf32>
    %dot_general3A = arith.constant dense<0.000000e+00> : vector<10000x64xf32>
    %dot_general3A_26 = tpu.matmul %max3A_22, %get3A_25, %dot_general3A {dimension_numbers = #tpu.dot_dimension_numbers<[1], [0], [0], [1], [0, 0, 1, 1], [], []>, transpose_lhs_hint = false} : vector<10000x64xf32>, vector<64x64xf32>, vector<10000x64xf32> -> vector<10000x64xf32>
    %get3A_27 = arith.constant 0 : index
    %get3A_28 = arith.constant 0 : index
    %get3A_29 = vector.load %arg6[%get3A_27, %get3A_28] : memref<1x64xf32, #tpu.memory_space<vmem>>, vector<1x64xf32>
    %add3A_30 = vector.broadcast %get3A_29 : vector<1x64xf32> to vector<10000x64xf32>
    %add3A_31 = arith.addf %dot_general3A_26, %add3A_30 : vector<10000x64xf32>
    %swap3A = arith.constant 0 : index
    %swap3A_32 = arith.constant 0 : index
    %swap3A_33 = vector.load %arg7[%swap3A, %swap3A_32] : memref<10000x64xf32, #tpu.memory_space<vmem>>, vector<10000x64xf32>
    tpu.vector_store %arg7[%swap3A, %swap3A_32], %add3A_31 {strides = array<i32>} : memref<10000x64xf32, #tpu.memory_space<vmem>>, vector<10000x64xf32>,
    return
  }
}

module attributes {stable_mosaic.version = 14 : i64} {
  func.func @_bn_out_body(%arg0: memref<10000x64xf32, #tpu.memory_space<vmem>>, %arg1: memref<1x64xf32, #tpu.memory_space<vmem>>, %arg2: memref<1x64xf32, #tpu.memory_space<vmem>>, %arg3: memref<1x64xf32, #tpu.memory_space<vmem>>, %arg4: memref<1x64xf32, #tpu.memory_space<vmem>>, %arg5: memref<10000x64xf32, #tpu.memory_space<vmem>>, %arg6: memref<10000x128xf32, #tpu.memory_space<vmem>>) attributes {dimension_semantics = [], scalar_prefetch = 0 : i64, scratch_operands = 0 : i64, tpu.core_type = #tpu.core_type<tc>} {
    %get3A = arith.constant 0 : index
    %get3A_0 = arith.constant 0 : index
    %get3A_1 = vector.load %arg0[%get3A, %get3A_0] : memref<10000x64xf32, #tpu.memory_space<vmem>>, vector<10000x64xf32>
    %get3A_2 = arith.constant 0 : index
    %get3A_3 = arith.constant 0 : index
    %get3A_4 = vector.load %arg1[%get3A_2, %get3A_3] : memref<1x64xf32, #tpu.memory_space<vmem>>, vector<1x64xf32>
    %sub3A = vector.broadcast %get3A_4 : vector<1x64xf32> to vector<10000x64xf32>
    %sub3A_5 = arith.subf %get3A_1, %sub3A : vector<10000x64xf32>
    %get3A_6 = arith.constant 0 : index
    %get3A_7 = arith.constant 0 : index
    %get3A_8 = vector.load %arg2[%get3A_6, %get3A_7] : memref<1x64xf32, #tpu.memory_space<vmem>>, vector<1x64xf32>
    %add3A = arith.constant 9.99999974E-6 : f32
    %add3A_9 = vector.broadcast %add3A : f32 to vector<1x64xf32>
    %add3A_10 = arith.addf %get3A_8, %add3A_9 : vector<1x64xf32>
    %sqrt3A = math.sqrt %add3A_10 : vector<1x64xf32>
    %div3A = vector.broadcast %sqrt3A : vector<1x64xf32> to vector<10000x64xf32>
    %div3A_11 = arith.divf %sub3A_5, %div3A : vector<10000x64xf32>
    %get3A_12 = arith.constant 0 : index
    %get3A_13 = arith.constant 0 : index
    %get3A_14 = vector.load %arg3[%get3A_12, %get3A_13] : memref<1x64xf32, #tpu.memory_space<vmem>>, vector<1x64xf32>
    %mul3A = vector.broadcast %get3A_14 : vector<1x64xf32> to vector<10000x64xf32>
    %mul3A_15 = arith.mulf %div3A_11, %mul3A : vector<10000x64xf32>
    %get3A_16 = arith.constant 0 : index
    %get3A_17 = arith.constant 0 : index
    %get3A_18 = vector.load %arg4[%get3A_16, %get3A_17] : memref<1x64xf32, #tpu.memory_space<vmem>>, vector<1x64xf32>
    %add3A_19 = vector.broadcast %get3A_18 : vector<1x64xf32> to vector<10000x64xf32>
    %add3A_20 = arith.addf %mul3A_15, %add3A_19 : vector<10000x64xf32>
    %max3A = arith.constant 0.000000e+00 : f32
    %max3A_21 = vector.broadcast %max3A : f32 to vector<10000x64xf32>
    %max3A_22 = arith.maximumf %add3A_20, %max3A_21 : vector<10000x64xf32>
    %swap3A = arith.constant 0 : index
    %swap3A_23 = arith.constant 0 : index
    %swap3A_24 = vector.load %arg5[%swap3A, %swap3A_23] : memref<10000x64xf32, #tpu.memory_space<vmem>>, vector<10000x64xf32>
    tpu.vector_store %arg5[%swap3A, %swap3A_23], %max3A_22 {strides = array<i32>} : memref<10000x64xf32, #tpu.memory_space<vmem>>, vector<10000x64xf32>,
    %broadcast_in_dim3A = arith.constant 0.000000e+00 : f32
    %broadcast_in_dim3A_25 = vector.broadcast %broadcast_in_dim3A : f32 to vector<10000x64xf32>
    %concatenate3A = tpu.concatenate %max3A_22, %broadcast_in_dim3A_25 in 1 : vector<10000x64xf32>, vector<10000x64xf32> -> vector<10000x128xf32>
    %swap3A_26 = arith.constant 0 : index
    %swap3A_27 = arith.constant 0 : index
    %swap3A_28 = vector.load %arg6[%swap3A_26, %swap3A_27] : memref<10000x128xf32, #tpu.memory_space<vmem>>, vector<10000x128xf32>
    tpu.vector_store %arg6[%swap3A_26, %swap3A_27], %concatenate3A {strides = array<i32>} : memref<10000x128xf32, #tpu.memory_space<vmem>>, vector<10000x128xf32>,
    return
  }
}

module attributes {stable_mosaic.version = 14 : i64} {
  func.func @_gin_t1_body(%arg0: memref<10000x128xf32, #tpu.memory_space<vmem>>, %arg1: memref<20000x128xf32, #tpu.memory_space<vmem>>, %arg2: memref<1x64xf32, #tpu.memory_space<vmem>>, %arg3: memref<64x64xf32, #tpu.memory_space<vmem>>, %arg4: memref<1x64xf32, #tpu.memory_space<vmem>>, %arg5: memref<10000x64xf32, #tpu.memory_space<vmem>>) attributes {dimension_semantics = [], scalar_prefetch = 0 : i64, scratch_operands = 0 : i64, tpu.core_type = #tpu.core_type<tc>} {
    %get3A = arith.constant 0 : index
    %get3A_0 = arith.constant 0 : index
    %get3A_1 = vector.load %arg0[%get3A, %get3A_0] : memref<10000x128xf32, #tpu.memory_space<vmem>>, vector<10000x64xf32>
    %get3A_2 = arith.constant 0 : index
    %get3A_3 = arith.constant 0 : index
    %get3A_4 = vector.load %arg2[%get3A_2, %get3A_3] : memref<1x64xf32, #tpu.memory_space<vmem>>, vector<1x64xf32>
    %mul3A = vector.broadcast %get3A_4 : vector<1x64xf32> to vector<10000x64xf32>
    %mul3A_5 = arith.mulf %get3A_1, %mul3A : vector<10000x64xf32>
    %get3A_6 = arith.constant 0 : index
    %get3A_7 = arith.constant 0 : index
    %get3A_8 = vector.load %arg1[%get3A_6, %get3A_7] : memref<20000x128xf32, #tpu.memory_space<vmem>>, vector<10000x64xf32>
    %add3A = arith.addf %mul3A_5, %get3A_8 : vector<10000x64xf32>
    %get3A_9 = arith.constant 10000 : index
    %get3A_10 = arith.constant 0 : index
    %get3A_11 = vector.load %arg1[%get3A_9, %get3A_10] : memref<20000x128xf32, #tpu.memory_space<vmem>>, vector<10000x64xf32>
    %add3A_12 = arith.addf %add3A, %get3A_11 : vector<10000x64xf32>
    %get3A_13 = arith.constant 0 : index
    %get3A_14 = arith.constant 0 : index
    %get3A_15 = vector.load %arg3[%get3A_13, %get3A_14] : memref<64x64xf32, #tpu.memory_space<vmem>>, vector<64x64xf32>
    %dot_general3A = arith.constant dense<0.000000e+00> : vector<10000x64xf32>
    %dot_general3A_16 = tpu.matmul %add3A_12, %get3A_15, %dot_general3A {dimension_numbers = #tpu.dot_dimension_numbers<[1], [0], [0], [1], [0, 0, 1, 1], [], []>, transpose_lhs_hint = false} : vector<10000x64xf32>, vector<64x64xf32>, vector<10000x64xf32> -> vector<10000x64xf32>
    %get3A_17 = arith.constant 0 : index
    %get3A_18 = arith.constant 0 : index
    %get3A_19 = vector.load %arg4[%get3A_17, %get3A_18] : memref<1x64xf32, #tpu.memory_space<vmem>>, vector<1x64xf32>
    %add3A_20 = vector.broadcast %get3A_19 : vector<1x64xf32> to vector<10000x64xf32>
    %add3A_21 = arith.addf %dot_general3A_16, %add3A_20 : vector<10000x64xf32>
    %swap3A = arith.constant 0 : index
    %swap3A_22 = arith.constant 0 : index
    %swap3A_23 = vector.load %arg5[%swap3A, %swap3A_22] : memref<10000x64xf32, #tpu.memory_space<vmem>>, vector<10000x64xf32>
    tpu.vector_store %arg5[%swap3A, %swap3A_22], %add3A_21 {strides = array<i32>} : memref<10000x64xf32, #tpu.memory_space<vmem>>, vector<10000x64xf32>,
    return
  }
}

module attributes {stable_mosaic.version = 14 : i64} {
  func.func @_bn_out_body(%arg0: memref<10000x64xf32, #tpu.memory_space<vmem>>, %arg1: memref<1x64xf32, #tpu.memory_space<vmem>>, %arg2: memref<1x64xf32, #tpu.memory_space<vmem>>, %arg3: memref<1x64xf32, #tpu.memory_space<vmem>>, %arg4: memref<1x64xf32, #tpu.memory_space<vmem>>, %arg5: memref<10000x64xf32, #tpu.memory_space<vmem>>) attributes {dimension_semantics = [], scalar_prefetch = 0 : i64, scratch_operands = 0 : i64, tpu.core_type = #tpu.core_type<tc>} {
    %get3A = arith.constant 0 : index
    %get3A_0 = arith.constant 0 : index
    %get3A_1 = vector.load %arg0[%get3A, %get3A_0] : memref<10000x64xf32, #tpu.memory_space<vmem>>, vector<10000x64xf32>
    %get3A_2 = arith.constant 0 : index
    %get3A_3 = arith.constant 0 : index
    %get3A_4 = vector.load %arg1[%get3A_2, %get3A_3] : memref<1x64xf32, #tpu.memory_space<vmem>>, vector<1x64xf32>
    %sub3A = vector.broadcast %get3A_4 : vector<1x64xf32> to vector<10000x64xf32>
    %sub3A_5 = arith.subf %get3A_1, %sub3A : vector<10000x64xf32>
    %get3A_6 = arith.constant 0 : index
    %get3A_7 = arith.constant 0 : index
    %get3A_8 = vector.load %arg2[%get3A_6, %get3A_7] : memref<1x64xf32, #tpu.memory_space<vmem>>, vector<1x64xf32>
    %add3A = arith.constant 9.99999974E-6 : f32
    %add3A_9 = vector.broadcast %add3A : f32 to vector<1x64xf32>
    %add3A_10 = arith.addf %get3A_8, %add3A_9 : vector<1x64xf32>
    %sqrt3A = math.sqrt %add3A_10 : vector<1x64xf32>
    %div3A = vector.broadcast %sqrt3A : vector<1x64xf32> to vector<10000x64xf32>
    %div3A_11 = arith.divf %sub3A_5, %div3A : vector<10000x64xf32>
    %get3A_12 = arith.constant 0 : index
    %get3A_13 = arith.constant 0 : index
    %get3A_14 = vector.load %arg3[%get3A_12, %get3A_13] : memref<1x64xf32, #tpu.memory_space<vmem>>, vector<1x64xf32>
    %mul3A = vector.broadcast %get3A_14 : vector<1x64xf32> to vector<10000x64xf32>
    %mul3A_15 = arith.mulf %div3A_11, %mul3A : vector<10000x64xf32>
    %get3A_16 = arith.constant 0 : index
    %get3A_17 = arith.constant 0 : index
    %get3A_18 = vector.load %arg4[%get3A_16, %get3A_17] : memref<1x64xf32, #tpu.memory_space<vmem>>, vector<1x64xf32>
    %add3A_19 = vector.broadcast %get3A_18 : vector<1x64xf32> to vector<10000x64xf32>
    %add3A_20 = arith.addf %mul3A_15, %add3A_19 : vector<10000x64xf32>
    %max3A = arith.constant 0.000000e+00 : f32
    %max3A_21 = vector.broadcast %max3A : f32 to vector<10000x64xf32>
    %max3A_22 = arith.maximumf %add3A_20, %max3A_21 : vector<10000x64xf32>
    %swap3A = arith.constant 0 : index
    %swap3A_23 = arith.constant 0 : index
    %swap3A_24 = vector.load %arg5[%swap3A, %swap3A_23] : memref<10000x64xf32, #tpu.memory_space<vmem>>, vector<10000x64xf32>
    tpu.vector_store %arg5[%swap3A, %swap3A_23], %max3A_22 {strides = array<i32>} : memref<10000x64xf32, #tpu.memory_space<vmem>>, vector<10000x64xf32>,
    return
  }
}

module attributes {stable_mosaic.version = 14 : i64} {
  func.func @_node_body(%arg0: i32, %arg1: memref<1000x64xf32, #tpu.memory_space<vmem>>, %arg2: memref<1000x64xf32, #tpu.memory_space<vmem>>, %arg3: memref<1000x64xf32, #tpu.memory_space<vmem>>, %arg4: memref<1000x64xf32, #tpu.memory_space<vmem>>, %arg5: memref<1000x64xf32, #tpu.memory_space<vmem>>, %arg6: memref<320x320xf32, #tpu.memory_space<vmem>>, %arg7: memref<1x320xf32, #tpu.memory_space<vmem>>, %arg8: memref<320x320xf32, #tpu.memory_space<vmem>>, %arg9: memref<1x320xf32, #tpu.memory_space<vmem>>, %arg10: memref<320x320xf32, #tpu.memory_space<vmem>>, %arg11: memref<1x320xf32, #tpu.memory_space<vmem>>, %arg12: memref<320x320xf32, #tpu.memory_space<vmem>>, %arg13: memref<1x320xf32, #tpu.memory_space<vmem>>, %arg14: memref<1000x320xf32, #tpu.memory_space<vmem>>) attributes {dimension_semantics = [#tpu.dimension_semantics<arbitrary>], iteration_bounds = array<i64: 10>, scalar_prefetch = 0 : i64, scratch_operands = 0 : i64, tpu.core_type = #tpu.core_type<tc>, window_params = [{transform_indices = @transform_0, window_bounds = array<i64: 1000, 64>}, {transform_indices = @transform_1, window_bounds = array<i64: 1000, 64>}, {transform_indices = @transform_2, window_bounds = array<i64: 1000, 64>}, {transform_indices = @transform_3, window_bounds = array<i64: 1000, 64>}, {transform_indices = @transform_4, window_bounds = array<i64: 1000, 64>}, {pipeline_mode = #tpu.pipeline_mode<synchronous>, transform_indices = @transform_5, window_bounds = array<i64: 320, 320>}, {pipeline_mode = #tpu.pipeline_mode<synchronous>, transform_indices = @transform_6, window_bounds = array<i64: 1, 320>}, {pipeline_mode = #tpu.pipeline_mode<synchronous>, transform_indices = @transform_7, window_bounds = array<i64: 320, 320>}, {pipeline_mode = #tpu.pipeline_mode<synchronous>, transform_indices = @transform_8, window_bounds = array<i64: 1, 320>}, {pipeline_mode = #tpu.pipeline_mode<synchronous>, transform_indices = @transform_9, window_bounds = array<i64: 320, 320>}, {pipeline_mode = #tpu.pipeline_mode<synchronous>, transform_indices = @transform_10, window_bounds = array<i64: 1, 320>}, {pipeline_mode = #tpu.pipeline_mode<synchronous>, transform_indices = @transform_11, window_bounds = array<i64: 320, 320>}, {pipeline_mode = #tpu.pipeline_mode<synchronous>, transform_indices = @transform_12, window_bounds = array<i64: 1, 320>}, {transform_indices = @transform_13, window_bounds = array<i64: 1000, 320>}]} {
    %get3A = arith.constant 0 : index
    %get3A_0 = arith.constant 0 : index
    %get3A_1 = vector.load %arg1[%get3A, %get3A_0] : memref<1000x64xf32, #tpu.memory_space<vmem>>, vector<1000x64xf32>
    %get3A_2 = arith.constant 0 : index
    %get3A_3 = arith.constant 0 : index
    %get3A_4 = vector.load %arg2[%get3A_2, %get3A_3] : memref<1000x64xf32, #tpu.memory_space<vmem>>, vector<1000x64xf32>
    %get3A_5 = arith.constant 0 : index
    %get3A_6 = arith.constant 0 : index
    %get3A_7 = vector.load %arg3[%get3A_5, %get3A_6] : memref<1000x64xf32, #tpu.memory_space<vmem>>, vector<1000x64xf32>
    %get3A_8 = arith.constant 0 : index
    %get3A_9 = arith.constant 0 : index
    %get3A_10 = vector.load %arg4[%get3A_8, %get3A_9] : memref<1000x64xf32, #tpu.memory_space<vmem>>, vector<1000x64xf32>
    %get3A_11 = arith.constant 0 : index
    %get3A_12 = arith.constant 0 : index
    %get3A_13 = vector.load %arg5[%get3A_11, %get3A_12] : memref<1000x64xf32, #tpu.memory_space<vmem>>, vector<1000x64xf32>
    %concatenate3A = tpu.concatenate %get3A_1, %get3A_4, %get3A_7, %get3A_10, %get3A_13 in 1 : vector<1000x64xf32>, vector<1000x64xf32>, vector<1000x64xf32>, vector<1000x64xf32>, vector<1000x64xf32> -> vector<1000x320xf32>
    %get3A_14 = arith.constant 0 : index
    %get3A_15 = arith.constant 0 : index
    %get3A_16 = vector.load %arg6[%get3A_14, %get3A_15] : memref<320x320xf32, #tpu.memory_space<vmem>>, vector<320x320xf32>
    %dot_general3A = arith.constant dense<0.000000e+00> : vector<1000x320xf32>
    %dot_general3A_17 = tpu.matmul %concatenate3A, %get3A_16, %dot_general3A {dimension_numbers = #tpu.dot_dimension_numbers<[1], [0], [0], [1], [0, 0, 1, 1], [], []>, transpose_lhs_hint = false} : vector<1000x320xf32>, vector<320x320xf32>, vector<1000x320xf32> -> vector<1000x320xf32>
    %get3A_18 = arith.constant 0 : index
    %get3A_19 = arith.constant 0 : index
    %get3A_20 = vector.load %arg7[%get3A_18, %get3A_19] : memref<1x320xf32, #tpu.memory_space<vmem>>, vector<1x320xf32>
    %add3A = vector.broadcast %get3A_20 : vector<1x320xf32> to vector<1000x320xf32>
    %add3A_21 = arith.addf %dot_general3A_17, %add3A : vector<1000x320xf32>
    %max3A = arith.constant 0.000000e+00 : f32
    %max3A_22 = vector.broadcast %max3A : f32 to vector<1000x320xf32>
    %max3A_23 = arith.maximumf %add3A_21, %max3A_22 : vector<1000x320xf32>
    %get3A_24 = arith.constant 0 : index
    %get3A_25 = arith.constant 0 : index
    %get3A_26 = vector.load %arg8[%get3A_24, %get3A_25] : memref<320x320xf32, #tpu.memory_space<vmem>>, vector<320x320xf32>
    %dot_general3A_27 = arith.constant dense<0.000000e+00> : vector<1000x320xf32>
    %dot_general3A_28 = tpu.matmul %max3A_23, %get3A_26, %dot_general3A_27 {dimension_numbers = #tpu.dot_dimension_numbers<[1], [0], [0], [1], [0, 0, 1, 1], [], []>, transpose_lhs_hint = false} : vector<1000x320xf32>, vector<320x320xf32>, vector<1000x320xf32> -> vector<1000x320xf32>
    %get3A_29 = arith.constant 0 : index
    %get3A_30 = arith.constant 0 : index
    %get3A_31 = vector.load %arg9[%get3A_29, %get3A_30] : memref<1x320xf32, #tpu.memory_space<vmem>>, vector<1x320xf32>
    %add3A_32 = vector.broadcast %get3A_31 : vector<1x320xf32> to vector<1000x320xf32>
    %add3A_33 = arith.addf %dot_general3A_28, %add3A_32 : vector<1000x320xf32>
    %max3A_34 = arith.constant 0.000000e+00 : f32
    %max3A_35 = vector.broadcast %max3A_34 : f32 to vector<1000x320xf32>
    %max3A_36 = arith.maximumf %add3A_33, %max3A_35 : vector<1000x320xf32>
    %get3A_37 = arith.constant 0 : index
    %get3A_38 = arith.constant 0 : index
    %get3A_39 = vector.load %arg10[%get3A_37, %get3A_38] : memref<320x320xf32, #tpu.memory_space<vmem>>, vector<320x320xf32>
    %dot_general3A_40 = arith.constant dense<0.000000e+00> : vector<1000x320xf32>
    %dot_general3A_41 = tpu.matmul %max3A_36, %get3A_39, %dot_general3A_40 {dimension_numbers = #tpu.dot_dimension_numbers<[1], [0], [0], [1], [0, 0, 1, 1], [], []>, transpose_lhs_hint = false} : vector<1000x320xf32>, vector<320x320xf32>, vector<1000x320xf32> -> vector<1000x320xf32>
    %get3A_42 = arith.constant 0 : index
    %get3A_43 = arith.constant 0 : index
    %get3A_44 = vector.load %arg11[%get3A_42, %get3A_43] : memref<1x320xf32, #tpu.memory_space<vmem>>, vector<1x320xf32>
    %add3A_45 = vector.broadcast %get3A_44 : vector<1x320xf32> to vector<1000x320xf32>
    %add3A_46 = arith.addf %dot_general3A_41, %add3A_45 : vector<1000x320xf32>
    %max3A_47 = arith.constant 0.000000e+00 : f32
    %max3A_48 = vector.broadcast %max3A_47 : f32 to vector<1000x320xf32>
    %max3A_49 = arith.maximumf %add3A_46, %max3A_48 : vector<1000x320xf32>
    %get3A_50 = arith.constant 0 : index
    %get3A_51 = arith.constant 0 : index
    %get3A_52 = vector.load %arg12[%get3A_50, %get3A_51] : memref<320x320xf32, #tpu.memory_space<vmem>>, vector<320x320xf32>
    %dot_general3A_53 = arith.constant dense<0.000000e+00> : vector<1000x320xf32>
    %dot_general3A_54 = tpu.matmul %concatenate3A, %get3A_52, %dot_general3A_53 {dimension_numbers = #tpu.dot_dimension_numbers<[1], [0], [0], [1], [0, 0, 1, 1], [], []>, transpose_lhs_hint = false} : vector<1000x320xf32>, vector<320x320xf32>, vector<1000x320xf32> -> vector<1000x320xf32>
    %add3A_55 = arith.addf %max3A_49, %dot_general3A_54 : vector<1000x320xf32>
    %get3A_56 = arith.constant 0 : index
    %get3A_57 = arith.constant 0 : index
    %get3A_58 = vector.load %arg13[%get3A_56, %get3A_57] : memref<1x320xf32, #tpu.memory_space<vmem>>, vector<1x320xf32>
    %add3A_59 = vector.broadcast %get3A_58 : vector<1x320xf32> to vector<1000x320xf32>
    %add3A_60 = arith.addf %add3A_55, %add3A_59 : vector<1000x320xf32>
    %swap3A = arith.constant 0 : index
    %swap3A_61 = arith.constant 0 : index
    %swap3A_62 = vector.load %arg14[%swap3A, %swap3A_61] : memref<1000x320xf32, #tpu.memory_space<vmem>>, vector<1000x320xf32>
    tpu.vector_store %arg14[%swap3A, %swap3A_61], %add3A_60 {strides = array<i32>} : memref<1000x320xf32, #tpu.memory_space<vmem>>, vector<1000x320xf32>,
    return
  }
  func.func @transform_0(%arg0: i32) -> (i32, i32) {
    %c0_i32 = arith.constant 0 : i32
    %c0_i32_0 = arith.constant 0 : i32
    return %arg0, %c0_i32 : i32, i32
  }
  func.func @transform_1(%arg0: i32) -> (i32, i32) {
    %c0_i32 = arith.constant 0 : i32
    %c0_i32_0 = arith.constant 0 : i32
    return %arg0, %c0_i32 : i32, i32
  }
  func.func @transform_2(%arg0: i32) -> (i32, i32) {
    %c0_i32 = arith.constant 0 : i32
    %c0_i32_0 = arith.constant 0 : i32
    return %arg0, %c0_i32 : i32, i32
  }
  func.func @transform_3(%arg0: i32) -> (i32, i32) {
    %c0_i32 = arith.constant 0 : i32
    %c0_i32_0 = arith.constant 0 : i32
    return %arg0, %c0_i32 : i32, i32
  }
  func.func @transform_4(%arg0: i32) -> (i32, i32) {
    %c0_i32 = arith.constant 0 : i32
    %c0_i32_0 = arith.constant 0 : i32
    return %arg0, %c0_i32 : i32, i32
  }
  func.func @transform_5(%arg0: i32) -> (i32, i32) {
    %c0_i32 = arith.constant 0 : i32
    %c0_i32_0 = arith.constant 0 : i32
    %c0_i32_1 = arith.constant 0 : i32
    return %c0_i32, %c0_i32_0 : i32, i32
  }
  func.func @transform_6(%arg0: i32) -> (i32, i32) {
    %c0_i32 = arith.constant 0 : i32
    %c0_i32_0 = arith.constant 0 : i32
    %c0_i32_1 = arith.constant 0 : i32
    return %c0_i32, %c0_i32_0 : i32, i32
  }
  func.func @transform_7(%arg0: i32) -> (i32, i32) {
    %c0_i32 = arith.constant 0 : i32
    %c0_i32_0 = arith.constant 0 : i32
    %c0_i32_1 = arith.constant 0 : i32
    return %c0_i32, %c0_i32_0 : i32, i32
  }
  func.func @transform_8(%arg0: i32) -> (i32, i32) {
    %c0_i32 = arith.constant 0 : i32
    %c0_i32_0 = arith.constant 0 : i32
    %c0_i32_1 = arith.constant 0 : i32
    return %c0_i32, %c0_i32_0 : i32, i32
  }
  func.func @transform_9(%arg0: i32) -> (i32, i32) {
    %c0_i32 = arith.constant 0 : i32
    %c0_i32_0 = arith.constant 0 : i32
    %c0_i32_1 = arith.constant 0 : i32
    return %c0_i32, %c0_i32_0 : i32, i32
  }
  func.func @transform_10(%arg0: i32) -> (i32, i32) {
    %c0_i32 = arith.constant 0 : i32
    %c0_i32_0 = arith.constant 0 : i32
    %c0_i32_1 = arith.constant 0 : i32
    return %c0_i32, %c0_i32_0 : i32, i32
  }
  func.func @transform_11(%arg0: i32) -> (i32, i32) {
    %c0_i32 = arith.constant 0 : i32
    %c0_i32_0 = arith.constant 0 : i32
    %c0_i32_1 = arith.constant 0 : i32
    return %c0_i32, %c0_i32_0 : i32, i32
  }
  func.func @transform_12(%arg0: i32) -> (i32, i32) {
    %c0_i32 = arith.constant 0 : i32
    %c0_i32_0 = arith.constant 0 : i32
    %c0_i32_1 = arith.constant 0 : i32
    return %c0_i32, %c0_i32_0 : i32, i32
  }
  func.func @transform_13(%arg0: i32) -> (i32, i32) {
    %c0_i32 = arith.constant 0 : i32
    %c0_i32_0 = arith.constant 0 : i32
    return %arg0, %c0_i32 : i32, i32
  }
}

module attributes {stable_mosaic.version = 14 : i64} {
  func.func @_pool_body(%arg0: memref<10000x1xi32, #tpu.memory_space<vmem>>, %arg1: memref<10000x64xf32, #tpu.memory_space<vmem>>, %arg2: memref<10000x64xf32, #tpu.memory_space<vmem>>, %arg3: memref<10000x64xf32, #tpu.memory_space<vmem>>, %arg4: memref<10000x64xf32, #tpu.memory_space<vmem>>, %arg5: memref<10000x64xf32, #tpu.memory_space<vmem>>, %arg6: memref<64x64xf32, #tpu.memory_space<vmem>>, %arg7: memref<64x64xf32, #tpu.memory_space<vmem>>, %arg8: memref<64x64xf32, #tpu.memory_space<vmem>>, %arg9: memref<64x64xf32, #tpu.memory_space<vmem>>, %arg10: memref<64x64xf32, #tpu.memory_space<vmem>>, %arg11: memref<1x320xf32, #tpu.memory_space<vmem>>, %arg12: memref<320x320xf32, #tpu.memory_space<vmem>>, %arg13: memref<1x320xf32, #tpu.memory_space<vmem>>, %arg14: memref<320x320xf32, #tpu.memory_space<vmem>>, %arg15: memref<1x320xf32, #tpu.memory_space<vmem>>, %arg16: memref<320x320xf32, #tpu.memory_space<vmem>>, %arg17: memref<1x320xf32, #tpu.memory_space<vmem>>, %arg18: memref<320x320xf32, #tpu.memory_space<vmem>>, %arg19: memref<1x320xf32, #tpu.memory_space<vmem>>, %arg20: memref<64x320xf32, #tpu.memory_space<vmem>>, %arg21: memref<64x320xf32, #tpu.memory_space<vmem>>) attributes {dimension_semantics = [], scalar_prefetch = 0 : i64, scratch_operands = 0 : i64, tpu.core_type = #tpu.core_type<tc>} {
    %iota3A = tpu.iota {dimensions = array<i32: 1>} : vector<1x64xi32>
    %get3A = arith.constant 0 : index
    %get3A_0 = arith.constant 0 : index
    %get3A_1 = vector.load %arg0[%get3A, %get3A_0] : memref<10000x1xi32, #tpu.memory_space<vmem>>, vector<10000x1xi32>
    %eq3A = vector.broadcast %get3A_1 : vector<10000x1xi32> to vector<10000x64xi32>
    %eq3A_2 = vector.broadcast %iota3A : vector<1x64xi32> to vector<10000x64xi32>
    %eq3A_3 = arith.cmpi eq, %eq3A, %eq3A_2 : vector<10000x64xi32>
    %convert_element_type3A = arith.extui %eq3A_3 : vector<10000x64xi1> to vector<10000x64xi32>
    %convert_element_type3A_4 = arith.sitofp %convert_element_type3A : vector<10000x64xi32> to vector<10000x64xf32>
    %get3A_5 = arith.constant 0 : index
    %get3A_6 = arith.constant 0 : index
    %get3A_7 = vector.load %arg1[%get3A_5, %get3A_6] : memref<10000x64xf32, #tpu.memory_space<vmem>>, vector<10000x64xf32>
    %dot_general3A = arith.constant dense<0.000000e+00> : vector<64x64xf32>
    %dot_general3A_8 = tpu.matmul %convert_element_type3A_4, %get3A_7, %dot_general3A {dimension_numbers = #tpu.dot_dimension_numbers<[0], [0], [1], [1], [0, 1, 1, 1], [], []>, transpose_lhs_hint = false} : vector<10000x64xf32>, vector<10000x64xf32>, vector<64x64xf32> -> vector<64x64xf32>
    %get3A_9 = arith.constant 0 : index
    %get3A_10 = arith.constant 0 : index
    %get3A_11 = vector.load %arg6[%get3A_9, %get3A_10] : memref<64x64xf32, #tpu.memory_space<vmem>>, vector<64x64xf32>
    %dot_general3A_12 = arith.constant dense<0.000000e+00> : vector<64x64xf32>
    %dot_general3A_13 = tpu.matmul %dot_general3A_8, %get3A_11, %dot_general3A_12 {dimension_numbers = #tpu.dot_dimension_numbers<[1], [0], [0], [1], [0, 0, 1, 1], [], []>, transpose_lhs_hint = false} : vector<64x64xf32>, vector<64x64xf32>, vector<64x64xf32> -> vector<64x64xf32>
    %get3A_14 = arith.constant 0 : index
    %get3A_15 = arith.constant 0 : index
    %get3A_16 = vector.load %arg2[%get3A_14, %get3A_15] : memref<10000x64xf32, #tpu.memory_space<vmem>>, vector<10000x64xf32>
    %dot_general3A_17 = arith.constant dense<0.000000e+00> : vector<64x64xf32>
    %dot_general3A_18 = tpu.matmul %convert_element_type3A_4, %get3A_16, %dot_general3A_17 {dimension_numbers = #tpu.dot_dimension_numbers<[0], [0], [1], [1], [0, 1, 1, 1], [], []>, transpose_lhs_hint = false} : vector<10000x64xf32>, vector<10000x64xf32>, vector<64x64xf32> -> vector<64x64xf32>
    %get3A_19 = arith.constant 0 : index
    %get3A_20 = arith.constant 0 : index
    %get3A_21 = vector.load %arg7[%get3A_19, %get3A_20] : memref<64x64xf32, #tpu.memory_space<vmem>>, vector<64x64xf32>
    %dot_general3A_22 = arith.constant dense<0.000000e+00> : vector<64x64xf32>
    %dot_general3A_23 = tpu.matmul %dot_general3A_18, %get3A_21, %dot_general3A_22 {dimension_numbers = #tpu.dot_dimension_numbers<[1], [0], [0], [1], [0, 0, 1, 1], [], []>, transpose_lhs_hint = false} : vector<64x64xf32>, vector<64x64xf32>, vector<64x64xf32> -> vector<64x64xf32>
    %get3A_24 = arith.constant 0 : index
    %get3A_25 = arith.constant 0 : index
    %get3A_26 = vector.load %arg3[%get3A_24, %get3A_25] : memref<10000x64xf32, #tpu.memory_space<vmem>>, vector<10000x64xf32>
    %dot_general3A_27 = arith.constant dense<0.000000e+00> : vector<64x64xf32>
    %dot_general3A_28 = tpu.matmul %convert_element_type3A_4, %get3A_26, %dot_general3A_27 {dimension_numbers = #tpu.dot_dimension_numbers<[0], [0], [1], [1], [0, 1, 1, 1], [], []>, transpose_lhs_hint = false} : vector<10000x64xf32>, vector<10000x64xf32>, vector<64x64xf32> -> vector<64x64xf32>
    %get3A_29 = arith.constant 0 : index
    %get3A_30 = arith.constant 0 : index
    %get3A_31 = vector.load %arg8[%get3A_29, %get3A_30] : memref<64x64xf32, #tpu.memory_space<vmem>>, vector<64x64xf32>
    %dot_general3A_32 = arith.constant dense<0.000000e+00> : vector<64x64xf32>
    %dot_general3A_33 = tpu.matmul %dot_general3A_28, %get3A_31, %dot_general3A_32 {dimension_numbers = #tpu.dot_dimension_numbers<[1], [0], [0], [1], [0, 0, 1, 1], [], []>, transpose_lhs_hint = false} : vector<64x64xf32>, vector<64x64xf32>, vector<64x64xf32> -> vector<64x64xf32>
    %get3A_34 = arith.constant 0 : index
    %get3A_35 = arith.constant 0 : index
    %get3A_36 = vector.load %arg4[%get3A_34, %get3A_35] : memref<10000x64xf32, #tpu.memory_space<vmem>>, vector<10000x64xf32>
    %dot_general3A_37 = arith.constant dense<0.000000e+00> : vector<64x64xf32>
    %dot_general3A_38 = tpu.matmul %convert_element_type3A_4, %get3A_36, %dot_general3A_37 {dimension_numbers = #tpu.dot_dimension_numbers<[0], [0], [1], [1], [0, 1, 1, 1], [], []>, transpose_lhs_hint = false} : vector<10000x64xf32>, vector<10000x64xf32>, vector<64x64xf32> -> vector<64x64xf32>
    %get3A_39 = arith.constant 0 : index
    %get3A_40 = arith.constant 0 : index
    %get3A_41 = vector.load %arg9[%get3A_39, %get3A_40] : memref<64x64xf32, #tpu.memory_space<vmem>>, vector<64x64xf32>
    %dot_general3A_42 = arith.constant dense<0.000000e+00> : vector<64x64xf32>
    %dot_general3A_43 = tpu.matmul %dot_general3A_38, %get3A_41, %dot_general3A_42 {dimension_numbers = #tpu.dot_dimension_numbers<[1], [0], [0], [1], [0, 0, 1, 1], [], []>, transpose_lhs_hint = false} : vector<64x64xf32>, vector<64x64xf32>, vector<64x64xf32> -> vector<64x64xf32>
    %get3A_44 = arith.constant 0 : index
    %get3A_45 = arith.constant 0 : index
    %get3A_46 = vector.load %arg5[%get3A_44, %get3A_45] : memref<10000x64xf32, #tpu.memory_space<vmem>>, vector<10000x64xf32>
    %dot_general3A_47 = arith.constant dense<0.000000e+00> : vector<64x64xf32>
    %dot_general3A_48 = tpu.matmul %convert_element_type3A_4, %get3A_46, %dot_general3A_47 {dimension_numbers = #tpu.dot_dimension_numbers<[0], [0], [1], [1], [0, 1, 1, 1], [], []>, transpose_lhs_hint = false} : vector<10000x64xf32>, vector<10000x64xf32>, vector<64x64xf32> -> vector<64x64xf32>
    %get3A_49 = arith.constant 0 : index
    %get3A_50 = arith.constant 0 : index
    %get3A_51 = vector.load %arg10[%get3A_49, %get3A_50] : memref<64x64xf32, #tpu.memory_space<vmem>>, vector<64x64xf32>
    %dot_general3A_52 = arith.constant dense<0.000000e+00> : vector<64x64xf32>
    %dot_general3A_53 = tpu.matmul %dot_general3A_48, %get3A_51, %dot_general3A_52 {dimension_numbers = #tpu.dot_dimension_numbers<[1], [0], [0], [1], [0, 0, 1, 1], [], []>, transpose_lhs_hint = false} : vector<64x64xf32>, vector<64x64xf32>, vector<64x64xf32> -> vector<64x64xf32>
    %concatenate3A = tpu.concatenate %dot_general3A_13, %dot_general3A_23, %dot_general3A_33, %dot_general3A_43, %dot_general3A_53 in 1 : vector<64x64xf32>, vector<64x64xf32>, vector<64x64xf32>, vector<64x64xf32>, vector<64x64xf32> -> vector<64x320xf32>
    %get3A_54 = arith.constant 0 : index
    %get3A_55 = arith.constant 0 : index
    %get3A_56 = vector.load %arg11[%get3A_54, %get3A_55] : memref<1x320xf32, #tpu.memory_space<vmem>>, vector<1x320xf32>
    %add3A = vector.broadcast %get3A_56 : vector<1x320xf32> to vector<64x320xf32>
    %add3A_57 = arith.addf %concatenate3A, %add3A : vector<64x320xf32>
    %swap3A = arith.constant 0 : index
    %swap3A_58 = arith.constant 0 : index
    %swap3A_59 = vector.load %arg20[%swap3A, %swap3A_58] : memref<64x320xf32, #tpu.memory_space<vmem>>, vector<64x320xf32>
    tpu.vector_store %arg20[%swap3A, %swap3A_58], %add3A_57 {strides = array<i32>} : memref<64x320xf32, #tpu.memory_space<vmem>>, vector<64x320xf32>,
    %get3A_60 = arith.constant 0 : index
    %get3A_61 = arith.constant 0 : index
    %get3A_62 = vector.load %arg12[%get3A_60, %get3A_61] : memref<320x320xf32, #tpu.memory_space<vmem>>, vector<320x320xf32>
    %dot_general3A_63 = arith.constant dense<0.000000e+00> : vector<64x320xf32>
    %dot_general3A_64 = tpu.matmul %add3A_57, %get3A_62, %dot_general3A_63 {dimension_numbers = #tpu.dot_dimension_numbers<[1], [0], [0], [1], [0, 0, 1, 1], [], []>, transpose_lhs_hint = false} : vector<64x320xf32>, vector<320x320xf32>, vector<64x320xf32> -> vector<64x320xf32>
    %get3A_65 = arith.constant 0 : index
    %get3A_66 = arith.constant 0 : index
    %get3A_67 = vector.load %arg13[%get3A_65, %get3A_66] : memref<1x320xf32, #tpu.memory_space<vmem>>, vector<1x320xf32>
    %add3A_68 = vector.broadcast %get3A_67 : vector<1x320xf32> to vector<64x320xf32>
    %add3A_69 = arith.addf %dot_general3A_64, %add3A_68 : vector<64x320xf32>
    %max3A = arith.constant 0.000000e+00 : f32
    %max3A_70 = vector.broadcast %max3A : f32 to vector<64x320xf32>
    %max3A_71 = arith.maximumf %add3A_69, %max3A_70 : vector<64x320xf32>
    %get3A_72 = arith.constant 0 : index
    %get3A_73 = arith.constant 0 : index
    %get3A_74 = vector.load %arg14[%get3A_72, %get3A_73] : memref<320x320xf32, #tpu.memory_space<vmem>>, vector<320x320xf32>
    %dot_general3A_75 = arith.constant dense<0.000000e+00> : vector<64x320xf32>
    %dot_general3A_76 = tpu.matmul %max3A_71, %get3A_74, %dot_general3A_75 {dimension_numbers = #tpu.dot_dimension_numbers<[1], [0], [0], [1], [0, 0, 1, 1], [], []>, transpose_lhs_hint = false} : vector<64x320xf32>, vector<320x320xf32>, vector<64x320xf32> -> vector<64x320xf32>
    %get3A_77 = arith.constant 0 : index
    %get3A_78 = arith.constant 0 : index
    %get3A_79 = vector.load %arg15[%get3A_77, %get3A_78] : memref<1x320xf32, #tpu.memory_space<vmem>>, vector<1x320xf32>
    %add3A_80 = vector.broadcast %get3A_79 : vector<1x320xf32> to vector<64x320xf32>
    %add3A_81 = arith.addf %dot_general3A_76, %add3A_80 : vector<64x320xf32>
    %max3A_82 = arith.constant 0.000000e+00 : f32
    %max3A_83 = vector.broadcast %max3A_82 : f32 to vector<64x320xf32>
    %max3A_84 = arith.maximumf %add3A_81, %max3A_83 : vector<64x320xf32>
    %get3A_85 = arith.constant 0 : index
    %get3A_86 = arith.constant 0 : index
    %get3A_87 = vector.load %arg16[%get3A_85, %get3A_86] : memref<320x320xf32, #tpu.memory_space<vmem>>, vector<320x320xf32>
    %dot_general3A_88 = arith.constant dense<0.000000e+00> : vector<64x320xf32>
    %dot_general3A_89 = tpu.matmul %max3A_84, %get3A_87, %dot_general3A_88 {dimension_numbers = #tpu.dot_dimension_numbers<[1], [0], [0], [1], [0, 0, 1, 1], [], []>, transpose_lhs_hint = false} : vector<64x320xf32>, vector<320x320xf32>, vector<64x320xf32> -> vector<64x320xf32>
    %get3A_90 = arith.constant 0 : index
    %get3A_91 = arith.constant 0 : index
    %get3A_92 = vector.load %arg17[%get3A_90, %get3A_91] : memref<1x320xf32, #tpu.memory_space<vmem>>, vector<1x320xf32>
    %add3A_93 = vector.broadcast %get3A_92 : vector<1x320xf32> to vector<64x320xf32>
    %add3A_94 = arith.addf %dot_general3A_89, %add3A_93 : vector<64x320xf32>
    %max3A_95 = arith.constant 0.000000e+00 : f32
    %max3A_96 = vector.broadcast %max3A_95 : f32 to vector<64x320xf32>
    %max3A_97 = arith.maximumf %add3A_94, %max3A_96 : vector<64x320xf32>
    %get3A_98 = arith.constant 0 : index
    %get3A_99 = arith.constant 0 : index
    %get3A_100 = vector.load %arg18[%get3A_98, %get3A_99] : memref<320x320xf32, #tpu.memory_space<vmem>>, vector<320x320xf32>
    %dot_general3A_101 = arith.constant dense<0.000000e+00> : vector<64x320xf32>
    %dot_general3A_102 = tpu.matmul %add3A_57, %get3A_100, %dot_general3A_101 {dimension_numbers = #tpu.dot_dimension_numbers<[1], [0], [0], [1], [0, 0, 1, 1], [], []>, transpose_lhs_hint = false} : vector<64x320xf32>, vector<320x320xf32>, vector<64x320xf32> -> vector<64x320xf32>
    %add3A_103 = arith.addf %max3A_97, %dot_general3A_102 : vector<64x320xf32>
    %get3A_104 = arith.constant 0 : index
    %get3A_105 = arith.constant 0 : index
    %get3A_106 = vector.load %arg19[%get3A_104, %get3A_105] : memref<1x320xf32, #tpu.memory_space<vmem>>, vector<1x320xf32>
    %add3A_107 = vector.broadcast %get3A_106 : vector<1x320xf32> to vector<64x320xf32>
    %add3A_108 = arith.addf %add3A_103, %add3A_107 : vector<64x320xf32>
    %swap3A_109 = arith.constant 0 : index
    %swap3A_110 = arith.constant 0 : index
    %swap3A_111 = vector.load %arg21[%swap3A_109, %swap3A_110] : memref<64x320xf32, #tpu.memory_space<vmem>>, vector<64x320xf32>
    tpu.vector_store %arg21[%swap3A_109, %swap3A_110], %add3A_108 {strides = array<i32>} : memref<64x320xf32, #tpu.memory_space<vmem>>, vector<64x320xf32>,
    return
  }
}

</mosaic_0001>

<sc_bundles>
// kernel: gather_offload_async_start.1
scs
__scs_entry_jumppad:
0x0: {  	(pc) =	sbr.rel $0x88, $3  }
0x1: {  	(tag) =	ssettag $0x0;
	lr =	simm.s32 $0x1  }
0x2: {  	[smem:$0x3F5B] =	sst lr;
	_ =	strace $0xD0000000  }
0x3: {  	_ = 	snop  }
0x4: {  	_ = 	snop  }
0x5: {  	_ = 	snop  }
0x6: {  	_ = 	snop  }
0x7: {  	_ = 	snop  }
__scs_overlays_trampoline_lowered:
0x8: {  	[smem:$0x3F6A] =	sst s0  }
0x9: {  	[smem:$0x3F6B] =	sst s1  }
0xa: {  	[smem:$0x3F6C] =	sst s2  }
0xb: {  	[smem:$0x3F6D] =	sst s3  }
0xc: {  	[smem:$0x3F6E] =	sst s4  }
0xd: {  	[smem:$0x3F6F] =	sst s5  }
0xe: {  	[smem:$0x3F70] =	sst s6  }
0xf: {  	[smem:$0x3F71] =	sst s7  }
0x10: {  	[smem:$0x3F72] =	sst s8  }
0x11: {  	[smem:$0x3F73] =	sst s9;
	s0 =	simm.s32 @!p0 $0x0  }
0x12: {  	s1 =	sld [smem:$0x3F59];
	s0 =	simm.s32 @p0 $0x1  }
0x13: {  	[smem:$0x3F74] =	sst s0;
	s0 =	simm.s32 @!p1 $0x0  }
0x14: {  	s2 =	sld [smem:$0x3F58];
	s0 =	simm.s32 @p1 $0x1  }
0x15: {  	[smem:$0x3F75] =	sst s0;
	s0 =	simm.s32 @!p2 $0x0  }
0x16: {  	s3 =	sld [smem:$0x3FDB];
	s0 =	simm.s32 @p2 $0x1  }
0x17: {  	s4 =	simm.s32 $0x1BF5;
	[smem:$0x3F77] =	sst s0  }
0x18: {  	s0 =	sld [smem:$0x3F5A];
	_ =	swait.ge [sflag:s4], $0x0  }
0x19: {  	s7 =	sld [smem:$0x3F5B]  }
0x1a: {  	s8 =	sadd.s32 $0xFFFFE003, lr  }
0x1b: {  	s9 =	sadd.s32 $0xFFFFFEF7, lr;
	s5 =	simm.s32 $0xFFFFFFFF;
	p2 =	slt.u32 s8, $0xFFFFF086  }
0x1c: {  	p1 =	slt.u32 s9, $0xF7A;
	s5 =	simm.s32 @!p2 $0x0  }
0x1d: {  	s5 =	simm.s32 @p1 $0x1;
	p0 =	seq.s32 s7, s2  }
0x1e: {  	s7 =	smul.u32 @!p0 $0xF7A, s2;
	p2 =	seq.s32 @!p0 s5, $0x0  }
0x1f: {  	s9 =	smul.u32 $0xF7A, s1;
	s8 =	simm.s32 @!p0 $0x1BF5;
	p2 =	por !p2, p0  }
0x20: {  	[sflag:s8] =	ssyncset.s32 @!p0 $0xFFFFF086;
	s6 =	sadd.s32 @!p0 s3, s7;
	s7 =	simm.s32 @!p0 $0x108  }
0x21: {  	s3 =	sadd.s32 s3, s9;
	s6 =	sadd.s32 @!p0 $0x88, s6;
	s7 =	simm.s32 @p2 $0x1082  }
0x22: {  	[simem:s7], [sflag:s8] =	dma.local @!p0 [hbm:s6], $0xF7A  }
0x23: {  	s9 =	sor.u32 $0xD0000000, s2;
	s6 =	simm.s32 $0x108;
	_ =	swait.ge @!p0 [sflag:s8], $0x0  }
0x24: {  	s3 =	sadd.s32 $0x88, s3;
	s6 =	simm.s32 @!p1 $0x1082;
	[sflag:s4] =	ssyncset.s32 $0xFFFFF086  }
0x25: {  	[simem:s6], [sflag:s4] =	dma.local [hbm:s3], $0xF7A  }
0x26: {  	[smem:$0x3F5B] =	sst s1;
	(tag) =	ssettag s2;
	_ =	strace s9  }
0x27: {  	s1 =	sld [smem:$0x3F6B]  }
0x28: {  	s2 =	sld [smem:$0x3F6C]  }
0x29: {  	s4 =	sld [smem:$0x3F6E]  }
0x2a: {  	p0 =	seq.s32 s5, $0x0;
	s5 =	sld [smem:$0x3F6F]  }
0x2b: {  	s6 =	sld [smem:$0x3F70]  }
0x2c: {  	s7 =	sld [smem:$0x3F71]  }
0x2d: {  	s3 =	simm.s32 $0x108;
	s8 =	sld [smem:$0x3F72]  }
0x2e: {  	s3 =	simm.s32 @!p0 $0x1082;
	s9 =	sld [smem:$0x3F73]  }
0x2f: {  	lr =	sadd.s32 s0, s3;
	s0 =	sld [smem:$0x3F6A]  }
0x30: {  	s3 =	sld [smem:$0x3F6D]  }
0x31: {  	[smem:$0x3F76] =	sst s10  }
0x32: {  	s10 =	sld [smem:$0x3F74];
	_ =	sdelay $0x3  }
0x33: {  	p0 =	seq.s32 s10, $0x1;
	s10 =	sld [smem:$0x3F76];
	_ =	sdelay $0x3  }
0x34: {  	[smem:$0x3F76] =	sst s10  }
0x35: {  	s10 =	sld [smem:$0x3F75];
	_ =	sdelay $0x3  }
0x36: {  	p1 =	seq.s32 s10, $0x1;
	s10 =	sld [smem:$0x3F76];
	_ =	sdelay $0x3  }
0x37: {  	[smem:$0x3F76] =	sst s10  }
0x38: {  	s10 =	sld [smem:$0x3F77]  }
0x39: {  	_ = 	snop;
	(pc) =	sbr.ind lr, $3  }
0x3a: {  	_ = 	snop  }
0x3b: {  	_ = 	snop  }
0x3c: {  	p2 =	seq.s32 s10, $0x1;
	s10 =	sld [smem:$0x3F76]  }
0x3d: {  	_ =	shalt  }
0x3e: {  	_ =	shalt  }
0x3f: {  	_ =	shalt  }
0x40: {  	_ =	shalt  }
0x41: {  	_ =	shalt  }
0x42: {  	_ =	shalt  }
0x43: {  	_ =	shalt  }
0x44: {  	_ =	shalt  }
0x45: {  	_ =	shalt  }
0x46: {  	_ =	shalt  }
0x47: {  	_ =	shalt  }
0x48: {  	_ =	shalt  }
0x49: {  	_ =	shalt  }
0x4a: {  	_ =	shalt  }
0x4b: {  	_ =	shalt  }
0x4c: {  	_ =	shalt  }
0x4d: {  	_ =	shalt  }
0x4e: {  	_ =	shalt  }
0x4f: {  	_ =	shalt  }
0x50: {  	_ =	shalt  }
0x51: {  	_ =	shalt  }
0x52: {  	_ =	shalt  }
0x53: {  	_ =	shalt  }
0x54: {  	_ =	shalt  }
0x55: {  	_ =	shalt  }
0x56: {  	_ =	shalt  }
0x57: {  	_ =	shalt  }
0x58: {  	_ =	shalt  }
0x59: {  	_ =	shalt  }
0x5a: {  	_ =	shalt  }
0x5b: {  	_ =	shalt  }
0x5c: {  	_ =	shalt  }
0x5d: {  	_ =	shalt  }
0x5e: {  	_ =	shalt  }
0x5f: {  	_ =	shalt  }
0x60: {  	_ =	shalt  }
0x61: {  	_ =	shalt  }
0x62: {  	_ =	shalt  }
0x63: {  	_ =	shalt  }
0x64: {  	_ =	shalt  }
0x65: {  	_ =	shalt  }
0x66: {  	_ =	shalt  }
0x67: {  	_ =	shalt  }
0x68: {  	_ =	shalt  }
0x69: {  	_ =	shalt  }
0x6a: {  	_ =	shalt  }
0x6b: {  	_ =	shalt  }
0x6c: {  	_ =	shalt  }
0x6d: {  	_ =	shalt  }
0x6e: {  	_ =	shalt  }
0x6f: {  	_ =	shalt  }
0x70: {  	_ =	shalt  }
0x71: {  	_ =	shalt  }
0x72: {  	_ =	shalt  }
0x73: {  	_ =	shalt  }
0x74: {  	_ =	shalt  }
0x75: {  	_ =	shalt  }
0x76: {  	_ =	shalt  }
0x77: {  	_ =	shalt  }
0x78: {  	_ =	shalt  }
0x79: {  	_ =	shalt  }
0x7a: {  	_ =	shalt  }
0x7b: {  	_ =	shalt  }
0x7c: {  	_ =	shalt  }
0x7d: {  	_ =	shalt  }
0x7e: {  	_ =	shalt  }
0x7f: {  	_ =	shalt  }
0x80: {  	_ =	shalt  }
0x81: {  	_ =	shalt  }
0x82: {  	_ =	shalt  }
0x83: {  	_ =	shalt  }
0x84: {  	_ =	shalt  }
0x85: {  	_ =	shalt  }
0x86: {  	_ =	shalt  }
0x87: {  	_ =	shalt  }
.Lfunc_end0:
.L_simem_size_0:
called_computation.1_lowered:
.L_overlay_start_0:
0x88: {  	s2 =	sld [smem:$0x3FD9]  }
0x89: {  	s3 =	sld [smem:$0x3FFE];
	_ =	sdelay $0x1  }
0x8a: {  	s1 =	srdreg.scid  }
0x8b: {  	s0 =	sand.u32 $0x1, s1  }
0x8c: {  	s17 =	sshll.u32 s0, $0xA;
	s2 =	sadd.s32 s3, s2  }
0x8d: {  	s2 =	sadd.s32 s2, s17  }
0x8e: {  	[smem:$0x3F82] =	sst s2  }
0x8f: {  	_ = 	snop  }
0x90: {  	(tm) =	ssettm $0x1  }
0x91: {  	s18 =	sld [smem:$0x3FFB];
	_ =	sdelay $0x3  }
0x92: {  	_ =	strace s18  }
0x93: {  	s2 =	sld [smem:$0x3FFC];
	_ =	sdelay $0x3  }
0x94: {  	_ =	strace s2  }
0x95: {  	s2 =	sld [smem:$0x3FFD];
	_ =	sdelay $0x3  }
0x96: {  	_ =	strace s2  }
0x97: {  	_ =	strace $0x8FFFFFFF  }
0x98: {  	s19 =	sld [smem:$0x3FDB];
	_ =	sdelay $0x1  }
0x99: {  	s20 =	simm.s32 $_scs_section_size  }
0x9a: {  	s4 =	simm.s32 $_size__tile_overlayer_lowered;
	s5 =	simm.s32 $_tile_overlayer_lowered  }
0x9b: {  	s6 =	simm.s32 $0x1BFF;
	s21 =	sshll.u32 s5, $0x1;
	s3 =	sadd.s32 s20, s19  }
0x9c: {  	s22 =	simm.s32 $0x0;
	s4 =	sshll.u32 s4, $0x1;
	s5 =	sadd.s32 s21, s3  }
0x9d: {  	[timem:s22], [sflag:s6] =	dma.local [hbm:s5], s4  }
0x9e: {  	_ =	swait.ge [sflag:s6], s4  }
0x9f: {  	s4 =	ssub.s32 $0x0, s4;
	[sflag:s6] =	ssyncset.done $0x0  }
0xa0: {  	[sflag:s6] =	ssyncadd.s32 s4;
	_ =	sdelay $0x1  }
0xa1: {  	s23 =	simm.s32 $0x1B8B  }
0xa2: {  	_ =	swait.ge [sflag:s23], $0x1  }
0xa3: {  	[sflag:s23] =	ssyncset.done $0x0  }
0xa4: {  	[sflag:s23] =	ssyncadd.s32 $0xFFFFFFFF  }
0xa5: {  	s4 =	sld [smem:$0x0]  }
0xa6: {  	s5 =	sand.u32 $0xFFFFFFFE, s1  }
0xa7: {  	p0 =	sne.s32 s1, s5  }
0xa8: {  	s5 =	sshll.u32 @p0 s5, $0xE  }
0xa9: {  	s5 =	sadd.s32 @p0 $0x11B8D, s5;
	s6 =	sshll.u32 @p0 s4, $0x11  }
0xaa: {  	s5 =	sor.u32 @p0 s6, s5  }
0xab: {  	[sflag:s5] =	ssyncadd.remote.s32 @p0 $0x1;
	_ =	sdelay $0x1  }
0xac: {  	s5 =	simm.s32 @p0 $0x1B8D  }
0xad: {  	_ =	swait.eq @p0 [sflag:s5], $0x1  }
0xae: {  	[sflag:s5] =	ssyncadd.s32 @p0 $0xFFFFFFFF  }
0xaf: {  	s6 =	sshll.u32 @!p0 s1, $0xE  }
0xb0: {  	s6 =	sor.u32 @!p0 $0x4000, s6;
	s5 =	simm.s32 @!p0 $0x1B8D  }
0xb1: {  	s4 =	sshll.u32 @!p0 s4, $0x11;
	s6 =	sadd.s32 @!p0 $0x11B8D, s6;
	_ =	swait.eq @!p0 [sflag:s5], $0x1  }
0xb2: {  	s4 =	sor.u32 @!p0 s4, s6;
	[sflag:s5] =	ssyncadd.s32 @!p0 $0xFFFFFFFF  }
0xb3: {  	s25 =	simm.s32 $0x1B8E;
	s24 =	sld [smem:$0x3FFE];
	[sflag:s4] =	ssyncadd.remote.s32 @!p0 $0x1  }
0xb4: {  	s26 =	simm.s32 $execute0_lowered;
	[smem:$0x3FD2] =	sst s25  }
0xb5: {  	s5 =	sshll.u32 s26, $0x1;
	_ =	strace $0x80000049;
	[dreg:$0x1] =	wrdreg $0xFFFFFFFF  }
0xb6: {  	s28 =	simm.s32 $_size_execute0_lowered;
	s3 =	sadd.s32 s3, s5;
	[dreg:$0x0] =	wrdreg $0x0  }
0xb7: {  	s5 =	sshll.u32 s28, $0x1;
	[dreg:$0x2] =	wrdreg s3  }
0xb8: {  	[dreg:$0x3] =	wrdreg s5  }
0xb9: {  	[dreg:$0x4] =	wrdreg $0xC0  }
0xba: {  	_ =	task [dreg:s22], $0x5FFFF  }
0xbb: {  	[dreg:$0x1] =	wrdreg $0xFFFFFFFF  }
0xbc: {  	[dreg:$0x0] =	wrdreg $0x60  }
0xbd: {  	[dreg:$0x2] =	wrdreg s24  }
0xbe: {  	[dreg:$0x3] =	wrdreg $0xA  }
0xbf: {  	_ =	task.clear_ibuf [dreg:s22], $0x4FFFF;
	_ =	strace $0x90000049  }
0xc0: {  	s29 =	simm.s32 $0xA;
	_ =	strace $0x8000004B  }
0xc1: {  	_ =	swait.ge [sflag:s29], $0x1  }
0xc2: {  	[sflag:s29] =	ssyncadd.s32 $0xFFFFFFFF  }
0xc3: {  	_ =	strace $0x9000004B  }
0xc4: {  	_ =	sfence  }
0xc5: {  	s30 =	sld [smem:$0x0];
	_ =	sdelay $0x2  }
0xc6: {  	s31 =	sshll.u32 s1, $0xD;
	s1 =	sshrl.u32 s1, $0x2  }
0xc7: {  	s4 =	sand.u32 $0x4000, s31;
	s1 =	sadd.s32 s1, s30  }
0xc8: {  	s0 =	sor.u32 s4, s0;
	s1 =	sshll.u32 s1, $0x11  }
0xc9: {  	s0 =	sor.u32 s1, s0  }
0xca: {  	s0 =	sadd.s32 $0x8F2B, s0  }
0xcb: {  	[sflag:s0] =	ssyncadd.remote.s32 $0x1  }
0xcc: {  	_ =	sfence.sel $0xFFFF  }
0xcd: {  	[dreg:$0x0] =	wrdreg $0xFFFFFFFF;
	(pc) =	sbr.abs _section_cstart, $3  }
0xce: {  	[dreg:$0x1] =	wrdreg $0xFFFFFFFF  }
0xcf: {  	_ =	task.clear_ibuf [dreg:s22], $0x2FFFF;
	_ =	strace $0x9FFFFFFF  }
0xd0: {  	(tm) =	ssettm $0x7FFFFFFF  }
0xd1: {  	_ =	shalt  }
tec
execute0_lowered:
.L_overlay_start_1:
0x0: {  	(tag) =	ssettag $0x1  }
0x1: {  	s8 =	rddreg [dreg:$0x0]  }
0x2: {  	s0 =	rddreg [dreg:$0x1];
	_ =	strace $0x8000004A;
	s1 =	stileid.u32  }
0x3: {  	s3 =	srdreg.scid;
	s4 =	simm.s32 $0x1;
	s7 =	simm.s32 $0x1  }
0x4: {  	s9 =	simm.s32 $0x1;
	s10 =	simm.s32 $0x3;
	s13 =	simm.s32 $0x0  }
0x5: {  	s12 =	simm.s32 $0x0;
	s5 =	sand.u32 $0x1, s3;
	s6 =	sshll.u32 s1, $0x1  }
0x6: {  	s2 =	sadd.s32 $0x6800, s8;
	s3 =	sadd.s32 $0x10600, s8;
	s5 =	sor.u32 s6, s5  }
.Ltmp0:
0x7: {  	[sflag:s4] =	ssyncpa.u1 $0x0;
	p0 =	slt.u32 s5, $0x9;
	(pc) =	sbr.rel .LBB2_1-.Ltmp0, $4  }
0x8: {  	s6 =	simm.s32 $0x2;
	s7 =	simm.s32 @!p0 $0x0;
	p0 =	sne.s32 s5, $0x8  }
0x9: {  	[sflag:s6] =	ssyncpa.u1 $0x0;
	s5 =	smul.u32 $0x1F40, s5;
	s9 =	simm.s32 @!p0 $0x0  }
0xa: {  	s8 =	sadd.s32 $0x24200, s8;
	[sflag:s10] =	ssyncpa.u1 $0x0;
	s7 =	sadd.s32 s9, s7  }
0xb: {  	vm0 =	vmmov $0xffff;
	s10 =	simm.s32 $0x0;
	s11 =	smov.u32 s5;
	s9 =	sadd.s32 $0x1, s7  }
.LBB2_4:
0xc: {  	v2 =	vnsel vm1, $0x0, v2  }
0xd: {  	vm1 =	vgt.s32 v0, $0x0;
	v2 =	vmin.u32 v2, $0x4E1FF  }
0xe: {  	v0 =	vnsel vm1, $0x0, v0  }
0xf: {  	v0 =	vmin.u32 v0, $0x4E1FF  }
0x10: {  	[tilespmem:s18], [sflag:$0x1] =	stream.indirect_vreg.gather [hbm4b:s2+s10], $0x1, v1, vm0, $0x4038;
	[tilespmem:$0x7D00] =	vst v63  }
0x11: {  	(ifvalue) =	ssetifvalue $0x7FFFFFFF  }
0x12: {  	[tilespmem:s15], [sflag:$0x1] =	stream.indirect_vreg.gather [hbm4b:s2+s10], $0x1, v2, vm0, $0x4038;
	[tilespmem:$0x7D00] =	vst v63  }
0x13: {  	s29 =	sadd.s32 $0x10, s15;
	(ifvalue) =	ssetifvalue $0x7FFFFFFF  }
0x14: {  	[tilespmem:s29], [sflag:$0x1] =	stream.indirect_vreg.gather [hbm4b:s2+s10], $0x1, v0, vm0, $0x4038;
	[tilespmem:$0x7D00] =	vst v63  }
0x15: {  	_ =	swait.ge [sflag:s4], $0x1F40  }
0x16: {  	s30 =	sshrl.u32 s13, $0x3;
	[sflag:s4] =	ssyncset.done $0x0  }
0x17: {  	s31 =	sand.u32 $0x7, s13;
	s15 =	sadd.s32 s8, s30;
	[sflag:s4] =	ssyncadd.s32 $0xFFFFE0C0  }
0x18: {  	[hbm4b:s15+s31] =	stream.linear.scatter [tilespmem:s14], [sflag:$0x3], $0x1F40, $0x38;
	[tilespmem:$0x7D00] =	vst v63  }
.LBB2_5:
0x19: {  	s15 =	sadd.s32 $0x3E800, s11  }
0x1a: {  	p1 =	sgt.s32 s15, $0x4E1FF  }
0x1b: {  	s15 =	smov.u32 @p1 s5;
	p1 =	sne.s32 s12, s9  }
.Ltmp1:
0x1c: {  	p0 =	slt.u32 s12, $0x2;
	(pc) =	sbr.rel @!p1 .LBB2_6-.Ltmp1, $4  }
0x1d: {  	s14 =	simm.s32 @!p0 $0x3  }
0x1e: {  	_ =	swait.ge @!p0 [sflag:s14], $0x1F40  }
0x1f: {  	s16 =	sadd.s32 $0x1, s12;
	s13 =	smov.u32 s11;
	[sflag:s14] =	ssyncset.done @!p0 $0x0  }
0x20: {  	s12 =	smov.u32 s16;
	s11 =	smov.u32 s15;
	[sflag:s14] =	ssyncadd.s32 @!p0 $0xFFFFE0C0  }
.LBB2_1:
0x21: {  	p0 =	sge.u32 s12, s7  }
0x22: {  	s14 =	sxor.u32 @!p0 $0x1, s12  }
0x23: {  	s14 =	smul.u32 @!p0 $0x7D00, s14  }
0x24: {  	s31 =	sadd.s32 $0xFFFFFFFF, s12;
	s15 =	sshrl.u32 @!p0 s11, $0x3  }
0x25: {  	s16 =	sand.u32 @!p0 $0x7, s11;
	s15 =	sadd.s32 @!p0 s3, s15;
	s14 =	sshra.s32 @!p0 s14, $0x2  }
0x26: {  	[tilespmem:s14], [sflag:$0x2] =	stream.linear.gather @!p0 [hbm4b:s15+s16], $0x1F40, $0x38;
	[tilespmem:$0x7D00] =	vst v63  }
0x27: {  	p0 =	sge.u32 s31, s7  }
.Ltmp2:
0x28: {  	_ = 	snop;
	(pc) =	sbr.rel @p0 .LBB2_5-.Ltmp2, $1  }
0x29: {  	_ =	sdelay $0x3  }
0x2a: {  	s14 =	sand.u32 $0x1, s12  }
0x2b: {  	_ =	swait.ge [sflag:s6], $0x1F40;
	p0 =	seq.s32 s14, $0x1;
	s14 =	simm.s32 $0x1F40  }
0x2c: {  	[sflag:s6] =	ssyncset.done $0x0;
	s14 =	simm.s32 @!p0 $0x0  }
0x2d: {  	[sflag:s6] =	ssyncadd.s32 $0xFFFFE0C0;
	(ifvalue) =	ssetifvalue $0x7FFFFFFF;
	v0 =	vld.msk [tilespmem:s14+$0x0 ss:$0x1], $0xffff;
	_ =	sdelay $0x4  }
0x2e: {  	s15 =	sadd.s32 $0x10, s14;
	vm1 =	vgt.s32 v0, $0x0  }
0x2f: {  	v2 =	vld.msk [tilespmem:s15+$0x0 ss:$0x1], $0xffff;
	v1 =	vnsel vm1, $0x0, v0  }
0x30: {  	v1 =	vmin.u32 v1, $0x4E1FF;
	_ =	sdelay $0x2  }
0x31: {  	s17 =	simm.s32 $0x20;
	s14 =	sadd.s32 $0x3E80, s14;
	s16 =	sadd.s32 $0x10, s15  }
0x32: {  	s15 =	sadd.s32 $0x10, s14;
	s18 =	smov.u32 s14;
	v0 =	vld.msk [tilespmem:s16+$0x0 ss:$0x1], $0xffff;
	vm1 =	vgt.s32 v2, $0x0;
	(ifvalue) =	ssetifvalue $0x7FFFFFFF  }
.LBB2_3:
0x33: {  	[tilespmem:s18], [sflag:$0x1] =	stream.indirect_vreg.gather [hbm4b:s2+s10], $0x1, v1, vm0, $0x4038;
	[tilespmem:$0x7D00] =	vst v63  }
0x34: {  	s17 =	sadd.s32 $0x10, s17  }
0x35: {  	v2 =	vnsel vm1, $0x0, v2;
	p0 =	slt.u32 s17, $0x1F30  }
.Ltmp3:
0x36: {  	s18 =	smov.u32 s15;
	v1 =	vmin.u32 v2, $0x4E1FF;
	(pc) =	sbr.rel @p0 .LBB2_3-.Ltmp3, $3  }
0x37: {  	_ =	sdelay $0x1  }
0x38: {  	s16 =	sadd.s32 $0x10, s16  }
0x39: {  	vm1 =	vgt.s32 v0, $0x0;
	s15 =	sadd.s32 $0x10, s15;
	v2 =	vmov v0;
	(ifvalue) =	ssetifvalue $0x7FFFFFFF;
	v0 =	vld.msk [tilespmem:s16+$0x0 ss:$0x1], $0xffff  }
.Ltmp4:
0x3a: {  	_ = 	snop;
	(pc) =	sbr.rel .LBB2_4-.Ltmp4, $1  }
0x3b: {  	_ =	sdelay $0x3  }
.LBB2_6:
0x3c: {  	_ =	sfence.sel $0x180000  }
0x3d: {  	s2 =	simm.s32 $0x2;
	[bflag:$0x0] =	sbarrier.arrive $0xFFFF  }
0x3e: {  	s30 =	simm.s32 $0x3;
	[sflag:s2] =	ssyncpa.u1 $0x1  }
0x3f: {  	s31 =	simm.s32 $0x1;
	[sflag:s30] =	ssyncpa.u1 $0x1  }
0x40: {  	[sflag:s31] =	ssyncpa.u1 $0x1  }
0x41: {  	p0 =	sne.s32 s1, $0x0;
	_ =	strace $0x9000004A  }
0x42: {  	s0 =	sadd.s32 @!p0 $0x100000, s0;
	[bflag:$0x2] =	sbarrier.arrive $0xFFFF  }
0x43: {  	[sflag:s0] =	ssyncadd.tile.s32 @!p0 $0x1;
	_ =	shalt  }
.Lfunc_end2:
_tile_overlayer_lowered:
.L_overlay_start_2:
0x44: {  	(tag) =	ssettag $0x2  }
0x45: {  	s0 =	rddreg [dreg:$0x0];
	s2 =	stileid.u32  }
0x46: {  	s1 =	rddreg [dreg:$0x1];
	p0 =	sne.s32 s2, $0x0  }
0x47: {  	s3 =	rddreg [dreg:$0x2];
	[bflag:$0x3] =	sbarrier.arrive $0xFFFF;
	s2 =	simm.s32 @!p0 $0x1C01  }
0x48: {  	[timem:s3], [sflag:s2] =	dma.local @!p0 [hbm:s0], s1  }
0x49: {  	s0 =	simm.s32 @!p0 $0x1  }
0x4a: {  	_ =	swait.ge @!p0 [sflag:s0], s1  }
0x4b: {  	s1 =	ssub.s32 @!p0 $0x0, s1;
	[sflag:s0] =	ssyncset.done @!p0 $0x0  }
0x4c: {  	[sflag:s0] =	ssyncadd.s32 @!p0 s1  }
0x4d: {  	[bflag:$0x3] =	sbarrier.arrive $0xFFFF  }
0x4e: {  	_ =	shalt  }

// kernel: gather_offload_async_start
scs
__scs_entry_jumppad:
0x0: {  	(pc) =	sbr.rel $0x88, $3  }
0x1: {  	(tag) =	ssettag $0x0;
	lr =	simm.s32 $0x1  }
0x2: {  	[smem:$0x3F5B] =	sst lr;
	_ =	strace $0xD0000000  }
0x3: {  	_ = 	snop  }
0x4: {  	_ = 	snop  }
0x5: {  	_ = 	snop  }
0x6: {  	_ = 	snop  }
0x7: {  	_ = 	snop  }
__scs_overlays_trampoline_lowered:
0x8: {  	[smem:$0x3F6A] =	sst s0  }
0x9: {  	[smem:$0x3F6B] =	sst s1  }
0xa: {  	[smem:$0x3F6C] =	sst s2  }
0xb: {  	[smem:$0x3F6D] =	sst s3  }
0xc: {  	[smem:$0x3F6E] =	sst s4  }
0xd: {  	[smem:$0x3F6F] =	sst s5  }
0xe: {  	[smem:$0x3F70] =	sst s6  }
0xf: {  	[smem:$0x3F71] =	sst s7  }
0x10: {  	[smem:$0x3F72] =	sst s8  }
0x11: {  	[smem:$0x3F73] =	sst s9;
	s0 =	simm.s32 @!p0 $0x0  }
0x12: {  	s1 =	sld [smem:$0x3F59];
	s0 =	simm.s32 @p0 $0x1  }
0x13: {  	[smem:$0x3F74] =	sst s0;
	s0 =	simm.s32 @!p1 $0x0  }
0x14: {  	s2 =	sld [smem:$0x3F58];
	s0 =	simm.s32 @p1 $0x1  }
0x15: {  	[smem:$0x3F75] =	sst s0;
	s0 =	simm.s32 @!p2 $0x0  }
0x16: {  	s3 =	sld [smem:$0x3FDB];
	s0 =	simm.s32 @p2 $0x1  }
0x17: {  	s4 =	simm.s32 $0x1BF5;
	[smem:$0x3F77] =	sst s0  }
0x18: {  	s0 =	sld [smem:$0x3F5A];
	_ =	swait.ge [sflag:s4], $0x0  }
0x19: {  	s7 =	sld [smem:$0x3F5B]  }
0x1a: {  	s8 =	sadd.s32 $0xFFFFE003, lr  }
0x1b: {  	s9 =	sadd.s32 $0xFFFFFEF7, lr;
	s5 =	simm.s32 $0xFFFFFFFF;
	p2 =	slt.u32 s8, $0xFFFFF086  }
0x1c: {  	p1 =	slt.u32 s9, $0xF7A;
	s5 =	simm.s32 @!p2 $0x0  }
0x1d: {  	s5 =	simm.s32 @p1 $0x1;
	p0 =	seq.s32 s7, s2  }
0x1e: {  	s7 =	smul.u32 @!p0 $0xF7A, s2;
	p2 =	seq.s32 @!p0 s5, $0x0  }
0x1f: {  	s9 =	smul.u32 $0xF7A, s1;
	s8 =	simm.s32 @!p0 $0x1BF5;
	p2 =	por !p2, p0  }
0x20: {  	[sflag:s8] =	ssyncset.s32 @!p0 $0xFFFFF086;
	s6 =	sadd.s32 @!p0 s3, s7;
	s7 =	simm.s32 @!p0 $0x108  }
0x21: {  	s3 =	sadd.s32 s3, s9;
	s6 =	sadd.s32 @!p0 $0x88, s6;
	s7 =	simm.s32 @p2 $0x1082  }
0x22: {  	[simem:s7], [sflag:s8] =	dma.local @!p0 [hbm:s6], $0xF7A  }
0x23: {  	s9 =	sor.u32 $0xD0000000, s2;
	s6 =	simm.s32 $0x108;
	_ =	swait.ge @!p0 [sflag:s8], $0x0  }
0x24: {  	s3 =	sadd.s32 $0x88, s3;
	s6 =	simm.s32 @!p1 $0x1082;
	[sflag:s4] =	ssyncset.s32 $0xFFFFF086  }
0x25: {  	[simem:s6], [sflag:s4] =	dma.local [hbm:s3], $0xF7A  }
0x26: {  	[smem:$0x3F5B] =	sst s1;
	(tag) =	ssettag s2;
	_ =	strace s9  }
0x27: {  	s1 =	sld [smem:$0x3F6B]  }
0x28: {  	s2 =	sld [smem:$0x3F6C]  }
0x29: {  	s4 =	sld [smem:$0x3F6E]  }
0x2a: {  	p0 =	seq.s32 s5, $0x0;
	s5 =	sld [smem:$0x3F6F]  }
0x2b: {  	s6 =	sld [smem:$0x3F70]  }
0x2c: {  	s7 =	sld [smem:$0x3F71]  }
0x2d: {  	s3 =	simm.s32 $0x108;
	s8 =	sld [smem:$0x3F72]  }
0x2e: {  	s3 =	simm.s32 @!p0 $0x1082;
	s9 =	sld [smem:$0x3F73]  }
0x2f: {  	lr =	sadd.s32 s0, s3;
	s0 =	sld [smem:$0x3F6A]  }
0x30: {  	s3 =	sld [smem:$0x3F6D]  }
0x31: {  	[smem:$0x3F76] =	sst s10  }
0x32: {  	s10 =	sld [smem:$0x3F74];
	_ =	sdelay $0x3  }
0x33: {  	p0 =	seq.s32 s10, $0x1;
	s10 =	sld [smem:$0x3F76];
	_ =	sdelay $0x3  }
0x34: {  	[smem:$0x3F76] =	sst s10  }
0x35: {  	s10 =	sld [smem:$0x3F75];
	_ =	sdelay $0x3  }
0x36: {  	p1 =	seq.s32 s10, $0x1;
	s10 =	sld [smem:$0x3F76];
	_ =	sdelay $0x3  }
0x37: {  	[smem:$0x3F76] =	sst s10  }
0x38: {  	s10 =	sld [smem:$0x3F77]  }
0x39: {  	_ = 	snop;
	(pc) =	sbr.ind lr, $3  }
0x3a: {  	_ = 	snop  }
0x3b: {  	_ = 	snop  }
0x3c: {  	p2 =	seq.s32 s10, $0x1;
	s10 =	sld [smem:$0x3F76]  }
0x3d: {  	_ =	shalt  }
0x3e: {  	_ =	shalt  }
0x3f: {  	_ =	shalt  }
0x40: {  	_ =	shalt  }
0x41: {  	_ =	shalt  }
0x42: {  	_ =	shalt  }
0x43: {  	_ =	shalt  }
0x44: {  	_ =	shalt  }
0x45: {  	_ =	shalt  }
0x46: {  	_ =	shalt  }
0x47: {  	_ =	shalt  }
0x48: {  	_ =	shalt  }
0x49: {  	_ =	shalt  }
0x4a: {  	_ =	shalt  }
0x4b: {  	_ =	shalt  }
0x4c: {  	_ =	shalt  }
0x4d: {  	_ =	shalt  }
0x4e: {  	_ =	shalt  }
0x4f: {  	_ =	shalt  }
0x50: {  	_ =	shalt  }
0x51: {  	_ =	shalt  }
0x52: {  	_ =	shalt  }
0x53: {  	_ =	shalt  }
0x54: {  	_ =	shalt  }
0x55: {  	_ =	shalt  }
0x56: {  	_ =	shalt  }
0x57: {  	_ =	shalt  }
0x58: {  	_ =	shalt  }
0x59: {  	_ =	shalt  }
0x5a: {  	_ =	shalt  }
0x5b: {  	_ =	shalt  }
0x5c: {  	_ =	shalt  }
0x5d: {  	_ =	shalt  }
0x5e: {  	_ =	shalt  }
0x5f: {  	_ =	shalt  }
0x60: {  	_ =	shalt  }
0x61: {  	_ =	shalt  }
0x62: {  	_ =	shalt  }
0x63: {  	_ =	shalt  }
0x64: {  	_ =	shalt  }
0x65: {  	_ =	shalt  }
0x66: {  	_ =	shalt  }
0x67: {  	_ =	shalt  }
0x68: {  	_ =	shalt  }
0x69: {  	_ =	shalt  }
0x6a: {  	_ =	shalt  }
0x6b: {  	_ =	shalt  }
0x6c: {  	_ =	shalt  }
0x6d: {  	_ =	shalt  }
0x6e: {  	_ =	shalt  }
0x6f: {  	_ =	shalt  }
0x70: {  	_ =	shalt  }
0x71: {  	_ =	shalt  }
0x72: {  	_ =	shalt  }
0x73: {  	_ =	shalt  }
0x74: {  	_ =	shalt  }
0x75: {  	_ =	shalt  }
0x76: {  	_ =	shalt  }
0x77: {  	_ =	shalt  }
0x78: {  	_ =	shalt  }
0x79: {  	_ =	shalt  }
0x7a: {  	_ =	shalt  }
0x7b: {  	_ =	shalt  }
0x7c: {  	_ =	shalt  }
0x7d: {  	_ =	shalt  }
0x7e: {  	_ =	shalt  }
0x7f: {  	_ =	shalt  }
0x80: {  	_ =	shalt  }
0x81: {  	_ =	shalt  }
0x82: {  	_ =	shalt  }
0x83: {  	_ =	shalt  }
0x84: {  	_ =	shalt  }
0x85: {  	_ =	shalt  }
0x86: {  	_ =	shalt  }
0x87: {  	_ =	shalt  }
.Lfunc_end0:
.L_simem_size_0:
called_computation_lowered:
.L_overlay_start_0:
0x88: {  	s2 =	sld [smem:$0x3FD9]  }
0x89: {  	s3 =	sld [smem:$0x3FFE];
	_ =	sdelay $0x1  }
0x8a: {  	s1 =	srdreg.scid  }
0x8b: {  	s0 =	sand.u32 $0x1, s1  }
0x8c: {  	s14 =	sshll.u32 s0, $0xA;
	s2 =	sadd.s32 s3, s2  }
0x8d: {  	s2 =	sadd.s32 s2, s14  }
0x8e: {  	[smem:$0x3F82] =	sst s2  }
0x8f: {  	_ = 	snop  }
0x90: {  	s2 =	sld [smem:$0x3FD0];
	_ =	sdelay $0x2  }
0x91: {  	s15 =	simm.s32 $0xB;
	s4 =	simm.s32 $0x10  }
0x92: {  	[smem:s4], [sflag:s15] =	dma.local [hbm:s2], $0x1  }
0x93: {  	_ =	swait.eq [sflag:s15], $0x1  }
0x94: {  	[sflag:s15] =	ssyncset.done $0x0  }
0x95: {  	[sflag:s15] =	ssyncadd.s32 $0xFFFFFFFF  }
0x96: {  	s16 =	sld [smem:$0x11];
	(tm) =	ssettm $0x1  }
0x97: {  	s17 =	sld [smem:$0x3FFB];
	_ =	sdelay $0x3  }
0x98: {  	_ =	strace s17  }
0x99: {  	s3 =	sld [smem:$0x3FFC];
	_ =	sdelay $0x3  }
0x9a: {  	_ =	strace s3  }
0x9b: {  	s3 =	sld [smem:$0x3FFD];
	_ =	sdelay $0x3  }
0x9c: {  	_ =	strace s3  }
0x9d: {  	_ =	strace $0x8FFFFFFF  }
0x9e: {  	s18 =	sld [smem:$0x3FDB];
	_ =	sdelay $0x1  }
0x9f: {  	s19 =	simm.s32 $_scs_section_size  }
0xa0: {  	s5 =	simm.s32 $_size__tile_overlayer_lowered;
	s6 =	simm.s32 $_tile_overlayer_lowered  }
0xa1: {  	s22 =	simm.s32 $0x1BFF;
	s21 =	sshll.u32 s6, $0x1;
	s3 =	sadd.s32 s19, s18  }
0xa2: {  	s7 =	simm.s32 $0x0;
	s20 =	sshll.u32 s5, $0x1;
	s5 =	sadd.s32 s21, s3  }
0xa3: {  	[timem:s7], [sflag:s22] =	dma.local [hbm:s5], s20  }
0xa4: {  	_ =	swait.ge [sflag:s22], s20  }
0xa5: {  	s4 =	ssub.s32 $0x0, s20;
	[sflag:s22] =	ssyncset.done $0x0  }
0xa6: {  	[sflag:s22] =	ssyncadd.s32 s4;
	_ =	sdelay $0x1  }
0xa7: {  	s23 =	simm.s32 $0x1B8B  }
0xa8: {  	_ =	swait.ge [sflag:s23], $0x1  }
0xa9: {  	[sflag:s23] =	ssyncset.done $0x0  }
0xaa: {  	s25 =	simm.s32 $0x1B8E;
	s24 =	sld [smem:$0x3FFE];
	[sflag:s23] =	ssyncadd.s32 $0xFFFFFFFF  }
0xab: {  	s26 =	simm.s32 $execute0_lowered;
	[smem:$0x3FD2] =	sst s25  }
0xac: {  	s5 =	sshll.u32 s26, $0x1;
	_ =	strace $0x80000046;
	[dreg:$0x1] =	wrdreg $0xFFFFFFFF  }
0xad: {  	s28 =	simm.s32 $_size_execute0_lowered;
	s3 =	sadd.s32 s3, s5;
	[dreg:$0x0] =	wrdreg $0x0  }
0xae: {  	s5 =	sshll.u32 s28, $0x1;
	[dreg:$0x2] =	wrdreg s3  }
0xaf: {  	[dreg:$0x3] =	wrdreg s5  }
0xb0: {  	[dreg:$0x4] =	wrdreg $0xC0  }
0xb1: {  	_ =	task [dreg:s7], $0x5FFFF  }
0xb2: {  	[dreg:$0x1] =	wrdreg $0xFFFFFFFF  }
0xb3: {  	[dreg:$0x0] =	wrdreg $0x60  }
0xb4: {  	[dreg:$0x2] =	wrdreg s16  }
0xb5: {  	[dreg:$0x3] =	wrdreg s24  }
0xb6: {  	[dreg:$0x4] =	wrdreg $0x9  }
0xb7: {  	_ =	task.clear_ibuf [dreg:s7], $0x5FFFF;
	_ =	strace $0x90000046  }
0xb8: {  	s29 =	simm.s32 $0x9;
	_ =	strace $0x80000048  }
0xb9: {  	_ =	swait.ge [sflag:s29], $0x1  }
0xba: {  	[sflag:s29] =	ssyncadd.s32 $0xFFFFFFFF  }
0xbb: {  	_ =	strace $0x90000048  }
0xbc: {  	_ =	sfence  }
0xbd: {  	s30 =	sld [smem:$0x0];
	_ =	sdelay $0x2  }
0xbe: {  	s31 =	sshll.u32 s1, $0xD;
	s1 =	sshrl.u32 s1, $0x2  }
0xbf: {  	s3 =	sand.u32 $0x4000, s31;
	s1 =	sadd.s32 s1, s30  }
0xc0: {  	s0 =	sor.u32 s3, s0;
	s1 =	sshll.u32 s1, $0x11  }
0xc1: {  	s0 =	sor.u32 s1, s0  }
0xc2: {  	s0 =	sadd.s32 $0x8F2B, s0  }
0xc3: {  	[sflag:s0] =	ssyncadd.remote.s32 $0x1  }
0xc4: {  	_ =	sfence.sel $0xFFFF  }
0xc5: {  	[dreg:$0x0] =	wrdreg $0xFFFFFFFF;
	(pc) =	sbr.abs _section_cstart, $3  }
0xc6: {  	[dreg:$0x1] =	wrdreg $0xFFFFFFFF  }
0xc7: {  	_ =	task.clear_ibuf [dreg:s7], $0x2FFFF;
	_ =	strace $0x9FFFFFFF  }
0xc8: {  	(tm) =	ssettm $0x7FFFFFFF  }
0xc9: {  	_ =	shalt  }
tec
execute0_lowered:
.L_overlay_start_1:
0x0: {  	(tag) =	ssettag $0x1  }
0x1: {  	s2 =	rddreg [dreg:$0x0]  }
0x2: {  	s8 =	rddreg [dreg:$0x1]  }
0x3: {  	s0 =	rddreg [dreg:$0x2];
	s1 =	stileid.u32  }
0x4: {  	s3 =	srdreg.scid;
	_ =	strace $0x80000047;
	s4 =	simm.s32 $0x1  }
0x5: {  	s7 =	simm.s32 $0x1;
	s9 =	simm.s32 $0x1;
	s10 =	simm.s32 $0x3  }
0x6: {  	s13 =	simm.s32 $0x0;
	s5 =	sand.u32 $0x1, s3;
	s6 =	sshll.u32 s1, $0x1  }
0x7: {  	s12 =	simm.s32 $0x0;
	s3 =	sadd.s32 $0x10600, s8;
	s5 =	sor.u32 s6, s5  }
.Ltmp0:
0x8: {  	[sflag:s4] =	ssyncpa.u1 $0x0;
	p0 =	slt.u32 s5, $0x9;
	(pc) =	sbr.rel .LBB2_1-.Ltmp0, $4  }
0x9: {  	s6 =	simm.s32 $0x2;
	s7 =	simm.s32 @!p0 $0x0;
	p0 =	sne.s32 s5, $0x8  }
0xa: {  	[sflag:s6] =	ssyncpa.u1 $0x0;
	s5 =	smul.u32 $0x1F40, s5;
	s9 =	simm.s32 @!p0 $0x0  }
0xb: {  	s8 =	sadd.s32 $0x1A400, s8;
	[sflag:s10] =	ssyncpa.u1 $0x0;
	s7 =	sadd.s32 s9, s7  }
0xc: {  	vm0 =	vmmov $0xffff;
	s10 =	simm.s32 $0x0;
	s11 =	smov.u32 s5;
	s9 =	sadd.s32 $0x1, s7  }
.LBB2_4:
0xd: {  	v2 =	vnsel vm1, $0x0, v2  }
0xe: {  	vm1 =	vgt.s32 v0, $0x0;
	v2 =	vmin.u32 v2, $0x4E1FF  }
0xf: {  	v0 =	vnsel vm1, $0x0, v0  }
0x10: {  	v0 =	vmin.u32 v0, $0x4E1FF  }
0x11: {  	[tilespmem:s18], [sflag:$0x1] =	stream.indirect_vreg.gather [hbm4b:s2+s10], $0x1, v1, vm0, $0x4038;
	[tilespmem:$0x7D00] =	vst v63  }
0x12: {  	(ifvalue) =	ssetifvalue $0x7FFFFFFF  }
0x13: {  	[tilespmem:s15], [sflag:$0x1] =	stream.indirect_vreg.gather [hbm4b:s2+s10], $0x1, v2, vm0, $0x4038;
	[tilespmem:$0x7D00] =	vst v63  }
0x14: {  	s29 =	sadd.s32 $0x10, s15;
	(ifvalue) =	ssetifvalue $0x7FFFFFFF  }
0x15: {  	[tilespmem:s29], [sflag:$0x1] =	stream.indirect_vreg.gather [hbm4b:s2+s10], $0x1, v0, vm0, $0x4038;
	[tilespmem:$0x7D00] =	vst v63  }
0x16: {  	_ =	swait.ge [sflag:s4], $0x1F40  }
0x17: {  	s30 =	sshrl.u32 s13, $0x3;
	[sflag:s4] =	ssyncset.done $0x0  }
0x18: {  	s31 =	sand.u32 $0x7, s13;
	s15 =	sadd.s32 s8, s30;
	[sflag:s4] =	ssyncadd.s32 $0xFFFFE0C0  }
0x19: {  	[hbm4b:s15+s31] =	stream.linear.scatter [tilespmem:s14], [sflag:$0x3], $0x1F40, $0x38;
	[tilespmem:$0x7D00] =	vst v63  }
.LBB2_5:
0x1a: {  	s15 =	sadd.s32 $0x3E800, s11  }
0x1b: {  	p1 =	sgt.s32 s15, $0x4E1FF  }
0x1c: {  	s15 =	smov.u32 @p1 s5;
	p1 =	sne.s32 s12, s9  }
.Ltmp1:
0x1d: {  	p0 =	slt.u32 s12, $0x2;
	(pc) =	sbr.rel @!p1 .LBB2_6-.Ltmp1, $4  }
0x1e: {  	s14 =	simm.s32 @!p0 $0x3  }
0x1f: {  	_ =	swait.ge @!p0 [sflag:s14], $0x1F40  }
0x20: {  	s16 =	sadd.s32 $0x1, s12;
	s13 =	smov.u32 s11;
	[sflag:s14] =	ssyncset.done @!p0 $0x0  }
0x21: {  	s12 =	smov.u32 s16;
	s11 =	smov.u32 s15;
	[sflag:s14] =	ssyncadd.s32 @!p0 $0xFFFFE0C0  }
.LBB2_1:
0x22: {  	p0 =	sge.u32 s12, s7  }
0x23: {  	s14 =	sxor.u32 @!p0 $0x1, s12  }
0x24: {  	s14 =	smul.u32 @!p0 $0x7D00, s14  }
0x25: {  	s31 =	sadd.s32 $0xFFFFFFFF, s12;
	s15 =	sshrl.u32 @!p0 s11, $0x3  }
0x26: {  	s16 =	sand.u32 @!p0 $0x7, s11;
	s15 =	sadd.s32 @!p0 s3, s15;
	s14 =	sshra.s32 @!p0 s14, $0x2  }
0x27: {  	[tilespmem:s14], [sflag:$0x2] =	stream.linear.gather @!p0 [hbm4b:s15+s16], $0x1F40, $0x38;
	[tilespmem:$0x7D00] =	vst v63  }
0x28: {  	p0 =	sge.u32 s31, s7  }
.Ltmp2:
0x29: {  	_ = 	snop;
	(pc) =	sbr.rel @p0 .LBB2_5-.Ltmp2, $1  }
0x2a: {  	_ =	sdelay $0x3  }
0x2b: {  	s14 =	sand.u32 $0x1, s12  }
0x2c: {  	_ =	swait.ge [sflag:s6], $0x1F40;
	p0 =	seq.s32 s14, $0x1;
	s14 =	simm.s32 $0x1F40  }
0x2d: {  	[sflag:s6] =	ssyncset.done $0x0;
	s14 =	simm.s32 @!p0 $0x0  }
0x2e: {  	[sflag:s6] =	ssyncadd.s32 $0xFFFFE0C0;
	(ifvalue) =	ssetifvalue $0x7FFFFFFF;
	v0 =	vld.msk [tilespmem:s14+$0x0 ss:$0x1], $0xffff;
	_ =	sdelay $0x4  }
0x2f: {  	s15 =	sadd.s32 $0x10, s14;
	vm1 =	vgt.s32 v0, $0x0  }
0x30: {  	v2 =	vld.msk [tilespmem:s15+$0x0 ss:$0x1], $0xffff;
	v1 =	vnsel vm1, $0x0, v0  }
0x31: {  	v1 =	vmin.u32 v1, $0x4E1FF;
	_ =	sdelay $0x2  }
0x32: {  	s17 =	simm.s32 $0x20;
	s14 =	sadd.s32 $0x3E80, s14;
	s16 =	sadd.s32 $0x10, s15  }
0x33: {  	s15 =	sadd.s32 $0x10, s14;
	s18 =	smov.u32 s14;
	v0 =	vld.msk [tilespmem:s16+$0x0 ss:$0x1], $0xffff;
	vm1 =	vgt.s32 v2, $0x0;
	(ifvalue) =	ssetifvalue $0x7FFFFFFF  }
.LBB2_3:
0x34: {  	[tilespmem:s18], [sflag:$0x1] =	stream.indirect_vreg.gather [hbm4b:s2+s10], $0x1, v1, vm0, $0x4038;
	[tilespmem:$0x7D00] =	vst v63  }
0x35: {  	s17 =	sadd.s32 $0x10, s17  }
0x36: {  	v2 =	vnsel vm1, $0x0, v2;
	p0 =	slt.u32 s17, $0x1F30  }
.Ltmp3:
0x37: {  	s18 =	smov.u32 s15;
	v1 =	vmin.u32 v2, $0x4E1FF;
	(pc) =	sbr.rel @p0 .LBB2_3-.Ltmp3, $3  }
0x38: {  	_ =	sdelay $0x1  }
0x39: {  	s16 =	sadd.s32 $0x10, s16  }
0x3a: {  	vm1 =	vgt.s32 v0, $0x0;
	s15 =	sadd.s32 $0x10, s15;
	v2 =	vmov v0;
	(ifvalue) =	ssetifvalue $0x7FFFFFFF;
	v0 =	vld.msk [tilespmem:s16+$0x0 ss:$0x1], $0xffff  }
.Ltmp4:
0x3b: {  	_ = 	snop;
	(pc) =	sbr.rel .LBB2_4-.Ltmp4, $1  }
0x3c: {  	_ =	sdelay $0x3  }
.LBB2_6:
0x3d: {  	_ =	sfence.sel $0x180000  }
0x3e: {  	s2 =	simm.s32 $0x2;
	[bflag:$0x0] =	sbarrier.arrive $0xFFFF  }
0x3f: {  	s30 =	simm.s32 $0x3;
	[sflag:s2] =	ssyncpa.u1 $0x1  }
0x40: {  	s31 =	simm.s32 $0x1;
	[sflag:s30] =	ssyncpa.u1 $0x1  }
0x41: {  	[sflag:s31] =	ssyncpa.u1 $0x1  }
0x42: {  	p0 =	sne.s32 s1, $0x0;
	_ =	strace $0x90000047  }
0x43: {  	s0 =	sadd.s32 @!p0 $0x100000, s0;
	[bflag:$0x2] =	sbarrier.arrive $0xFFFF  }
0x44: {  	[sflag:s0] =	ssyncadd.tile.s32 @!p0 $0x1;
	_ =	shalt  }
.Lfunc_end2:
_tile_overlayer_lowered:
.L_overlay_start_2:
0x45: {  	(tag) =	ssettag $0x2  }
0x46: {  	s0 =	rddreg [dreg:$0x0];
	s2 =	stileid.u32  }
0x47: {  	s1 =	rddreg [dreg:$0x1];
	p0 =	sne.s32 s2, $0x0  }
0x48: {  	s3 =	rddreg [dreg:$0x2];
	[bflag:$0x3] =	sbarrier.arrive $0xFFFF;
	s2 =	simm.s32 @!p0 $0x1C01  }
0x49: {  	[timem:s3], [sflag:s2] =	dma.local @!p0 [hbm:s0], s1  }
0x4a: {  	s0 =	simm.s32 @!p0 $0x1  }
0x4b: {  	_ =	swait.ge @!p0 [sflag:s0], s1  }
0x4c: {  	s1 =	ssub.s32 @!p0 $0x0, s1;
	[sflag:s0] =	ssyncset.done @!p0 $0x0  }
0x4d: {  	[sflag:s0] =	ssyncadd.s32 @!p0 s1  }
0x4e: {  	[bflag:$0x3] =	sbarrier.arrive $0xFFFF  }
0x4f: {  	_ =	shalt  }

// kernel: kernel.24.cloned.1.call-start
scs
__scs_entry_jumppad:
0x0: {  	(pc) =	sbr.rel $0x88, $3  }
0x1: {  	(tag) =	ssettag $0x0;
	lr =	simm.s32 $0x1  }
0x2: {  	[smem:$0x3F5B] =	sst lr;
	_ =	strace $0xD0000000  }
0x3: {  	_ = 	snop  }
0x4: {  	_ = 	snop  }
0x5: {  	_ = 	snop  }
0x6: {  	_ = 	snop  }
0x7: {  	_ = 	snop  }
__scs_overlays_trampoline_lowered:
0x8: {  	[smem:$0x3F6A] =	sst s0  }
0x9: {  	[smem:$0x3F6B] =	sst s1  }
0xa: {  	[smem:$0x3F6C] =	sst s2  }
0xb: {  	[smem:$0x3F6D] =	sst s3  }
0xc: {  	[smem:$0x3F6E] =	sst s4  }
0xd: {  	[smem:$0x3F6F] =	sst s5  }
0xe: {  	[smem:$0x3F70] =	sst s6  }
0xf: {  	[smem:$0x3F71] =	sst s7  }
0x10: {  	[smem:$0x3F72] =	sst s8  }
0x11: {  	[smem:$0x3F73] =	sst s9;
	s0 =	simm.s32 @!p0 $0x0  }
0x12: {  	s1 =	sld [smem:$0x3F59];
	s0 =	simm.s32 @p0 $0x1  }
0x13: {  	[smem:$0x3F74] =	sst s0;
	s0 =	simm.s32 @!p1 $0x0  }
0x14: {  	s2 =	sld [smem:$0x3F58];
	s0 =	simm.s32 @p1 $0x1  }
0x15: {  	[smem:$0x3F75] =	sst s0;
	s0 =	simm.s32 @!p2 $0x0  }
0x16: {  	s3 =	sld [smem:$0x3FDB];
	s0 =	simm.s32 @p2 $0x1  }
0x17: {  	s4 =	simm.s32 $0x1BF5;
	[smem:$0x3F77] =	sst s0  }
0x18: {  	s0 =	sld [smem:$0x3F5A];
	_ =	swait.ge [sflag:s4], $0x0  }
0x19: {  	s7 =	sld [smem:$0x3F5B]  }
0x1a: {  	s8 =	sadd.s32 $0xFFFFE003, lr  }
0x1b: {  	s9 =	sadd.s32 $0xFFFFFEF7, lr;
	s5 =	simm.s32 $0xFFFFFFFF;
	p2 =	slt.u32 s8, $0xFFFFF086  }
0x1c: {  	p1 =	slt.u32 s9, $0xF7A;
	s5 =	simm.s32 @!p2 $0x0  }
0x1d: {  	s5 =	simm.s32 @p1 $0x1;
	p0 =	seq.s32 s7, s2  }
0x1e: {  	s7 =	smul.u32 @!p0 $0xF7A, s2;
	p2 =	seq.s32 @!p0 s5, $0x0  }
0x1f: {  	s9 =	smul.u32 $0xF7A, s1;
	s8 =	simm.s32 @!p0 $0x1BF5;
	p2 =	por !p2, p0  }
0x20: {  	[sflag:s8] =	ssyncset.s32 @!p0 $0xFFFFF086;
	s6 =	sadd.s32 @!p0 s3, s7;
	s7 =	simm.s32 @!p0 $0x108  }
0x21: {  	s3 =	sadd.s32 s3, s9;
	s6 =	sadd.s32 @!p0 $0x88, s6;
	s7 =	simm.s32 @p2 $0x1082  }
0x22: {  	[simem:s7], [sflag:s8] =	dma.local @!p0 [hbm:s6], $0xF7A  }
0x23: {  	s9 =	sor.u32 $0xD0000000, s2;
	s6 =	simm.s32 $0x108;
	_ =	swait.ge @!p0 [sflag:s8], $0x0  }
0x24: {  	s3 =	sadd.s32 $0x88, s3;
	s6 =	simm.s32 @!p1 $0x1082;
	[sflag:s4] =	ssyncset.s32 $0xFFFFF086  }
0x25: {  	[simem:s6], [sflag:s4] =	dma.local [hbm:s3], $0xF7A  }
0x26: {  	[smem:$0x3F5B] =	sst s1;
	(tag) =	ssettag s2;
	_ =	strace s9  }
0x27: {  	s1 =	sld [smem:$0x3F6B]  }
0x28: {  	s2 =	sld [smem:$0x3F6C]  }
0x29: {  	s4 =	sld [smem:$0x3F6E]  }
0x2a: {  	p0 =	seq.s32 s5, $0x0;
	s5 =	sld [smem:$0x3F6F]  }
0x2b: {  	s6 =	sld [smem:$0x3F70]  }
0x2c: {  	s7 =	sld [smem:$0x3F71]  }
0x2d: {  	s3 =	simm.s32 $0x108;
	s8 =	sld [smem:$0x3F72]  }
0x2e: {  	s3 =	simm.s32 @!p0 $0x1082;
	s9 =	sld [smem:$0x3F73]  }
0x2f: {  	lr =	sadd.s32 s0, s3;
	s0 =	sld [smem:$0x3F6A]  }
0x30: {  	s3 =	sld [smem:$0x3F6D]  }
0x31: {  	[smem:$0x3F76] =	sst s10  }
0x32: {  	s10 =	sld [smem:$0x3F74];
	_ =	sdelay $0x3  }
0x33: {  	p0 =	seq.s32 s10, $0x1;
	s10 =	sld [smem:$0x3F76];
	_ =	sdelay $0x3  }
0x34: {  	[smem:$0x3F76] =	sst s10  }
0x35: {  	s10 =	sld [smem:$0x3F75];
	_ =	sdelay $0x3  }
0x36: {  	p1 =	seq.s32 s10, $0x1;
	s10 =	sld [smem:$0x3F76];
	_ =	sdelay $0x3  }
0x37: {  	[smem:$0x3F76] =	sst s10  }
0x38: {  	s10 =	sld [smem:$0x3F77]  }
0x39: {  	_ = 	snop;
	(pc) =	sbr.ind lr, $3  }
0x3a: {  	_ = 	snop  }
0x3b: {  	_ = 	snop  }
0x3c: {  	p2 =	seq.s32 s10, $0x1;
	s10 =	sld [smem:$0x3F76]  }
0x3d: {  	_ =	shalt  }
0x3e: {  	_ =	shalt  }
0x3f: {  	_ =	shalt  }
0x40: {  	_ =	shalt  }
0x41: {  	_ =	shalt  }
0x42: {  	_ =	shalt  }
0x43: {  	_ =	shalt  }
0x44: {  	_ =	shalt  }
0x45: {  	_ =	shalt  }
0x46: {  	_ =	shalt  }
0x47: {  	_ =	shalt  }
0x48: {  	_ =	shalt  }
0x49: {  	_ =	shalt  }
0x4a: {  	_ =	shalt  }
0x4b: {  	_ =	shalt  }
0x4c: {  	_ =	shalt  }
0x4d: {  	_ =	shalt  }
0x4e: {  	_ =	shalt  }
0x4f: {  	_ =	shalt  }
0x50: {  	_ =	shalt  }
0x51: {  	_ =	shalt  }
0x52: {  	_ =	shalt  }
0x53: {  	_ =	shalt  }
0x54: {  	_ =	shalt  }
0x55: {  	_ =	shalt  }
0x56: {  	_ =	shalt  }
0x57: {  	_ =	shalt  }
0x58: {  	_ =	shalt  }
0x59: {  	_ =	shalt  }
0x5a: {  	_ =	shalt  }
0x5b: {  	_ =	shalt  }
0x5c: {  	_ =	shalt  }
0x5d: {  	_ =	shalt  }
0x5e: {  	_ =	shalt  }
0x5f: {  	_ =	shalt  }
0x60: {  	_ =	shalt  }
0x61: {  	_ =	shalt  }
0x62: {  	_ =	shalt  }
0x63: {  	_ =	shalt  }
0x64: {  	_ =	shalt  }
0x65: {  	_ =	shalt  }
0x66: {  	_ =	shalt  }
0x67: {  	_ =	shalt  }
0x68: {  	_ =	shalt  }
0x69: {  	_ =	shalt  }
0x6a: {  	_ =	shalt  }
0x6b: {  	_ =	shalt  }
0x6c: {  	_ =	shalt  }
0x6d: {  	_ =	shalt  }
0x6e: {  	_ =	shalt  }
0x6f: {  	_ =	shalt  }
0x70: {  	_ =	shalt  }
0x71: {  	_ =	shalt  }
0x72: {  	_ =	shalt  }
0x73: {  	_ =	shalt  }
0x74: {  	_ =	shalt  }
0x75: {  	_ =	shalt  }
0x76: {  	_ =	shalt  }
0x77: {  	_ =	shalt  }
0x78: {  	_ =	shalt  }
0x79: {  	_ =	shalt  }
0x7a: {  	_ =	shalt  }
0x7b: {  	_ =	shalt  }
0x7c: {  	_ =	shalt  }
0x7d: {  	_ =	shalt  }
0x7e: {  	_ =	shalt  }
0x7f: {  	_ =	shalt  }
0x80: {  	_ =	shalt  }
0x81: {  	_ =	shalt  }
0x82: {  	_ =	shalt  }
0x83: {  	_ =	shalt  }
0x84: {  	_ =	shalt  }
0x85: {  	_ =	shalt  }
0x86: {  	_ =	shalt  }
0x87: {  	_ =	shalt  }
.Lfunc_end0:
.L_simem_size_0:
called_computation.2_lowered:
.L_overlay_start_0:
0x88: {  	s2 =	sld [smem:$0x3FD9]  }
0x89: {  	s3 =	sld [smem:$0x3FFE];
	_ =	sdelay $0x1  }
0x8a: {  	s1 =	srdreg.scid  }
0x8b: {  	s0 =	sand.u32 $0x1, s1  }
0x8c: {  	s14 =	sshll.u32 s0, $0xA;
	s2 =	sadd.s32 s3, s2  }
0x8d: {  	s2 =	sadd.s32 s2, s14  }
0x8e: {  	[smem:$0x3F82] =	sst s2  }
0x8f: {  	_ = 	snop  }
0x90: {  	s2 =	sld [smem:$0x3FD0];
	_ =	sdelay $0x2  }
0x91: {  	s4 =	simm.s32 $0xB;
	s5 =	simm.s32 $0x10;
	s15 =	sld [smem:$0x3FC9]  }
0x92: {  	[smem:s5], [sflag:s4] =	dma.local [hbm:s2], $0x1  }
0x93: {  	_ =	swait.eq [sflag:s4], $0x1  }
0x94: {  	[sflag:s4] =	ssyncset.done $0x0  }
0x95: {  	[sflag:s4] =	ssyncadd.s32 $0xFFFFFFFF  }
0x96: {  	s16 =	sld [smem:$0x11];
	(tm) =	ssettm $0x1  }
0x97: {  	s17 =	sld [smem:$0x3FFB];
	_ =	sdelay $0x3  }
0x98: {  	_ =	strace s17  }
0x99: {  	s4 =	sld [smem:$0x3FFC];
	_ =	sdelay $0x3  }
0x9a: {  	_ =	strace s4  }
0x9b: {  	s4 =	sld [smem:$0x3FFD];
	_ =	sdelay $0x3  }
0x9c: {  	_ =	strace s4  }
0x9d: {  	_ =	strace $0x8FFFFFFF  }
0x9e: {  	s18 =	sld [smem:$0x3FDB];
	_ =	sdelay $0x1  }
0x9f: {  	s19 =	simm.s32 $_scs_section_size  }
0xa0: {  	s6 =	simm.s32 $_size__tile_overlayer_lowered;
	s7 =	simm.s32 $_tile_overlayer_lowered  }
0xa1: {  	s22 =	simm.s32 $0x1BFF;
	s21 =	sshll.u32 s7, $0x1;
	s4 =	sadd.s32 s19, s18  }
0xa2: {  	s8 =	simm.s32 $0x0;
	s20 =	sshll.u32 s6, $0x1;
	s6 =	sadd.s32 s21, s4  }
0xa3: {  	[timem:s8], [sflag:s22] =	dma.local [hbm:s6], s20  }
0xa4: {  	_ =	swait.ge [sflag:s22], s20  }
0xa5: {  	s5 =	ssub.s32 $0x0, s20;
	[sflag:s22] =	ssyncset.done $0x0  }
0xa6: {  	[sflag:s22] =	ssyncadd.s32 s5;
	_ =	sdelay $0x1  }
0xa7: {  	s23 =	simm.s32 $0x1B8B  }
0xa8: {  	_ =	swait.ge [sflag:s23], $0x1  }
0xa9: {  	[sflag:s23] =	ssyncset.done $0x0  }
0xaa: {  	s25 =	simm.s32 $0x1B8E;
	s24 =	sld [smem:$0x3FFE];
	[sflag:s23] =	ssyncadd.s32 $0xFFFFFFFF  }
0xab: {  	s26 =	simm.s32 $execute0_lowered;
	[smem:$0x3FD2] =	sst s25  }
0xac: {  	s6 =	sshll.u32 s26, $0x1;
	_ =	strace $0x8000004C;
	[dreg:$0x1] =	wrdreg $0xFFFFFFFF  }
0xad: {  	s28 =	simm.s32 $_size_execute0_lowered;
	s4 =	sadd.s32 s4, s6;
	[dreg:$0x0] =	wrdreg $0x0  }
0xae: {  	s6 =	sshll.u32 s28, $0x1;
	[dreg:$0x2] =	wrdreg s4  }
0xaf: {  	[dreg:$0x3] =	wrdreg s6  }
0xb0: {  	[dreg:$0x4] =	wrdreg $0xC0  }
0xb1: {  	_ =	task [dreg:s8], $0x5FFFF  }
0xb2: {  	[dreg:$0x1] =	wrdreg $0xFFFFFFFF  }
0xb3: {  	[dreg:$0x0] =	wrdreg $0x60  }
0xb4: {  	[dreg:$0x2] =	wrdreg s15  }
0xb5: {  	[dreg:$0x3] =	wrdreg s24  }
0xb6: {  	[dreg:$0x4] =	wrdreg s16  }
0xb7: {  	[dreg:$0x5] =	wrdreg $0x0  }
0xb8: {  	[dreg:$0x6] =	wrdreg $0x9  }
0xb9: {  	_ =	task.clear_ibuf [dreg:s8], $0x7FFFF;
	_ =	strace $0x9000004C  }
0xba: {  	s29 =	simm.s32 $0x9;
	_ =	strace $0x8000004E  }
0xbb: {  	_ =	swait.ge [sflag:s29], $0x1  }
0xbc: {  	[sflag:s29] =	ssyncadd.s32 $0xFFFFFFFF  }
0xbd: {  	_ =	strace $0x9000004E  }
0xbe: {  	_ =	sfence  }
0xbf: {  	s30 =	sld [smem:$0x0];
	_ =	sdelay $0x2  }
0xc0: {  	s31 =	sshll.u32 s1, $0xD;
	s1 =	sshrl.u32 s1, $0x2  }
0xc1: {  	s3 =	sand.u32 $0x4000, s31;
	s1 =	sadd.s32 s1, s30  }
0xc2: {  	s0 =	sor.u32 s3, s0;
	s1 =	sshll.u32 s1, $0x11  }
0xc3: {  	s0 =	sor.u32 s1, s0  }
0xc4: {  	s0 =	sadd.s32 $0x8F2B, s0  }
0xc5: {  	[sflag:s0] =	ssyncadd.remote.s32 $0x1  }
0xc6: {  	_ =	sfence.sel $0xFFFF  }
0xc7: {  	[dreg:$0x0] =	wrdreg $0xFFFFFFFF;
	(pc) =	sbr.abs _section_cstart, $3  }
0xc8: {  	[dreg:$0x1] =	wrdreg $0xFFFFFFFF  }
0xc9: {  	_ =	task.clear_ibuf [dreg:s8], $0x2FFFF;
	_ =	strace $0x9FFFFFFF  }
0xca: {  	(tm) =	ssettm $0x7FFFFFFF  }
0xcb: {  	_ =	shalt  }
tec
execute0_lowered:
.L_overlay_start_1:
0x0: {  	(tag) =	ssettag $0x1  }
0x1: {  	s1 =	rddreg [dreg:$0x0]  }
0x2: {  	s2 =	rddreg [dreg:$0x1]  }
0x3: {  	s0 =	srdreg.scid;
	s19 =	rddreg [dreg:$0x2]  }
0x4: {  	s3 =	rddreg [dreg:$0x3];
	s4 =	simm.s32 $0x0;
	s5 =	sand.u32 $0x1, s0  }
0x5: {  	s28 =	simm.s32 $0x13980;
	s0 =	stileid.u32;
	s17 =	smul.u32 $0x2710, s5  }
0x6: {  	s29 =	simm.s32 $0x1;
	[smem:$0x7FF] =	sst s4;
	s6 =	smul.u32 $0x4E20, s0  }
0x7: {  	s30 =	simm.s32 $0x0;
	s7 =	smul.u32 $0x7D000, s0;
	_ =	strace $0x8000004D  }
0x8: {  	s24 =	ssub.s32 $0x2, s5;
	s18 =	smul.u32 $0x3E8, s0;
	p0 =	sgt.u32 s0, $0x9  }
0x9: {  	s8 =	sshrl.u32 s24, $0x1;
	s6 =	sadd.s32 s17, s6;
	s7 =	sshrl.u32 s7, $0x2  }
0xa: {  	s25 =	ssub.s32 s24, s8;
	s10 =	sadd.s32 s18, s17;
	s12 =	sadd.s32 $0xC8, s18  }
0xb: {  	s14 =	sadd.s32 $0x190, s18;
	s20 =	sadd.s32 $0x258, s18;
	s18 =	sadd.s32 $0x320, s18  }
0xc: {  	s24 =	simm.s32 $0x2;
	s6 =	sshrl.u32 s6, $0x3;
	s11 =	sshll.u32 s10, $0x4  }
0xd: {  	s13 =	sadd.s32 s17, s12;
	s12 =	sshll.u32 s12, $0x7;
	s15 =	sadd.s32 s17, s14  }
0xe: {  	s14 =	sshll.u32 s14, $0x7;
	s16 =	sshll.u32 s20, $0x7;
	s20 =	sadd.s32 s17, s20  }
0xf: {  	s21 =	sshll.u32 s18, $0x7;
	s23 =	sadd.s32 s17, s18;
	s22 =	sadd.s32 s6, s2  }
0x10: {  	s2 =	sadd.s32 $0x6800, s2;
	s6 =	sadd.s32 s7, s3;
	s11 =	sadd.s32 s19, s11  }
0x11: {  	s13 =	sshll.u32 s13, $0x4;
	s12 =	sadd.s32 s12, s3;
	s15 =	sshll.u32 s15, $0x4  }
0x12: {  	s14 =	sadd.s32 s14, s3;
	s16 =	sadd.s32 s16, s3;
	s20 =	sshll.u32 s20, $0x4  }
0x13: {  	s18 =	sadd.s32 s21, s3;
	s31 =	sshll.u32 s23, $0x4;
	s23 =	simm.s32 $0x13880  }
0x14: {  	[dreg:$0x5] =	wrdreg s2;
	s26 =	sadd.s32 $0x6400, s6;
	s8 =	sadd.s32 $0xC800, s6  }
0x15: {  	s9 =	sadd.s32 $0x12C00, s6;
	s10 =	sadd.s32 $0x19000, s6;
	s13 =	sadd.s32 s19, s13  }
0x16: {  	s15 =	sadd.s32 s19, s15;
	s17 =	sadd.s32 s19, s20;
	s19 =	sadd.s32 s19, s31  }
0x17: {  	s20 =	smax.u32 s25, $0x1;
	s21 =	sadd.s32 $0x24200, s22;
	s22 =	sadd.s32 $0x1A400, s22  }
0x18: {  	s25 =	simm.s32 $0x13900;
	[dreg:$0x6] =	wrdreg s26;
	s26 =	simm.s32 $0x50  }
.LBB2_1:
0x19: {  	s2 =	simm.s32 @!p0 $0x0;
	s31 =	simm.s32 @!p0 $0x16180;
	s0 =	rddreg [dreg:$0x5]  }
0x1a: {  	[tilespmem:s31], [sflag:$0x2] =	stream.linear.gather @!p0 [hbm4b:s0+s2], $0x6400, $0x38;
	[tilespmem:$0x1C580] =	vst v63  }
0x1b: {  	s2 =	simm.s32 @!p0 $0x2  }
0x1c: {  	_ =	swait.ge @!p0 [sflag:s2], $0x6400  }
0x1d: {  	[sflag:s2] =	ssyncset.done @!p0 $0x0  }
0x1e: {  	[sflag:s2] =	ssyncadd.s32 @!p0 $0xFFFF9C00  }
0x1f: {  	[spmem:s6] =	stream.linear.scatter @!p0 [tilespmem:s31], [sflag:$0x2], $0x6400, $0x38;
	[tilespmem:$0x1C580] =	vst v63  }
0x20: {  	_ =	swait.ge @!p0 [sflag:s2], $0x6400  }
0x21: {  	[sflag:s2] =	ssyncset.done @!p0 $0x0  }
0x22: {  	s0 =	rddreg [dreg:$0x6];
	[sflag:s2] =	ssyncadd.s32 @!p0 $0xFFFF9C00  }
0x23: {  	[spmem:s0] =	stream.linear.scatter @!p0 [tilespmem:s31], [sflag:$0x2], $0x6400, $0x38;
	[tilespmem:$0x1C580] =	vst v63  }
0x24: {  	_ =	swait.ge @!p0 [sflag:s2], $0x6400  }
0x25: {  	[sflag:s2] =	ssyncset.done @!p0 $0x0  }
0x26: {  	[sflag:s2] =	ssyncadd.s32 @!p0 $0xFFFF9C00  }
0x27: {  	[spmem:s8] =	stream.linear.scatter @!p0 [tilespmem:s31], [sflag:$0x2], $0x6400, $0x38;
	[tilespmem:$0x1C580] =	vst v63  }
0x28: {  	_ =	swait.ge @!p0 [sflag:s2], $0x6400  }
0x29: {  	[sflag:s2] =	ssyncset.done @!p0 $0x0  }
0x2a: {  	[sflag:s2] =	ssyncadd.s32 @!p0 $0xFFFF9C00  }
0x2b: {  	[spmem:s9] =	stream.linear.scatter @!p0 [tilespmem:s31], [sflag:$0x2], $0x6400, $0x38;
	[tilespmem:$0x1C580] =	vst v63  }
0x2c: {  	_ =	swait.ge @!p0 [sflag:s2], $0x6400  }
0x2d: {  	[sflag:s2] =	ssyncset.done @!p0 $0x0  }
0x2e: {  	[sflag:s2] =	ssyncadd.s32 @!p0 $0xFFFF9C00  }
0x2f: {  	[spmem:s10] =	stream.linear.scatter @!p0 [tilespmem:s31], [sflag:$0x2], $0x6400, $0x38;
	[tilespmem:$0x1C580] =	vst v63  }
0x30: {  	_ =	swait.ge @!p0 [sflag:s2], $0x6400  }
0x31: {  	[sflag:s2] =	ssyncset.done @!p0 $0x0  }
0x32: {  	[sflag:s2] =	ssyncadd.s32 @!p0 $0xFFFF9C00  }
0x33: {  	s5 =	sadd.s32 $0x0, s22;
	[bflag:$0x0] =	sbarrier.arrive $0xFFFF  }
0x34: {  	[tilespmem:s23], [sflag:$0x2] =	stream.linear.gather [hbm4b:s5+s4], $0x50, $0x38;
	[tilespmem:$0x1C580] =	vst v63  }
0x35: {  	_ =	swait.ge [sflag:s24], $0x50  }
0x36: {  	[sflag:s24] =	ssyncset.done $0x0  }
0x37: {  	s7 =	sadd.s32 $0x0, s21;
	[sflag:s24] =	ssyncadd.s32 $0xFFFFFFB0  }
0x38: {  	[tilespmem:s25], [sflag:$0x2] =	stream.linear.gather [hbm4b:s7+s4], $0x50, $0x38;
	[tilespmem:$0x1C580] =	vst v63  }
0x39: {  	_ =	swait.ge [sflag:s24], $0x50  }
0x3a: {  	[sflag:s24] =	ssyncset.done $0x0  }
0x3b: {  	[sflag:s24] =	ssyncadd.s32 $0xFFFFFFB0  }
0x3c: {  	[tilespmem:s28], [sflag:$0x1] =	stream.indirect.gather [hbm4b:s1+s26], $0x80, s23, s26, $0xb8;
	[tilespmem:$0x1C580] =	vst v63  }
0x3d: {  	_ =	swait.ge [sflag:s29], $0x2800  }
0x3e: {  	[sflag:s29] =	ssyncset.done $0x0  }
0x3f: {  	[sflag:s29] =	ssyncadd.s32 $0xFFFFD800  }
0x40: {  	[spmem:s3] =	stream.indirect.scatter.add.f32 [tilespmem:s28], [sflag:$0x2], $0x80, s25, s26, $0xb8;
	[tilespmem:$0x1C580] =	vst v63  }
0x41: {  	_ =	swait.ge [sflag:s24], $0x2800  }
0x42: {  	s31 =	simm.s32 $0xA;
	s2 =	simm.s32 $0x14;
	[sflag:s24] =	ssyncset.done $0x0  }
.LBB2_2:
0x43: {  	s0 =	sadd.s32 s31, s22  }
0x44: {  	[sflag:s24] =	ssyncadd.s32 $0xFFFFD800;
	s5 =	smov.u32 s2;
	s7 =	sadd.s32 $0xA, s2  }
0x45: {  	[tilespmem:s23], [sflag:$0x2] =	stream.linear.gather [hbm4b:s0+s4], $0x50, $0x38;
	[tilespmem:$0x1C580] =	vst v63  }
0x46: {  	p1 =	sne.s32 s2, $0x4D8;
	_ =	swait.ge [sflag:s24], $0x50  }
0x47: {  	[sflag:s24] =	ssyncset.done $0x0  }
0x48: {  	s0 =	sadd.s32 s31, s21;
	s31 =	smov.u32 s5;
	[sflag:s24] =	ssyncadd.s32 $0xFFFFFFB0  }
0x49: {  	[tilespmem:s25], [sflag:$0x2] =	stream.linear.gather [hbm4b:s0+s4], $0x50, $0x38;
	[tilespmem:$0x1C580] =	vst v63  }
0x4a: {  	_ =	swait.ge [sflag:s24], $0x50  }
0x4b: {  	[sflag:s24] =	ssyncset.done $0x0  }
0x4c: {  	[sflag:s24] =	ssyncadd.s32 $0xFFFFFFB0  }
0x4d: {  	[tilespmem:s28], [sflag:$0x1] =	stream.indirect.gather [hbm4b:s1+s26], $0x80, s23, s26, $0xb8;
	[tilespmem:$0x1C580] =	vst v63  }
0x4e: {  	_ =	swait.ge [sflag:s29], $0x2800  }
.Ltmp0:
0x4f: {  	[sflag:s29] =	ssyncset.done $0x0;
	(pc) =	sbr.rel @p1 .LBB2_2-.Ltmp0, $4  }
0x50: {  	[sflag:s29] =	ssyncadd.s32 $0xFFFFD800  }
0x51: {  	[spmem:s3] =	stream.indirect.scatter.add.f32 [tilespmem:s28], [sflag:$0x2], $0x80, s25, s26, $0xb8;
	[tilespmem:$0x1C580] =	vst v63  }
0x52: {  	_ =	swait.ge [sflag:s24], $0x2800  }
0x53: {  	s2 =	smov.u32 s7;
	[sflag:s24] =	ssyncset.done $0x0  }
0x54: {  	s0 =	sadd.s32 s31, s22;
	[sflag:s24] =	ssyncadd.s32 $0xFFFFD800  }
0x55: {  	[tilespmem:s23], [sflag:$0x2] =	stream.linear.gather [hbm4b:s0+s4], $0x50, $0x38;
	[tilespmem:$0x1C580] =	vst v63  }
0x56: {  	_ =	swait.ge [sflag:s24], $0x50  }
0x57: {  	[sflag:s24] =	ssyncset.done $0x0  }
0x58: {  	s31 =	sadd.s32 s31, s21;
	[sflag:s24] =	ssyncadd.s32 $0xFFFFFFB0  }
0x59: {  	[tilespmem:s25], [sflag:$0x2] =	stream.linear.gather [hbm4b:s31+s4], $0x50, $0x38;
	[tilespmem:$0x1C580] =	vst v63  }
0x5a: {  	_ =	swait.ge [sflag:s24], $0x50  }
0x5b: {  	[sflag:s24] =	ssyncset.done $0x0  }
0x5c: {  	[sflag:s24] =	ssyncadd.s32 $0xFFFFFFB0  }
0x5d: {  	[tilespmem:s28], [sflag:$0x1] =	stream.indirect.gather [hbm4b:s1+s26], $0x80, s23, s26, $0xb8;
	[tilespmem:$0x1C580] =	vst v63  }
0x5e: {  	_ =	swait.ge [sflag:s29], $0x2800  }
0x5f: {  	[sflag:s29] =	ssyncset.done $0x0  }
0x60: {  	[sflag:s29] =	ssyncadd.s32 $0xFFFFD800  }
0x61: {  	[spmem:s3] =	stream.indirect.scatter.add.f32 [tilespmem:s28], [sflag:$0x2], $0x80, s25, s26, $0xb8;
	[tilespmem:$0x1C580] =	vst v63  }
0x62: {  	_ =	swait.ge [sflag:s24], $0x2800  }
0x63: {  	[sflag:s24] =	ssyncset.done $0x0  }
0x64: {  	[sflag:s24] =	ssyncadd.s32 $0xFFFFD800  }
0x65: {  	s2 =	simm.s32 @!p0 $0x2;
	s0 =	simm.s32 @!p0 $0x16180;
	[bflag:$0x0] =	sbarrier.arrive $0xFFFF  }
0x66: {  	[tilespmem:s0], [sflag:$0x2] =	stream.linear.gather @!p0 [spmem:s6], $0x6400, $0x38;
	[tilespmem:$0x1C580] =	vst v63  }
0x67: {  	_ =	swait.ge @!p0 [sflag:s2], $0x6400  }
0x68: {  	[sflag:s2] =	ssyncset.done @!p0 $0x0  }
0x69: {  	s5 =	simm.s32 @!p0 $0x0;
	[sflag:s2] =	ssyncadd.s32 @!p0 $0xFFFF9C00  }
0x6a: {  	[hbm4b:s11+s5] =	stream.linear.scatter @!p0 [tilespmem:s0], [sflag:$0x2], $0x6400, $0x38;
	[tilespmem:$0x1C580] =	vst v63  }
0x6b: {  	_ =	swait.ge @!p0 [sflag:s2], $0x6400  }
0x6c: {  	[sflag:s2] =	ssyncset.done @!p0 $0x0  }
0x6d: {  	[sflag:s2] =	ssyncadd.s32 @!p0 $0xFFFF9C00  }
0x6e: {  	[tilespmem:s0], [sflag:$0x2] =	stream.linear.gather @!p0 [spmem:s12], $0x6400, $0x38;
	[tilespmem:$0x1C580] =	vst v63  }
0x6f: {  	_ =	swait.ge @!p0 [sflag:s2], $0x6400  }
0x70: {  	[sflag:s2] =	ssyncset.done @!p0 $0x0  }
0x71: {  	[sflag:s2] =	ssyncadd.s32 @!p0 $0xFFFF9C00  }
0x72: {  	[hbm4b:s13+s5] =	stream.linear.scatter @!p0 [tilespmem:s0], [sflag:$0x2], $0x6400, $0x38;
	[tilespmem:$0x1C580] =	vst v63  }
0x73: {  	_ =	swait.ge @!p0 [sflag:s2], $0x6400  }
0x74: {  	[sflag:s2] =	ssyncset.done @!p0 $0x0  }
0x75: {  	[sflag:s2] =	ssyncadd.s32 @!p0 $0xFFFF9C00  }
0x76: {  	[tilespmem:s0], [sflag:$0x2] =	stream.linear.gather @!p0 [spmem:s14], $0x6400, $0x38;
	[tilespmem:$0x1C580] =	vst v63  }
0x77: {  	_ =	swait.ge @!p0 [sflag:s2], $0x6400  }
0x78: {  	[sflag:s2] =	ssyncset.done @!p0 $0x0  }
0x79: {  	[sflag:s2] =	ssyncadd.s32 @!p0 $0xFFFF9C00  }
0x7a: {  	[hbm4b:s15+s5] =	stream.linear.scatter @!p0 [tilespmem:s0], [sflag:$0x2], $0x6400, $0x38;
	[tilespmem:$0x1C580] =	vst v63  }
0x7b: {  	_ =	swait.ge @!p0 [sflag:s2], $0x6400  }
0x7c: {  	[sflag:s2] =	ssyncset.done @!p0 $0x0  }
0x7d: {  	[sflag:s2] =	ssyncadd.s32 @!p0 $0xFFFF9C00  }
0x7e: {  	[tilespmem:s0], [sflag:$0x2] =	stream.linear.gather @!p0 [spmem:s16], $0x6400, $0x38;
	[tilespmem:$0x1C580] =	vst v63  }
0x7f: {  	_ =	swait.ge @!p0 [sflag:s2], $0x6400  }
0x80: {  	[sflag:s2] =	ssyncset.done @!p0 $0x0  }
0x81: {  	[sflag:s2] =	ssyncadd.s32 @!p0 $0xFFFF9C00  }
0x82: {  	[hbm4b:s17+s5] =	stream.linear.scatter @!p0 [tilespmem:s0], [sflag:$0x2], $0x6400, $0x38;
	[tilespmem:$0x1C580] =	vst v63  }
0x83: {  	_ =	swait.ge @!p0 [sflag:s2], $0x6400  }
0x84: {  	[sflag:s2] =	ssyncset.done @!p0 $0x0  }
0x85: {  	[sflag:s2] =	ssyncadd.s32 @!p0 $0xFFFF9C00  }
0x86: {  	[tilespmem:s0], [sflag:$0x2] =	stream.linear.gather @!p0 [spmem:s18], $0x6400, $0x38;
	[tilespmem:$0x1C580] =	vst v63  }
0x87: {  	s30 =	sadd.s32 $0x1, s30;
	_ =	swait.ge @!p0 [sflag:s2], $0x6400  }
0x88: {  	p1 =	sne.s32 s30, s20;
	[sflag:s2] =	ssyncset.done @!p0 $0x0  }
.Ltmp1:
0x89: {  	[sflag:s2] =	ssyncadd.s32 @!p0 $0xFFFF9C00;
	(pc) =	sbr.rel @p1 .LBB2_1-.Ltmp1, $4  }
0x8a: {  	[hbm4b:s19+s5] =	stream.linear.scatter @!p0 [tilespmem:s0], [sflag:$0x2], $0x6400, $0x38;
	[tilespmem:$0x1C580] =	vst v63  }
0x8b: {  	_ =	swait.ge @!p0 [sflag:s2], $0x6400  }
0x8c: {  	[sflag:s2] =	ssyncset.done @!p0 $0x0  }
0x8d: {  	[sflag:s2] =	ssyncadd.s32 @!p0 $0xFFFF9C00  }
0x8e: {  	_ =	sfence.sel $0x180000  }
0x8f: {  	[bflag:$0x0] =	sbarrier.arrive $0xFFFF  }
0x90: {  	_ =	strace $0x9000004D  }
0x91: {  	s0 =	stileid.u32;
	[bflag:$0x2] =	sbarrier.arrive $0xFFFF  }
0x92: {  	p0 =	sne.s32 s0, $0x0;
	s0 =	rddreg [dreg:$0x4]  }
0x93: {  	s0 =	sadd.s32 @!p0 $0x100000, s0  }
0x94: {  	[sflag:s0] =	ssyncadd.tile.s32 @!p0 $0x1;
	_ =	shalt  }
.Lfunc_end2:
_tile_overlayer_lowered:
.L_overlay_start_2:
0x95: {  	(tag) =	ssettag $0x2  }
0x96: {  	s0 =	rddreg [dreg:$0x0];
	s2 =	stileid.u32  }
0x97: {  	s1 =	rddreg [dreg:$0x1];
	p0 =	sne.s32 s2, $0x0  }
0x98: {  	s3 =	rddreg [dreg:$0x2];
	[bflag:$0x3] =	sbarrier.arrive $0xFFFF;
	s2 =	simm.s32 @!p0 $0x1C02  }
0x99: {  	[timem:s3], [sflag:s2] =	dma.local @!p0 [hbm:s0], s1  }
0x9a: {  	s0 =	simm.s32 @!p0 $0x2  }
0x9b: {  	_ =	swait.ge @!p0 [sflag:s0], s1  }
0x9c: {  	s1 =	ssub.s32 @!p0 $0x0, s1;
	[sflag:s0] =	ssyncset.done @!p0 $0x0  }
0x9d: {  	[sflag:s0] =	ssyncadd.s32 @!p0 s1  }
0x9e: {  	[bflag:$0x3] =	sbarrier.arrive $0xFFFF  }
0x9f: {  	_ =	shalt  }

// kernel: kernel.27.cloned.1.call-start
scs
__scs_entry_jumppad:
0x0: {  	(pc) =	sbr.rel $0x88, $3  }
0x1: {  	(tag) =	ssettag $0x0;
	lr =	simm.s32 $0x1  }
0x2: {  	[smem:$0x3F5B] =	sst lr;
	_ =	strace $0xD0000000  }
0x3: {  	_ = 	snop  }
0x4: {  	_ = 	snop  }
0x5: {  	_ = 	snop  }
0x6: {  	_ = 	snop  }
0x7: {  	_ = 	snop  }
__scs_overlays_trampoline_lowered:
0x8: {  	[smem:$0x3F6A] =	sst s0  }
0x9: {  	[smem:$0x3F6B] =	sst s1  }
0xa: {  	[smem:$0x3F6C] =	sst s2  }
0xb: {  	[smem:$0x3F6D] =	sst s3  }
0xc: {  	[smem:$0x3F6E] =	sst s4  }
0xd: {  	[smem:$0x3F6F] =	sst s5  }
0xe: {  	[smem:$0x3F70] =	sst s6  }
0xf: {  	[smem:$0x3F71] =	sst s7  }
0x10: {  	[smem:$0x3F72] =	sst s8  }
0x11: {  	[smem:$0x3F73] =	sst s9;
	s0 =	simm.s32 @!p0 $0x0  }
0x12: {  	s1 =	sld [smem:$0x3F59];
	s0 =	simm.s32 @p0 $0x1  }
0x13: {  	[smem:$0x3F74] =	sst s0;
	s0 =	simm.s32 @!p1 $0x0  }
0x14: {  	s2 =	sld [smem:$0x3F58];
	s0 =	simm.s32 @p1 $0x1  }
0x15: {  	[smem:$0x3F75] =	sst s0;
	s0 =	simm.s32 @!p2 $0x0  }
0x16: {  	s3 =	sld [smem:$0x3FDB];
	s0 =	simm.s32 @p2 $0x1  }
0x17: {  	s4 =	simm.s32 $0x1BF5;
	[smem:$0x3F77] =	sst s0  }
0x18: {  	s0 =	sld [smem:$0x3F5A];
	_ =	swait.ge [sflag:s4], $0x0  }
0x19: {  	s7 =	sld [smem:$0x3F5B]  }
0x1a: {  	s8 =	sadd.s32 $0xFFFFE003, lr  }
0x1b: {  	s9 =	sadd.s32 $0xFFFFFEF7, lr;
	s5 =	simm.s32 $0xFFFFFFFF;
	p2 =	slt.u32 s8, $0xFFFFF086  }
0x1c: {  	p1 =	slt.u32 s9, $0xF7A;
	s5 =	simm.s32 @!p2 $0x0  }
0x1d: {  	s5 =	simm.s32 @p1 $0x1;
	p0 =	seq.s32 s7, s2  }
0x1e: {  	s7 =	smul.u32 @!p0 $0xF7A, s2;
	p2 =	seq.s32 @!p0 s5, $0x0  }
0x1f: {  	s9 =	smul.u32 $0xF7A, s1;
	s8 =	simm.s32 @!p0 $0x1BF5;
	p2 =	por !p2, p0  }
0x20: {  	[sflag:s8] =	ssyncset.s32 @!p0 $0xFFFFF086;
	s6 =	sadd.s32 @!p0 s3, s7;
	s7 =	simm.s32 @!p0 $0x108  }
0x21: {  	s3 =	sadd.s32 s3, s9;
	s6 =	sadd.s32 @!p0 $0x88, s6;
	s7 =	simm.s32 @p2 $0x1082  }
0x22: {  	[simem:s7], [sflag:s8] =	dma.local @!p0 [hbm:s6], $0xF7A  }
0x23: {  	s9 =	sor.u32 $0xD0000000, s2;
	s6 =	simm.s32 $0x108;
	_ =	swait.ge @!p0 [sflag:s8], $0x0  }
0x24: {  	s3 =	sadd.s32 $0x88, s3;
	s6 =	simm.s32 @!p1 $0x1082;
	[sflag:s4] =	ssyncset.s32 $0xFFFFF086  }
0x25: {  	[simem:s6], [sflag:s4] =	dma.local [hbm:s3], $0xF7A  }
0x26: {  	[smem:$0x3F5B] =	sst s1;
	(tag) =	ssettag s2;
	_ =	strace s9  }
0x27: {  	s1 =	sld [smem:$0x3F6B]  }
0x28: {  	s2 =	sld [smem:$0x3F6C]  }
0x29: {  	s4 =	sld [smem:$0x3F6E]  }
0x2a: {  	p0 =	seq.s32 s5, $0x0;
	s5 =	sld [smem:$0x3F6F]  }
0x2b: {  	s6 =	sld [smem:$0x3F70]  }
0x2c: {  	s7 =	sld [smem:$0x3F71]  }
0x2d: {  	s3 =	simm.s32 $0x108;
	s8 =	sld [smem:$0x3F72]  }
0x2e: {  	s3 =	simm.s32 @!p0 $0x1082;
	s9 =	sld [smem:$0x3F73]  }
0x2f: {  	lr =	sadd.s32 s0, s3;
	s0 =	sld [smem:$0x3F6A]  }
0x30: {  	s3 =	sld [smem:$0x3F6D]  }
0x31: {  	[smem:$0x3F76] =	sst s10  }
0x32: {  	s10 =	sld [smem:$0x3F74];
	_ =	sdelay $0x3  }
0x33: {  	p0 =	seq.s32 s10, $0x1;
	s10 =	sld [smem:$0x3F76];
	_ =	sdelay $0x3  }
0x34: {  	[smem:$0x3F76] =	sst s10  }
0x35: {  	s10 =	sld [smem:$0x3F75];
	_ =	sdelay $0x3  }
0x36: {  	p1 =	seq.s32 s10, $0x1;
	s10 =	sld [smem:$0x3F76];
	_ =	sdelay $0x3  }
0x37: {  	[smem:$0x3F76] =	sst s10  }
0x38: {  	s10 =	sld [smem:$0x3F77]  }
0x39: {  	_ = 	snop;
	(pc) =	sbr.ind lr, $3  }
0x3a: {  	_ = 	snop  }
0x3b: {  	_ = 	snop  }
0x3c: {  	p2 =	seq.s32 s10, $0x1;
	s10 =	sld [smem:$0x3F76]  }
0x3d: {  	_ =	shalt  }
0x3e: {  	_ =	shalt  }
0x3f: {  	_ =	shalt  }
0x40: {  	_ =	shalt  }
0x41: {  	_ =	shalt  }
0x42: {  	_ =	shalt  }
0x43: {  	_ =	shalt  }
0x44: {  	_ =	shalt  }
0x45: {  	_ =	shalt  }
0x46: {  	_ =	shalt  }
0x47: {  	_ =	shalt  }
0x48: {  	_ =	shalt  }
0x49: {  	_ =	shalt  }
0x4a: {  	_ =	shalt  }
0x4b: {  	_ =	shalt  }
0x4c: {  	_ =	shalt  }
0x4d: {  	_ =	shalt  }
0x4e: {  	_ =	shalt  }
0x4f: {  	_ =	shalt  }
0x50: {  	_ =	shalt  }
0x51: {  	_ =	shalt  }
0x52: {  	_ =	shalt  }
0x53: {  	_ =	shalt  }
0x54: {  	_ =	shalt  }
0x55: {  	_ =	shalt  }
0x56: {  	_ =	shalt  }
0x57: {  	_ =	shalt  }
0x58: {  	_ =	shalt  }
0x59: {  	_ =	shalt  }
0x5a: {  	_ =	shalt  }
0x5b: {  	_ =	shalt  }
0x5c: {  	_ =	shalt  }
0x5d: {  	_ =	shalt  }
0x5e: {  	_ =	shalt  }
0x5f: {  	_ =	shalt  }
0x60: {  	_ =	shalt  }
0x61: {  	_ =	shalt  }
0x62: {  	_ =	shalt  }
0x63: {  	_ =	shalt  }
0x64: {  	_ =	shalt  }
0x65: {  	_ =	shalt  }
0x66: {  	_ =	shalt  }
0x67: {  	_ =	shalt  }
0x68: {  	_ =	shalt  }
0x69: {  	_ =	shalt  }
0x6a: {  	_ =	shalt  }
0x6b: {  	_ =	shalt  }
0x6c: {  	_ =	shalt  }
0x6d: {  	_ =	shalt  }
0x6e: {  	_ =	shalt  }
0x6f: {  	_ =	shalt  }
0x70: {  	_ =	shalt  }
0x71: {  	_ =	shalt  }
0x72: {  	_ =	shalt  }
0x73: {  	_ =	shalt  }
0x74: {  	_ =	shalt  }
0x75: {  	_ =	shalt  }
0x76: {  	_ =	shalt  }
0x77: {  	_ =	shalt  }
0x78: {  	_ =	shalt  }
0x79: {  	_ =	shalt  }
0x7a: {  	_ =	shalt  }
0x7b: {  	_ =	shalt  }
0x7c: {  	_ =	shalt  }
0x7d: {  	_ =	shalt  }
0x7e: {  	_ =	shalt  }
0x7f: {  	_ =	shalt  }
0x80: {  	_ =	shalt  }
0x81: {  	_ =	shalt  }
0x82: {  	_ =	shalt  }
0x83: {  	_ =	shalt  }
0x84: {  	_ =	shalt  }
0x85: {  	_ =	shalt  }
0x86: {  	_ =	shalt  }
0x87: {  	_ =	shalt  }
.Lfunc_end0:
.L_simem_size_0:
called_computation.3_lowered:
.L_overlay_start_0:
0x88: {  	s2 =	sld [smem:$0x3FD9]  }
0x89: {  	s3 =	sld [smem:$0x3FFE];
	_ =	sdelay $0x1  }
0x8a: {  	s1 =	srdreg.scid  }
0x8b: {  	s0 =	sand.u32 $0x1, s1  }
0x8c: {  	s14 =	sshll.u32 s0, $0xA;
	s2 =	sadd.s32 s3, s2  }
0x8d: {  	s2 =	sadd.s32 s2, s14  }
0x8e: {  	[smem:$0x3F82] =	sst s2  }
0x8f: {  	_ = 	snop  }
0x90: {  	s2 =	sld [smem:$0x3FD0];
	_ =	sdelay $0x2  }
0x91: {  	s15 =	simm.s32 $0xB;
	s4 =	simm.s32 $0x10  }
0x92: {  	[smem:s4], [sflag:s15] =	dma.local [hbm:s2], $0x1  }
0x93: {  	_ =	swait.eq [sflag:s15], $0x1  }
0x94: {  	[sflag:s15] =	ssyncset.done $0x0  }
0x95: {  	[sflag:s15] =	ssyncadd.s32 $0xFFFFFFFF  }
0x96: {  	s16 =	sld [smem:$0x11];
	(tm) =	ssettm $0x1  }
0x97: {  	s17 =	sld [smem:$0x3FFB];
	_ =	sdelay $0x3  }
0x98: {  	_ =	strace s17  }
0x99: {  	s3 =	sld [smem:$0x3FFC];
	_ =	sdelay $0x3  }
0x9a: {  	_ =	strace s3  }
0x9b: {  	s3 =	sld [smem:$0x3FFD];
	_ =	sdelay $0x3  }
0x9c: {  	_ =	strace s3  }
0x9d: {  	_ =	strace $0x8FFFFFFF  }
0x9e: {  	s18 =	sld [smem:$0x3FDB];
	_ =	sdelay $0x1  }
0x9f: {  	s19 =	simm.s32 $_scs_section_size  }
0xa0: {  	s5 =	simm.s32 $_size__tile_overlayer_lowered;
	s6 =	simm.s32 $_tile_overlayer_lowered  }
0xa1: {  	s22 =	simm.s32 $0x1BFF;
	s21 =	sshll.u32 s6, $0x1;
	s3 =	sadd.s32 s19, s18  }
0xa2: {  	s7 =	simm.s32 $0x0;
	s20 =	sshll.u32 s5, $0x1;
	s5 =	sadd.s32 s21, s3  }
0xa3: {  	[timem:s7], [sflag:s22] =	dma.local [hbm:s5], s20  }
0xa4: {  	_ =	swait.ge [sflag:s22], s20  }
0xa5: {  	s4 =	ssub.s32 $0x0, s20;
	[sflag:s22] =	ssyncset.done $0x0  }
0xa6: {  	[sflag:s22] =	ssyncadd.s32 s4;
	_ =	sdelay $0x1  }
0xa7: {  	s23 =	simm.s32 $0x1B8B  }
0xa8: {  	_ =	swait.ge [sflag:s23], $0x1  }
0xa9: {  	[sflag:s23] =	ssyncset.done $0x0  }
0xaa: {  	s25 =	simm.s32 $0x1B8E;
	s24 =	sld [smem:$0x3FFE];
	[sflag:s23] =	ssyncadd.s32 $0xFFFFFFFF  }
0xab: {  	s26 =	simm.s32 $execute0_lowered;
	[smem:$0x3FD2] =	sst s25  }
0xac: {  	s5 =	sshll.u32 s26, $0x1;
	_ =	strace $0x8000004F;
	[dreg:$0x1] =	wrdreg $0xFFFFFFFF  }
0xad: {  	s28 =	simm.s32 $_size_execute0_lowered;
	s3 =	sadd.s32 s3, s5;
	[dreg:$0x0] =	wrdreg $0x0  }
0xae: {  	s5 =	sshll.u32 s28, $0x1;
	[dreg:$0x2] =	wrdreg s3  }
0xaf: {  	[dreg:$0x3] =	wrdreg s5  }
0xb0: {  	[dreg:$0x4] =	wrdreg $0xC0  }
0xb1: {  	_ =	task [dreg:s7], $0x5FFFF  }
0xb2: {  	[dreg:$0x1] =	wrdreg $0xFFFFFFFF  }
0xb3: {  	[dreg:$0x0] =	wrdreg $0x60  }
0xb4: {  	[dreg:$0x2] =	wrdreg s24  }
0xb5: {  	[dreg:$0x3] =	wrdreg s16  }
0xb6: {  	[dreg:$0x4] =	wrdreg $0x0  }
0xb7: {  	[dreg:$0x5] =	wrdreg $0x9  }
0xb8: {  	_ =	task.clear_ibuf [dreg:s7], $0x6FFFF;
	_ =	strace $0x9000004F  }
0xb9: {  	s29 =	simm.s32 $0x9;
	_ =	strace $0x80000051  }
0xba: {  	_ =	swait.ge [sflag:s29], $0x1  }
0xbb: {  	[sflag:s29] =	ssyncadd.s32 $0xFFFFFFFF  }
0xbc: {  	_ =	strace $0x90000051  }
0xbd: {  	_ =	sfence  }
0xbe: {  	s30 =	sld [smem:$0x0];
	_ =	sdelay $0x2  }
0xbf: {  	s31 =	sshll.u32 s1, $0xD;
	s1 =	sshrl.u32 s1, $0x2  }
0xc0: {  	s3 =	sand.u32 $0x4000, s31;
	s1 =	sadd.s32 s1, s30  }
0xc1: {  	s0 =	sor.u32 s3, s0;
	s1 =	sshll.u32 s1, $0x11  }
0xc2: {  	s0 =	sor.u32 s1, s0  }
0xc3: {  	s0 =	sadd.s32 $0x8F2B, s0  }
0xc4: {  	[sflag:s0] =	ssyncadd.remote.s32 $0x1  }
0xc5: {  	_ =	sfence.sel $0xFFFF  }
0xc6: {  	[dreg:$0x0] =	wrdreg $0xFFFFFFFF;
	(pc) =	sbr.abs _section_cstart, $3  }
0xc7: {  	[dreg:$0x1] =	wrdreg $0xFFFFFFFF  }
0xc8: {  	_ =	task.clear_ibuf [dreg:s7], $0x2FFFF;
	_ =	strace $0x9FFFFFFF  }
0xc9: {  	(tm) =	ssettm $0x7FFFFFFF  }
tec
execute0_lowered:
.L_overlay_start_1:
0x0: {  	(tag) =	ssettag $0x1  }
0x1: {  	s1 =	rddreg [dreg:$0x0]  }
0x2: {  	s19 =	rddreg [dreg:$0x1]  }
0x3: {  	s0 =	srdreg.scid;
	s2 =	rddreg [dreg:$0x2]  }
0x4: {  	s3 =	simm.s32 $0x0;
	s28 =	simm.s32 $0x13980;
	s5 =	sand.u32 $0x1, s0  }
0x5: {  	s29 =	simm.s32 $0x1;
	s0 =	stileid.u32;
	s17 =	smul.u32 $0x2710, s5  }
0x6: {  	s30 =	simm.s32 $0x0;
	[smem:$0x7FF] =	sst s3;
	s4 =	smul.u32 $0x4E20, s0  }
0x7: {  	_ =	strace $0x80000050;
	s7 =	smul.u32 $0x7D000, s0;
	s24 =	ssub.s32 $0x2, s5  }
0x8: {  	s18 =	smul.u32 $0x3E8, s0;
	p0 =	sgt.u32 s0, $0x9;
	s8 =	sshrl.u32 s24, $0x1  }
0x9: {  	s4 =	sadd.s32 s17, s4;
	s7 =	sshrl.u32 s7, $0x2;
	s25 =	ssub.s32 s24, s8  }
0xa: {  	s10 =	sadd.s32 s18, s17;
	s12 =	sadd.s32 $0xC8, s18;
	s14 =	sadd.s32 $0x190, s18  }
0xb: {  	s20 =	sadd.s32 $0x258, s18;
	s18 =	sadd.s32 $0x320, s18;
	s24 =	simm.s32 $0x2  }
0xc: {  	s6 =	sshrl.u32 s4, $0x3;
	s4 =	sadd.s32 $0x2E000, s1;
	s11 =	sshll.u32 s10, $0x4  }
0xd: {  	s13 =	sadd.s32 s17, s12;
	s12 =	sshll.u32 s12, $0x7;
	s15 =	sadd.s32 s17, s14  }
0xe: {  	s14 =	sshll.u32 s14, $0x7;
	s16 =	sshll.u32 s20, $0x7;
	s20 =	sadd.s32 s17, s20  }
0xf: {  	s21 =	sshll.u32 s18, $0x7;
	s23 =	sadd.s32 s17, s18;
	s22 =	sadd.s32 s6, s1  }
0x10: {  	s1 =	sadd.s32 $0x6800, s1;
	s6 =	sadd.s32 s7, s2;
	s11 =	sadd.s32 s19, s11  }
0x11: {  	s13 =	sshll.u32 s13, $0x4;
	s12 =	sadd.s32 s12, s2;
	s15 =	sshll.u32 s15, $0x4  }
0x12: {  	s14 =	sadd.s32 s14, s2;
	s16 =	sadd.s32 s16, s2;
	s20 =	sshll.u32 s20, $0x4  }
0x13: {  	s18 =	sadd.s32 s21, s2;
	s31 =	sshll.u32 s23, $0x4;
	s23 =	simm.s32 $0x13880  }
0x14: {  	[dreg:$0x4] =	wrdreg s1;
	s26 =	sadd.s32 $0x6400, s6;
	s8 =	sadd.s32 $0xC800, s6  }
0x15: {  	s9 =	sadd.s32 $0x12C00, s6;
	s10 =	sadd.s32 $0x19000, s6;
	s13 =	sadd.s32 s19, s13  }
0x16: {  	s15 =	sadd.s32 s19, s15;
	s17 =	sadd.s32 s19, s20;
	s19 =	sadd.s32 s19, s31  }
0x17: {  	s20 =	smax.u32 s25, $0x1;
	s21 =	sadd.s32 $0x24200, s22;
	s22 =	sadd.s32 $0x1A400, s22  }
0x18: {  	s25 =	simm.s32 $0x13900;
	[dreg:$0x5] =	wrdreg s26;
	s26 =	simm.s32 $0x50  }
.LBB2_1:
0x19: {  	s1 =	simm.s32 @!p0 $0x0;
	s31 =	simm.s32 @!p0 $0x16180;
	s0 =	rddreg [dreg:$0x4]  }
0x1a: {  	[tilespmem:s31], [sflag:$0x2] =	stream.linear.gather @!p0 [hbm4b:s0+s1], $0x6400, $0x38;
	[tilespmem:$0x1C580] =	vst v63  }
0x1b: {  	s1 =	simm.s32 @!p0 $0x2  }
0x1c: {  	_ =	swait.ge @!p0 [sflag:s1], $0x6400  }
0x1d: {  	[sflag:s1] =	ssyncset.done @!p0 $0x0  }
0x1e: {  	[sflag:s1] =	ssyncadd.s32 @!p0 $0xFFFF9C00  }
0x1f: {  	[spmem:s6] =	stream.linear.scatter @!p0 [tilespmem:s31], [sflag:$0x2], $0x6400, $0x38;
	[tilespmem:$0x1C580] =	vst v63  }
0x20: {  	_ =	swait.ge @!p0 [sflag:s1], $0x6400  }
0x21: {  	[sflag:s1] =	ssyncset.done @!p0 $0x0  }
0x22: {  	s0 =	rddreg [dreg:$0x5];
	[sflag:s1] =	ssyncadd.s32 @!p0 $0xFFFF9C00  }
0x23: {  	[spmem:s0] =	stream.linear.scatter @!p0 [tilespmem:s31], [sflag:$0x2], $0x6400, $0x38;
	[tilespmem:$0x1C580] =	vst v63  }
0x24: {  	_ =	swait.ge @!p0 [sflag:s1], $0x6400  }
0x25: {  	[sflag:s1] =	ssyncset.done @!p0 $0x0  }
0x26: {  	[sflag:s1] =	ssyncadd.s32 @!p0 $0xFFFF9C00  }
0x27: {  	[spmem:s8] =	stream.linear.scatter @!p0 [tilespmem:s31], [sflag:$0x2], $0x6400, $0x38;
	[tilespmem:$0x1C580] =	vst v63  }
0x28: {  	_ =	swait.ge @!p0 [sflag:s1], $0x6400  }
0x29: {  	[sflag:s1] =	ssyncset.done @!p0 $0x0  }
0x2a: {  	[sflag:s1] =	ssyncadd.s32 @!p0 $0xFFFF9C00  }
0x2b: {  	[spmem:s9] =	stream.linear.scatter @!p0 [tilespmem:s31], [sflag:$0x2], $0x6400, $0x38;
	[tilespmem:$0x1C580] =	vst v63  }
0x2c: {  	_ =	swait.ge @!p0 [sflag:s1], $0x6400  }
0x2d: {  	[sflag:s1] =	ssyncset.done @!p0 $0x0  }
0x2e: {  	[sflag:s1] =	ssyncadd.s32 @!p0 $0xFFFF9C00  }
0x2f: {  	[spmem:s10] =	stream.linear.scatter @!p0 [tilespmem:s31], [sflag:$0x2], $0x6400, $0x38;
	[tilespmem:$0x1C580] =	vst v63  }
0x30: {  	_ =	swait.ge @!p0 [sflag:s1], $0x6400  }
0x31: {  	[sflag:s1] =	ssyncset.done @!p0 $0x0  }
0x32: {  	[sflag:s1] =	ssyncadd.s32 @!p0 $0xFFFF9C00  }
0x33: {  	s5 =	sadd.s32 $0x0, s22;
	[bflag:$0x0] =	sbarrier.arrive $0xFFFF  }
0x34: {  	[tilespmem:s23], [sflag:$0x2] =	stream.linear.gather [hbm4b:s5+s3], $0x50, $0x38;
	[tilespmem:$0x1C580] =	vst v63  }
0x35: {  	_ =	swait.ge [sflag:s24], $0x50  }
0x36: {  	[sflag:s24] =	ssyncset.done $0x0  }
0x37: {  	s7 =	sadd.s32 $0x0, s21;
	[sflag:s24] =	ssyncadd.s32 $0xFFFFFFB0  }
0x38: {  	[tilespmem:s25], [sflag:$0x2] =	stream.linear.gather [hbm4b:s7+s3], $0x50, $0x38;
	[tilespmem:$0x1C580] =	vst v63  }
0x39: {  	_ =	swait.ge [sflag:s24], $0x50  }
0x3a: {  	[sflag:s24] =	ssyncset.done $0x0  }
0x3b: {  	[sflag:s24] =	ssyncadd.s32 $0xFFFFFFB0  }
0x3c: {  	[tilespmem:s28], [sflag:$0x1] =	stream.indirect.gather [hbm4b:s4+s26], $0x80, s23, s26, $0xb8;
	[tilespmem:$0x1C580] =	vst v63  }
0x3d: {  	_ =	swait.ge [sflag:s29], $0x2800  }
0x3e: {  	[sflag:s29] =	ssyncset.done $0x0  }
0x3f: {  	[sflag:s29] =	ssyncadd.s32 $0xFFFFD800  }
0x40: {  	[spmem:s2] =	stream.indirect.scatter.add.f32 [tilespmem:s28], [sflag:$0x2], $0x80, s25, s26, $0xb8;
	[tilespmem:$0x1C580] =	vst v63  }
0x41: {  	_ =	swait.ge [sflag:s24], $0x2800  }
0x42: {  	s31 =	simm.s32 $0xA;
	s1 =	simm.s32 $0x14;
	[sflag:s24] =	ssyncset.done $0x0  }
.LBB2_2:
0x43: {  	s0 =	sadd.s32 s31, s22  }
0x44: {  	[sflag:s24] =	ssyncadd.s32 $0xFFFFD800;
	s5 =	smov.u32 s1;
	s7 =	sadd.s32 $0xA, s1  }
0x45: {  	[tilespmem:s23], [sflag:$0x2] =	stream.linear.gather [hbm4b:s0+s3], $0x50, $0x38;
	[tilespmem:$0x1C580] =	vst v63  }
0x46: {  	p1 =	sne.s32 s1, $0x4D8;
	_ =	swait.ge [sflag:s24], $0x50  }
0x47: {  	[sflag:s24] =	ssyncset.done $0x0  }
0x48: {  	s0 =	sadd.s32 s31, s21;
	s31 =	smov.u32 s5;
	[sflag:s24] =	ssyncadd.s32 $0xFFFFFFB0  }
0x49: {  	[tilespmem:s25], [sflag:$0x2] =	stream.linear.gather [hbm4b:s0+s3], $0x50, $0x38;
	[tilespmem:$0x1C580] =	vst v63  }
0x4a: {  	_ =	swait.ge [sflag:s24], $0x50  }
0x4b: {  	[sflag:s24] =	ssyncset.done $0x0  }
0x4c: {  	[sflag:s24] =	ssyncadd.s32 $0xFFFFFFB0  }
0x4d: {  	[tilespmem:s28], [sflag:$0x1] =	stream.indirect.gather [hbm4b:s4+s26], $0x80, s23, s26, $0xb8;
	[tilespmem:$0x1C580] =	vst v63  }
0x4e: {  	_ =	swait.ge [sflag:s29], $0x2800  }
.Ltmp0:
0x4f: {  	[sflag:s29] =	ssyncset.done $0x0;
	(pc) =	sbr.rel @p1 .LBB2_2-.Ltmp0, $4  }
0x50: {  	[sflag:s29] =	ssyncadd.s32 $0xFFFFD800  }
0x51: {  	[spmem:s2] =	stream.indirect.scatter.add.f32 [tilespmem:s28], [sflag:$0x2], $0x80, s25, s26, $0xb8;
	[tilespmem:$0x1C580] =	vst v63  }
0x52: {  	_ =	swait.ge [sflag:s24], $0x2800  }
0x53: {  	s1 =	smov.u32 s7;
	[sflag:s24] =	ssyncset.done $0x0  }
0x54: {  	s0 =	sadd.s32 s31, s22;
	[sflag:s24] =	ssyncadd.s32 $0xFFFFD800  }
0x55: {  	[tilespmem:s23], [sflag:$0x2] =	stream.linear.gather [hbm4b:s0+s3], $0x50, $0x38;
	[tilespmem:$0x1C580] =	vst v63  }
0x56: {  	_ =	swait.ge [sflag:s24], $0x50  }
0x57: {  	[sflag:s24] =	ssyncset.done $0x0  }
0x58: {  	s31 =	sadd.s32 s31, s21;
	[sflag:s24] =	ssyncadd.s32 $0xFFFFFFB0  }
0x59: {  	[tilespmem:s25], [sflag:$0x2] =	stream.linear.gather [hbm4b:s31+s3], $0x50, $0x38;
	[tilespmem:$0x1C580] =	vst v63  }
0x5a: {  	_ =	swait.ge [sflag:s24], $0x50  }
0x5b: {  	[sflag:s24] =	ssyncset.done $0x0  }
0x5c: {  	[sflag:s24] =	ssyncadd.s32 $0xFFFFFFB0  }
0x5d: {  	[tilespmem:s28], [sflag:$0x1] =	stream.indirect.gather [hbm4b:s4+s26], $0x80, s23, s26, $0xb8;
	[tilespmem:$0x1C580] =	vst v63  }
0x5e: {  	_ =	swait.ge [sflag:s29], $0x2800  }
0x5f: {  	[sflag:s29] =	ssyncset.done $0x0  }
0x60: {  	[sflag:s29] =	ssyncadd.s32 $0xFFFFD800  }
0x61: {  	[spmem:s2] =	stream.indirect.scatter.add.f32 [tilespmem:s28], [sflag:$0x2], $0x80, s25, s26, $0xb8;
	[tilespmem:$0x1C580] =	vst v63  }
0x62: {  	_ =	swait.ge [sflag:s24], $0x2800  }
0x63: {  	[sflag:s24] =	ssyncset.done $0x0  }
0x64: {  	[sflag:s24] =	ssyncadd.s32 $0xFFFFD800  }
0x65: {  	s1 =	simm.s32 @!p0 $0x2;
	s0 =	simm.s32 @!p0 $0x16180;
	[bflag:$0x0] =	sbarrier.arrive $0xFFFF  }
0x66: {  	[tilespmem:s0], [sflag:$0x2] =	stream.linear.gather @!p0 [spmem:s6], $0x6400, $0x38;
	[tilespmem:$0x1C580] =	vst v63  }
0x67: {  	_ =	swait.ge @!p0 [sflag:s1], $0x6400  }
0x68: {  	[sflag:s1] =	ssyncset.done @!p0 $0x0  }
0x69: {  	s5 =	simm.s32 @!p0 $0x0;
	[sflag:s1] =	ssyncadd.s32 @!p0 $0xFFFF9C00  }
0x6a: {  	[hbm4b:s11+s5] =	stream.linear.scatter @!p0 [tilespmem:s0], [sflag:$0x2], $0x6400, $0x38;
	[tilespmem:$0x1C580] =	vst v63  }
0x6b: {  	_ =	swait.ge @!p0 [sflag:s1], $0x6400  }
0x6c: {  	[sflag:s1] =	ssyncset.done @!p0 $0x0  }
0x6d: {  	[sflag:s1] =	ssyncadd.s32 @!p0 $0xFFFF9C00  }
0x6e: {  	[tilespmem:s0], [sflag:$0x2] =	stream.linear.gather @!p0 [spmem:s12], $0x6400, $0x38;
	[tilespmem:$0x1C580] =	vst v63  }
0x6f: {  	_ =	swait.ge @!p0 [sflag:s1], $0x6400  }
0x70: {  	[sflag:s1] =	ssyncset.done @!p0 $0x0  }
0x71: {  	[sflag:s1] =	ssyncadd.s32 @!p0 $0xFFFF9C00  }
0x72: {  	[hbm4b:s13+s5] =	stream.linear.scatter @!p0 [tilespmem:s0], [sflag:$0x2], $0x6400, $0x38;
	[tilespmem:$0x1C580] =	vst v63  }
0x73: {  	_ =	swait.ge @!p0 [sflag:s1], $0x6400  }
0x74: {  	[sflag:s1] =	ssyncset.done @!p0 $0x0  }
0x75: {  	[sflag:s1] =	ssyncadd.s32 @!p0 $0xFFFF9C00  }
0x76: {  	[tilespmem:s0], [sflag:$0x2] =	stream.linear.gather @!p0 [spmem:s14], $0x6400, $0x38;
	[tilespmem:$0x1C580] =	vst v63  }
0x77: {  	_ =	swait.ge @!p0 [sflag:s1], $0x6400  }
0x78: {  	[sflag:s1] =	ssyncset.done @!p0 $0x0  }
0x79: {  	[sflag:s1] =	ssyncadd.s32 @!p0 $0xFFFF9C00  }
0x7a: {  	[hbm4b:s15+s5] =	stream.linear.scatter @!p0 [tilespmem:s0], [sflag:$0x2], $0x6400, $0x38;
	[tilespmem:$0x1C580] =	vst v63  }
0x7b: {  	_ =	swait.ge @!p0 [sflag:s1], $0x6400  }
0x7c: {  	[sflag:s1] =	ssyncset.done @!p0 $0x0  }
0x7d: {  	[sflag:s1] =	ssyncadd.s32 @!p0 $0xFFFF9C00  }
0x7e: {  	[tilespmem:s0], [sflag:$0x2] =	stream.linear.gather @!p0 [spmem:s16], $0x6400, $0x38;
	[tilespmem:$0x1C580] =	vst v63  }
0x7f: {  	_ =	swait.ge @!p0 [sflag:s1], $0x6400  }
0x80: {  	[sflag:s1] =	ssyncset.done @!p0 $0x0  }
0x81: {  	[sflag:s1] =	ssyncadd.s32 @!p0 $0xFFFF9C00  }
0x82: {  	[hbm4b:s17+s5] =	stream.linear.scatter @!p0 [tilespmem:s0], [sflag:$0x2], $0x6400, $0x38;
	[tilespmem:$0x1C580] =	vst v63  }
0x83: {  	_ =	swait.ge @!p0 [sflag:s1], $0x6400  }
0x84: {  	[sflag:s1] =	ssyncset.done @!p0 $0x0  }
0x85: {  	[sflag:s1] =	ssyncadd.s32 @!p0 $0xFFFF9C00  }
0x86: {  	[tilespmem:s0], [sflag:$0x2] =	stream.linear.gather @!p0 [spmem:s18], $0x6400, $0x38;
	[tilespmem:$0x1C580] =	vst v63  }
0x87: {  	s30 =	sadd.s32 $0x1, s30;
	_ =	swait.ge @!p0 [sflag:s1], $0x6400  }
0x88: {  	p1 =	sne.s32 s30, s20;
	[sflag:s1] =	ssyncset.done @!p0 $0x0  }
.Ltmp1:
0x89: {  	[sflag:s1] =	ssyncadd.s32 @!p0 $0xFFFF9C00;
	(pc) =	sbr.rel @p1 .LBB2_1-.Ltmp1, $4  }
0x8a: {  	[hbm4b:s19+s5] =	stream.linear.scatter @!p0 [tilespmem:s0], [sflag:$0x2], $0x6400, $0x38;
	[tilespmem:$0x1C580] =	vst v63  }
0x8b: {  	_ =	swait.ge @!p0 [sflag:s1], $0x6400  }
0x8c: {  	[sflag:s1] =	ssyncset.done @!p0 $0x0  }
0x8d: {  	[sflag:s1] =	ssyncadd.s32 @!p0 $0xFFFF9C00  }
0x8e: {  	_ =	sfence.sel $0x180000  }
0x8f: {  	[bflag:$0x0] =	sbarrier.arrive $0xFFFF  }
0x90: {  	_ =	strace $0x90000050  }
0x91: {  	s0 =	stileid.u32;
	[bflag:$0x2] =	sbarrier.arrive $0xFFFF  }
0x92: {  	p0 =	sne.s32 s0, $0x0;
	s0 =	rddreg [dreg:$0x3]  }
0x93: {  	s0 =	sadd.s32 @!p0 $0x100000, s0  }
0x94: {  	[sflag:s0] =	ssyncadd.tile.s32 @!p0 $0x1;
	_ =	shalt  }
.Lfunc_end2:
_tile_overlayer_lowered:
.L_overlay_start_2:
0x95: {  	(tag) =	ssettag $0x2  }
0x96: {  	s0 =	rddreg [dreg:$0x0];
	s2 =	stileid.u32  }
0x97: {  	s1 =	rddreg [dreg:$0x1];
	p0 =	sne.s32 s2, $0x0  }
0x98: {  	s3 =	rddreg [dreg:$0x2];
	[bflag:$0x3] =	sbarrier.arrive $0xFFFF;
	s2 =	simm.s32 @!p0 $0x1C02  }
0x99: {  	[timem:s3], [sflag:s2] =	dma.local @!p0 [hbm:s0], s1  }
0x9a: {  	s0 =	simm.s32 @!p0 $0x2  }
0x9b: {  	_ =	swait.ge @!p0 [sflag:s0], s1  }
0x9c: {  	s1 =	ssub.s32 @!p0 $0x0, s1;
	[sflag:s0] =	ssyncset.done @!p0 $0x0  }
0x9d: {  	[sflag:s0] =	ssyncadd.s32 @!p0 s1  }
0x9e: {  	[bflag:$0x3] =	sbarrier.arrive $0xFFFF  }
0x9f: {  	_ =	shalt  }

// kernel: kernel.30.cloned.1.call-start
scs
__scs_entry_jumppad:
0x0: {  	(pc) =	sbr.rel $0x88, $3  }
0x1: {  	(tag) =	ssettag $0x0;
	lr =	simm.s32 $0x1  }
0x2: {  	[smem:$0x3F5B] =	sst lr;
	_ =	strace $0xD0000000  }
0x3: {  	_ = 	snop  }
0x4: {  	_ = 	snop  }
0x5: {  	_ = 	snop  }
0x6: {  	_ = 	snop  }
0x7: {  	_ = 	snop  }
__scs_overlays_trampoline_lowered:
0x8: {  	[smem:$0x3F6A] =	sst s0  }
0x9: {  	[smem:$0x3F6B] =	sst s1  }
0xa: {  	[smem:$0x3F6C] =	sst s2  }
0xb: {  	[smem:$0x3F6D] =	sst s3  }
0xc: {  	[smem:$0x3F6E] =	sst s4  }
0xd: {  	[smem:$0x3F6F] =	sst s5  }
0xe: {  	[smem:$0x3F70] =	sst s6  }
0xf: {  	[smem:$0x3F71] =	sst s7  }
0x10: {  	[smem:$0x3F72] =	sst s8  }
0x11: {  	[smem:$0x3F73] =	sst s9;
	s0 =	simm.s32 @!p0 $0x0  }
0x12: {  	s1 =	sld [smem:$0x3F59];
	s0 =	simm.s32 @p0 $0x1  }
0x13: {  	[smem:$0x3F74] =	sst s0;
	s0 =	simm.s32 @!p1 $0x0  }
0x14: {  	s2 =	sld [smem:$0x3F58];
	s0 =	simm.s32 @p1 $0x1  }
0x15: {  	[smem:$0x3F75] =	sst s0;
	s0 =	simm.s32 @!p2 $0x0  }
0x16: {  	s3 =	sld [smem:$0x3FDB];
	s0 =	simm.s32 @p2 $0x1  }
0x17: {  	s4 =	simm.s32 $0x1BF5;
	[smem:$0x3F77] =	sst s0  }
0x18: {  	s0 =	sld [smem:$0x3F5A];
	_ =	swait.ge [sflag:s4], $0x0  }
0x19: {  	s7 =	sld [smem:$0x3F5B]  }
0x1a: {  	s8 =	sadd.s32 $0xFFFFE003, lr  }
0x1b: {  	s9 =	sadd.s32 $0xFFFFFEF7, lr;
	s5 =	simm.s32 $0xFFFFFFFF;
	p2 =	slt.u32 s8, $0xFFFFF086  }
0x1c: {  	p1 =	slt.u32 s9, $0xF7A;
	s5 =	simm.s32 @!p2 $0x0  }
0x1d: {  	s5 =	simm.s32 @p1 $0x1;
	p0 =	seq.s32 s7, s2  }
0x1e: {  	s7 =	smul.u32 @!p0 $0xF7A, s2;
	p2 =	seq.s32 @!p0 s5, $0x0  }
0x1f: {  	s9 =	smul.u32 $0xF7A, s1;
	s8 =	simm.s32 @!p0 $0x1BF5;
	p2 =	por !p2, p0  }
0x20: {  	[sflag:s8] =	ssyncset.s32 @!p0 $0xFFFFF086;
	s6 =	sadd.s32 @!p0 s3, s7;
	s7 =	simm.s32 @!p0 $0x108  }
0x21: {  	s3 =	sadd.s32 s3, s9;
	s6 =	sadd.s32 @!p0 $0x88, s6;
	s7 =	simm.s32 @p2 $0x1082  }
0x22: {  	[simem:s7], [sflag:s8] =	dma.local @!p0 [hbm:s6], $0xF7A  }
0x23: {  	s9 =	sor.u32 $0xD0000000, s2;
	s6 =	simm.s32 $0x108;
	_ =	swait.ge @!p0 [sflag:s8], $0x0  }
0x24: {  	s3 =	sadd.s32 $0x88, s3;
	s6 =	simm.s32 @!p1 $0x1082;
	[sflag:s4] =	ssyncset.s32 $0xFFFFF086  }
0x25: {  	[simem:s6], [sflag:s4] =	dma.local [hbm:s3], $0xF7A  }
0x26: {  	[smem:$0x3F5B] =	sst s1;
	(tag) =	ssettag s2;
	_ =	strace s9  }
0x27: {  	s1 =	sld [smem:$0x3F6B]  }
0x28: {  	s2 =	sld [smem:$0x3F6C]  }
0x29: {  	s4 =	sld [smem:$0x3F6E]  }
0x2a: {  	p0 =	seq.s32 s5, $0x0;
	s5 =	sld [smem:$0x3F6F]  }
0x2b: {  	s6 =	sld [smem:$0x3F70]  }
0x2c: {  	s7 =	sld [smem:$0x3F71]  }
0x2d: {  	s3 =	simm.s32 $0x108;
	s8 =	sld [smem:$0x3F72]  }
0x2e: {  	s3 =	simm.s32 @!p0 $0x1082;
	s9 =	sld [smem:$0x3F73]  }
0x2f: {  	lr =	sadd.s32 s0, s3;
	s0 =	sld [smem:$0x3F6A]  }
0x30: {  	s3 =	sld [smem:$0x3F6D]  }
0x31: {  	[smem:$0x3F76] =	sst s10  }
0x32: {  	s10 =	sld [smem:$0x3F74];
	_ =	sdelay $0x3  }
0x33: {  	p0 =	seq.s32 s10, $0x1;
	s10 =	sld [smem:$0x3F76];
	_ =	sdelay $0x3  }
0x34: {  	[smem:$0x3F76] =	sst s10  }
0x35: {  	s10 =	sld [smem:$0x3F75];
	_ =	sdelay $0x3  }
0x36: {  	p1 =	seq.s32 s10, $0x1;
	s10 =	sld [smem:$0x3F76];
	_ =	sdelay $0x3  }
0x37: {  	[smem:$0x3F76] =	sst s10  }
0x38: {  	s10 =	sld [smem:$0x3F77]  }
0x39: {  	_ = 	snop;
	(pc) =	sbr.ind lr, $3  }
0x3a: {  	_ = 	snop  }
0x3b: {  	_ = 	snop  }
0x3c: {  	p2 =	seq.s32 s10, $0x1;
	s10 =	sld [smem:$0x3F76]  }
0x3d: {  	_ =	shalt  }
0x3e: {  	_ =	shalt  }
0x3f: {  	_ =	shalt  }
0x40: {  	_ =	shalt  }
0x41: {  	_ =	shalt  }
0x42: {  	_ =	shalt  }
0x43: {  	_ =	shalt  }
0x44: {  	_ =	shalt  }
0x45: {  	_ =	shalt  }
0x46: {  	_ =	shalt  }
0x47: {  	_ =	shalt  }
0x48: {  	_ =	shalt  }
0x49: {  	_ =	shalt  }
0x4a: {  	_ =	shalt  }
0x4b: {  	_ =	shalt  }
0x4c: {  	_ =	shalt  }
0x4d: {  	_ =	shalt  }
0x4e: {  	_ =	shalt  }
0x4f: {  	_ =	shalt  }
0x50: {  	_ =	shalt  }
0x51: {  	_ =	shalt  }
0x52: {  	_ =	shalt  }
0x53: {  	_ =	shalt  }
0x54: {  	_ =	shalt  }
0x55: {  	_ =	shalt  }
0x56: {  	_ =	shalt  }
0x57: {  	_ =	shalt  }
0x58: {  	_ =	shalt  }
0x59: {  	_ =	shalt  }
0x5a: {  	_ =	shalt  }
0x5b: {  	_ =	shalt  }
0x5c: {  	_ =	shalt  }
0x5d: {  	_ =	shalt  }
0x5e: {  	_ =	shalt  }
0x5f: {  	_ =	shalt  }
0x60: {  	_ =	shalt  }
0x61: {  	_ =	shalt  }
0x62: {  	_ =	shalt  }
0x63: {  	_ =	shalt  }
0x64: {  	_ =	shalt  }
0x65: {  	_ =	shalt  }
0x66: {  	_ =	shalt  }
0x67: {  	_ =	shalt  }
0x68: {  	_ =	shalt  }
0x69: {  	_ =	shalt  }
0x6a: {  	_ =	shalt  }
0x6b: {  	_ =	shalt  }
0x6c: {  	_ =	shalt  }
0x6d: {  	_ =	shalt  }
0x6e: {  	_ =	shalt  }
0x6f: {  	_ =	shalt  }
0x70: {  	_ =	shalt  }
0x71: {  	_ =	shalt  }
0x72: {  	_ =	shalt  }
0x73: {  	_ =	shalt  }
0x74: {  	_ =	shalt  }
0x75: {  	_ =	shalt  }
0x76: {  	_ =	shalt  }
0x77: {  	_ =	shalt  }
0x78: {  	_ =	shalt  }
0x79: {  	_ =	shalt  }
0x7a: {  	_ =	shalt  }
0x7b: {  	_ =	shalt  }
0x7c: {  	_ =	shalt  }
0x7d: {  	_ =	shalt  }
0x7e: {  	_ =	shalt  }
0x7f: {  	_ =	shalt  }
0x80: {  	_ =	shalt  }
0x81: {  	_ =	shalt  }
0x82: {  	_ =	shalt  }
0x83: {  	_ =	shalt  }
0x84: {  	_ =	shalt  }
0x85: {  	_ =	shalt  }
0x86: {  	_ =	shalt  }
0x87: {  	_ =	shalt  }
.Lfunc_end0:
.L_simem_size_0:
called_computation.4_lowered:
.L_overlay_start_0:
0x88: {  	s2 =	sld [smem:$0x3FD9]  }
0x89: {  	s3 =	sld [smem:$0x3FFE];
	_ =	sdelay $0x1  }
0x8a: {  	s1 =	srdreg.scid  }
0x8b: {  	s0 =	sand.u32 $0x1, s1  }
0x8c: {  	s14 =	sshll.u32 s0, $0xA;
	s2 =	sadd.s32 s3, s2  }
0x8d: {  	s2 =	sadd.s32 s2, s14  }
0x8e: {  	[smem:$0x3F82] =	sst s2  }
0x8f: {  	_ = 	snop  }
0x90: {  	s2 =	sld [smem:$0x3FD0];
	_ =	sdelay $0x2  }
0x91: {  	s15 =	simm.s32 $0xB;
	s4 =	simm.s32 $0x10  }
0x92: {  	[smem:s4], [sflag:s15] =	dma.local [hbm:s2], $0x1  }
0x93: {  	_ =	swait.eq [sflag:s15], $0x1  }
0x94: {  	[sflag:s15] =	ssyncset.done $0x0  }
0x95: {  	[sflag:s15] =	ssyncadd.s32 $0xFFFFFFFF  }
0x96: {  	s16 =	sld [smem:$0x11];
	(tm) =	ssettm $0x1  }
0x97: {  	s17 =	sld [smem:$0x3FFB];
	_ =	sdelay $0x3  }
0x98: {  	_ =	strace s17  }
0x99: {  	s3 =	sld [smem:$0x3FFC];
	_ =	sdelay $0x3  }
0x9a: {  	_ =	strace s3  }
0x9b: {  	s3 =	sld [smem:$0x3FFD];
	_ =	sdelay $0x3  }
0x9c: {  	_ =	strace s3  }
0x9d: {  	_ =	strace $0x8FFFFFFF  }
0x9e: {  	s18 =	sld [smem:$0x3FDB];
	_ =	sdelay $0x1  }
0x9f: {  	s19 =	simm.s32 $_scs_section_size  }
0xa0: {  	s5 =	simm.s32 $_size__tile_overlayer_lowered;
	s6 =	simm.s32 $_tile_overlayer_lowered  }
0xa1: {  	s22 =	simm.s32 $0x1BFF;
	s21 =	sshll.u32 s6, $0x1;
	s3 =	sadd.s32 s19, s18  }
0xa2: {  	s7 =	simm.s32 $0x0;
	s20 =	sshll.u32 s5, $0x1;
	s5 =	sadd.s32 s21, s3  }
0xa3: {  	[timem:s7], [sflag:s22] =	dma.local [hbm:s5], s20  }
0xa4: {  	_ =	swait.ge [sflag:s22], s20  }
0xa5: {  	s4 =	ssub.s32 $0x0, s20;
	[sflag:s22] =	ssyncset.done $0x0  }
0xa6: {  	[sflag:s22] =	ssyncadd.s32 s4;
	_ =	sdelay $0x1  }
0xa7: {  	s23 =	simm.s32 $0x1B8B  }
0xa8: {  	_ =	swait.ge [sflag:s23], $0x1  }
0xa9: {  	[sflag:s23] =	ssyncset.done $0x0  }
0xaa: {  	s25 =	simm.s32 $0x1B8E;
	s24 =	sld [smem:$0x3FFE];
	[sflag:s23] =	ssyncadd.s32 $0xFFFFFFFF  }
0xab: {  	s26 =	simm.s32 $execute0_lowered;
	[smem:$0x3FD2] =	sst s25  }
0xac: {  	s5 =	sshll.u32 s26, $0x1;
	_ =	strace $0x80000052;
	[dreg:$0x1] =	wrdreg $0xFFFFFFFF  }
0xad: {  	s28 =	simm.s32 $_size_execute0_lowered;
	s3 =	sadd.s32 s3, s5;
	[dreg:$0x0] =	wrdreg $0x0  }
0xae: {  	s5 =	sshll.u32 s28, $0x1;
	[dreg:$0x2] =	wrdreg s3  }
0xaf: {  	[dreg:$0x3] =	wrdreg s5  }
0xb0: {  	[dreg:$0x4] =	wrdreg $0xC0  }
0xb1: {  	_ =	task [dreg:s7], $0x5FFFF  }
0xb2: {  	[dreg:$0x1] =	wrdreg $0xFFFFFFFF  }
0xb3: {  	[dreg:$0x0] =	wrdreg $0x60  }
0xb4: {  	[dreg:$0x2] =	wrdreg s24  }
0xb5: {  	[dreg:$0x3] =	wrdreg s16  }
0xb6: {  	[dreg:$0x4] =	wrdreg $0x0  }
0xb7: {  	[dreg:$0x5] =	wrdreg $0x9  }
0xb8: {  	_ =	task.clear_ibuf [dreg:s7], $0x6FFFF;
	_ =	strace $0x90000052  }
0xb9: {  	s29 =	simm.s32 $0x9;
	_ =	strace $0x80000054  }
0xba: {  	_ =	swait.ge [sflag:s29], $0x1  }
0xbb: {  	[sflag:s29] =	ssyncadd.s32 $0xFFFFFFFF  }
0xbc: {  	_ =	strace $0x90000054  }
0xbd: {  	_ =	sfence  }
0xbe: {  	s30 =	sld [smem:$0x0];
	_ =	sdelay $0x2  }
0xbf: {  	s31 =	sshll.u32 s1, $0xD;
	s1 =	sshrl.u32 s1, $0x2  }
0xc0: {  	s3 =	sand.u32 $0x4000, s31;
	s1 =	sadd.s32 s1, s30  }
0xc1: {  	s0 =	sor.u32 s3, s0;
	s1 =	sshll.u32 s1, $0x11  }
0xc2: {  	s0 =	sor.u32 s1, s0  }
0xc3: {  	s0 =	sadd.s32 $0x8F2B, s0  }
0xc4: {  	[sflag:s0] =	ssyncadd.remote.s32 $0x1  }
0xc5: {  	_ =	sfence.sel $0xFFFF  }
0xc6: {  	[dreg:$0x0] =	wrdreg $0xFFFFFFFF;
	(pc) =	sbr.abs _section_cstart, $3  }
0xc7: {  	[dreg:$0x1] =	wrdreg $0xFFFFFFFF  }
0xc8: {  	_ =	task.clear_ibuf [dreg:s7], $0x2FFFF;
	_ =	strace $0x9FFFFFFF  }
0xc9: {  	(tm) =	ssettm $0x7FFFFFFF  }
tec
execute0_lowered:
.L_overlay_start_1:
0x0: {  	(tag) =	ssettag $0x1  }
0x1: {  	s1 =	rddreg [dreg:$0x0]  }
0x2: {  	s19 =	rddreg [dreg:$0x1]  }
0x3: {  	s0 =	srdreg.scid;
	s2 =	rddreg [dreg:$0x2]  }
0x4: {  	s3 =	simm.s32 $0x0;
	s28 =	simm.s32 $0x13980;
	s5 =	sand.u32 $0x1, s0  }
0x5: {  	s29 =	simm.s32 $0x1;
	s0 =	stileid.u32;
	s17 =	smul.u32 $0x2710, s5  }
0x6: {  	s30 =	simm.s32 $0x0;
	[smem:$0x7FF] =	sst s3;
	s4 =	smul.u32 $0x4E20, s0  }
0x7: {  	_ =	strace $0x80000053;
	s7 =	smul.u32 $0x7D000, s0;
	s24 =	ssub.s32 $0x2, s5  }
0x8: {  	s18 =	smul.u32 $0x3E8, s0;
	p0 =	sgt.u32 s0, $0x9;
	s8 =	sshrl.u32 s24, $0x1  }
0x9: {  	s4 =	sadd.s32 s17, s4;
	s7 =	sshrl.u32 s7, $0x2;
	s25 =	ssub.s32 s24, s8  }
0xa: {  	s10 =	sadd.s32 s18, s17;
	s12 =	sadd.s32 $0xC8, s18;
	s14 =	sadd.s32 $0x190, s18  }
0xb: {  	s20 =	sadd.s32 $0x258, s18;
	s18 =	sadd.s32 $0x320, s18;
	s24 =	simm.s32 $0x2  }
0xc: {  	s6 =	sshrl.u32 s4, $0x3;
	s4 =	sadd.s32 $0x2E000, s1;
	s11 =	sshll.u32 s10, $0x4  }
0xd: {  	s13 =	sadd.s32 s17, s12;
	s12 =	sshll.u32 s12, $0x7;
	s15 =	sadd.s32 s17, s14  }
0xe: {  	s14 =	sshll.u32 s14, $0x7;
	s16 =	sshll.u32 s20, $0x7;
	s20 =	sadd.s32 s17, s20  }
0xf: {  	s21 =	sshll.u32 s18, $0x7;
	s23 =	sadd.s32 s17, s18;
	s22 =	sadd.s32 s6, s1  }
0x10: {  	s1 =	sadd.s32 $0x6800, s1;
	s6 =	sadd.s32 s7, s2;
	s11 =	sadd.s32 s19, s11  }
0x11: {  	s13 =	sshll.u32 s13, $0x4;
	s12 =	sadd.s32 s12, s2;
	s15 =	sshll.u32 s15, $0x4  }
0x12: {  	s14 =	sadd.s32 s14, s2;
	s16 =	sadd.s32 s16, s2;
	s20 =	sshll.u32 s20, $0x4  }
0x13: {  	s18 =	sadd.s32 s21, s2;
	s31 =	sshll.u32 s23, $0x4;
	s23 =	simm.s32 $0x13880  }
0x14: {  	[dreg:$0x4] =	wrdreg s1;
	s26 =	sadd.s32 $0x6400, s6;
	s8 =	sadd.s32 $0xC800, s6  }
0x15: {  	s9 =	sadd.s32 $0x12C00, s6;
	s10 =	sadd.s32 $0x19000, s6;
	s13 =	sadd.s32 s19, s13  }
0x16: {  	s15 =	sadd.s32 s19, s15;
	s17 =	sadd.s32 s19, s20;
	s19 =	sadd.s32 s19, s31  }
0x17: {  	s20 =	smax.u32 s25, $0x1;
	s21 =	sadd.s32 $0x24200, s22;
	s22 =	sadd.s32 $0x1A400, s22  }
0x18: {  	s25 =	simm.s32 $0x13900;
	[dreg:$0x5] =	wrdreg s26;
	s26 =	simm.s32 $0x50  }
.LBB2_1:
0x19: {  	s1 =	simm.s32 @!p0 $0x0;
	s31 =	simm.s32 @!p0 $0x16180;
	s0 =	rddreg [dreg:$0x4]  }
0x1a: {  	[tilespmem:s31], [sflag:$0x2] =	stream.linear.gather @!p0 [hbm4b:s0+s1], $0x6400, $0x38;
	[tilespmem:$0x1C580] =	vst v63  }
0x1b: {  	s1 =	simm.s32 @!p0 $0x2  }
0x1c: {  	_ =	swait.ge @!p0 [sflag:s1], $0x6400  }
0x1d: {  	[sflag:s1] =	ssyncset.done @!p0 $0x0  }
0x1e: {  	[sflag:s1] =	ssyncadd.s32 @!p0 $0xFFFF9C00  }
0x1f: {  	[spmem:s6] =	stream.linear.scatter @!p0 [tilespmem:s31], [sflag:$0x2], $0x6400, $0x38;
	[tilespmem:$0x1C580] =	vst v63  }
0x20: {  	_ =	swait.ge @!p0 [sflag:s1], $0x6400  }
0x21: {  	[sflag:s1] =	ssyncset.done @!p0 $0x0  }
0x22: {  	s0 =	rddreg [dreg:$0x5];
	[sflag:s1] =	ssyncadd.s32 @!p0 $0xFFFF9C00  }
0x23: {  	[spmem:s0] =	stream.linear.scatter @!p0 [tilespmem:s31], [sflag:$0x2], $0x6400, $0x38;
	[tilespmem:$0x1C580] =	vst v63  }
0x24: {  	_ =	swait.ge @!p0 [sflag:s1], $0x6400  }
0x25: {  	[sflag:s1] =	ssyncset.done @!p0 $0x0  }
0x26: {  	[sflag:s1] =	ssyncadd.s32 @!p0 $0xFFFF9C00  }
0x27: {  	[spmem:s8] =	stream.linear.scatter @!p0 [tilespmem:s31], [sflag:$0x2], $0x6400, $0x38;
	[tilespmem:$0x1C580] =	vst v63  }
0x28: {  	_ =	swait.ge @!p0 [sflag:s1], $0x6400  }
0x29: {  	[sflag:s1] =	ssyncset.done @!p0 $0x0  }
0x2a: {  	[sflag:s1] =	ssyncadd.s32 @!p0 $0xFFFF9C00  }
0x2b: {  	[spmem:s9] =	stream.linear.scatter @!p0 [tilespmem:s31], [sflag:$0x2], $0x6400, $0x38;
	[tilespmem:$0x1C580] =	vst v63  }
0x2c: {  	_ =	swait.ge @!p0 [sflag:s1], $0x6400  }
0x2d: {  	[sflag:s1] =	ssyncset.done @!p0 $0x0  }
0x2e: {  	[sflag:s1] =	ssyncadd.s32 @!p0 $0xFFFF9C00  }
0x2f: {  	[spmem:s10] =	stream.linear.scatter @!p0 [tilespmem:s31], [sflag:$0x2], $0x6400, $0x38;
	[tilespmem:$0x1C580] =	vst v63  }
0x30: {  	_ =	swait.ge @!p0 [sflag:s1], $0x6400  }
0x31: {  	[sflag:s1] =	ssyncset.done @!p0 $0x0  }
0x32: {  	[sflag:s1] =	ssyncadd.s32 @!p0 $0xFFFF9C00  }
0x33: {  	s5 =	sadd.s32 $0x0, s22;
	[bflag:$0x0] =	sbarrier.arrive $0xFFFF  }
0x34: {  	[tilespmem:s23], [sflag:$0x2] =	stream.linear.gather [hbm4b:s5+s3], $0x50, $0x38;
	[tilespmem:$0x1C580] =	vst v63  }
0x35: {  	_ =	swait.ge [sflag:s24], $0x50  }
0x36: {  	[sflag:s24] =	ssyncset.done $0x0  }
0x37: {  	s7 =	sadd.s32 $0x0, s21;
	[sflag:s24] =	ssyncadd.s32 $0xFFFFFFB0  }
0x38: {  	[tilespmem:s25], [sflag:$0x2] =	stream.linear.gather [hbm4b:s7+s3], $0x50, $0x38;
	[tilespmem:$0x1C580] =	vst v63  }
0x39: {  	_ =	swait.ge [sflag:s24], $0x50  }
0x3a: {  	[sflag:s24] =	ssyncset.done $0x0  }
0x3b: {  	[sflag:s24] =	ssyncadd.s32 $0xFFFFFFB0  }
0x3c: {  	[tilespmem:s28], [sflag:$0x1] =	stream.indirect.gather [hbm4b:s4+s26], $0x80, s23, s26, $0xb8;
	[tilespmem:$0x1C580] =	vst v63  }
0x3d: {  	_ =	swait.ge [sflag:s29], $0x2800  }
0x3e: {  	[sflag:s29] =	ssyncset.done $0x0  }
0x3f: {  	[sflag:s29] =	ssyncadd.s32 $0xFFFFD800  }
0x40: {  	[spmem:s2] =	stream.indirect.scatter.add.f32 [tilespmem:s28], [sflag:$0x2], $0x80, s25, s26, $0xb8;
	[tilespmem:$0x1C580] =	vst v63  }
0x41: {  	_ =	swait.ge [sflag:s24], $0x2800  }
0x42: {  	s31 =	simm.s32 $0xA;
	s1 =	simm.s32 $0x14;
	[sflag:s24] =	ssyncset.done $0x0  }
.LBB2_2:
0x43: {  	s0 =	sadd.s32 s31, s22  }
0x44: {  	[sflag:s24] =	ssyncadd.s32 $0xFFFFD800;
	s5 =	smov.u32 s1;
	s7 =	sadd.s32 $0xA, s1  }
0x45: {  	[tilespmem:s23], [sflag:$0x2] =	stream.linear.gather [hbm4b:s0+s3], $0x50, $0x38;
	[tilespmem:$0x1C580] =	vst v63  }
0x46: {  	p1 =	sne.s32 s1, $0x4D8;
	_ =	swait.ge [sflag:s24], $0x50  }
0x47: {  	[sflag:s24] =	ssyncset.done $0x0  }
0x48: {  	s0 =	sadd.s32 s31, s21;
	s31 =	smov.u32 s5;
	[sflag:s24] =	ssyncadd.s32 $0xFFFFFFB0  }
0x49: {  	[tilespmem:s25], [sflag:$0x2] =	stream.linear.gather [hbm4b:s0+s3], $0x50, $0x38;
	[tilespmem:$0x1C580] =	vst v63  }
0x4a: {  	_ =	swait.ge [sflag:s24], $0x50  }
0x4b: {  	[sflag:s24] =	ssyncset.done $0x0  }
0x4c: {  	[sflag:s24] =	ssyncadd.s32 $0xFFFFFFB0  }
0x4d: {  	[tilespmem:s28], [sflag:$0x1] =	stream.indirect.gather [hbm4b:s4+s26], $0x80, s23, s26, $0xb8;
	[tilespmem:$0x1C580] =	vst v63  }
0x4e: {  	_ =	swait.ge [sflag:s29], $0x2800  }
.Ltmp0:
0x4f: {  	[sflag:s29] =	ssyncset.done $0x0;
	(pc) =	sbr.rel @p1 .LBB2_2-.Ltmp0, $4  }
0x50: {  	[sflag:s29] =	ssyncadd.s32 $0xFFFFD800  }
0x51: {  	[spmem:s2] =	stream.indirect.scatter.add.f32 [tilespmem:s28], [sflag:$0x2], $0x80, s25, s26, $0xb8;
	[tilespmem:$0x1C580] =	vst v63  }
0x52: {  	_ =	swait.ge [sflag:s24], $0x2800  }
0x53: {  	s1 =	smov.u32 s7;
	[sflag:s24] =	ssyncset.done $0x0  }
0x54: {  	s0 =	sadd.s32 s31, s22;
	[sflag:s24] =	ssyncadd.s32 $0xFFFFD800  }
0x55: {  	[tilespmem:s23], [sflag:$0x2] =	stream.linear.gather [hbm4b:s0+s3], $0x50, $0x38;
	[tilespmem:$0x1C580] =	vst v63  }
0x56: {  	_ =	swait.ge [sflag:s24], $0x50  }
0x57: {  	[sflag:s24] =	ssyncset.done $0x0  }
0x58: {  	s31 =	sadd.s32 s31, s21;
	[sflag:s24] =	ssyncadd.s32 $0xFFFFFFB0  }
0x59: {  	[tilespmem:s25], [sflag:$0x2] =	stream.linear.gather [hbm4b:s31+s3], $0x50, $0x38;
	[tilespmem:$0x1C580] =	vst v63  }
0x5a: {  	_ =	swait.ge [sflag:s24], $0x50  }
0x5b: {  	[sflag:s24] =	ssyncset.done $0x0  }
0x5c: {  	[sflag:s24] =	ssyncadd.s32 $0xFFFFFFB0  }
0x5d: {  	[tilespmem:s28], [sflag:$0x1] =	stream.indirect.gather [hbm4b:s4+s26], $0x80, s23, s26, $0xb8;
	[tilespmem:$0x1C580] =	vst v63  }
0x5e: {  	_ =	swait.ge [sflag:s29], $0x2800  }
0x5f: {  	[sflag:s29] =	ssyncset.done $0x0  }
0x60: {  	[sflag:s29] =	ssyncadd.s32 $0xFFFFD800  }
0x61: {  	[spmem:s2] =	stream.indirect.scatter.add.f32 [tilespmem:s28], [sflag:$0x2], $0x80, s25, s26, $0xb8;
	[tilespmem:$0x1C580] =	vst v63  }
0x62: {  	_ =	swait.ge [sflag:s24], $0x2800  }
0x63: {  	[sflag:s24] =	ssyncset.done $0x0  }
0x64: {  	[sflag:s24] =	ssyncadd.s32 $0xFFFFD800  }
0x65: {  	s1 =	simm.s32 @!p0 $0x2;
	s0 =	simm.s32 @!p0 $0x16180;
	[bflag:$0x0] =	sbarrier.arrive $0xFFFF  }
0x66: {  	[tilespmem:s0], [sflag:$0x2] =	stream.linear.gather @!p0 [spmem:s6], $0x6400, $0x38;
	[tilespmem:$0x1C580] =	vst v63  }
0x67: {  	_ =	swait.ge @!p0 [sflag:s1], $0x6400  }
0x68: {  	[sflag:s1] =	ssyncset.done @!p0 $0x0  }
0x69: {  	s5 =	simm.s32 @!p0 $0x0;
	[sflag:s1] =	ssyncadd.s32 @!p0 $0xFFFF9C00  }
0x6a: {  	[hbm4b:s11+s5] =	stream.linear.scatter @!p0 [tilespmem:s0], [sflag:$0x2], $0x6400, $0x38;
	[tilespmem:$0x1C580] =	vst v63  }
0x6b: {  	_ =	swait.ge @!p0 [sflag:s1], $0x6400  }
0x6c: {  	[sflag:s1] =	ssyncset.done @!p0 $0x0  }
0x6d: {  	[sflag:s1] =	ssyncadd.s32 @!p0 $0xFFFF9C00  }
0x6e: {  	[tilespmem:s0], [sflag:$0x2] =	stream.linear.gather @!p0 [spmem:s12], $0x6400, $0x38;
	[tilespmem:$0x1C580] =	vst v63  }
0x6f: {  	_ =	swait.ge @!p0 [sflag:s1], $0x6400  }
0x70: {  	[sflag:s1] =	ssyncset.done @!p0 $0x0  }
0x71: {  	[sflag:s1] =	ssyncadd.s32 @!p0 $0xFFFF9C00  }
0x72: {  	[hbm4b:s13+s5] =	stream.linear.scatter @!p0 [tilespmem:s0], [sflag:$0x2], $0x6400, $0x38;
	[tilespmem:$0x1C580] =	vst v63  }
0x73: {  	_ =	swait.ge @!p0 [sflag:s1], $0x6400  }
0x74: {  	[sflag:s1] =	ssyncset.done @!p0 $0x0  }
0x75: {  	[sflag:s1] =	ssyncadd.s32 @!p0 $0xFFFF9C00  }
0x76: {  	[tilespmem:s0], [sflag:$0x2] =	stream.linear.gather @!p0 [spmem:s14], $0x6400, $0x38;
	[tilespmem:$0x1C580] =	vst v63  }
0x77: {  	_ =	swait.ge @!p0 [sflag:s1], $0x6400  }
0x78: {  	[sflag:s1] =	ssyncset.done @!p0 $0x0  }
0x79: {  	[sflag:s1] =	ssyncadd.s32 @!p0 $0xFFFF9C00  }
0x7a: {  	[hbm4b:s15+s5] =	stream.linear.scatter @!p0 [tilespmem:s0], [sflag:$0x2], $0x6400, $0x38;
	[tilespmem:$0x1C580] =	vst v63  }
0x7b: {  	_ =	swait.ge @!p0 [sflag:s1], $0x6400  }
0x7c: {  	[sflag:s1] =	ssyncset.done @!p0 $0x0  }
0x7d: {  	[sflag:s1] =	ssyncadd.s32 @!p0 $0xFFFF9C00  }
0x7e: {  	[tilespmem:s0], [sflag:$0x2] =	stream.linear.gather @!p0 [spmem:s16], $0x6400, $0x38;
	[tilespmem:$0x1C580] =	vst v63  }
0x7f: {  	_ =	swait.ge @!p0 [sflag:s1], $0x6400  }
0x80: {  	[sflag:s1] =	ssyncset.done @!p0 $0x0  }
0x81: {  	[sflag:s1] =	ssyncadd.s32 @!p0 $0xFFFF9C00  }
0x82: {  	[hbm4b:s17+s5] =	stream.linear.scatter @!p0 [tilespmem:s0], [sflag:$0x2], $0x6400, $0x38;
	[tilespmem:$0x1C580] =	vst v63  }
0x83: {  	_ =	swait.ge @!p0 [sflag:s1], $0x6400  }
0x84: {  	[sflag:s1] =	ssyncset.done @!p0 $0x0  }
0x85: {  	[sflag:s1] =	ssyncadd.s32 @!p0 $0xFFFF9C00  }
0x86: {  	[tilespmem:s0], [sflag:$0x2] =	stream.linear.gather @!p0 [spmem:s18], $0x6400, $0x38;
	[tilespmem:$0x1C580] =	vst v63  }
0x87: {  	s30 =	sadd.s32 $0x1, s30;
	_ =	swait.ge @!p0 [sflag:s1], $0x6400  }
0x88: {  	p1 =	sne.s32 s30, s20;
	[sflag:s1] =	ssyncset.done @!p0 $0x0  }
.Ltmp1:
0x89: {  	[sflag:s1] =	ssyncadd.s32 @!p0 $0xFFFF9C00;
	(pc) =	sbr.rel @p1 .LBB2_1-.Ltmp1, $4  }
0x8a: {  	[hbm4b:s19+s5] =	stream.linear.scatter @!p0 [tilespmem:s0], [sflag:$0x2], $0x6400, $0x38;
	[tilespmem:$0x1C580] =	vst v63  }
0x8b: {  	_ =	swait.ge @!p0 [sflag:s1], $0x6400  }
0x8c: {  	[sflag:s1] =	ssyncset.done @!p0 $0x0  }
0x8d: {  	[sflag:s1] =	ssyncadd.s32 @!p0 $0xFFFF9C00  }
0x8e: {  	_ =	sfence.sel $0x180000  }
0x8f: {  	[bflag:$0x0] =	sbarrier.arrive $0xFFFF  }
0x90: {  	_ =	strace $0x90000053  }
0x91: {  	s0 =	stileid.u32;
	[bflag:$0x2] =	sbarrier.arrive $0xFFFF  }
0x92: {  	p0 =	sne.s32 s0, $0x0;
	s0 =	rddreg [dreg:$0x3]  }
0x93: {  	s0 =	sadd.s32 @!p0 $0x100000, s0  }
0x94: {  	[sflag:s0] =	ssyncadd.tile.s32 @!p0 $0x1;
	_ =	shalt  }
.Lfunc_end2:
_tile_overlayer_lowered:
.L_overlay_start_2:
0x95: {  	(tag) =	ssettag $0x2  }
0x96: {  	s0 =	rddreg [dreg:$0x0];
	s2 =	stileid.u32  }
0x97: {  	s1 =	rddreg [dreg:$0x1];
	p0 =	sne.s32 s2, $0x0  }
0x98: {  	s3 =	rddreg [dreg:$0x2];
	[bflag:$0x3] =	sbarrier.arrive $0xFFFF;
	s2 =	simm.s32 @!p0 $0x1C02  }
0x99: {  	[timem:s3], [sflag:s2] =	dma.local @!p0 [hbm:s0], s1  }
0x9a: {  	s0 =	simm.s32 @!p0 $0x2  }
0x9b: {  	_ =	swait.ge @!p0 [sflag:s0], s1  }
0x9c: {  	s1 =	ssub.s32 @!p0 $0x0, s1;
	[sflag:s0] =	ssyncset.done @!p0 $0x0  }
0x9d: {  	[sflag:s0] =	ssyncadd.s32 @!p0 s1  }
0x9e: {  	[bflag:$0x3] =	sbarrier.arrive $0xFFFF  }
0x9f: {  	_ =	shalt  }

// kernel: kernel.33.cloned.1.call-start
scs
__scs_entry_jumppad:
0x0: {  	(pc) =	sbr.rel $0x88, $3  }
0x1: {  	(tag) =	ssettag $0x0;
	lr =	simm.s32 $0x1  }
0x2: {  	[smem:$0x3F5B] =	sst lr;
	_ =	strace $0xD0000000  }
0x3: {  	_ = 	snop  }
0x4: {  	_ = 	snop  }
0x5: {  	_ = 	snop  }
0x6: {  	_ = 	snop  }
0x7: {  	_ = 	snop  }
__scs_overlays_trampoline_lowered:
0x8: {  	[smem:$0x3F6A] =	sst s0  }
0x9: {  	[smem:$0x3F6B] =	sst s1  }
0xa: {  	[smem:$0x3F6C] =	sst s2  }
0xb: {  	[smem:$0x3F6D] =	sst s3  }
0xc: {  	[smem:$0x3F6E] =	sst s4  }
0xd: {  	[smem:$0x3F6F] =	sst s5  }
0xe: {  	[smem:$0x3F70] =	sst s6  }
0xf: {  	[smem:$0x3F71] =	sst s7  }
0x10: {  	[smem:$0x3F72] =	sst s8  }
0x11: {  	[smem:$0x3F73] =	sst s9;
	s0 =	simm.s32 @!p0 $0x0  }
0x12: {  	s1 =	sld [smem:$0x3F59];
	s0 =	simm.s32 @p0 $0x1  }
0x13: {  	[smem:$0x3F74] =	sst s0;
	s0 =	simm.s32 @!p1 $0x0  }
0x14: {  	s2 =	sld [smem:$0x3F58];
	s0 =	simm.s32 @p1 $0x1  }
0x15: {  	[smem:$0x3F75] =	sst s0;
	s0 =	simm.s32 @!p2 $0x0  }
0x16: {  	s3 =	sld [smem:$0x3FDB];
	s0 =	simm.s32 @p2 $0x1  }
0x17: {  	s4 =	simm.s32 $0x1BF5;
	[smem:$0x3F77] =	sst s0  }
0x18: {  	s0 =	sld [smem:$0x3F5A];
	_ =	swait.ge [sflag:s4], $0x0  }
0x19: {  	s7 =	sld [smem:$0x3F5B]  }
0x1a: {  	s8 =	sadd.s32 $0xFFFFE003, lr  }
0x1b: {  	s9 =	sadd.s32 $0xFFFFFEF7, lr;
	s5 =	simm.s32 $0xFFFFFFFF;
	p2 =	slt.u32 s8, $0xFFFFF086  }
0x1c: {  	p1 =	slt.u32 s9, $0xF7A;
	s5 =	simm.s32 @!p2 $0x0  }
0x1d: {  	s5 =	simm.s32 @p1 $0x1;
	p0 =	seq.s32 s7, s2  }
0x1e: {  	s7 =	smul.u32 @!p0 $0xF7A, s2;
	p2 =	seq.s32 @!p0 s5, $0x0  }
0x1f: {  	s9 =	smul.u32 $0xF7A, s1;
	s8 =	simm.s32 @!p0 $0x1BF5;
	p2 =	por !p2, p0  }
0x20: {  	[sflag:s8] =	ssyncset.s32 @!p0 $0xFFFFF086;
	s6 =	sadd.s32 @!p0 s3, s7;
	s7 =	simm.s32 @!p0 $0x108  }
0x21: {  	s3 =	sadd.s32 s3, s9;
	s6 =	sadd.s32 @!p0 $0x88, s6;
	s7 =	simm.s32 @p2 $0x1082  }
0x22: {  	[simem:s7], [sflag:s8] =	dma.local @!p0 [hbm:s6], $0xF7A  }
0x23: {  	s9 =	sor.u32 $0xD0000000, s2;
	s6 =	simm.s32 $0x108;
	_ =	swait.ge @!p0 [sflag:s8], $0x0  }
0x24: {  	s3 =	sadd.s32 $0x88, s3;
	s6 =	simm.s32 @!p1 $0x1082;
	[sflag:s4] =	ssyncset.s32 $0xFFFFF086  }
0x25: {  	[simem:s6], [sflag:s4] =	dma.local [hbm:s3], $0xF7A  }
0x26: {  	[smem:$0x3F5B] =	sst s1;
	(tag) =	ssettag s2;
	_ =	strace s9  }
0x27: {  	s1 =	sld [smem:$0x3F6B]  }
0x28: {  	s2 =	sld [smem:$0x3F6C]  }
0x29: {  	s4 =	sld [smem:$0x3F6E]  }
0x2a: {  	p0 =	seq.s32 s5, $0x0;
	s5 =	sld [smem:$0x3F6F]  }
0x2b: {  	s6 =	sld [smem:$0x3F70]  }
0x2c: {  	s7 =	sld [smem:$0x3F71]  }
0x2d: {  	s3 =	simm.s32 $0x108;
	s8 =	sld [smem:$0x3F72]  }
0x2e: {  	s3 =	simm.s32 @!p0 $0x1082;
	s9 =	sld [smem:$0x3F73]  }
0x2f: {  	lr =	sadd.s32 s0, s3;
	s0 =	sld [smem:$0x3F6A]  }
0x30: {  	s3 =	sld [smem:$0x3F6D]  }
0x31: {  	[smem:$0x3F76] =	sst s10  }
0x32: {  	s10 =	sld [smem:$0x3F74];
	_ =	sdelay $0x3  }
0x33: {  	p0 =	seq.s32 s10, $0x1;
	s10 =	sld [smem:$0x3F76];
	_ =	sdelay $0x3  }
0x34: {  	[smem:$0x3F76] =	sst s10  }
0x35: {  	s10 =	sld [smem:$0x3F75];
	_ =	sdelay $0x3  }
0x36: {  	p1 =	seq.s32 s10, $0x1;
	s10 =	sld [smem:$0x3F76];
	_ =	sdelay $0x3  }
0x37: {  	[smem:$0x3F76] =	sst s10  }
0x38: {  	s10 =	sld [smem:$0x3F77]  }
0x39: {  	_ = 	snop;
	(pc) =	sbr.ind lr, $3  }
0x3a: {  	_ = 	snop  }
0x3b: {  	_ = 	snop  }
0x3c: {  	p2 =	seq.s32 s10, $0x1;
	s10 =	sld [smem:$0x3F76]  }
0x3d: {  	_ =	shalt  }
0x3e: {  	_ =	shalt  }
0x3f: {  	_ =	shalt  }
0x40: {  	_ =	shalt  }
0x41: {  	_ =	shalt  }
0x42: {  	_ =	shalt  }
0x43: {  	_ =	shalt  }
0x44: {  	_ =	shalt  }
0x45: {  	_ =	shalt  }
0x46: {  	_ =	shalt  }
0x47: {  	_ =	shalt  }
0x48: {  	_ =	shalt  }
0x49: {  	_ =	shalt  }
0x4a: {  	_ =	shalt  }
0x4b: {  	_ =	shalt  }
0x4c: {  	_ =	shalt  }
0x4d: {  	_ =	shalt  }
0x4e: {  	_ =	shalt  }
0x4f: {  	_ =	shalt  }
0x50: {  	_ =	shalt  }
0x51: {  	_ =	shalt  }
0x52: {  	_ =	shalt  }
0x53: {  	_ =	shalt  }
0x54: {  	_ =	shalt  }
0x55: {  	_ =	shalt  }
0x56: {  	_ =	shalt  }
0x57: {  	_ =	shalt  }
0x58: {  	_ =	shalt  }
0x59: {  	_ =	shalt  }
0x5a: {  	_ =	shalt  }
0x5b: {  	_ =	shalt  }
0x5c: {  	_ =	shalt  }
0x5d: {  	_ =	shalt  }
0x5e: {  	_ =	shalt  }
0x5f: {  	_ =	shalt  }
0x60: {  	_ =	shalt  }
0x61: {  	_ =	shalt  }
0x62: {  	_ =	shalt  }
0x63: {  	_ =	shalt  }
0x64: {  	_ =	shalt  }
0x65: {  	_ =	shalt  }
0x66: {  	_ =	shalt  }
0x67: {  	_ =	shalt  }
0x68: {  	_ =	shalt  }
0x69: {  	_ =	shalt  }
0x6a: {  	_ =	shalt  }
0x6b: {  	_ =	shalt  }
0x6c: {  	_ =	shalt  }
0x6d: {  	_ =	shalt  }
0x6e: {  	_ =	shalt  }
0x6f: {  	_ =	shalt  }
0x70: {  	_ =	shalt  }
0x71: {  	_ =	shalt  }
0x72: {  	_ =	shalt  }
0x73: {  	_ =	shalt  }
0x74: {  	_ =	shalt  }
0x75: {  	_ =	shalt  }
0x76: {  	_ =	shalt  }
0x77: {  	_ =	shalt  }
0x78: {  	_ =	shalt  }
0x79: {  	_ =	shalt  }
0x7a: {  	_ =	shalt  }
0x7b: {  	_ =	shalt  }
0x7c: {  	_ =	shalt  }
0x7d: {  	_ =	shalt  }
0x7e: {  	_ =	shalt  }
0x7f: {  	_ =	shalt  }
0x80: {  	_ =	shalt  }
0x81: {  	_ =	shalt  }
0x82: {  	_ =	shalt  }
0x83: {  	_ =	shalt  }
0x84: {  	_ =	shalt  }
0x85: {  	_ =	shalt  }
0x86: {  	_ =	shalt  }
0x87: {  	_ =	shalt  }
.Lfunc_end0:
.L_simem_size_0:
called_computation.5_lowered:
.L_overlay_start_0:
0x88: {  	s2 =	sld [smem:$0x3FD9]  }
0x89: {  	s3 =	sld [smem:$0x3FFE];
	_ =	sdelay $0x1  }
0x8a: {  	s1 =	srdreg.scid  }
0x8b: {  	s0 =	sand.u32 $0x1, s1  }
0x8c: {  	s14 =	sshll.u32 s0, $0xA;
	s2 =	sadd.s32 s3, s2  }
0x8d: {  	s2 =	sadd.s32 s2, s14  }
0x8e: {  	[smem:$0x3F82] =	sst s2  }
0x8f: {  	_ = 	snop  }
0x90: {  	s2 =	sld [smem:$0x3FD0];
	_ =	sdelay $0x2  }
0x91: {  	s15 =	simm.s32 $0xB;
	s4 =	simm.s32 $0x10  }
0x92: {  	[smem:s4], [sflag:s15] =	dma.local [hbm:s2], $0x1  }
0x93: {  	_ =	swait.eq [sflag:s15], $0x1  }
0x94: {  	[sflag:s15] =	ssyncset.done $0x0  }
0x95: {  	[sflag:s15] =	ssyncadd.s32 $0xFFFFFFFF  }
0x96: {  	s16 =	sld [smem:$0x11];
	(tm) =	ssettm $0x1  }
0x97: {  	s17 =	sld [smem:$0x3FFB];
	_ =	sdelay $0x3  }
0x98: {  	_ =	strace s17  }
0x99: {  	s3 =	sld [smem:$0x3FFC];
	_ =	sdelay $0x3  }
0x9a: {  	_ =	strace s3  }
0x9b: {  	s3 =	sld [smem:$0x3FFD];
	_ =	sdelay $0x3  }
0x9c: {  	_ =	strace s3  }
0x9d: {  	_ =	strace $0x8FFFFFFF  }
0x9e: {  	s18 =	sld [smem:$0x3FDB];
	_ =	sdelay $0x1  }
0x9f: {  	s19 =	simm.s32 $_scs_section_size  }
0xa0: {  	s5 =	simm.s32 $_size__tile_overlayer_lowered;
	s6 =	simm.s32 $_tile_overlayer_lowered  }
0xa1: {  	s22 =	simm.s32 $0x1BFF;
	s21 =	sshll.u32 s6, $0x1;
	s3 =	sadd.s32 s19, s18  }
0xa2: {  	s7 =	simm.s32 $0x0;
	s20 =	sshll.u32 s5, $0x1;
	s5 =	sadd.s32 s21, s3  }
0xa3: {  	[timem:s7], [sflag:s22] =	dma.local [hbm:s5], s20  }
0xa4: {  	_ =	swait.ge [sflag:s22], s20  }
0xa5: {  	s4 =	ssub.s32 $0x0, s20;
	[sflag:s22] =	ssyncset.done $0x0  }
0xa6: {  	[sflag:s22] =	ssyncadd.s32 s4;
	_ =	sdelay $0x1  }
0xa7: {  	s23 =	simm.s32 $0x1B8B  }
0xa8: {  	_ =	swait.ge [sflag:s23], $0x1  }
0xa9: {  	[sflag:s23] =	ssyncset.done $0x0  }
0xaa: {  	s25 =	simm.s32 $0x1B8E;
	s24 =	sld [smem:$0x3FFE];
	[sflag:s23] =	ssyncadd.s32 $0xFFFFFFFF  }
0xab: {  	s26 =	simm.s32 $execute0_lowered;
	[smem:$0x3FD2] =	sst s25  }
0xac: {  	s5 =	sshll.u32 s26, $0x1;
	_ =	strace $0x80000055;
	[dreg:$0x1] =	wrdreg $0xFFFFFFFF  }
0xad: {  	s28 =	simm.s32 $_size_execute0_lowered;
	s3 =	sadd.s32 s3, s5;
	[dreg:$0x0] =	wrdreg $0x0  }
0xae: {  	s5 =	sshll.u32 s28, $0x1;
	[dreg:$0x2] =	wrdreg s3  }
0xaf: {  	[dreg:$0x3] =	wrdreg s5  }
0xb0: {  	[dreg:$0x4] =	wrdreg $0xC0  }
0xb1: {  	_ =	task [dreg:s7], $0x5FFFF  }
0xb2: {  	[dreg:$0x1] =	wrdreg $0xFFFFFFFF  }
0xb3: {  	[dreg:$0x0] =	wrdreg $0x60  }
0xb4: {  	[dreg:$0x2] =	wrdreg s24  }
0xb5: {  	[dreg:$0x3] =	wrdreg s16  }
0xb6: {  	[dreg:$0x4] =	wrdreg $0x0  }
0xb7: {  	[dreg:$0x5] =	wrdreg $0x9  }
0xb8: {  	_ =	task.clear_ibuf [dreg:s7], $0x6FFFF;
	_ =	strace $0x90000055  }
0xb9: {  	s29 =	simm.s32 $0x9;
	_ =	strace $0x80000057  }
0xba: {  	_ =	swait.ge [sflag:s29], $0x1  }
0xbb: {  	[sflag:s29] =	ssyncadd.s32 $0xFFFFFFFF  }
0xbc: {  	_ =	strace $0x90000057  }
0xbd: {  	_ =	sfence  }
0xbe: {  	s30 =	sld [smem:$0x0];
	_ =	sdelay $0x2  }
0xbf: {  	s31 =	sshll.u32 s1, $0xD;
	s1 =	sshrl.u32 s1, $0x2  }
0xc0: {  	s3 =	sand.u32 $0x4000, s31;
	s1 =	sadd.s32 s1, s30  }
0xc1: {  	s0 =	sor.u32 s3, s0;
	s1 =	sshll.u32 s1, $0x11  }
0xc2: {  	s0 =	sor.u32 s1, s0  }
0xc3: {  	s0 =	sadd.s32 $0x8F2B, s0  }
0xc4: {  	[sflag:s0] =	ssyncadd.remote.s32 $0x1  }
0xc5: {  	_ =	sfence.sel $0xFFFF  }
0xc6: {  	[dreg:$0x0] =	wrdreg $0xFFFFFFFF;
	(pc) =	sbr.abs _section_cstart, $3  }
0xc7: {  	[dreg:$0x1] =	wrdreg $0xFFFFFFFF  }
0xc8: {  	_ =	task.clear_ibuf [dreg:s7], $0x2FFFF;
	_ =	strace $0x9FFFFFFF  }
0xc9: {  	(tm) =	ssettm $0x7FFFFFFF  }
tec
execute0_lowered:
.L_overlay_start_1:
0x0: {  	(tag) =	ssettag $0x1  }
0x1: {  	s1 =	rddreg [dreg:$0x0]  }
0x2: {  	s19 =	rddreg [dreg:$0x1]  }
0x3: {  	s0 =	srdreg.scid;
	s2 =	rddreg [dreg:$0x2]  }
0x4: {  	s3 =	simm.s32 $0x0;
	s28 =	simm.s32 $0x13980;
	s5 =	sand.u32 $0x1, s0  }
0x5: {  	s29 =	simm.s32 $0x1;
	s0 =	stileid.u32;
	s17 =	smul.u32 $0x2710, s5  }
0x6: {  	s30 =	simm.s32 $0x0;
	[smem:$0x7FF] =	sst s3;
	s4 =	smul.u32 $0x4E20, s0  }
0x7: {  	_ =	strace $0x80000056;
	s7 =	smul.u32 $0x7D000, s0;
	s24 =	ssub.s32 $0x2, s5  }
0x8: {  	s18 =	smul.u32 $0x3E8, s0;
	p0 =	sgt.u32 s0, $0x9;
	s8 =	sshrl.u32 s24, $0x1  }
0x9: {  	s4 =	sadd.s32 s17, s4;
	s7 =	sshrl.u32 s7, $0x2;
	s25 =	ssub.s32 s24, s8  }
0xa: {  	s10 =	sadd.s32 s18, s17;
	s12 =	sadd.s32 $0xC8, s18;
	s14 =	sadd.s32 $0x190, s18  }
0xb: {  	s20 =	sadd.s32 $0x258, s18;
	s18 =	sadd.s32 $0x320, s18;
	s24 =	simm.s32 $0x2  }
0xc: {  	s6 =	sshrl.u32 s4, $0x3;
	s4 =	sadd.s32 $0x2E000, s1;
	s11 =	sshll.u32 s10, $0x4  }
0xd: {  	s13 =	sadd.s32 s17, s12;
	s12 =	sshll.u32 s12, $0x7;
	s15 =	sadd.s32 s17, s14  }
0xe: {  	s14 =	sshll.u32 s14, $0x7;
	s16 =	sshll.u32 s20, $0x7;
	s20 =	sadd.s32 s17, s20  }
0xf: {  	s21 =	sshll.u32 s18, $0x7;
	s23 =	sadd.s32 s17, s18;
	s22 =	sadd.s32 s6, s1  }
0x10: {  	s1 =	sadd.s32 $0x6800, s1;
	s6 =	sadd.s32 s7, s2;
	s11 =	sadd.s32 s19, s11  }
0x11: {  	s13 =	sshll.u32 s13, $0x4;
	s12 =	sadd.s32 s12, s2;
	s15 =	sshll.u32 s15, $0x4  }
0x12: {  	s14 =	sadd.s32 s14, s2;
	s16 =	sadd.s32 s16, s2;
	s20 =	sshll.u32 s20, $0x4  }
0x13: {  	s18 =	sadd.s32 s21, s2;
	s31 =	sshll.u32 s23, $0x4;
	s23 =	simm.s32 $0x13880  }
0x14: {  	[dreg:$0x4] =	wrdreg s1;
	s26 =	sadd.s32 $0x6400, s6;
	s8 =	sadd.s32 $0xC800, s6  }
0x15: {  	s9 =	sadd.s32 $0x12C00, s6;
	s10 =	sadd.s32 $0x19000, s6;
	s13 =	sadd.s32 s19, s13  }
0x16: {  	s15 =	sadd.s32 s19, s15;
	s17 =	sadd.s32 s19, s20;
	s19 =	sadd.s32 s19, s31  }
0x17: {  	s20 =	smax.u32 s25, $0x1;
	s21 =	sadd.s32 $0x24200, s22;
	s22 =	sadd.s32 $0x1A400, s22  }
0x18: {  	s25 =	simm.s32 $0x13900;
	[dreg:$0x5] =	wrdreg s26;
	s26 =	simm.s32 $0x50  }
.LBB2_1:
0x19: {  	s1 =	simm.s32 @!p0 $0x0;
	s31 =	simm.s32 @!p0 $0x16180;
	s0 =	rddreg [dreg:$0x4]  }
0x1a: {  	[tilespmem:s31], [sflag:$0x2] =	stream.linear.gather @!p0 [hbm4b:s0+s1], $0x6400, $0x38;
	[tilespmem:$0x1C580] =	vst v63  }
0x1b: {  	s1 =	simm.s32 @!p0 $0x2  }
0x1c: {  	_ =	swait.ge @!p0 [sflag:s1], $0x6400  }
0x1d: {  	[sflag:s1] =	ssyncset.done @!p0 $0x0  }
0x1e: {  	[sflag:s1] =	ssyncadd.s32 @!p0 $0xFFFF9C00  }
0x1f: {  	[spmem:s6] =	stream.linear.scatter @!p0 [tilespmem:s31], [sflag:$0x2], $0x6400, $0x38;
	[tilespmem:$0x1C580] =	vst v63  }
0x20: {  	_ =	swait.ge @!p0 [sflag:s1], $0x6400  }
0x21: {  	[sflag:s1] =	ssyncset.done @!p0 $0x0  }
0x22: {  	s0 =	rddreg [dreg:$0x5];
	[sflag:s1] =	ssyncadd.s32 @!p0 $0xFFFF9C00  }
0x23: {  	[spmem:s0] =	stream.linear.scatter @!p0 [tilespmem:s31], [sflag:$0x2], $0x6400, $0x38;
	[tilespmem:$0x1C580] =	vst v63  }
0x24: {  	_ =	swait.ge @!p0 [sflag:s1], $0x6400  }
0x25: {  	[sflag:s1] =	ssyncset.done @!p0 $0x0  }
0x26: {  	[sflag:s1] =	ssyncadd.s32 @!p0 $0xFFFF9C00  }
0x27: {  	[spmem:s8] =	stream.linear.scatter @!p0 [tilespmem:s31], [sflag:$0x2], $0x6400, $0x38;
	[tilespmem:$0x1C580] =	vst v63  }
0x28: {  	_ =	swait.ge @!p0 [sflag:s1], $0x6400  }
0x29: {  	[sflag:s1] =	ssyncset.done @!p0 $0x0  }
0x2a: {  	[sflag:s1] =	ssyncadd.s32 @!p0 $0xFFFF9C00  }
0x2b: {  	[spmem:s9] =	stream.linear.scatter @!p0 [tilespmem:s31], [sflag:$0x2], $0x6400, $0x38;
	[tilespmem:$0x1C580] =	vst v63  }
0x2c: {  	_ =	swait.ge @!p0 [sflag:s1], $0x6400  }
0x2d: {  	[sflag:s1] =	ssyncset.done @!p0 $0x0  }
0x2e: {  	[sflag:s1] =	ssyncadd.s32 @!p0 $0xFFFF9C00  }
0x2f: {  	[spmem:s10] =	stream.linear.scatter @!p0 [tilespmem:s31], [sflag:$0x2], $0x6400, $0x38;
	[tilespmem:$0x1C580] =	vst v63  }
0x30: {  	_ =	swait.ge @!p0 [sflag:s1], $0x6400  }
0x31: {  	[sflag:s1] =	ssyncset.done @!p0 $0x0  }
0x32: {  	[sflag:s1] =	ssyncadd.s32 @!p0 $0xFFFF9C00  }
0x33: {  	s5 =	sadd.s32 $0x0, s22;
	[bflag:$0x0] =	sbarrier.arrive $0xFFFF  }
0x34: {  	[tilespmem:s23], [sflag:$0x2] =	stream.linear.gather [hbm4b:s5+s3], $0x50, $0x38;
	[tilespmem:$0x1C580] =	vst v63  }
0x35: {  	_ =	swait.ge [sflag:s24], $0x50  }
0x36: {  	[sflag:s24] =	ssyncset.done $0x0  }
0x37: {  	s7 =	sadd.s32 $0x0, s21;
	[sflag:s24] =	ssyncadd.s32 $0xFFFFFFB0  }
0x38: {  	[tilespmem:s25], [sflag:$0x2] =	stream.linear.gather [hbm4b:s7+s3], $0x50, $0x38;
	[tilespmem:$0x1C580] =	vst v63  }
0x39: {  	_ =	swait.ge [sflag:s24], $0x50  }
0x3a: {  	[sflag:s24] =	ssyncset.done $0x0  }
0x3b: {  	[sflag:s24] =	ssyncadd.s32 $0xFFFFFFB0  }
0x3c: {  	[tilespmem:s28], [sflag:$0x1] =	stream.indirect.gather [hbm4b:s4+s26], $0x80, s23, s26, $0xb8;
	[tilespmem:$0x1C580] =	vst v63  }
0x3d: {  	_ =	swait.ge [sflag:s29], $0x2800  }
0x3e: {  	[sflag:s29] =	ssyncset.done $0x0  }
0x3f: {  	[sflag:s29] =	ssyncadd.s32 $0xFFFFD800  }
0x40: {  	[spmem:s2] =	stream.indirect.scatter.add.f32 [tilespmem:s28], [sflag:$0x2], $0x80, s25, s26, $0xb8;
	[tilespmem:$0x1C580] =	vst v63  }
0x41: {  	_ =	swait.ge [sflag:s24], $0x2800  }
0x42: {  	s31 =	simm.s32 $0xA;
	s1 =	simm.s32 $0x14;
	[sflag:s24] =	ssyncset.done $0x0  }
.LBB2_2:
0x43: {  	s0 =	sadd.s32 s31, s22  }
0x44: {  	[sflag:s24] =	ssyncadd.s32 $0xFFFFD800;
	s5 =	smov.u32 s1;
	s7 =	sadd.s32 $0xA, s1  }
0x45: {  	[tilespmem:s23], [sflag:$0x2] =	stream.linear.gather [hbm4b:s0+s3], $0x50, $0x38;
	[tilespmem:$0x1C580] =	vst v63  }
0x46: {  	p1 =	sne.s32 s1, $0x4D8;
	_ =	swait.ge [sflag:s24], $0x50  }
0x47: {  	[sflag:s24] =	ssyncset.done $0x0  }
0x48: {  	s0 =	sadd.s32 s31, s21;
	s31 =	smov.u32 s5;
	[sflag:s24] =	ssyncadd.s32 $0xFFFFFFB0  }
0x49: {  	[tilespmem:s25], [sflag:$0x2] =	stream.linear.gather [hbm4b:s0+s3], $0x50, $0x38;
	[tilespmem:$0x1C580] =	vst v63  }
0x4a: {  	_ =	swait.ge [sflag:s24], $0x50  }
0x4b: {  	[sflag:s24] =	ssyncset.done $0x0  }
0x4c: {  	[sflag:s24] =	ssyncadd.s32 $0xFFFFFFB0  }
0x4d: {  	[tilespmem:s28], [sflag:$0x1] =	stream.indirect.gather [hbm4b:s4+s26], $0x80, s23, s26, $0xb8;
	[tilespmem:$0x1C580] =	vst v63  }
0x4e: {  	_ =	swait.ge [sflag:s29], $0x2800  }
.Ltmp0:
0x4f: {  	[sflag:s29] =	ssyncset.done $0x0;
	(pc) =	sbr.rel @p1 .LBB2_2-.Ltmp0, $4  }
0x50: {  	[sflag:s29] =	ssyncadd.s32 $0xFFFFD800  }
0x51: {  	[spmem:s2] =	stream.indirect.scatter.add.f32 [tilespmem:s28], [sflag:$0x2], $0x80, s25, s26, $0xb8;
	[tilespmem:$0x1C580] =	vst v63  }
0x52: {  	_ =	swait.ge [sflag:s24], $0x2800  }
0x53: {  	s1 =	smov.u32 s7;
	[sflag:s24] =	ssyncset.done $0x0  }
0x54: {  	s0 =	sadd.s32 s31, s22;
	[sflag:s24] =	ssyncadd.s32 $0xFFFFD800  }
0x55: {  	[tilespmem:s23], [sflag:$0x2] =	stream.linear.gather [hbm4b:s0+s3], $0x50, $0x38;
	[tilespmem:$0x1C580] =	vst v63  }
0x56: {  	_ =	swait.ge [sflag:s24], $0x50  }
0x57: {  	[sflag:s24] =	ssyncset.done $0x0  }
0x58: {  	s31 =	sadd.s32 s31, s21;
	[sflag:s24] =	ssyncadd.s32 $0xFFFFFFB0  }
0x59: {  	[tilespmem:s25], [sflag:$0x2] =	stream.linear.gather [hbm4b:s31+s3], $0x50, $0x38;
	[tilespmem:$0x1C580] =	vst v63  }
0x5a: {  	_ =	swait.ge [sflag:s24], $0x50  }
0x5b: {  	[sflag:s24] =	ssyncset.done $0x0  }
0x5c: {  	[sflag:s24] =	ssyncadd.s32 $0xFFFFFFB0  }
0x5d: {  	[tilespmem:s28], [sflag:$0x1] =	stream.indirect.gather [hbm4b:s4+s26], $0x80, s23, s26, $0xb8;
	[tilespmem:$0x1C580] =	vst v63  }
0x5e: {  	_ =	swait.ge [sflag:s29], $0x2800  }
0x5f: {  	[sflag:s29] =	ssyncset.done $0x0  }
0x60: {  	[sflag:s29] =	ssyncadd.s32 $0xFFFFD800  }
0x61: {  	[spmem:s2] =	stream.indirect.scatter.add.f32 [tilespmem:s28], [sflag:$0x2], $0x80, s25, s26, $0xb8;
	[tilespmem:$0x1C580] =	vst v63  }
0x62: {  	_ =	swait.ge [sflag:s24], $0x2800  }
0x63: {  	[sflag:s24] =	ssyncset.done $0x0  }
0x64: {  	[sflag:s24] =	ssyncadd.s32 $0xFFFFD800  }
0x65: {  	s1 =	simm.s32 @!p0 $0x2;
	s0 =	simm.s32 @!p0 $0x16180;
	[bflag:$0x0] =	sbarrier.arrive $0xFFFF  }
0x66: {  	[tilespmem:s0], [sflag:$0x2] =	stream.linear.gather @!p0 [spmem:s6], $0x6400, $0x38;
	[tilespmem:$0x1C580] =	vst v63  }
0x67: {  	_ =	swait.ge @!p0 [sflag:s1], $0x6400  }
0x68: {  	[sflag:s1] =	ssyncset.done @!p0 $0x0  }
0x69: {  	s5 =	simm.s32 @!p0 $0x0;
	[sflag:s1] =	ssyncadd.s32 @!p0 $0xFFFF9C00  }
0x6a: {  	[hbm4b:s11+s5] =	stream.linear.scatter @!p0 [tilespmem:s0], [sflag:$0x2], $0x6400, $0x38;
	[tilespmem:$0x1C580] =	vst v63  }
0x6b: {  	_ =	swait.ge @!p0 [sflag:s1], $0x6400  }
0x6c: {  	[sflag:s1] =	ssyncset.done @!p0 $0x0  }
0x6d: {  	[sflag:s1] =	ssyncadd.s32 @!p0 $0xFFFF9C00  }
0x6e: {  	[tilespmem:s0], [sflag:$0x2] =	stream.linear.gather @!p0 [spmem:s12], $0x6400, $0x38;
	[tilespmem:$0x1C580] =	vst v63  }
0x6f: {  	_ =	swait.ge @!p0 [sflag:s1], $0x6400  }
0x70: {  	[sflag:s1] =	ssyncset.done @!p0 $0x0  }
0x71: {  	[sflag:s1] =	ssyncadd.s32 @!p0 $0xFFFF9C00  }
0x72: {  	[hbm4b:s13+s5] =	stream.linear.scatter @!p0 [tilespmem:s0], [sflag:$0x2], $0x6400, $0x38;
	[tilespmem:$0x1C580] =	vst v63  }
0x73: {  	_ =	swait.ge @!p0 [sflag:s1], $0x6400  }
0x74: {  	[sflag:s1] =	ssyncset.done @!p0 $0x0  }
0x75: {  	[sflag:s1] =	ssyncadd.s32 @!p0 $0xFFFF9C00  }
0x76: {  	[tilespmem:s0], [sflag:$0x2] =	stream.linear.gather @!p0 [spmem:s14], $0x6400, $0x38;
	[tilespmem:$0x1C580] =	vst v63  }
0x77: {  	_ =	swait.ge @!p0 [sflag:s1], $0x6400  }
0x78: {  	[sflag:s1] =	ssyncset.done @!p0 $0x0  }
0x79: {  	[sflag:s1] =	ssyncadd.s32 @!p0 $0xFFFF9C00  }
0x7a: {  	[hbm4b:s15+s5] =	stream.linear.scatter @!p0 [tilespmem:s0], [sflag:$0x2], $0x6400, $0x38;
	[tilespmem:$0x1C580] =	vst v63  }
0x7b: {  	_ =	swait.ge @!p0 [sflag:s1], $0x6400  }
0x7c: {  	[sflag:s1] =	ssyncset.done @!p0 $0x0  }
0x7d: {  	[sflag:s1] =	ssyncadd.s32 @!p0 $0xFFFF9C00  }
0x7e: {  	[tilespmem:s0], [sflag:$0x2] =	stream.linear.gather @!p0 [spmem:s16], $0x6400, $0x38;
	[tilespmem:$0x1C580] =	vst v63  }
0x7f: {  	_ =	swait.ge @!p0 [sflag:s1], $0x6400  }
0x80: {  	[sflag:s1] =	ssyncset.done @!p0 $0x0  }
0x81: {  	[sflag:s1] =	ssyncadd.s32 @!p0 $0xFFFF9C00  }
0x82: {  	[hbm4b:s17+s5] =	stream.linear.scatter @!p0 [tilespmem:s0], [sflag:$0x2], $0x6400, $0x38;
	[tilespmem:$0x1C580] =	vst v63  }
0x83: {  	_ =	swait.ge @!p0 [sflag:s1], $0x6400  }
0x84: {  	[sflag:s1] =	ssyncset.done @!p0 $0x0  }
0x85: {  	[sflag:s1] =	ssyncadd.s32 @!p0 $0xFFFF9C00  }
0x86: {  	[tilespmem:s0], [sflag:$0x2] =	stream.linear.gather @!p0 [spmem:s18], $0x6400, $0x38;
	[tilespmem:$0x1C580] =	vst v63  }
0x87: {  	s30 =	sadd.s32 $0x1, s30;
	_ =	swait.ge @!p0 [sflag:s1], $0x6400  }
0x88: {  	p1 =	sne.s32 s30, s20;
	[sflag:s1] =	ssyncset.done @!p0 $0x0  }
.Ltmp1:
0x89: {  	[sflag:s1] =	ssyncadd.s32 @!p0 $0xFFFF9C00;
	(pc) =	sbr.rel @p1 .LBB2_1-.Ltmp1, $4  }
0x8a: {  	[hbm4b:s19+s5] =	stream.linear.scatter @!p0 [tilespmem:s0], [sflag:$0x2], $0x6400, $0x38;
	[tilespmem:$0x1C580] =	vst v63  }
0x8b: {  	_ =	swait.ge @!p0 [sflag:s1], $0x6400  }
0x8c: {  	[sflag:s1] =	ssyncset.done @!p0 $0x0  }
0x8d: {  	[sflag:s1] =	ssyncadd.s32 @!p0 $0xFFFF9C00  }
0x8e: {  	_ =	sfence.sel $0x180000  }
0x8f: {  	[bflag:$0x0] =	sbarrier.arrive $0xFFFF  }
0x90: {  	_ =	strace $0x90000056  }
0x91: {  	s0 =	stileid.u32;
	[bflag:$0x2] =	sbarrier.arrive $0xFFFF  }
0x92: {  	p0 =	sne.s32 s0, $0x0;
	s0 =	rddreg [dreg:$0x3]  }
0x93: {  	s0 =	sadd.s32 @!p0 $0x100000, s0  }
0x94: {  	[sflag:s0] =	ssyncadd.tile.s32 @!p0 $0x1;
	_ =	shalt  }
.Lfunc_end2:
_tile_overlayer_lowered:
.L_overlay_start_2:
0x95: {  	(tag) =	ssettag $0x2  }
0x96: {  	s0 =	rddreg [dreg:$0x0];
	s2 =	stileid.u32  }
0x97: {  	s1 =	rddreg [dreg:$0x1];
	p0 =	sne.s32 s2, $0x0  }
0x98: {  	s3 =	rddreg [dreg:$0x2];
	[bflag:$0x3] =	sbarrier.arrive $0xFFFF;
	s2 =	simm.s32 @!p0 $0x1C02  }
0x99: {  	[timem:s3], [sflag:s2] =	dma.local @!p0 [hbm:s0], s1  }
0x9a: {  	s0 =	simm.s32 @!p0 $0x2  }
0x9b: {  	_ =	swait.ge @!p0 [sflag:s0], s1  }
0x9c: {  	s1 =	ssub.s32 @!p0 $0x0, s1;
	[sflag:s0] =	ssyncset.done @!p0 $0x0  }
0x9d: {  	[sflag:s0] =	ssyncadd.s32 @!p0 s1  }
0x9e: {  	[bflag:$0x3] =	sbarrier.arrive $0xFFFF  }
0x9f: {  	_ =	shalt  }

// kernel: kernel.36.cloned.1.call-start
scs
__scs_entry_jumppad:
0x0: {  	(pc) =	sbr.rel $0x88, $3  }
0x1: {  	(tag) =	ssettag $0x0;
	lr =	simm.s32 $0x1  }
0x2: {  	[smem:$0x3F5B] =	sst lr;
	_ =	strace $0xD0000000  }
0x3: {  	_ = 	snop  }
0x4: {  	_ = 	snop  }
0x5: {  	_ = 	snop  }
0x6: {  	_ = 	snop  }
0x7: {  	_ = 	snop  }
__scs_overlays_trampoline_lowered:
0x8: {  	[smem:$0x3F6A] =	sst s0  }
0x9: {  	[smem:$0x3F6B] =	sst s1  }
0xa: {  	[smem:$0x3F6C] =	sst s2  }
0xb: {  	[smem:$0x3F6D] =	sst s3  }
0xc: {  	[smem:$0x3F6E] =	sst s4  }
0xd: {  	[smem:$0x3F6F] =	sst s5  }
0xe: {  	[smem:$0x3F70] =	sst s6  }
0xf: {  	[smem:$0x3F71] =	sst s7  }
0x10: {  	[smem:$0x3F72] =	sst s8  }
0x11: {  	[smem:$0x3F73] =	sst s9;
	s0 =	simm.s32 @!p0 $0x0  }
0x12: {  	s1 =	sld [smem:$0x3F59];
	s0 =	simm.s32 @p0 $0x1  }
0x13: {  	[smem:$0x3F74] =	sst s0;
	s0 =	simm.s32 @!p1 $0x0  }
0x14: {  	s2 =	sld [smem:$0x3F58];
	s0 =	simm.s32 @p1 $0x1  }
0x15: {  	[smem:$0x3F75] =	sst s0;
	s0 =	simm.s32 @!p2 $0x0  }
0x16: {  	s3 =	sld [smem:$0x3FDB];
	s0 =	simm.s32 @p2 $0x1  }
0x17: {  	s4 =	simm.s32 $0x1BF5;
	[smem:$0x3F77] =	sst s0  }
0x18: {  	s0 =	sld [smem:$0x3F5A];
	_ =	swait.ge [sflag:s4], $0x0  }
0x19: {  	s7 =	sld [smem:$0x3F5B]  }
0x1a: {  	s8 =	sadd.s32 $0xFFFFE003, lr  }
0x1b: {  	s9 =	sadd.s32 $0xFFFFFEF7, lr;
	s5 =	simm.s32 $0xFFFFFFFF;
	p2 =	slt.u32 s8, $0xFFFFF086  }
0x1c: {  	p1 =	slt.u32 s9, $0xF7A;
	s5 =	simm.s32 @!p2 $0x0  }
0x1d: {  	s5 =	simm.s32 @p1 $0x1;
	p0 =	seq.s32 s7, s2  }
0x1e: {  	s7 =	smul.u32 @!p0 $0xF7A, s2;
	p2 =	seq.s32 @!p0 s5, $0x0  }
0x1f: {  	s9 =	smul.u32 $0xF7A, s1;
	s8 =	simm.s32 @!p0 $0x1BF5;
	p2 =	por !p2, p0  }
0x20: {  	[sflag:s8] =	ssyncset.s32 @!p0 $0xFFFFF086;
	s6 =	sadd.s32 @!p0 s3, s7;
	s7 =	simm.s32 @!p0 $0x108  }
0x21: {  	s3 =	sadd.s32 s3, s9;
	s6 =	sadd.s32 @!p0 $0x88, s6;
	s7 =	simm.s32 @p2 $0x1082  }
0x22: {  	[simem:s7], [sflag:s8] =	dma.local @!p0 [hbm:s6], $0xF7A  }
0x23: {  	s9 =	sor.u32 $0xD0000000, s2;
	s6 =	simm.s32 $0x108;
	_ =	swait.ge @!p0 [sflag:s8], $0x0  }
0x24: {  	s3 =	sadd.s32 $0x88, s3;
	s6 =	simm.s32 @!p1 $0x1082;
	[sflag:s4] =	ssyncset.s32 $0xFFFFF086  }
0x25: {  	[simem:s6], [sflag:s4] =	dma.local [hbm:s3], $0xF7A  }
0x26: {  	[smem:$0x3F5B] =	sst s1;
	(tag) =	ssettag s2;
	_ =	strace s9  }
0x27: {  	s1 =	sld [smem:$0x3F6B]  }
0x28: {  	s2 =	sld [smem:$0x3F6C]  }
0x29: {  	s4 =	sld [smem:$0x3F6E]  }
0x2a: {  	p0 =	seq.s32 s5, $0x0;
	s5 =	sld [smem:$0x3F6F]  }
0x2b: {  	s6 =	sld [smem:$0x3F70]  }
0x2c: {  	s7 =	sld [smem:$0x3F71]  }
0x2d: {  	s3 =	simm.s32 $0x108;
	s8 =	sld [smem:$0x3F72]  }
0x2e: {  	s3 =	simm.s32 @!p0 $0x1082;
	s9 =	sld [smem:$0x3F73]  }
0x2f: {  	lr =	sadd.s32 s0, s3;
	s0 =	sld [smem:$0x3F6A]  }
0x30: {  	s3 =	sld [smem:$0x3F6D]  }
0x31: {  	[smem:$0x3F76] =	sst s10  }
0x32: {  	s10 =	sld [smem:$0x3F74];
	_ =	sdelay $0x3  }
0x33: {  	p0 =	seq.s32 s10, $0x1;
	s10 =	sld [smem:$0x3F76];
	_ =	sdelay $0x3  }
0x34: {  	[smem:$0x3F76] =	sst s10  }
0x35: {  	s10 =	sld [smem:$0x3F75];
	_ =	sdelay $0x3  }
0x36: {  	p1 =	seq.s32 s10, $0x1;
	s10 =	sld [smem:$0x3F76];
	_ =	sdelay $0x3  }
0x37: {  	[smem:$0x3F76] =	sst s10  }
0x38: {  	s10 =	sld [smem:$0x3F77]  }
0x39: {  	_ = 	snop;
	(pc) =	sbr.ind lr, $3  }
0x3a: {  	_ = 	snop  }
0x3b: {  	_ = 	snop  }
0x3c: {  	p2 =	seq.s32 s10, $0x1;
	s10 =	sld [smem:$0x3F76]  }
0x3d: {  	_ =	shalt  }
0x3e: {  	_ =	shalt  }
0x3f: {  	_ =	shalt  }
0x40: {  	_ =	shalt  }
0x41: {  	_ =	shalt  }
0x42: {  	_ =	shalt  }
0x43: {  	_ =	shalt  }
0x44: {  	_ =	shalt  }
0x45: {  	_ =	shalt  }
0x46: {  	_ =	shalt  }
0x47: {  	_ =	shalt  }
0x48: {  	_ =	shalt  }
0x49: {  	_ =	shalt  }
0x4a: {  	_ =	shalt  }
0x4b: {  	_ =	shalt  }
0x4c: {  	_ =	shalt  }
0x4d: {  	_ =	shalt  }
0x4e: {  	_ =	shalt  }
0x4f: {  	_ =	shalt  }
0x50: {  	_ =	shalt  }
0x51: {  	_ =	shalt  }
0x52: {  	_ =	shalt  }
0x53: {  	_ =	shalt  }
0x54: {  	_ =	shalt  }
0x55: {  	_ =	shalt  }
0x56: {  	_ =	shalt  }
0x57: {  	_ =	shalt  }
0x58: {  	_ =	shalt  }
0x59: {  	_ =	shalt  }
0x5a: {  	_ =	shalt  }
0x5b: {  	_ =	shalt  }
0x5c: {  	_ =	shalt  }
0x5d: {  	_ =	shalt  }
0x5e: {  	_ =	shalt  }
0x5f: {  	_ =	shalt  }
0x60: {  	_ =	shalt  }
0x61: {  	_ =	shalt  }
0x62: {  	_ =	shalt  }
0x63: {  	_ =	shalt  }
0x64: {  	_ =	shalt  }
0x65: {  	_ =	shalt  }
0x66: {  	_ =	shalt  }
0x67: {  	_ =	shalt  }
0x68: {  	_ =	shalt  }
0x69: {  	_ =	shalt  }
0x6a: {  	_ =	shalt  }
0x6b: {  	_ =	shalt  }
0x6c: {  	_ =	shalt  }
0x6d: {  	_ =	shalt  }
0x6e: {  	_ =	shalt  }
0x6f: {  	_ =	shalt  }
0x70: {  	_ =	shalt  }
0x71: {  	_ =	shalt  }
0x72: {  	_ =	shalt  }
0x73: {  	_ =	shalt  }
0x74: {  	_ =	shalt  }
0x75: {  	_ =	shalt  }
0x76: {  	_ =	shalt  }
0x77: {  	_ =	shalt  }
0x78: {  	_ =	shalt  }
0x79: {  	_ =	shalt  }
0x7a: {  	_ =	shalt  }
0x7b: {  	_ =	shalt  }
0x7c: {  	_ =	shalt  }
0x7d: {  	_ =	shalt  }
0x7e: {  	_ =	shalt  }
0x7f: {  	_ =	shalt  }
0x80: {  	_ =	shalt  }
0x81: {  	_ =	shalt  }
0x82: {  	_ =	shalt  }
0x83: {  	_ =	shalt  }
0x84: {  	_ =	shalt  }
0x85: {  	_ =	shalt  }
0x86: {  	_ =	shalt  }
0x87: {  	_ =	shalt  }
.Lfunc_end0:
.L_simem_size_0:
called_computation.6_lowered:
.L_overlay_start_0:
0x88: {  	s2 =	sld [smem:$0x3FD9]  }
0x89: {  	s3 =	sld [smem:$0x3FFE];
	_ =	sdelay $0x1  }
0x8a: {  	s1 =	srdreg.scid  }
0x8b: {  	s0 =	sand.u32 $0x1, s1  }
0x8c: {  	s14 =	sshll.u32 s0, $0xA;
	s2 =	sadd.s32 s3, s2  }
0x8d: {  	s2 =	sadd.s32 s2, s14  }
0x8e: {  	[smem:$0x3F82] =	sst s2  }
0x8f: {  	_ = 	snop  }
0x90: {  	s2 =	sld [smem:$0x3FD0];
	_ =	sdelay $0x2  }
0x91: {  	s15 =	simm.s32 $0xB;
	s4 =	simm.s32 $0x10  }
0x92: {  	[smem:s4], [sflag:s15] =	dma.local [hbm:s2], $0x1  }
0x93: {  	_ =	swait.eq [sflag:s15], $0x1  }
0x94: {  	[sflag:s15] =	ssyncset.done $0x0  }
0x95: {  	[sflag:s15] =	ssyncadd.s32 $0xFFFFFFFF  }
0x96: {  	s16 =	sld [smem:$0x11];
	(tm) =	ssettm $0x1  }
0x97: {  	s17 =	sld [smem:$0x3FFB];
	_ =	sdelay $0x3  }
0x98: {  	_ =	strace s17  }
0x99: {  	s3 =	sld [smem:$0x3FFC];
	_ =	sdelay $0x3  }
0x9a: {  	_ =	strace s3  }
0x9b: {  	s3 =	sld [smem:$0x3FFD];
	_ =	sdelay $0x3  }
0x9c: {  	_ =	strace s3  }
0x9d: {  	_ =	strace $0x8FFFFFFF  }
0x9e: {  	s18 =	sld [smem:$0x3FDB];
	_ =	sdelay $0x1  }
0x9f: {  	s19 =	simm.s32 $_scs_section_size  }
0xa0: {  	s5 =	simm.s32 $_size__tile_overlayer_lowered;
	s6 =	simm.s32 $_tile_overlayer_lowered  }
0xa1: {  	s22 =	simm.s32 $0x1BFF;
	s21 =	sshll.u32 s6, $0x1;
	s3 =	sadd.s32 s19, s18  }
0xa2: {  	s7 =	simm.s32 $0x0;
	s20 =	sshll.u32 s5, $0x1;
	s5 =	sadd.s32 s21, s3  }
0xa3: {  	[timem:s7], [sflag:s22] =	dma.local [hbm:s5], s20  }
0xa4: {  	_ =	swait.ge [sflag:s22], s20  }
0xa5: {  	s4 =	ssub.s32 $0x0, s20;
	[sflag:s22] =	ssyncset.done $0x0  }
0xa6: {  	[sflag:s22] =	ssyncadd.s32 s4;
	_ =	sdelay $0x1  }
0xa7: {  	s23 =	simm.s32 $0x1B8B  }
0xa8: {  	_ =	swait.ge [sflag:s23], $0x1  }
0xa9: {  	[sflag:s23] =	ssyncset.done $0x0  }
0xaa: {  	s25 =	simm.s32 $0x1B8E;
	s24 =	sld [smem:$0x3FFE];
	[sflag:s23] =	ssyncadd.s32 $0xFFFFFFFF  }
0xab: {  	s26 =	simm.s32 $execute0_lowered;
	[smem:$0x3FD2] =	sst s25  }
0xac: {  	s5 =	sshll.u32 s26, $0x1;
	_ =	strace $0x80000058;
	[dreg:$0x1] =	wrdreg $0xFFFFFFFF  }
0xad: {  	s28 =	simm.s32 $_size_execute0_lowered;
	s3 =	sadd.s32 s3, s5;
	[dreg:$0x0] =	wrdreg $0x0  }
0xae: {  	s5 =	sshll.u32 s28, $0x1;
	[dreg:$0x2] =	wrdreg s3  }
0xaf: {  	[dreg:$0x3] =	wrdreg s5  }
0xb0: {  	[dreg:$0x4] =	wrdreg $0xC0  }
0xb1: {  	_ =	task [dreg:s7], $0x5FFFF  }
0xb2: {  	[dreg:$0x1] =	wrdreg $0xFFFFFFFF  }
0xb3: {  	[dreg:$0x0] =	wrdreg $0x60  }
0xb4: {  	[dreg:$0x2] =	wrdreg s24  }
0xb5: {  	[dreg:$0x3] =	wrdreg s16  }
0xb6: {  	[dreg:$0x4] =	wrdreg $0x0  }
0xb7: {  	[dreg:$0x5] =	wrdreg $0x9  }
0xb8: {  	_ =	task.clear_ibuf [dreg:s7], $0x6FFFF;
	_ =	strace $0x90000058  }
0xb9: {  	s29 =	simm.s32 $0x9;
	_ =	strace $0x8000005A  }
0xba: {  	_ =	swait.ge [sflag:s29], $0x1  }
0xbb: {  	[sflag:s29] =	ssyncadd.s32 $0xFFFFFFFF  }
0xbc: {  	_ =	strace $0x9000005A  }
0xbd: {  	_ =	sfence  }
0xbe: {  	s30 =	sld [smem:$0x0];
	_ =	sdelay $0x2  }
0xbf: {  	s31 =	sshll.u32 s1, $0xD;
	s1 =	sshrl.u32 s1, $0x2  }
0xc0: {  	s3 =	sand.u32 $0x4000, s31;
	s1 =	sadd.s32 s1, s30  }
0xc1: {  	s0 =	sor.u32 s3, s0;
	s1 =	sshll.u32 s1, $0x11  }
0xc2: {  	s0 =	sor.u32 s1, s0  }
0xc3: {  	s0 =	sadd.s32 $0x8F2B, s0  }
0xc4: {  	[sflag:s0] =	ssyncadd.remote.s32 $0x1  }
0xc5: {  	_ =	sfence.sel $0xFFFF  }
0xc6: {  	[dreg:$0x0] =	wrdreg $0xFFFFFFFF;
	(pc) =	sbr.abs _section_cstart, $3  }
0xc7: {  	[dreg:$0x1] =	wrdreg $0xFFFFFFFF  }
0xc8: {  	_ =	task.clear_ibuf [dreg:s7], $0x2FFFF;
	_ =	strace $0x9FFFFFFF  }
0xc9: {  	(tm) =	ssettm $0x7FFFFFFF  }
tec
execute0_lowered:
.L_overlay_start_1:
0x0: {  	(tag) =	ssettag $0x1  }
0x1: {  	s1 =	rddreg [dreg:$0x0]  }
0x2: {  	s19 =	rddreg [dreg:$0x1]  }
0x3: {  	s0 =	srdreg.scid;
	s2 =	rddreg [dreg:$0x2]  }
0x4: {  	s3 =	simm.s32 $0x0;
	s28 =	simm.s32 $0x13980;
	s5 =	sand.u32 $0x1, s0  }
0x5: {  	s29 =	simm.s32 $0x1;
	s0 =	stileid.u32;
	s17 =	smul.u32 $0x2710, s5  }
0x6: {  	s30 =	simm.s32 $0x0;
	[smem:$0x7FF] =	sst s3;
	s4 =	smul.u32 $0x4E20, s0  }
0x7: {  	_ =	strace $0x80000059;
	s7 =	smul.u32 $0x7D000, s0;
	s24 =	ssub.s32 $0x2, s5  }
0x8: {  	s18 =	smul.u32 $0x3E8, s0;
	p0 =	sgt.u32 s0, $0x9;
	s8 =	sshrl.u32 s24, $0x1  }
0x9: {  	s4 =	sadd.s32 s17, s4;
	s7 =	sshrl.u32 s7, $0x2;
	s25 =	ssub.s32 s24, s8  }
0xa: {  	s10 =	sadd.s32 s18, s17;
	s12 =	sadd.s32 $0xC8, s18;
	s14 =	sadd.s32 $0x190, s18  }
0xb: {  	s20 =	sadd.s32 $0x258, s18;
	s18 =	sadd.s32 $0x320, s18;
	s24 =	simm.s32 $0x2  }
0xc: {  	s6 =	sshrl.u32 s4, $0x3;
	s4 =	sadd.s32 $0x2E000, s1;
	s11 =	sshll.u32 s10, $0x4  }
0xd: {  	s13 =	sadd.s32 s17, s12;
	s12 =	sshll.u32 s12, $0x7;
	s15 =	sadd.s32 s17, s14  }
0xe: {  	s14 =	sshll.u32 s14, $0x7;
	s16 =	sshll.u32 s20, $0x7;
	s20 =	sadd.s32 s17, s20  }
0xf: {  	s21 =	sshll.u32 s18, $0x7;
	s23 =	sadd.s32 s17, s18;
	s22 =	sadd.s32 s6, s1  }
0x10: {  	s1 =	sadd.s32 $0x6800, s1;
	s6 =	sadd.s32 s7, s2;
	s11 =	sadd.s32 s19, s11  }
0x11: {  	s13 =	sshll.u32 s13, $0x4;
	s12 =	sadd.s32 s12, s2;
	s15 =	sshll.u32 s15, $0x4  }
0x12: {  	s14 =	sadd.s32 s14, s2;
	s16 =	sadd.s32 s16, s2;
	s20 =	sshll.u32 s20, $0x4  }
0x13: {  	s18 =	sadd.s32 s21, s2;
	s31 =	sshll.u32 s23, $0x4;
	s23 =	simm.s32 $0x13880  }
0x14: {  	[dreg:$0x4] =	wrdreg s1;
	s26 =	sadd.s32 $0x6400, s6;
	s8 =	sadd.s32 $0xC800, s6  }
0x15: {  	s9 =	sadd.s32 $0x12C00, s6;
	s10 =	sadd.s32 $0x19000, s6;
	s13 =	sadd.s32 s19, s13  }
0x16: {  	s15 =	sadd.s32 s19, s15;
	s17 =	sadd.s32 s19, s20;
	s19 =	sadd.s32 s19, s31  }
0x17: {  	s20 =	smax.u32 s25, $0x1;
	s21 =	sadd.s32 $0x24200, s22;
	s22 =	sadd.s32 $0x1A400, s22  }
0x18: {  	s25 =	simm.s32 $0x13900;
	[dreg:$0x5] =	wrdreg s26;
	s26 =	simm.s32 $0x50  }
.LBB2_1:
0x19: {  	s1 =	simm.s32 @!p0 $0x0;
	s31 =	simm.s32 @!p0 $0x16180;
	s0 =	rddreg [dreg:$0x4]  }
0x1a: {  	[tilespmem:s31], [sflag:$0x2] =	stream.linear.gather @!p0 [hbm4b:s0+s1], $0x6400, $0x38;
	[tilespmem:$0x1C580] =	vst v63  }
0x1b: {  	s1 =	simm.s32 @!p0 $0x2  }
0x1c: {  	_ =	swait.ge @!p0 [sflag:s1], $0x6400  }
0x1d: {  	[sflag:s1] =	ssyncset.done @!p0 $0x0  }
0x1e: {  	[sflag:s1] =	ssyncadd.s32 @!p0 $0xFFFF9C00  }
0x1f: {  	[spmem:s6] =	stream.linear.scatter @!p0 [tilespmem:s31], [sflag:$0x2], $0x6400, $0x38;
	[tilespmem:$0x1C580] =	vst v63  }
0x20: {  	_ =	swait.ge @!p0 [sflag:s1], $0x6400  }
0x21: {  	[sflag:s1] =	ssyncset.done @!p0 $0x0  }
0x22: {  	s0 =	rddreg [dreg:$0x5];
	[sflag:s1] =	ssyncadd.s32 @!p0 $0xFFFF9C00  }
0x23: {  	[spmem:s0] =	stream.linear.scatter @!p0 [tilespmem:s31], [sflag:$0x2], $0x6400, $0x38;
	[tilespmem:$0x1C580] =	vst v63  }
0x24: {  	_ =	swait.ge @!p0 [sflag:s1], $0x6400  }
0x25: {  	[sflag:s1] =	ssyncset.done @!p0 $0x0  }
0x26: {  	[sflag:s1] =	ssyncadd.s32 @!p0 $0xFFFF9C00  }
0x27: {  	[spmem:s8] =	stream.linear.scatter @!p0 [tilespmem:s31], [sflag:$0x2], $0x6400, $0x38;
	[tilespmem:$0x1C580] =	vst v63  }
0x28: {  	_ =	swait.ge @!p0 [sflag:s1], $0x6400  }
0x29: {  	[sflag:s1] =	ssyncset.done @!p0 $0x0  }
0x2a: {  	[sflag:s1] =	ssyncadd.s32 @!p0 $0xFFFF9C00  }
0x2b: {  	[spmem:s9] =	stream.linear.scatter @!p0 [tilespmem:s31], [sflag:$0x2], $0x6400, $0x38;
	[tilespmem:$0x1C580] =	vst v63  }
0x2c: {  	_ =	swait.ge @!p0 [sflag:s1], $0x6400  }
0x2d: {  	[sflag:s1] =	ssyncset.done @!p0 $0x0  }
0x2e: {  	[sflag:s1] =	ssyncadd.s32 @!p0 $0xFFFF9C00  }
0x2f: {  	[spmem:s10] =	stream.linear.scatter @!p0 [tilespmem:s31], [sflag:$0x2], $0x6400, $0x38;
	[tilespmem:$0x1C580] =	vst v63  }
0x30: {  	_ =	swait.ge @!p0 [sflag:s1], $0x6400  }
0x31: {  	[sflag:s1] =	ssyncset.done @!p0 $0x0  }
0x32: {  	[sflag:s1] =	ssyncadd.s32 @!p0 $0xFFFF9C00  }
0x33: {  	s5 =	sadd.s32 $0x0, s22;
	[bflag:$0x0] =	sbarrier.arrive $0xFFFF  }
0x34: {  	[tilespmem:s23], [sflag:$0x2] =	stream.linear.gather [hbm4b:s5+s3], $0x50, $0x38;
	[tilespmem:$0x1C580] =	vst v63  }
0x35: {  	_ =	swait.ge [sflag:s24], $0x50  }
0x36: {  	[sflag:s24] =	ssyncset.done $0x0  }
0x37: {  	s7 =	sadd.s32 $0x0, s21;
	[sflag:s24] =	ssyncadd.s32 $0xFFFFFFB0  }
0x38: {  	[tilespmem:s25], [sflag:$0x2] =	stream.linear.gather [hbm4b:s7+s3], $0x50, $0x38;
	[tilespmem:$0x1C580] =	vst v63  }
0x39: {  	_ =	swait.ge [sflag:s24], $0x50  }
0x3a: {  	[sflag:s24] =	ssyncset.done $0x0  }
0x3b: {  	[sflag:s24] =	ssyncadd.s32 $0xFFFFFFB0  }
0x3c: {  	[tilespmem:s28], [sflag:$0x1] =	stream.indirect.gather [hbm4b:s4+s26], $0x80, s23, s26, $0xb8;
	[tilespmem:$0x1C580] =	vst v63  }
0x3d: {  	_ =	swait.ge [sflag:s29], $0x2800  }
0x3e: {  	[sflag:s29] =	ssyncset.done $0x0  }
0x3f: {  	[sflag:s29] =	ssyncadd.s32 $0xFFFFD800  }
0x40: {  	[spmem:s2] =	stream.indirect.scatter.add.f32 [tilespmem:s28], [sflag:$0x2], $0x80, s25, s26, $0xb8;
	[tilespmem:$0x1C580] =	vst v63  }
0x41: {  	_ =	swait.ge [sflag:s24], $0x2800  }
0x42: {  	s31 =	simm.s32 $0xA;
	s1 =	simm.s32 $0x14;
	[sflag:s24] =	ssyncset.done $0x0  }
.LBB2_2:
0x43: {  	s0 =	sadd.s32 s31, s22  }
0x44: {  	[sflag:s24] =	ssyncadd.s32 $0xFFFFD800;
	s5 =	smov.u32 s1;
	s7 =	sadd.s32 $0xA, s1  }
0x45: {  	[tilespmem:s23], [sflag:$0x2] =	stream.linear.gather [hbm4b:s0+s3], $0x50, $0x38;
	[tilespmem:$0x1C580] =	vst v63  }
0x46: {  	p1 =	sne.s32 s1, $0x4D8;
	_ =	swait.ge [sflag:s24], $0x50  }
0x47: {  	[sflag:s24] =	ssyncset.done $0x0  }
0x48: {  	s0 =	sadd.s32 s31, s21;
	s31 =	smov.u32 s5;
	[sflag:s24] =	ssyncadd.s32 $0xFFFFFFB0  }
0x49: {  	[tilespmem:s25], [sflag:$0x2] =	stream.linear.gather [hbm4b:s0+s3], $0x50, $0x38;
	[tilespmem:$0x1C580] =	vst v63  }
0x4a: {  	_ =	swait.ge [sflag:s24], $0x50  }
0x4b: {  	[sflag:s24] =	ssyncset.done $0x0  }
0x4c: {  	[sflag:s24] =	ssyncadd.s32 $0xFFFFFFB0  }
0x4d: {  	[tilespmem:s28], [sflag:$0x1] =	stream.indirect.gather [hbm4b:s4+s26], $0x80, s23, s26, $0xb8;
	[tilespmem:$0x1C580] =	vst v63  }
0x4e: {  	_ =	swait.ge [sflag:s29], $0x2800  }
.Ltmp0:
0x4f: {  	[sflag:s29] =	ssyncset.done $0x0;
	(pc) =	sbr.rel @p1 .LBB2_2-.Ltmp0, $4  }
0x50: {  	[sflag:s29] =	ssyncadd.s32 $0xFFFFD800  }
0x51: {  	[spmem:s2] =	stream.indirect.scatter.add.f32 [tilespmem:s28], [sflag:$0x2], $0x80, s25, s26, $0xb8;
	[tilespmem:$0x1C580] =	vst v63  }
0x52: {  	_ =	swait.ge [sflag:s24], $0x2800  }
0x53: {  	s1 =	smov.u32 s7;
	[sflag:s24] =	ssyncset.done $0x0  }
0x54: {  	s0 =	sadd.s32 s31, s22;
	[sflag:s24] =	ssyncadd.s32 $0xFFFFD800  }
0x55: {  	[tilespmem:s23], [sflag:$0x2] =	stream.linear.gather [hbm4b:s0+s3], $0x50, $0x38;
	[tilespmem:$0x1C580] =	vst v63  }
0x56: {  	_ =	swait.ge [sflag:s24], $0x50  }
0x57: {  	[sflag:s24] =	ssyncset.done $0x0  }
0x58: {  	s31 =	sadd.s32 s31, s21;
	[sflag:s24] =	ssyncadd.s32 $0xFFFFFFB0  }
0x59: {  	[tilespmem:s25], [sflag:$0x2] =	stream.linear.gather [hbm4b:s31+s3], $0x50, $0x38;
	[tilespmem:$0x1C580] =	vst v63  }
0x5a: {  	_ =	swait.ge [sflag:s24], $0x50  }
0x5b: {  	[sflag:s24] =	ssyncset.done $0x0  }
0x5c: {  	[sflag:s24] =	ssyncadd.s32 $0xFFFFFFB0  }
0x5d: {  	[tilespmem:s28], [sflag:$0x1] =	stream.indirect.gather [hbm4b:s4+s26], $0x80, s23, s26, $0xb8;
	[tilespmem:$0x1C580] =	vst v63  }
0x5e: {  	_ =	swait.ge [sflag:s29], $0x2800  }
0x5f: {  	[sflag:s29] =	ssyncset.done $0x0  }
0x60: {  	[sflag:s29] =	ssyncadd.s32 $0xFFFFD800  }
0x61: {  	[spmem:s2] =	stream.indirect.scatter.add.f32 [tilespmem:s28], [sflag:$0x2], $0x80, s25, s26, $0xb8;
	[tilespmem:$0x1C580] =	vst v63  }
0x62: {  	_ =	swait.ge [sflag:s24], $0x2800  }
0x63: {  	[sflag:s24] =	ssyncset.done $0x0  }
0x64: {  	[sflag:s24] =	ssyncadd.s32 $0xFFFFD800  }
0x65: {  	s1 =	simm.s32 @!p0 $0x2;
	s0 =	simm.s32 @!p0 $0x16180;
	[bflag:$0x0] =	sbarrier.arrive $0xFFFF  }
0x66: {  	[tilespmem:s0], [sflag:$0x2] =	stream.linear.gather @!p0 [spmem:s6], $0x6400, $0x38;
	[tilespmem:$0x1C580] =	vst v63  }
0x67: {  	_ =	swait.ge @!p0 [sflag:s1], $0x6400  }
0x68: {  	[sflag:s1] =	ssyncset.done @!p0 $0x0  }
0x69: {  	s5 =	simm.s32 @!p0 $0x0;
	[sflag:s1] =	ssyncadd.s32 @!p0 $0xFFFF9C00  }
0x6a: {  	[hbm4b:s11+s5] =	stream.linear.scatter @!p0 [tilespmem:s0], [sflag:$0x2], $0x6400, $0x38;
	[tilespmem:$0x1C580] =	vst v63  }
0x6b: {  	_ =	swait.ge @!p0 [sflag:s1], $0x6400  }
0x6c: {  	[sflag:s1] =	ssyncset.done @!p0 $0x0  }
0x6d: {  	[sflag:s1] =	ssyncadd.s32 @!p0 $0xFFFF9C00  }
0x6e: {  	[tilespmem:s0], [sflag:$0x2] =	stream.linear.gather @!p0 [spmem:s12], $0x6400, $0x38;
	[tilespmem:$0x1C580] =	vst v63  }
0x6f: {  	_ =	swait.ge @!p0 [sflag:s1], $0x6400  }
0x70: {  	[sflag:s1] =	ssyncset.done @!p0 $0x0  }
0x71: {  	[sflag:s1] =	ssyncadd.s32 @!p0 $0xFFFF9C00  }
0x72: {  	[hbm4b:s13+s5] =	stream.linear.scatter @!p0 [tilespmem:s0], [sflag:$0x2], $0x6400, $0x38;
	[tilespmem:$0x1C580] =	vst v63  }
0x73: {  	_ =	swait.ge @!p0 [sflag:s1], $0x6400  }
0x74: {  	[sflag:s1] =	ssyncset.done @!p0 $0x0  }
0x75: {  	[sflag:s1] =	ssyncadd.s32 @!p0 $0xFFFF9C00  }
0x76: {  	[tilespmem:s0], [sflag:$0x2] =	stream.linear.gather @!p0 [spmem:s14], $0x6400, $0x38;
	[tilespmem:$0x1C580] =	vst v63  }
0x77: {  	_ =	swait.ge @!p0 [sflag:s1], $0x6400  }
0x78: {  	[sflag:s1] =	ssyncset.done @!p0 $0x0  }
0x79: {  	[sflag:s1] =	ssyncadd.s32 @!p0 $0xFFFF9C00  }
0x7a: {  	[hbm4b:s15+s5] =	stream.linear.scatter @!p0 [tilespmem:s0], [sflag:$0x2], $0x6400, $0x38;
	[tilespmem:$0x1C580] =	vst v63  }
0x7b: {  	_ =	swait.ge @!p0 [sflag:s1], $0x6400  }
0x7c: {  	[sflag:s1] =	ssyncset.done @!p0 $0x0  }
0x7d: {  	[sflag:s1] =	ssyncadd.s32 @!p0 $0xFFFF9C00  }
0x7e: {  	[tilespmem:s0], [sflag:$0x2] =	stream.linear.gather @!p0 [spmem:s16], $0x6400, $0x38;
	[tilespmem:$0x1C580] =	vst v63  }
0x7f: {  	_ =	swait.ge @!p0 [sflag:s1], $0x6400  }
0x80: {  	[sflag:s1] =	ssyncset.done @!p0 $0x0  }
0x81: {  	[sflag:s1] =	ssyncadd.s32 @!p0 $0xFFFF9C00  }
0x82: {  	[hbm4b:s17+s5] =	stream.linear.scatter @!p0 [tilespmem:s0], [sflag:$0x2], $0x6400, $0x38;
	[tilespmem:$0x1C580] =	vst v63  }
0x83: {  	_ =	swait.ge @!p0 [sflag:s1], $0x6400  }
0x84: {  	[sflag:s1] =	ssyncset.done @!p0 $0x0  }
0x85: {  	[sflag:s1] =	ssyncadd.s32 @!p0 $0xFFFF9C00  }
0x86: {  	[tilespmem:s0], [sflag:$0x2] =	stream.linear.gather @!p0 [spmem:s18], $0x6400, $0x38;
	[tilespmem:$0x1C580] =	vst v63  }
0x87: {  	s30 =	sadd.s32 $0x1, s30;
	_ =	swait.ge @!p0 [sflag:s1], $0x6400  }
0x88: {  	p1 =	sne.s32 s30, s20;
	[sflag:s1] =	ssyncset.done @!p0 $0x0  }
.Ltmp1:
0x89: {  	[sflag:s1] =	ssyncadd.s32 @!p0 $0xFFFF9C00;
	(pc) =	sbr.rel @p1 .LBB2_1-.Ltmp1, $4  }
0x8a: {  	[hbm4b:s19+s5] =	stream.linear.scatter @!p0 [tilespmem:s0], [sflag:$0x2], $0x6400, $0x38;
	[tilespmem:$0x1C580] =	vst v63  }
0x8b: {  	_ =	swait.ge @!p0 [sflag:s1], $0x6400  }
0x8c: {  	[sflag:s1] =	ssyncset.done @!p0 $0x0  }
0x8d: {  	[sflag:s1] =	ssyncadd.s32 @!p0 $0xFFFF9C00  }
0x8e: {  	_ =	sfence.sel $0x180000  }
0x8f: {  	[bflag:$0x0] =	sbarrier.arrive $0xFFFF  }
0x90: {  	_ =	strace $0x90000059  }
0x91: {  	s0 =	stileid.u32;
	[bflag:$0x2] =	sbarrier.arrive $0xFFFF  }
0x92: {  	p0 =	sne.s32 s0, $0x0;
	s0 =	rddreg [dreg:$0x3]  }
0x93: {  	s0 =	sadd.s32 @!p0 $0x100000, s0  }
0x94: {  	[sflag:s0] =	ssyncadd.tile.s32 @!p0 $0x1;
	_ =	shalt  }
.Lfunc_end2:
_tile_overlayer_lowered:
.L_overlay_start_2:
0x95: {  	(tag) =	ssettag $0x2  }
0x96: {  	s0 =	rddreg [dreg:$0x0];
	s2 =	stileid.u32  }
0x97: {  	s1 =	rddreg [dreg:$0x1];
	p0 =	sne.s32 s2, $0x0  }
0x98: {  	s3 =	rddreg [dreg:$0x2];
	[bflag:$0x3] =	sbarrier.arrive $0xFFFF;
	s2 =	simm.s32 @!p0 $0x1C02  }
0x99: {  	[timem:s3], [sflag:s2] =	dma.local @!p0 [hbm:s0], s1  }
0x9a: {  	s0 =	simm.s32 @!p0 $0x2  }
0x9b: {  	_ =	swait.ge @!p0 [sflag:s0], s1  }
0x9c: {  	s1 =	ssub.s32 @!p0 $0x0, s1;
	[sflag:s0] =	ssyncset.done @!p0 $0x0  }
0x9d: {  	[sflag:s0] =	ssyncadd.s32 @!p0 s1  }
0x9e: {  	[bflag:$0x3] =	sbarrier.arrive $0xFFFF  }
0x9f: {  	_ =	shalt  }

</sc_bundles>
